<compile_context>
chip_gen: v7x
topology: tpu7x:2x2x1
jax: 0.10.2.dev20260603
libtpu: 0.0.44.dev20260713+nightly
codegen_flags: <defaults>
</compile_context>

<pallas_src>
import functools

import jax
import jax.numpy as jnp
from jax import lax
from jax.experimental import pallas as pl
from jax.experimental.pallas import tpu as pltpu
from jax.experimental.pallas import tpu_sc as plsc

D_MODEL = 64
SCALE = 8.0

_NC = 2
_NS = 16
_NW = _NC * _NS

_CHUNK = 128

_TBLK = 8192
_TSH = 14


def _transpose_block(ta_ref, tb_ref, out_ref):
    out_ref[:, 0:D_MODEL] = jnp.transpose(ta_ref[...], (1, 0)) * SCALE
    out_ref[:, D_MODEL : 2 * D_MODEL] = (
        jnp.transpose(tb_ref[...], (1, 0)) * SCALE
    )


@functools.cache
def _pack_call(vocab):
    grid = (vocab + 2 * _TBLK - 1) // (2 * _TBLK)
    return pl.pallas_call(
        _transpose_block,
        grid=(grid,),
        in_specs=[
            pl.BlockSpec((D_MODEL, _TBLK), lambda i: (0, 2 * i)),
            pl.BlockSpec(
                (D_MODEL, _TBLK),
                lambda i: (0, jnp.minimum(2 * i + 1, 2 * (grid - 1))),
            ),
        ],
        out_specs=pl.BlockSpec((_TBLK, 2 * D_MODEL), lambda i: (i, 0)),
        out_shape=jax.ShapeDtypeStruct((grid * _TBLK, 2 * D_MODEL), jnp.float32),
    )


@functools.cache
def _emb_call(b_total, v_half):
    b_per_w = b_total // _NW
    n_chunks = b_per_w // _CHUNK
    mesh = plsc.VectorSubcoreMesh(core_axis_name="c", subcore_axis_name="s")

    @functools.partial(
        pl.kernel,
        mesh=mesh,
        compiler_params=pltpu.CompilerParams(use_tc_tiling_on_sc=True),
        out_type=jax.ShapeDtypeStruct((b_total // 2, 2 * D_MODEL), jnp.float32),
        scratch_types=[
            pltpu.VMEM((b_per_w,), jnp.int32),
            pltpu.VMEM((b_per_w,), jnp.int32),
            pltpu.VMEM((_CHUNK, 2 * D_MODEL), jnp.float32),
            pltpu.VMEM((_CHUNK, 2 * D_MODEL), jnp.float32),
            pltpu.VMEM((_CHUNK // 2, 2 * D_MODEL), jnp.float32),
            pltpu.SemaphoreType.DMA,
            pltpu.SemaphoreType.DMA,
        ],
    )
    def body(table_hbm, idx_hbm, out_hbm, idx_v, pidx_v, rows0, rows1, out_v,
             sem0, sem1):
        wid = lax.axis_index("s") * _NC + lax.axis_index("c")
        base = pl.multiple_of(wid * b_per_w, _CHUNK)
        pltpu.sync_copy(idx_hbm.at[pl.ds(base, b_per_w)], idx_v)

        def pidx_body(i, carry):
            sl = pl.ds(i * 16, 16)
            v = idx_v[sl]
            pidx_v[sl] = lax.shift_left(
                lax.shift_right_logical(v, _TSH), _TSH - 1
            ) | (v & (_TBLK - 1))
            return carry

        lax.fori_loop(0, b_per_w // 16, pidx_body, 0)

        bufs = (rows0, rows1)
        sems = (sem0, sem1)

        def start(ci, b):
            off = pl.multiple_of(ci * _CHUNK, _CHUNK)
            pltpu.async_copy(
                table_hbm.at[pidx_v.at[pl.ds(off, _CHUNK)]], bufs[b], sems[b]
            )

        def wait(ci, b):
            off = pl.multiple_of(ci * _CHUNK, _CHUNK)
            pltpu.make_async_copy(
                table_hbm.at[pidx_v.at[pl.ds(off, _CHUNK)]], bufs[b], sems[b]
            ).wait()

        def work(ci, b):
            off = pl.multiple_of(ci * _CHUNK, _CHUNK)
            rows_v = bufs[b]

            def group_body(g, c2):
                vv = idx_v[pl.ds(off + g * 16, 16)]
                for lane in range(16):
                    v = vv[lane]
                    src = lax.shift_right_logical(v, _TSH - 7) & D_MODEL
                    r = g * 16 + lane
                    q = r // 2
                    dst = (lane % 2) * D_MODEL
                    for c in range(D_MODEL // 16):
                        out_v[q, pl.ds(dst + c * 16, 16)] = rows_v[
                            r, pl.ds(src + c * 16, 16)
                        ]
                return c2

            lax.fori_loop(0, _CHUNK // 16, group_body, 0)
            pltpu.sync_copy(
                out_v,
                out_hbm.at[
                    pl.ds(pl.multiple_of((base + off) // 2, _CHUNK // 2),
                          _CHUNK // 2)
                ],
            )

        start(0, 0)

        def pair_body(cio, carry):
            ci0 = cio * 2
            start(ci0 + 1, 1)
            wait(ci0, 0)
            work(ci0, 0)
            start(ci0 + 2, 0)
            wait(ci0 + 1, 1)
            work(ci0 + 1, 1)
            return carry

        lax.fori_loop(0, n_chunks // 2 - 1, pair_body, 0)

        last = n_chunks - 2
        start(last + 1, 1)
        wait(last, 0)
        work(last, 0)
        wait(last + 1, 1)
        work(last + 1, 1)

    return body


def kernel(x, word_emb_weight):
    b_total = x.size
    vocab = word_emb_weight.shape[0]
    t_t = word_emb_weight.T
    table2 = _pack_call(vocab)(t_t, t_t)
    idx = x.reshape(b_total)
    out = _emb_call(b_total, vocab // 2)(table2, idx)
    return out.reshape(*x.shape, D_MODEL)

# --- scband reference (transcript-rebuilt; emitter-appended) ---
"""Pipeline reference for scband-word-embedding-31482110280421 (READ-ONLY COPY).

The authoritative reference and input builder live on the scoring server;
editing this copy changes nothing except your own understanding.
"""

import jax, jax.numpy as jnp
import numpy as np
import math

VOCAB = 1000000
D_MODEL = 64
PADDING_IDX = 0

def setup_inputs(seed: int = 0) -> dict:
    key = jax.random.key(seed)
    k1, k2 = jax.random.split(key)
    x = jax.random.randint(k1, (4096, 50), 0, VOCAB, dtype=jnp.int32)
    table = jax.random.normal(k2, (VOCAB, D_MODEL), dtype=jnp.float32)
    # nn.Embedding with padding_idx keeps that row at zero
    table = table.at[PADDING_IDX].set(0.0)
    return {"x": x, "word_emb_weight": table}

def reference(x, word_emb_weight):
    # embedding lookup (gather) then scale by sqrt(d_model); dropout is identity in eval
    emb = jnp.take(word_emb_weight, x, axis=0)
    return emb * math.sqrt(D_MODEL)

if __name__ == "__main__":
    import jax
    _d = setup_inputs()
    print(jax.jit(kernel)(*tuple(_d.values())))

</pallas_src>

<mosaic_0001>
#map = affine_map<(d0, d1) -> (0, 0)>
#map1 = affine_map<(d0, d1) -> (0)>
module attributes {stable_mosaic.version = 14 : i64} {
  func.func @body(%arg0: i32, %arg1: i32, %arg2: memref<507904x128xf32, #tpu.memory_space<hbm>>, %arg3: memref<204800xi32, #tpu.memory_space<hbm>>, %arg4: memref<102400x128xf32, #tpu.memory_space<hbm>>, %arg5: memref<6400xi32, #tpu.memory_space<vmem>>, %arg6: memref<6400xi32, #tpu.memory_space<vmem>>, %arg7: memref<128x128xf32, #tpu.memory_space<vmem>>, %arg8: memref<128x128xf32, #tpu.memory_space<vmem>>, %arg9: memref<64x128xf32, #tpu.memory_space<vmem>>, %arg10: memref<!tpu.dma_semaphore, #tpu.memory_space<semaphore_mem>>, %arg11: memref<!tpu.dma_semaphore, #tpu.memory_space<semaphore_mem>>) attributes {dimension_semantics = [#tpu.dimension_semantics<core_parallel>, #tpu.dimension_semantics<subcore_parallel>], iteration_bounds = array<i64: 2, 16>, scalar_prefetch = 0 : i64, scratch_operands = 7 : i64, tpu.core_type = #tpu.core_type<sc_vector_subcore>, window_params = [{transform_indices = #map}, {transform_indices = #map1}, {transform_indices = #map}]} {
    %mul3A = arith.constant 2 : i32
    %mul3A_0 = arith.muli %arg1, %mul3A : i32
    %add3A = arith.addi %mul3A_0, %arg0 : i32
    %mul3A_1 = arith.constant 6400 : i32
    %mul3A_2 = arith.muli %add3A, %mul3A_1 : i32
    %multiple_of3A = tpu.assume_multiple %mul3A_2, 128 : i32
    "tpu.region"() ({
      %run_scoped3A = tpu.sem_alloc : memref<!tpu.dma_semaphore, #tpu.memory_space<semaphore_mem>>
      %dma_start3A_96 = tpu.memref_slice %arg3[%multiple_of3A] : memref<204800xi32, #tpu.memory_space<hbm>> -> memref<6400xi32, #tpu.memory_space<hbm>>
      %dma_start3A_97 = tpu.memref_slice %arg3[%multiple_of3A] : memref<204800xi32, #tpu.memory_space<hbm>> -> memref<6400xi32, #tpu.memory_space<hbm>>
      tpu.enqueue_dma source(%dma_start3A_97 : memref<6400xi32, #tpu.memory_space<hbm>>) target(%arg5 : memref<6400xi32, #tpu.memory_space<vmem>>) target_semaphore(%run_scoped3A : memref<!tpu.dma_semaphore, #tpu.memory_space<semaphore_mem>>)
      %dma_wait3A_98 = tpu.memref_slice %arg3[%multiple_of3A] : memref<204800xi32, #tpu.memory_space<hbm>> -> memref<6400xi32, #tpu.memory_space<hbm>>
      %dma_wait3A_99 = tpu.memref_slice %arg3[%multiple_of3A] : memref<204800xi32, #tpu.memory_space<hbm>> -> memref<6400xi32, #tpu.memory_space<hbm>>
      tpu.wait_dma2 semaphore(%run_scoped3A : memref<!tpu.dma_semaphore, #tpu.memory_space<semaphore_mem>>) src(%dma_wait3A_99 : memref<6400xi32, #tpu.memory_space<hbm>>) dst(%arg5 : memref<6400xi32, #tpu.memory_space<vmem>>)
      tpu.yield
    }) : () -> ()
    %scan3A = arith.constant 0 : i32
    %scan3A_3 = arith.constant 0 : i32
    %scan3A_4 = arith.constant 400 : i32
    %scan3A_5 = arith.addi %scan3A_3, %scan3A_4 : i32
    %scan3A_6 = arith.constant 1 : i32
    scf.for %scan3A_96 = %scan3A_3 to %scan3A_5 step %scan3A_6  : i32 {
      %mul3A_97 = arith.constant 16 : i32
      %mul3A_98 = arith.muli %scan3A_96, %mul3A_97 : i32
      %get3A = arith.index_cast %mul3A_98 : i32 to index
      %get3A_99 = tpu.vector_load %arg5[%get3A] {strides = array<i32>} : memref<6400xi32, #tpu.memory_space<vmem>>, vector<16xi32>,
      %get3A_100 = vector.shape_cast %get3A_99 : vector<16xi32> to vector<16xi32>
      %shift_right_logical3A = arith.constant 14 : i32
      %shift_right_logical3A_101 = vector.broadcast %shift_right_logical3A : i32 to vector<16xi32>
      %shift_right_logical3A_102 = arith.shrui %get3A_100, %shift_right_logical3A_101 : vector<16xi32>
      %shift_left3A = arith.constant 13 : i32
      %shift_left3A_103 = vector.broadcast %shift_left3A : i32 to vector<16xi32>
      %shift_left3A_104 = arith.shli %shift_right_logical3A_102, %shift_left3A_103 : vector<16xi32>
      %and3A_105 = arith.constant 8191 : i32
      %and3A_106 = vector.broadcast %and3A_105 : i32 to vector<16xi32>
      %and3A_107 = arith.andi %get3A_100, %and3A_106 : vector<16xi32>
      %or3A = arith.ori %shift_left3A_104, %and3A_107 : vector<16xi32>
      %swap3A = arith.index_cast %mul3A_98 : i32 to index
      %swap3A_108 = tpu.vector_load %arg6[%swap3A] {strides = array<i32>} : memref<6400xi32, #tpu.memory_space<vmem>>, vector<16xi32>,
      %swap3A_109 = vector.shape_cast %swap3A_108 : vector<16xi32> to vector<16xi32>
      %swap3A_110 = vector.shape_cast %or3A : vector<16xi32> to vector<16xi32>
      tpu.vector_store %arg6[%swap3A], %swap3A_110 {strides = array<i32>} : memref<6400xi32, #tpu.memory_space<vmem>>, vector<16xi32>,
    }
    %scan3A_7 = arith.constant 400 : i32
    %multiple_of3A_8 = arith.constant 0 : i32
    %multiple_of3A_9 = tpu.assume_multiple %multiple_of3A_8, 128 : i32
    %dma_start3A = tpu.memref_slice %arg6[%multiple_of3A_9] : memref<6400xi32, #tpu.memory_space<vmem>> -> memref<128xi32, #tpu.memory_space<vmem>>
    %dma_start3A_10 = arith.constant 0 : i32
    %dma_start3A_11 = arith.constant 0 : i32
    %dma_start3A_12 = tpu.memref_slice %arg2[%dma_start3A_10, %dma_start3A_11] : memref<507904x128xf32, #tpu.memory_space<hbm>> -> memref<507904x128xf32, #tpu.memory_space<hbm>>
    tpu.enqueue_indirect_dma source(%dma_start3A_12 : memref<507904x128xf32, #tpu.memory_space<hbm>>) target(%arg7 : memref<128x128xf32, #tpu.memory_space<vmem>>) offsets(%dma_start3A : memref<128xi32, #tpu.memory_space<vmem>>) semaphore(%arg10 : memref<!tpu.dma_semaphore, #tpu.memory_space<semaphore_mem>>)
    %scan3A_13 = arith.constant 0 : i32
    %scan3A_14 = arith.constant 0 : i32
    %scan3A_15 = arith.constant 24 : i32
    %scan3A_16 = arith.addi %scan3A_14, %scan3A_15 : i32
    %scan3A_17 = arith.constant 1 : i32
    scf.for %scan3A_96 = %scan3A_14 to %scan3A_16 step %scan3A_17  : i32 {
      %mul3A_97 = arith.constant 2 : i32
      %mul3A_98 = arith.muli %scan3A_96, %mul3A_97 : i32
      %add3A_99 = arith.constant 1 : i32
      %add3A_100 = arith.addi %mul3A_98, %add3A_99 : i32
      %mul3A_101 = arith.constant 128 : i32
      %mul3A_102 = arith.muli %add3A_100, %mul3A_101 : i32
      %multiple_of3A_103 = tpu.assume_multiple %mul3A_102, 128 : i32
      %dma_start3A_104 = tpu.memref_slice %arg6[%multiple_of3A_103] : memref<6400xi32, #tpu.memory_space<vmem>> -> memref<128xi32, #tpu.memory_space<vmem>>
      %dma_start3A_105 = arith.constant 0 : i32
      %dma_start3A_106 = arith.constant 0 : i32
      %dma_start3A_107 = tpu.memref_slice %arg2[%dma_start3A_105, %dma_start3A_106] : memref<507904x128xf32, #tpu.memory_space<hbm>> -> memref<507904x128xf32, #tpu.memory_space<hbm>>
      tpu.enqueue_indirect_dma source(%dma_start3A_107 : memref<507904x128xf32, #tpu.memory_space<hbm>>) target(%arg8 : memref<128x128xf32, #tpu.memory_space<vmem>>) offsets(%dma_start3A_104 : memref<128xi32, #tpu.memory_space<vmem>>) semaphore(%arg11 : memref<!tpu.dma_semaphore, #tpu.memory_space<semaphore_mem>>)
      %mul3A_108 = arith.constant 128 : i32
      %mul3A_109 = arith.muli %mul3A_98, %mul3A_108 : i32
      %multiple_of3A_110 = tpu.assume_multiple %mul3A_109, 128 : i32
      %dma_wait3A_111 = tpu.memref_slice %arg6[%multiple_of3A_110] : memref<6400xi32, #tpu.memory_space<vmem>> -> memref<128xi32, #tpu.memory_space<vmem>>
      %dma_wait3A_112 = arith.constant 0 : i32
      %dma_wait3A_113 = arith.constant 0 : i32
      %dma_wait3A_114 = tpu.memref_slice %arg2[%dma_wait3A_112, %dma_wait3A_113] : memref<507904x128xf32, #tpu.memory_space<hbm>> -> memref<507904x128xf32, #tpu.memory_space<hbm>>
      tpu.wait_indirect_dma semaphore(%arg10 : memref<!tpu.dma_semaphore, #tpu.memory_space<semaphore_mem>>) src(%dma_wait3A_114 : memref<507904x128xf32, #tpu.memory_space<hbm>>) dst(%arg7 : memref<128x128xf32, #tpu.memory_space<vmem>>)
      %mul3A_115 = arith.constant 128 : i32
      %mul3A_116 = arith.muli %mul3A_98, %mul3A_115 : i32
      %multiple_of3A_117 = tpu.assume_multiple %mul3A_116, 128 : i32
      %scan3A_118 = arith.constant 0 : i32
      %scan3A_119 = arith.constant 0 : i32
      %scan3A_120 = arith.constant 8 : i32
      %scan3A_121 = arith.addi %scan3A_119, %scan3A_120 : i32
      %scan3A_122 = arith.constant 1 : i32
      scf.for %scan3A_205 = %scan3A_119 to %scan3A_121 step %scan3A_122  : i32 {
        %mul3A_206 = arith.constant 16 : i32
        %mul3A_207 = arith.muli %scan3A_205, %mul3A_206 : i32
        %add3A_208 = arith.addi %multiple_of3A_117, %mul3A_207 : i32
        %get3A = arith.index_cast %add3A_208 : i32 to index
        %get3A_209 = tpu.vector_load %arg5[%get3A] {strides = array<i32>} : memref<6400xi32, #tpu.memory_space<vmem>>, vector<16xi32>,
        %get3A_210 = vector.shape_cast %get3A_209 : vector<16xi32> to vector<16xi32>
        %slice3A = vector.extract_strided_slice %get3A_210 {offsets = [0], sizes = [1], strides = [1]} : vector<16xi32> to vector<1xi32>
        %squeeze3A = vector.extract %slice3A[0] : i32 from vector<1xi32>
        %shift_right_logical3A = arith.constant 7 : i32
        %shift_right_logical3A_211 = arith.shrui %squeeze3A, %shift_right_logical3A : i32
        %and3A_212 = arith.constant 64 : i32
        %and3A_213 = arith.andi %shift_right_logical3A_211, %and3A_212 : i32
        %mul3A_214 = arith.constant 16 : i32
        %mul3A_215 = arith.muli %scan3A_205, %mul3A_214 : i32
        %add3A_216 = arith.constant 0 : i32
        %add3A_217 = arith.addi %mul3A_215, %add3A_216 : i32
        %jit3A_218 = arith.constant 2 : i32
        %div3A_219 = arith.divsi %add3A_217, %jit3A_218 : i32
        %sign3A_220 = arith.constant 0 : i32
        %sign3A_221 = arith.cmpi sgt, %add3A_217, %sign3A_220 : i32
        %sign3A_222 = arith.extui %sign3A_221 : i1 to i32
        %sign3A_223 = arith.constant 0 : i32
        %sign3A_224 = arith.cmpi slt, %add3A_217, %sign3A_223 : i32
        %sign3A_225 = arith.extui %sign3A_224 : i1 to i32
        %sign3A_226 = arith.subi %sign3A_222, %sign3A_225 : i32
        %sign3A_227 = arith.constant 0 : i32
        %sign3A_228 = arith.cmpi sgt, %jit3A_218, %sign3A_227 : i32
        %sign3A_229 = arith.extui %sign3A_228 : i1 to i32
        %sign3A_230 = arith.constant 0 : i32
        %sign3A_231 = arith.cmpi slt, %jit3A_218, %sign3A_230 : i32
        %sign3A_232 = arith.extui %sign3A_231 : i1 to i32
        %sign3A_233 = arith.subi %sign3A_229, %sign3A_232 : i32
        %ne3A_234 = arith.cmpi ne, %sign3A_226, %sign3A_233 : i32
        %rem3A_235 = arith.remsi %add3A_217, %jit3A_218 : i32
        %ne3A_236 = arith.constant 0 : i32
        %ne3A_237 = arith.cmpi ne, %rem3A_235, %ne3A_236 : i32
        %and3A_238 = arith.andi %ne3A_234, %ne3A_237 : i1
        %sub3A_239 = arith.constant 1 : i32
        %sub3A_240 = arith.subi %div3A_219, %sub3A_239 : i32
        %select_n3A_241 = arith.select %and3A_238, %sub3A_240, %div3A_219 : i32
        %add3A_242 = arith.constant 0 : i32
        %add3A_243 = arith.addi %and3A_213, %add3A_242 : i32
        %get3A_244 = arith.index_cast %add3A_217 : i32 to index
        %get3A_245 = arith.index_cast %add3A_243 : i32 to index
        %get3A_246 = tpu.vector_load %arg7[%get3A_244, %get3A_245] {strides = array<i32>} : memref<128x128xf32, #tpu.memory_space<vmem>>, vector<1x16xf32>,
        %get3A_247 = vector.shape_cast %get3A_246 : vector<1x16xf32> to vector<16xf32>
        %swap3A = arith.index_cast %select_n3A_241 : i32 to index
        %swap3A_248 = arith.constant 0 : index
        %swap3A_249 = tpu.vector_load %arg9[%swap3A, %swap3A_248] {strides = array<i32>} : memref<64x128xf32, #tpu.memory_space<vmem>>, vector<1x16xf32>,
        %swap3A_250 = vector.shape_cast %swap3A_249 : vector<1x16xf32> to vector<16xf32>
        %swap3A_251 = vector.shape_cast %get3A_247 : vector<16xf32> to vector<1x16xf32>
        tpu.vector_store %arg9[%swap3A, %swap3A_248], %swap3A_251 {strides = array<i32>} : memref<64x128xf32, #tpu.memory_space<vmem>>, vector<1x16xf32>,
        %add3A_252 = arith.constant 16 : i32
        %add3A_253 = arith.addi %and3A_213, %add3A_252 : i32
        %get3A_254 = arith.index_cast %add3A_217 : i32 to index
        %get3A_255 = arith.index_cast %add3A_253 : i32 to index
        %get3A_256 = tpu.vector_load %arg7[%get3A_254, %get3A_255] {strides = array<i32>} : memref<128x128xf32, #tpu.memory_space<vmem>>, vector<1x16xf32>,
        %get3A_257 = vector.shape_cast %get3A_256 : vector<1x16xf32> to vector<16xf32>
        %swap3A_258 = arith.index_cast %select_n3A_241 : i32 to index
        %swap3A_259 = arith.constant 16 : index
        %swap3A_260 = tpu.vector_load %arg9[%swap3A_258, %swap3A_259] {strides = array<i32>} : memref<64x128xf32, #tpu.memory_space<vmem>>, vector<1x16xf32>,
        %swap3A_261 = vector.shape_cast %swap3A_260 : vector<1x16xf32> to vector<16xf32>
        %swap3A_262 = vector.shape_cast %get3A_257 : vector<16xf32> to vector<1x16xf32>
        tpu.vector_store %arg9[%swap3A_258, %swap3A_259], %swap3A_262 {strides = array<i32>} : memref<64x128xf32, #tpu.memory_space<vmem>>, vector<1x16xf32>,
        %add3A_263 = arith.constant 32 : i32
        %add3A_264 = arith.addi %and3A_213, %add3A_263 : i32
        %get3A_265 = arith.index_cast %add3A_217 : i32 to index
        %get3A_266 = arith.index_cast %add3A_264 : i32 to index
        %get3A_267 = tpu.vector_load %arg7[%get3A_265, %get3A_266] {strides = array<i32>} : memref<128x128xf32, #tpu.memory_space<vmem>>, vector<1x16xf32>,
        %get3A_268 = vector.shape_cast %get3A_267 : vector<1x16xf32> to vector<16xf32>
        %swap3A_269 = arith.index_cast %select_n3A_241 : i32 to index
        %swap3A_270 = arith.constant 32 : index
        %swap3A_271 = tpu.vector_load %arg9[%swap3A_269, %swap3A_270] {strides = array<i32>} : memref<64x128xf32, #tpu.memory_space<vmem>>, vector<1x16xf32>,
        %swap3A_272 = vector.shape_cast %swap3A_271 : vector<1x16xf32> to vector<16xf32>
        %swap3A_273 = vector.shape_cast %get3A_268 : vector<16xf32> to vector<1x16xf32>
        tpu.vector_store %arg9[%swap3A_269, %swap3A_270], %swap3A_273 {strides = array<i32>} : memref<64x128xf32, #tpu.memory_space<vmem>>, vector<1x16xf32>,
        %add3A_274 = arith.constant 48 : i32
        %add3A_275 = arith.addi %and3A_213, %add3A_274 : i32
        %get3A_276 = arith.index_cast %add3A_217 : i32 to index
        %get3A_277 = arith.index_cast %add3A_275 : i32 to index
        %get3A_278 = tpu.vector_load %arg7[%get3A_276, %get3A_277] {strides = array<i32>} : memref<128x128xf32, #tpu.memory_space<vmem>>, vector<1x16xf32>,
        %get3A_279 = vector.shape_cast %get3A_278 : vector<1x16xf32> to vector<16xf32>
        %swap3A_280 = arith.index_cast %select_n3A_241 : i32 to index
        %swap3A_281 = arith.constant 48 : index
        %swap3A_282 = tpu.vector_load %arg9[%swap3A_280, %swap3A_281] {strides = array<i32>} : memref<64x128xf32, #tpu.memory_space<vmem>>, vector<1x16xf32>,
        %swap3A_283 = vector.shape_cast %swap3A_282 : vector<1x16xf32> to vector<16xf32>
        %swap3A_284 = vector.shape_cast %get3A_279 : vector<16xf32> to vector<1x16xf32>
        tpu.vector_store %arg9[%swap3A_280, %swap3A_281], %swap3A_284 {strides = array<i32>} : memref<64x128xf32, #tpu.memory_space<vmem>>, vector<1x16xf32>,
        %slice3A_285 = vector.extract_strided_slice %get3A_210 {offsets = [1], sizes = [1], strides = [1]} : vector<16xi32> to vector<1xi32>
        %squeeze3A_286 = vector.extract %slice3A_285[0] : i32 from vector<1xi32>
        %shift_right_logical3A_287 = arith.constant 7 : i32
        %shift_right_logical3A_288 = arith.shrui %squeeze3A_286, %shift_right_logical3A_287 : i32
        %and3A_289 = arith.constant 64 : i32
        %and3A_290 = arith.andi %shift_right_logical3A_288, %and3A_289 : i32
        %mul3A_291 = arith.constant 16 : i32
        %mul3A_292 = arith.muli %scan3A_205, %mul3A_291 : i32
        %add3A_293 = arith.constant 1 : i32
        %add3A_294 = arith.addi %mul3A_292, %add3A_293 : i32
        %jit3A_295 = arith.constant 2 : i32
        %div3A_296 = arith.divsi %add3A_294, %jit3A_295 : i32
        %sign3A_297 = arith.constant 0 : i32
        %sign3A_298 = arith.cmpi sgt, %add3A_294, %sign3A_297 : i32
        %sign3A_299 = arith.extui %sign3A_298 : i1 to i32
        %sign3A_300 = arith.constant 0 : i32
        %sign3A_301 = arith.cmpi slt, %add3A_294, %sign3A_300 : i32
        %sign3A_302 = arith.extui %sign3A_301 : i1 to i32
        %sign3A_303 = arith.subi %sign3A_299, %sign3A_302 : i32
        %sign3A_304 = arith.constant 0 : i32
        %sign3A_305 = arith.cmpi sgt, %jit3A_295, %sign3A_304 : i32
        %sign3A_306 = arith.extui %sign3A_305 : i1 to i32
        %sign3A_307 = arith.constant 0 : i32
        %sign3A_308 = arith.cmpi slt, %jit3A_295, %sign3A_307 : i32
        %sign3A_309 = arith.extui %sign3A_308 : i1 to i32
        %sign3A_310 = arith.subi %sign3A_306, %sign3A_309 : i32
        %ne3A_311 = arith.cmpi ne, %sign3A_303, %sign3A_310 : i32
        %rem3A_312 = arith.remsi %add3A_294, %jit3A_295 : i32
        %ne3A_313 = arith.constant 0 : i32
        %ne3A_314 = arith.cmpi ne, %rem3A_312, %ne3A_313 : i32
        %and3A_315 = arith.andi %ne3A_311, %ne3A_314 : i1
        %sub3A_316 = arith.constant 1 : i32
        %sub3A_317 = arith.subi %div3A_296, %sub3A_316 : i32
        %select_n3A_318 = arith.select %and3A_315, %sub3A_317, %div3A_296 : i32
        %add3A_319 = arith.constant 0 : i32
        %add3A_320 = arith.addi %and3A_290, %add3A_319 : i32
        %get3A_321 = arith.index_cast %add3A_294 : i32 to index
        %get3A_322 = arith.index_cast %add3A_320 : i32 to index
        %get3A_323 = tpu.vector_load %arg7[%get3A_321, %get3A_322] {strides = array<i32>} : memref<128x128xf32, #tpu.memory_space<vmem>>, vector<1x16xf32>,
        %get3A_324 = vector.shape_cast %get3A_323 : vector<1x16xf32> to vector<16xf32>
        %swap3A_325 = arith.index_cast %select_n3A_318 : i32 to index
        %swap3A_326 = arith.constant 64 : index
        %swap3A_327 = tpu.vector_load %arg9[%swap3A_325, %swap3A_326] {strides = array<i32>} : memref<64x128xf32, #tpu.memory_space<vmem>>, vector<1x16xf32>,
        %swap3A_328 = vector.shape_cast %swap3A_327 : vector<1x16xf32> to vector<16xf32>
        %swap3A_329 = vector.shape_cast %get3A_324 : vector<16xf32> to vector<1x16xf32>
        tpu.vector_store %arg9[%swap3A_325, %swap3A_326], %swap3A_329 {strides = array<i32>} : memref<64x128xf32, #tpu.memory_space<vmem>>, vector<1x16xf32>,
        %add3A_330 = arith.constant 16 : i32
        %add3A_331 = arith.addi %and3A_290, %add3A_330 : i32
        %get3A_332 = arith.index_cast %add3A_294 : i32 to index
        %get3A_333 = arith.index_cast %add3A_331 : i32 to index
        %get3A_334 = tpu.vector_load %arg7[%get3A_332, %get3A_333] {strides = array<i32>} : memref<128x128xf32, #tpu.memory_space<vmem>>, vector<1x16xf32>,
        %get3A_335 = vector.shape_cast %get3A_334 : vector<1x16xf32> to vector<16xf32>
        %swap3A_336 = arith.index_cast %select_n3A_318 : i32 to index
        %swap3A_337 = arith.constant 80 : index
        %swap3A_338 = tpu.vector_load %arg9[%swap3A_336, %swap3A_337] {strides = array<i32>} : memref<64x128xf32, #tpu.memory_space<vmem>>, vector<1x16xf32>,
        %swap3A_339 = vector.shape_cast %swap3A_338 : vector<1x16xf32> to vector<16xf32>
        %swap3A_340 = vector.shape_cast %get3A_335 : vector<16xf32> to vector<1x16xf32>
        tpu.vector_store %arg9[%swap3A_336, %swap3A_337], %swap3A_340 {strides = array<i32>} : memref<64x128xf32, #tpu.memory_space<vmem>>, vector<1x16xf32>,
        %add3A_341 = arith.constant 32 : i32
        %add3A_342 = arith.addi %and3A_290, %add3A_341 : i32
        %get3A_343 = arith.index_cast %add3A_294 : i32 to index
        %get3A_344 = arith.index_cast %add3A_342 : i32 to index
        %get3A_345 = tpu.vector_load %arg7[%get3A_343, %get3A_344] {strides = array<i32>} : memref<128x128xf32, #tpu.memory_space<vmem>>, vector<1x16xf32>,
        %get3A_346 = vector.shape_cast %get3A_345 : vector<1x16xf32> to vector<16xf32>
        %swap3A_347 = arith.index_cast %select_n3A_318 : i32 to index
        %swap3A_348 = arith.constant 96 : index
        %swap3A_349 = tpu.vector_load %arg9[%swap3A_347, %swap3A_348] {strides = array<i32>} : memref<64x128xf32, #tpu.memory_space<vmem>>, vector<1x16xf32>,
        %swap3A_350 = vector.shape_cast %swap3A_349 : vector<1x16xf32> to vector<16xf32>
        %swap3A_351 = vector.shape_cast %get3A_346 : vector<16xf32> to vector<1x16xf32>
        tpu.vector_store %arg9[%swap3A_347, %swap3A_348], %swap3A_351 {strides = array<i32>} : memref<64x128xf32, #tpu.memory_space<vmem>>, vector<1x16xf32>,
        %add3A_352 = arith.constant 48 : i32
        %add3A_353 = arith.addi %and3A_290, %add3A_352 : i32
        %get3A_354 = arith.index_cast %add3A_294 : i32 to index
        %get3A_355 = arith.index_cast %add3A_353 : i32 to index
        %get3A_356 = tpu.vector_load %arg7[%get3A_354, %get3A_355] {strides = array<i32>} : memref<128x128xf32, #tpu.memory_space<vmem>>, vector<1x16xf32>,
        %get3A_357 = vector.shape_cast %get3A_356 : vector<1x16xf32> to vector<16xf32>
        %swap3A_358 = arith.index_cast %select_n3A_318 : i32 to index
        %swap3A_359 = arith.constant 112 : index
        %swap3A_360 = tpu.vector_load %arg9[%swap3A_358, %swap3A_359] {strides = array<i32>} : memref<64x128xf32, #tpu.memory_space<vmem>>, vector<1x16xf32>,
        %swap3A_361 = vector.shape_cast %swap3A_360 : vector<1x16xf32> to vector<16xf32>
        %swap3A_362 = vector.shape_cast %get3A_357 : vector<16xf32> to vector<1x16xf32>
        tpu.vector_store %arg9[%swap3A_358, %swap3A_359], %swap3A_362 {strides = array<i32>} : memref<64x128xf32, #tpu.memory_space<vmem>>, vector<1x16xf32>,
        %slice3A_363 = vector.extract_strided_slice %get3A_210 {offsets = [2], sizes = [1], strides = [1]} : vector<16xi32> to vector<1xi32>
        %squeeze3A_364 = vector.extract %slice3A_363[0] : i32 from vector<1xi32>
        %shift_right_logical3A_365 = arith.constant 7 : i32
        %shift_right_logical3A_366 = arith.shrui %squeeze3A_364, %shift_right_logical3A_365 : i32
        %and3A_367 = arith.constant 64 : i32
        %and3A_368 = arith.andi %shift_right_logical3A_366, %and3A_367 : i32
        %mul3A_369 = arith.constant 16 : i32
        %mul3A_370 = arith.muli %scan3A_205, %mul3A_369 : i32
        %add3A_371 = arith.constant 2 : i32
        %add3A_372 = arith.addi %mul3A_370, %add3A_371 : i32
        %jit3A_373 = arith.constant 2 : i32
        %div3A_374 = arith.divsi %add3A_372, %jit3A_373 : i32
        %sign3A_375 = arith.constant 0 : i32
        %sign3A_376 = arith.cmpi sgt, %add3A_372, %sign3A_375 : i32
        %sign3A_377 = arith.extui %sign3A_376 : i1 to i32
        %sign3A_378 = arith.constant 0 : i32
        %sign3A_379 = arith.cmpi slt, %add3A_372, %sign3A_378 : i32
        %sign3A_380 = arith.extui %sign3A_379 : i1 to i32
        %sign3A_381 = arith.subi %sign3A_377, %sign3A_380 : i32
        %sign3A_382 = arith.constant 0 : i32
        %sign3A_383 = arith.cmpi sgt, %jit3A_373, %sign3A_382 : i32
        %sign3A_384 = arith.extui %sign3A_383 : i1 to i32
        %sign3A_385 = arith.constant 0 : i32
        %sign3A_386 = arith.cmpi slt, %jit3A_373, %sign3A_385 : i32
        %sign3A_387 = arith.extui %sign3A_386 : i1 to i32
        %sign3A_388 = arith.subi %sign3A_384, %sign3A_387 : i32
        %ne3A_389 = arith.cmpi ne, %sign3A_381, %sign3A_388 : i32
        %rem3A_390 = arith.remsi %add3A_372, %jit3A_373 : i32
        %ne3A_391 = arith.constant 0 : i32
        %ne3A_392 = arith.cmpi ne, %rem3A_390, %ne3A_391 : i32
        %and3A_393 = arith.andi %ne3A_389, %ne3A_392 : i1
        %sub3A_394 = arith.constant 1 : i32
        %sub3A_395 = arith.subi %div3A_374, %sub3A_394 : i32
        %select_n3A_396 = arith.select %and3A_393, %sub3A_395, %div3A_374 : i32
        %add3A_397 = arith.constant 0 : i32
        %add3A_398 = arith.addi %and3A_368, %add3A_397 : i32
        %get3A_399 = arith.index_cast %add3A_372 : i32 to index
        %get3A_400 = arith.index_cast %add3A_398 : i32 to index
        %get3A_401 = tpu.vector_load %arg7[%get3A_399, %get3A_400] {strides = array<i32>} : memref<128x128xf32, #tpu.memory_space<vmem>>, vector<1x16xf32>,
        %get3A_402 = vector.shape_cast %get3A_401 : vector<1x16xf32> to vector<16xf32>
        %swap3A_403 = arith.index_cast %select_n3A_396 : i32 to index
        %swap3A_404 = arith.constant 0 : index
        %swap3A_405 = tpu.vector_load %arg9[%swap3A_403, %swap3A_404] {strides = array<i32>} : memref<64x128xf32, #tpu.memory_space<vmem>>, vector<1x16xf32>,
        %swap3A_406 = vector.shape_cast %swap3A_405 : vector<1x16xf32> to vector<16xf32>
        %swap3A_407 = vector.shape_cast %get3A_402 : vector<16xf32> to vector<1x16xf32>
        tpu.vector_store %arg9[%swap3A_403, %swap3A_404], %swap3A_407 {strides = array<i32>} : memref<64x128xf32, #tpu.memory_space<vmem>>, vector<1x16xf32>,
        %add3A_408 = arith.constant 16 : i32
        %add3A_409 = arith.addi %and3A_368, %add3A_408 : i32
        %get3A_410 = arith.index_cast %add3A_372 : i32 to index
        %get3A_411 = arith.index_cast %add3A_409 : i32 to index
        %get3A_412 = tpu.vector_load %arg7[%get3A_410, %get3A_411] {strides = array<i32>} : memref<128x128xf32, #tpu.memory_space<vmem>>, vector<1x16xf32>,
        %get3A_413 = vector.shape_cast %get3A_412 : vector<1x16xf32> to vector<16xf32>
        %swap3A_414 = arith.index_cast %select_n3A_396 : i32 to index
        %swap3A_415 = arith.constant 16 : index
        %swap3A_416 = tpu.vector_load %arg9[%swap3A_414, %swap3A_415] {strides = array<i32>} : memref<64x128xf32, #tpu.memory_space<vmem>>, vector<1x16xf32>,
        %swap3A_417 = vector.shape_cast %swap3A_416 : vector<1x16xf32> to vector<16xf32>
        %swap3A_418 = vector.shape_cast %get3A_413 : vector<16xf32> to vector<1x16xf32>
        tpu.vector_store %arg9[%swap3A_414, %swap3A_415], %swap3A_418 {strides = array<i32>} : memref<64x128xf32, #tpu.memory_space<vmem>>, vector<1x16xf32>,
        %add3A_419 = arith.constant 32 : i32
        %add3A_420 = arith.addi %and3A_368, %add3A_419 : i32
        %get3A_421 = arith.index_cast %add3A_372 : i32 to index
        %get3A_422 = arith.index_cast %add3A_420 : i32 to index
        %get3A_423 = tpu.vector_load %arg7[%get3A_421, %get3A_422] {strides = array<i32>} : memref<128x128xf32, #tpu.memory_space<vmem>>, vector<1x16xf32>,
        %get3A_424 = vector.shape_cast %get3A_423 : vector<1x16xf32> to vector<16xf32>
        %swap3A_425 = arith.index_cast %select_n3A_396 : i32 to index
        %swap3A_426 = arith.constant 32 : index
        %swap3A_427 = tpu.vector_load %arg9[%swap3A_425, %swap3A_426] {strides = array<i32>} : memref<64x128xf32, #tpu.memory_space<vmem>>, vector<1x16xf32>,
        %swap3A_428 = vector.shape_cast %swap3A_427 : vector<1x16xf32> to vector<16xf32>
        %swap3A_429 = vector.shape_cast %get3A_424 : vector<16xf32> to vector<1x16xf32>
        tpu.vector_store %arg9[%swap3A_425, %swap3A_426], %swap3A_429 {strides = array<i32>} : memref<64x128xf32, #tpu.memory_space<vmem>>, vector<1x16xf32>,
        %add3A_430 = arith.constant 48 : i32
        %add3A_431 = arith.addi %and3A_368, %add3A_430 : i32
        %get3A_432 = arith.index_cast %add3A_372 : i32 to index
        %get3A_433 = arith.index_cast %add3A_431 : i32 to index
        %get3A_434 = tpu.vector_load %arg7[%get3A_432, %get3A_433] {strides = array<i32>} : memref<128x128xf32, #tpu.memory_space<vmem>>, vector<1x16xf32>,
        %get3A_435 = vector.shape_cast %get3A_434 : vector<1x16xf32> to vector<16xf32>
        %swap3A_436 = arith.index_cast %select_n3A_396 : i32 to index
        %swap3A_437 = arith.constant 48 : index
        %swap3A_438 = tpu.vector_load %arg9[%swap3A_436, %swap3A_437] {strides = array<i32>} : memref<64x128xf32, #tpu.memory_space<vmem>>, vector<1x16xf32>,
        %swap3A_439 = vector.shape_cast %swap3A_438 : vector<1x16xf32> to vector<16xf32>
        %swap3A_440 = vector.shape_cast %get3A_435 : vector<16xf32> to vector<1x16xf32>
        tpu.vector_store %arg9[%swap3A_436, %swap3A_437], %swap3A_440 {strides = array<i32>} : memref<64x128xf32, #tpu.memory_space<vmem>>, vector<1x16xf32>,
        %slice3A_441 = vector.extract_strided_slice %get3A_210 {offsets = [3], sizes = [1], strides = [1]} : vector<16xi32> to vector<1xi32>
        %squeeze3A_442 = vector.extract %slice3A_441[0] : i32 from vector<1xi32>
        %shift_right_logical3A_443 = arith.constant 7 : i32
        %shift_right_logical3A_444 = arith.shrui %squeeze3A_442, %shift_right_logical3A_443 : i32
        %and3A_445 = arith.constant 64 : i32
        %and3A_446 = arith.andi %shift_right_logical3A_444, %and3A_445 : i32
        %mul3A_447 = arith.constant 16 : i32
        %mul3A_448 = arith.muli %scan3A_205, %mul3A_447 : i32
        %add3A_449 = arith.constant 3 : i32
        %add3A_450 = arith.addi %mul3A_448, %add3A_449 : i32
        %jit3A_451 = arith.constant 2 : i32
        %div3A_452 = arith.divsi %add3A_450, %jit3A_451 : i32
        %sign3A_453 = arith.constant 0 : i32
        %sign3A_454 = arith.cmpi sgt, %add3A_450, %sign3A_453 : i32
        %sign3A_455 = arith.extui %sign3A_454 : i1 to i32
        %sign3A_456 = arith.constant 0 : i32
        %sign3A_457 = arith.cmpi slt, %add3A_450, %sign3A_456 : i32
        %sign3A_458 = arith.extui %sign3A_457 : i1 to i32
        %sign3A_459 = arith.subi %sign3A_455, %sign3A_458 : i32
        %sign3A_460 = arith.constant 0 : i32
        %sign3A_461 = arith.cmpi sgt, %jit3A_451, %sign3A_460 : i32
        %sign3A_462 = arith.extui %sign3A_461 : i1 to i32
        %sign3A_463 = arith.constant 0 : i32
        %sign3A_464 = arith.cmpi slt, %jit3A_451, %sign3A_463 : i32
        %sign3A_465 = arith.extui %sign3A_464 : i1 to i32
        %sign3A_466 = arith.subi %sign3A_462, %sign3A_465 : i32
        %ne3A_467 = arith.cmpi ne, %sign3A_459, %sign3A_466 : i32
        %rem3A_468 = arith.remsi %add3A_450, %jit3A_451 : i32
        %ne3A_469 = arith.constant 0 : i32
        %ne3A_470 = arith.cmpi ne, %rem3A_468, %ne3A_469 : i32
        %and3A_471 = arith.andi %ne3A_467, %ne3A_470 : i1
        %sub3A_472 = arith.constant 1 : i32
        %sub3A_473 = arith.subi %div3A_452, %sub3A_472 : i32
        %select_n3A_474 = arith.select %and3A_471, %sub3A_473, %div3A_452 : i32
        %add3A_475 = arith.constant 0 : i32
        %add3A_476 = arith.addi %and3A_446, %add3A_475 : i32
        %get3A_477 = arith.index_cast %add3A_450 : i32 to index
        %get3A_478 = arith.index_cast %add3A_476 : i32 to index
        %get3A_479 = tpu.vector_load %arg7[%get3A_477, %get3A_478] {strides = array<i32>} : memref<128x128xf32, #tpu.memory_space<vmem>>, vector<1x16xf32>,
        %get3A_480 = vector.shape_cast %get3A_479 : vector<1x16xf32> to vector<16xf32>
        %swap3A_481 = arith.index_cast %select_n3A_474 : i32 to index
        %swap3A_482 = arith.constant 64 : index
        %swap3A_483 = tpu.vector_load %arg9[%swap3A_481, %swap3A_482] {strides = array<i32>} : memref<64x128xf32, #tpu.memory_space<vmem>>, vector<1x16xf32>,
        %swap3A_484 = vector.shape_cast %swap3A_483 : vector<1x16xf32> to vector<16xf32>
        %swap3A_485 = vector.shape_cast %get3A_480 : vector<16xf32> to vector<1x16xf32>
        tpu.vector_store %arg9[%swap3A_481, %swap3A_482], %swap3A_485 {strides = array<i32>} : memref<64x128xf32, #tpu.memory_space<vmem>>, vector<1x16xf32>,
        %add3A_486 = arith.constant 16 : i32
        %add3A_487 = arith.addi %and3A_446, %add3A_486 : i32
        %get3A_488 = arith.index_cast %add3A_450 : i32 to index
        %get3A_489 = arith.index_cast %add3A_487 : i32 to index
        %get3A_490 = tpu.vector_load %arg7[%get3A_488, %get3A_489] {strides = array<i32>} : memref<128x128xf32, #tpu.memory_space<vmem>>, vector<1x16xf32>,
        %get3A_491 = vector.shape_cast %get3A_490 : vector<1x16xf32> to vector<16xf32>
        %swap3A_492 = arith.index_cast %select_n3A_474 : i32 to index
        %swap3A_493 = arith.constant 80 : index
        %swap3A_494 = tpu.vector_load %arg9[%swap3A_492, %swap3A_493] {strides = array<i32>} : memref<64x128xf32, #tpu.memory_space<vmem>>, vector<1x16xf32>,
        %swap3A_495 = vector.shape_cast %swap3A_494 : vector<1x16xf32> to vector<16xf32>
        %swap3A_496 = vector.shape_cast %get3A_491 : vector<16xf32> to vector<1x16xf32>
        tpu.vector_store %arg9[%swap3A_492, %swap3A_493], %swap3A_496 {strides = array<i32>} : memref<64x128xf32, #tpu.memory_space<vmem>>, vector<1x16xf32>,
        %add3A_497 = arith.constant 32 : i32
        %add3A_498 = arith.addi %and3A_446, %add3A_497 : i32
        %get3A_499 = arith.index_cast %add3A_450 : i32 to index
        %get3A_500 = arith.index_cast %add3A_498 : i32 to index
        %get3A_501 = tpu.vector_load %arg7[%get3A_499, %get3A_500] {strides = array<i32>} : memref<128x128xf32, #tpu.memory_space<vmem>>, vector<1x16xf32>,
        %get3A_502 = vector.shape_cast %get3A_501 : vector<1x16xf32> to vector<16xf32>
        %swap3A_503 = arith.index_cast %select_n3A_474 : i32 to index
        %swap3A_504 = arith.constant 96 : index
        %swap3A_505 = tpu.vector_load %arg9[%swap3A_503, %swap3A_504] {strides = array<i32>} : memref<64x128xf32, #tpu.memory_space<vmem>>, vector<1x16xf32>,
        %swap3A_506 = vector.shape_cast %swap3A_505 : vector<1x16xf32> to vector<16xf32>
        %swap3A_507 = vector.shape_cast %get3A_502 : vector<16xf32> to vector<1x16xf32>
        tpu.vector_store %arg9[%swap3A_503, %swap3A_504], %swap3A_507 {strides = array<i32>} : memref<64x128xf32, #tpu.memory_space<vmem>>, vector<1x16xf32>,
        %add3A_508 = arith.constant 48 : i32
        %add3A_509 = arith.addi %and3A_446, %add3A_508 : i32
        %get3A_510 = arith.index_cast %add3A_450 : i32 to index
        %get3A_511 = arith.index_cast %add3A_509 : i32 to index
        %get3A_512 = tpu.vector_load %arg7[%get3A_510, %get3A_511] {strides = array<i32>} : memref<128x128xf32, #tpu.memory_space<vmem>>, vector<1x16xf32>,
        %get3A_513 = vector.shape_cast %get3A_512 : vector<1x16xf32> to vector<16xf32>
        %swap3A_514 = arith.index_cast %select_n3A_474 : i32 to index
        %swap3A_515 = arith.constant 112 : index
        %swap3A_516 = tpu.vector_load %arg9[%swap3A_514, %swap3A_515] {strides = array<i32>} : memref<64x128xf32, #tpu.memory_space<vmem>>, vector<1x16xf32>,
        %swap3A_517 = vector.shape_cast %swap3A_516 : vector<1x16xf32> to vector<16xf32>
        %swap3A_518 = vector.shape_cast %get3A_513 : vector<16xf32> to vector<1x16xf32>
        tpu.vector_store %arg9[%swap3A_514, %swap3A_515], %swap3A_518 {strides = array<i32>} : memref<64x128xf32, #tpu.memory_space<vmem>>, vector<1x16xf32>,
        %slice3A_519 = vector.extract_strided_slice %get3A_210 {offsets = [4], sizes = [1], strides = [1]} : vector<16xi32> to vector<1xi32>
        %squeeze3A_520 = vector.extract %slice3A_519[0] : i32 from vector<1xi32>
        %shift_right_logical3A_521 = arith.constant 7 : i32
        %shift_right_logical3A_522 = arith.shrui %squeeze3A_520, %shift_right_logical3A_521 : i32
        %and3A_523 = arith.constant 64 : i32
        %and3A_524 = arith.andi %shift_right_logical3A_522, %and3A_523 : i32
        %mul3A_525 = arith.constant 16 : i32
        %mul3A_526 = arith.muli %scan3A_205, %mul3A_525 : i32
        %add3A_527 = arith.constant 4 : i32
        %add3A_528 = arith.addi %mul3A_526, %add3A_527 : i32
        %jit3A_529 = arith.constant 2 : i32
        %div3A_530 = arith.divsi %add3A_528, %jit3A_529 : i32
        %sign3A_531 = arith.constant 0 : i32
        %sign3A_532 = arith.cmpi sgt, %add3A_528, %sign3A_531 : i32
        %sign3A_533 = arith.extui %sign3A_532 : i1 to i32
        %sign3A_534 = arith.constant 0 : i32
        %sign3A_535 = arith.cmpi slt, %add3A_528, %sign3A_534 : i32
        %sign3A_536 = arith.extui %sign3A_535 : i1 to i32
        %sign3A_537 = arith.subi %sign3A_533, %sign3A_536 : i32
        %sign3A_538 = arith.constant 0 : i32
        %sign3A_539 = arith.cmpi sgt, %jit3A_529, %sign3A_538 : i32
        %sign3A_540 = arith.extui %sign3A_539 : i1 to i32
        %sign3A_541 = arith.constant 0 : i32
        %sign3A_542 = arith.cmpi slt, %jit3A_529, %sign3A_541 : i32
        %sign3A_543 = arith.extui %sign3A_542 : i1 to i32
        %sign3A_544 = arith.subi %sign3A_540, %sign3A_543 : i32
        %ne3A_545 = arith.cmpi ne, %sign3A_537, %sign3A_544 : i32
        %rem3A_546 = arith.remsi %add3A_528, %jit3A_529 : i32
        %ne3A_547 = arith.constant 0 : i32
        %ne3A_548 = arith.cmpi ne, %rem3A_546, %ne3A_547 : i32
        %and3A_549 = arith.andi %ne3A_545, %ne3A_548 : i1
        %sub3A_550 = arith.constant 1 : i32
        %sub3A_551 = arith.subi %div3A_530, %sub3A_550 : i32
        %select_n3A_552 = arith.select %and3A_549, %sub3A_551, %div3A_530 : i32
        %add3A_553 = arith.constant 0 : i32
        %add3A_554 = arith.addi %and3A_524, %add3A_553 : i32
        %get3A_555 = arith.index_cast %add3A_528 : i32 to index
        %get3A_556 = arith.index_cast %add3A_554 : i32 to index
        %get3A_557 = tpu.vector_load %arg7[%get3A_555, %get3A_556] {strides = array<i32>} : memref<128x128xf32, #tpu.memory_space<vmem>>, vector<1x16xf32>,
        %get3A_558 = vector.shape_cast %get3A_557 : vector<1x16xf32> to vector<16xf32>
        %swap3A_559 = arith.index_cast %select_n3A_552 : i32 to index
        %swap3A_560 = arith.constant 0 : index
        %swap3A_561 = tpu.vector_load %arg9[%swap3A_559, %swap3A_560] {strides = array<i32>} : memref<64x128xf32, #tpu.memory_space<vmem>>, vector<1x16xf32>,
        %swap3A_562 = vector.shape_cast %swap3A_561 : vector<1x16xf32> to vector<16xf32>
        %swap3A_563 = vector.shape_cast %get3A_558 : vector<16xf32> to vector<1x16xf32>
        tpu.vector_store %arg9[%swap3A_559, %swap3A_560], %swap3A_563 {strides = array<i32>} : memref<64x128xf32, #tpu.memory_space<vmem>>, vector<1x16xf32>,
        %add3A_564 = arith.constant 16 : i32
        %add3A_565 = arith.addi %and3A_524, %add3A_564 : i32
        %get3A_566 = arith.index_cast %add3A_528 : i32 to index
        %get3A_567 = arith.index_cast %add3A_565 : i32 to index
        %get3A_568 = tpu.vector_load %arg7[%get3A_566, %get3A_567] {strides = array<i32>} : memref<128x128xf32, #tpu.memory_space<vmem>>, vector<1x16xf32>,
        %get3A_569 = vector.shape_cast %get3A_568 : vector<1x16xf32> to vector<16xf32>
        %swap3A_570 = arith.index_cast %select_n3A_552 : i32 to index
        %swap3A_571 = arith.constant 16 : index
        %swap3A_572 = tpu.vector_load %arg9[%swap3A_570, %swap3A_571] {strides = array<i32>} : memref<64x128xf32, #tpu.memory_space<vmem>>, vector<1x16xf32>,
        %swap3A_573 = vector.shape_cast %swap3A_572 : vector<1x16xf32> to vector<16xf32>
        %swap3A_574 = vector.shape_cast %get3A_569 : vector<16xf32> to vector<1x16xf32>
        tpu.vector_store %arg9[%swap3A_570, %swap3A_571], %swap3A_574 {strides = array<i32>} : memref<64x128xf32, #tpu.memory_space<vmem>>, vector<1x16xf32>,
        %add3A_575 = arith.constant 32 : i32
        %add3A_576 = arith.addi %and3A_524, %add3A_575 : i32
        %get3A_577 = arith.index_cast %add3A_528 : i32 to index
        %get3A_578 = arith.index_cast %add3A_576 : i32 to index
        %get3A_579 = tpu.vector_load %arg7[%get3A_577, %get3A_578] {strides = array<i32>} : memref<128x128xf32, #tpu.memory_space<vmem>>, vector<1x16xf32>,
        %get3A_580 = vector.shape_cast %get3A_579 : vector<1x16xf32> to vector<16xf32>
        %swap3A_581 = arith.index_cast %select_n3A_552 : i32 to index
        %swap3A_582 = arith.constant 32 : index
        %swap3A_583 = tpu.vector_load %arg9[%swap3A_581, %swap3A_582] {strides = array<i32>} : memref<64x128xf32, #tpu.memory_space<vmem>>, vector<1x16xf32>,
        %swap3A_584 = vector.shape_cast %swap3A_583 : vector<1x16xf32> to vector<16xf32>
        %swap3A_585 = vector.shape_cast %get3A_580 : vector<16xf32> to vector<1x16xf32>
        tpu.vector_store %arg9[%swap3A_581, %swap3A_582], %swap3A_585 {strides = array<i32>} : memref<64x128xf32, #tpu.memory_space<vmem>>, vector<1x16xf32>,
        %add3A_586 = arith.constant 48 : i32
        %add3A_587 = arith.addi %and3A_524, %add3A_586 : i32
        %get3A_588 = arith.index_cast %add3A_528 : i32 to index
        %get3A_589 = arith.index_cast %add3A_587 : i32 to index
        %get3A_590 = tpu.vector_load %arg7[%get3A_588, %get3A_589] {strides = array<i32>} : memref<128x128xf32, #tpu.memory_space<vmem>>, vector<1x16xf32>,
        %get3A_591 = vector.shape_cast %get3A_590 : vector<1x16xf32> to vector<16xf32>
        %swap3A_592 = arith.index_cast %select_n3A_552 : i32 to index
        %swap3A_593 = arith.constant 48 : index
        %swap3A_594 = tpu.vector_load %arg9[%swap3A_592, %swap3A_593] {strides = array<i32>} : memref<64x128xf32, #tpu.memory_space<vmem>>, vector<1x16xf32>,
        %swap3A_595 = vector.shape_cast %swap3A_594 : vector<1x16xf32> to vector<16xf32>
        %swap3A_596 = vector.shape_cast %get3A_591 : vector<16xf32> to vector<1x16xf32>
        tpu.vector_store %arg9[%swap3A_592, %swap3A_593], %swap3A_596 {strides = array<i32>} : memref<64x128xf32, #tpu.memory_space<vmem>>, vector<1x16xf32>,
        %slice3A_597 = vector.extract_strided_slice %get3A_210 {offsets = [5], sizes = [1], strides = [1]} : vector<16xi32> to vector<1xi32>
        %squeeze3A_598 = vector.extract %slice3A_597[0] : i32 from vector<1xi32>
        %shift_right_logical3A_599 = arith.constant 7 : i32
        %shift_right_logical3A_600 = arith.shrui %squeeze3A_598, %shift_right_logical3A_599 : i32
        %and3A_601 = arith.constant 64 : i32
        %and3A_602 = arith.andi %shift_right_logical3A_600, %and3A_601 : i32
        %mul3A_603 = arith.constant 16 : i32
        %mul3A_604 = arith.muli %scan3A_205, %mul3A_603 : i32
        %add3A_605 = arith.constant 5 : i32
        %add3A_606 = arith.addi %mul3A_604, %add3A_605 : i32
        %jit3A_607 = arith.constant 2 : i32
        %div3A_608 = arith.divsi %add3A_606, %jit3A_607 : i32
        %sign3A_609 = arith.constant 0 : i32
        %sign3A_610 = arith.cmpi sgt, %add3A_606, %sign3A_609 : i32
        %sign3A_611 = arith.extui %sign3A_610 : i1 to i32
        %sign3A_612 = arith.constant 0 : i32
        %sign3A_613 = arith.cmpi slt, %add3A_606, %sign3A_612 : i32
        %sign3A_614 = arith.extui %sign3A_613 : i1 to i32
        %sign3A_615 = arith.subi %sign3A_611, %sign3A_614 : i32
        %sign3A_616 = arith.constant 0 : i32
        %sign3A_617 = arith.cmpi sgt, %jit3A_607, %sign3A_616 : i32
        %sign3A_618 = arith.extui %sign3A_617 : i1 to i32
        %sign3A_619 = arith.constant 0 : i32
        %sign3A_620 = arith.cmpi slt, %jit3A_607, %sign3A_619 : i32
        %sign3A_621 = arith.extui %sign3A_620 : i1 to i32
        %sign3A_622 = arith.subi %sign3A_618, %sign3A_621 : i32
        %ne3A_623 = arith.cmpi ne, %sign3A_615, %sign3A_622 : i32
        %rem3A_624 = arith.remsi %add3A_606, %jit3A_607 : i32
        %ne3A_625 = arith.constant 0 : i32
        %ne3A_626 = arith.cmpi ne, %rem3A_624, %ne3A_625 : i32
        %and3A_627 = arith.andi %ne3A_623, %ne3A_626 : i1
        %sub3A_628 = arith.constant 1 : i32
        %sub3A_629 = arith.subi %div3A_608, %sub3A_628 : i32
        %select_n3A_630 = arith.select %and3A_627, %sub3A_629, %div3A_608 : i32
        %add3A_631 = arith.constant 0 : i32
        %add3A_632 = arith.addi %and3A_602, %add3A_631 : i32
        %get3A_633 = arith.index_cast %add3A_606 : i32 to index
        %get3A_634 = arith.index_cast %add3A_632 : i32 to index
        %get3A_635 = tpu.vector_load %arg7[%get3A_633, %get3A_634] {strides = array<i32>} : memref<128x128xf32, #tpu.memory_space<vmem>>, vector<1x16xf32>,
        %get3A_636 = vector.shape_cast %get3A_635 : vector<1x16xf32> to vector<16xf32>
        %swap3A_637 = arith.index_cast %select_n3A_630 : i32 to index
        %swap3A_638 = arith.constant 64 : index
        %swap3A_639 = tpu.vector_load %arg9[%swap3A_637, %swap3A_638] {strides = array<i32>} : memref<64x128xf32, #tpu.memory_space<vmem>>, vector<1x16xf32>,
        %swap3A_640 = vector.shape_cast %swap3A_639 : vector<1x16xf32> to vector<16xf32>
        %swap3A_641 = vector.shape_cast %get3A_636 : vector<16xf32> to vector<1x16xf32>
        tpu.vector_store %arg9[%swap3A_637, %swap3A_638], %swap3A_641 {strides = array<i32>} : memref<64x128xf32, #tpu.memory_space<vmem>>, vector<1x16xf32>,
        %add3A_642 = arith.constant 16 : i32
        %add3A_643 = arith.addi %and3A_602, %add3A_642 : i32
        %get3A_644 = arith.index_cast %add3A_606 : i32 to index
        %get3A_645 = arith.index_cast %add3A_643 : i32 to index
        %get3A_646 = tpu.vector_load %arg7[%get3A_644, %get3A_645] {strides = array<i32>} : memref<128x128xf32, #tpu.memory_space<vmem>>, vector<1x16xf32>,
        %get3A_647 = vector.shape_cast %get3A_646 : vector<1x16xf32> to vector<16xf32>
        %swap3A_648 = arith.index_cast %select_n3A_630 : i32 to index
        %swap3A_649 = arith.constant 80 : index
        %swap3A_650 = tpu.vector_load %arg9[%swap3A_648, %swap3A_649] {strides = array<i32>} : memref<64x128xf32, #tpu.memory_space<vmem>>, vector<1x16xf32>,
        %swap3A_651 = vector.shape_cast %swap3A_650 : vector<1x16xf32> to vector<16xf32>
        %swap3A_652 = vector.shape_cast %get3A_647 : vector<16xf32> to vector<1x16xf32>
        tpu.vector_store %arg9[%swap3A_648, %swap3A_649], %swap3A_652 {strides = array<i32>} : memref<64x128xf32, #tpu.memory_space<vmem>>, vector<1x16xf32>,
        %add3A_653 = arith.constant 32 : i32
        %add3A_654 = arith.addi %and3A_602, %add3A_653 : i32
        %get3A_655 = arith.index_cast %add3A_606 : i32 to index
        %get3A_656 = arith.index_cast %add3A_654 : i32 to index
        %get3A_657 = tpu.vector_load %arg7[%get3A_655, %get3A_656] {strides = array<i32>} : memref<128x128xf32, #tpu.memory_space<vmem>>, vector<1x16xf32>,
        %get3A_658 = vector.shape_cast %get3A_657 : vector<1x16xf32> to vector<16xf32>
        %swap3A_659 = arith.index_cast %select_n3A_630 : i32 to index
        %swap3A_660 = arith.constant 96 : index
        %swap3A_661 = tpu.vector_load %arg9[%swap3A_659, %swap3A_660] {strides = array<i32>} : memref<64x128xf32, #tpu.memory_space<vmem>>, vector<1x16xf32>,
        %swap3A_662 = vector.shape_cast %swap3A_661 : vector<1x16xf32> to vector<16xf32>
        %swap3A_663 = vector.shape_cast %get3A_658 : vector<16xf32> to vector<1x16xf32>
        tpu.vector_store %arg9[%swap3A_659, %swap3A_660], %swap3A_663 {strides = array<i32>} : memref<64x128xf32, #tpu.memory_space<vmem>>, vector<1x16xf32>,
        %add3A_664 = arith.constant 48 : i32
        %add3A_665 = arith.addi %and3A_602, %add3A_664 : i32
        %get3A_666 = arith.index_cast %add3A_606 : i32 to index
        %get3A_667 = arith.index_cast %add3A_665 : i32 to index
        %get3A_668 = tpu.vector_load %arg7[%get3A_666, %get3A_667] {strides = array<i32>} : memref<128x128xf32, #tpu.memory_space<vmem>>, vector<1x16xf32>,
        %get3A_669 = vector.shape_cast %get3A_668 : vector<1x16xf32> to vector<16xf32>
        %swap3A_670 = arith.index_cast %select_n3A_630 : i32 to index
        %swap3A_671 = arith.constant 112 : index
        %swap3A_672 = tpu.vector_load %arg9[%swap3A_670, %swap3A_671] {strides = array<i32>} : memref<64x128xf32, #tpu.memory_space<vmem>>, vector<1x16xf32>,
        %swap3A_673 = vector.shape_cast %swap3A_672 : vector<1x16xf32> to vector<16xf32>
        %swap3A_674 = vector.shape_cast %get3A_669 : vector<16xf32> to vector<1x16xf32>
        tpu.vector_store %arg9[%swap3A_670, %swap3A_671], %swap3A_674 {strides = array<i32>} : memref<64x128xf32, #tpu.memory_space<vmem>>, vector<1x16xf32>,
        %slice3A_675 = vector.extract_strided_slice %get3A_210 {offsets = [6], sizes = [1], strides = [1]} : vector<16xi32> to vector<1xi32>
        %squeeze3A_676 = vector.extract %slice3A_675[0] : i32 from vector<1xi32>
        %shift_right_logical3A_677 = arith.constant 7 : i32
        %shift_right_logical3A_678 = arith.shrui %squeeze3A_676, %shift_right_logical3A_677 : i32
        %and3A_679 = arith.constant 64 : i32
        %and3A_680 = arith.andi %shift_right_logical3A_678, %and3A_679 : i32
        %mul3A_681 = arith.constant 16 : i32
        %mul3A_682 = arith.muli %scan3A_205, %mul3A_681 : i32
        %add3A_683 = arith.constant 6 : i32
        %add3A_684 = arith.addi %mul3A_682, %add3A_683 : i32
        %jit3A_685 = arith.constant 2 : i32
        %div3A_686 = arith.divsi %add3A_684, %jit3A_685 : i32
        %sign3A_687 = arith.constant 0 : i32
        %sign3A_688 = arith.cmpi sgt, %add3A_684, %sign3A_687 : i32
        %sign3A_689 = arith.extui %sign3A_688 : i1 to i32
        %sign3A_690 = arith.constant 0 : i32
        %sign3A_691 = arith.cmpi slt, %add3A_684, %sign3A_690 : i32
        %sign3A_692 = arith.extui %sign3A_691 : i1 to i32
        %sign3A_693 = arith.subi %sign3A_689, %sign3A_692 : i32
        %sign3A_694 = arith.constant 0 : i32
        %sign3A_695 = arith.cmpi sgt, %jit3A_685, %sign3A_694 : i32
        %sign3A_696 = arith.extui %sign3A_695 : i1 to i32
        %sign3A_697 = arith.constant 0 : i32
        %sign3A_698 = arith.cmpi slt, %jit3A_685, %sign3A_697 : i32
        %sign3A_699 = arith.extui %sign3A_698 : i1 to i32
        %sign3A_700 = arith.subi %sign3A_696, %sign3A_699 : i32
        %ne3A_701 = arith.cmpi ne, %sign3A_693, %sign3A_700 : i32
        %rem3A_702 = arith.remsi %add3A_684, %jit3A_685 : i32
        %ne3A_703 = arith.constant 0 : i32
        %ne3A_704 = arith.cmpi ne, %rem3A_702, %ne3A_703 : i32
        %and3A_705 = arith.andi %ne3A_701, %ne3A_704 : i1
        %sub3A_706 = arith.constant 1 : i32
        %sub3A_707 = arith.subi %div3A_686, %sub3A_706 : i32
        %select_n3A_708 = arith.select %and3A_705, %sub3A_707, %div3A_686 : i32
        %add3A_709 = arith.constant 0 : i32
        %add3A_710 = arith.addi %and3A_680, %add3A_709 : i32
        %get3A_711 = arith.index_cast %add3A_684 : i32 to index
        %get3A_712 = arith.index_cast %add3A_710 : i32 to index
        %get3A_713 = tpu.vector_load %arg7[%get3A_711, %get3A_712] {strides = array<i32>} : memref<128x128xf32, #tpu.memory_space<vmem>>, vector<1x16xf32>,
        %get3A_714 = vector.shape_cast %get3A_713 : vector<1x16xf32> to vector<16xf32>
        %swap3A_715 = arith.index_cast %select_n3A_708 : i32 to index
        %swap3A_716 = arith.constant 0 : index
        %swap3A_717 = tpu.vector_load %arg9[%swap3A_715, %swap3A_716] {strides = array<i32>} : memref<64x128xf32, #tpu.memory_space<vmem>>, vector<1x16xf32>,
        %swap3A_718 = vector.shape_cast %swap3A_717 : vector<1x16xf32> to vector<16xf32>
        %swap3A_719 = vector.shape_cast %get3A_714 : vector<16xf32> to vector<1x16xf32>
        tpu.vector_store %arg9[%swap3A_715, %swap3A_716], %swap3A_719 {strides = array<i32>} : memref<64x128xf32, #tpu.memory_space<vmem>>, vector<1x16xf32>,
        %add3A_720 = arith.constant 16 : i32
        %add3A_721 = arith.addi %and3A_680, %add3A_720 : i32
        %get3A_722 = arith.index_cast %add3A_684 : i32 to index
        %get3A_723 = arith.index_cast %add3A_721 : i32 to index
        %get3A_724 = tpu.vector_load %arg7[%get3A_722, %get3A_723] {strides = array<i32>} : memref<128x128xf32, #tpu.memory_space<vmem>>, vector<1x16xf32>,
        %get3A_725 = vector.shape_cast %get3A_724 : vector<1x16xf32> to vector<16xf32>
        %swap3A_726 = arith.index_cast %select_n3A_708 : i32 to index
        %swap3A_727 = arith.constant 16 : index
        %swap3A_728 = tpu.vector_load %arg9[%swap3A_726, %swap3A_727] {strides = array<i32>} : memref<64x128xf32, #tpu.memory_space<vmem>>, vector<1x16xf32>,
        %swap3A_729 = vector.shape_cast %swap3A_728 : vector<1x16xf32> to vector<16xf32>
        %swap3A_730 = vector.shape_cast %get3A_725 : vector<16xf32> to vector<1x16xf32>
        tpu.vector_store %arg9[%swap3A_726, %swap3A_727], %swap3A_730 {strides = array<i32>} : memref<64x128xf32, #tpu.memory_space<vmem>>, vector<1x16xf32>,
        %add3A_731 = arith.constant 32 : i32
        %add3A_732 = arith.addi %and3A_680, %add3A_731 : i32
        %get3A_733 = arith.index_cast %add3A_684 : i32 to index
        %get3A_734 = arith.index_cast %add3A_732 : i32 to index
        %get3A_735 = tpu.vector_load %arg7[%get3A_733, %get3A_734] {strides = array<i32>} : memref<128x128xf32, #tpu.memory_space<vmem>>, vector<1x16xf32>,
        %get3A_736 = vector.shape_cast %get3A_735 : vector<1x16xf32> to vector<16xf32>
        %swap3A_737 = arith.index_cast %select_n3A_708 : i32 to index
        %swap3A_738 = arith.constant 32 : index
        %swap3A_739 = tpu.vector_load %arg9[%swap3A_737, %swap3A_738] {strides = array<i32>} : memref<64x128xf32, #tpu.memory_space<vmem>>, vector<1x16xf32>,
        %swap3A_740 = vector.shape_cast %swap3A_739 : vector<1x16xf32> to vector<16xf32>
        %swap3A_741 = vector.shape_cast %get3A_736 : vector<16xf32> to vector<1x16xf32>
        tpu.vector_store %arg9[%swap3A_737, %swap3A_738], %swap3A_741 {strides = array<i32>} : memref<64x128xf32, #tpu.memory_space<vmem>>, vector<1x16xf32>,
        %add3A_742 = arith.constant 48 : i32
        %add3A_743 = arith.addi %and3A_680, %add3A_742 : i32
        %get3A_744 = arith.index_cast %add3A_684 : i32 to index
        %get3A_745 = arith.index_cast %add3A_743 : i32 to index
        %get3A_746 = tpu.vector_load %arg7[%get3A_744, %get3A_745] {strides = array<i32>} : memref<128x128xf32, #tpu.memory_space<vmem>>, vector<1x16xf32>,
        %get3A_747 = vector.shape_cast %get3A_746 : vector<1x16xf32> to vector<16xf32>
        %swap3A_748 = arith.index_cast %select_n3A_708 : i32 to index
        %swap3A_749 = arith.constant 48 : index
        %swap3A_750 = tpu.vector_load %arg9[%swap3A_748, %swap3A_749] {strides = array<i32>} : memref<64x128xf32, #tpu.memory_space<vmem>>, vector<1x16xf32>,
        %swap3A_751 = vector.shape_cast %swap3A_750 : vector<1x16xf32> to vector<16xf32>
        %swap3A_752 = vector.shape_cast %get3A_747 : vector<16xf32> to vector<1x16xf32>
        tpu.vector_store %arg9[%swap3A_748, %swap3A_749], %swap3A_752 {strides = array<i32>} : memref<64x128xf32, #tpu.memory_space<vmem>>, vector<1x16xf32>,
        %slice3A_753 = vector.extract_strided_slice %get3A_210 {offsets = [7], sizes = [1], strides = [1]} : vector<16xi32> to vector<1xi32>
        %squeeze3A_754 = vector.extract %slice3A_753[0] : i32 from vector<1xi32>
        %shift_right_logical3A_755 = arith.constant 7 : i32
        %shift_right_logical3A_756 = arith.shrui %squeeze3A_754, %shift_right_logical3A_755 : i32
        %and3A_757 = arith.constant 64 : i32
        %and3A_758 = arith.andi %shift_right_logical3A_756, %and3A_757 : i32
        %mul3A_759 = arith.constant 16 : i32
        %mul3A_760 = arith.muli %scan3A_205, %mul3A_759 : i32
        %add3A_761 = arith.constant 7 : i32
        %add3A_762 = arith.addi %mul3A_760, %add3A_761 : i32
        %jit3A_763 = arith.constant 2 : i32
        %div3A_764 = arith.divsi %add3A_762, %jit3A_763 : i32
        %sign3A_765 = arith.constant 0 : i32
        %sign3A_766 = arith.cmpi sgt, %add3A_762, %sign3A_765 : i32
        %sign3A_767 = arith.extui %sign3A_766 : i1 to i32
        %sign3A_768 = arith.constant 0 : i32
        %sign3A_769 = arith.cmpi slt, %add3A_762, %sign3A_768 : i32
        %sign3A_770 = arith.extui %sign3A_769 : i1 to i32
        %sign3A_771 = arith.subi %sign3A_767, %sign3A_770 : i32
        %sign3A_772 = arith.constant 0 : i32
        %sign3A_773 = arith.cmpi sgt, %jit3A_763, %sign3A_772 : i32
        %sign3A_774 = arith.extui %sign3A_773 : i1 to i32
        %sign3A_775 = arith.constant 0 : i32
        %sign3A_776 = arith.cmpi slt, %jit3A_763, %sign3A_775 : i32
        %sign3A_777 = arith.extui %sign3A_776 : i1 to i32
        %sign3A_778 = arith.subi %sign3A_774, %sign3A_777 : i32
        %ne3A_779 = arith.cmpi ne, %sign3A_771, %sign3A_778 : i32
        %rem3A_780 = arith.remsi %add3A_762, %jit3A_763 : i32
        %ne3A_781 = arith.constant 0 : i32
        %ne3A_782 = arith.cmpi ne, %rem3A_780, %ne3A_781 : i32
        %and3A_783 = arith.andi %ne3A_779, %ne3A_782 : i1
        %sub3A_784 = arith.constant 1 : i32
        %sub3A_785 = arith.subi %div3A_764, %sub3A_784 : i32
        %select_n3A_786 = arith.select %and3A_783, %sub3A_785, %div3A_764 : i32
        %add3A_787 = arith.constant 0 : i32
        %add3A_788 = arith.addi %and3A_758, %add3A_787 : i32
        %get3A_789 = arith.index_cast %add3A_762 : i32 to index
        %get3A_790 = arith.index_cast %add3A_788 : i32 to index
        %get3A_791 = tpu.vector_load %arg7[%get3A_789, %get3A_790] {strides = array<i32>} : memref<128x128xf32, #tpu.memory_space<vmem>>, vector<1x16xf32>,
        %get3A_792 = vector.shape_cast %get3A_791 : vector<1x16xf32> to vector<16xf32>
        %swap3A_793 = arith.index_cast %select_n3A_786 : i32 to index
        %swap3A_794 = arith.constant 64 : index
        %swap3A_795 = tpu.vector_load %arg9[%swap3A_793, %swap3A_794] {strides = array<i32>} : memref<64x128xf32, #tpu.memory_space<vmem>>, vector<1x16xf32>,
        %swap3A_796 = vector.shape_cast %swap3A_795 : vector<1x16xf32> to vector<16xf32>
        %swap3A_797 = vector.shape_cast %get3A_792 : vector<16xf32> to vector<1x16xf32>
        tpu.vector_store %arg9[%swap3A_793, %swap3A_794], %swap3A_797 {strides = array<i32>} : memref<64x128xf32, #tpu.memory_space<vmem>>, vector<1x16xf32>,
        %add3A_798 = arith.constant 16 : i32
        %add3A_799 = arith.addi %and3A_758, %add3A_798 : i32
        %get3A_800 = arith.index_cast %add3A_762 : i32 to index
        %get3A_801 = arith.index_cast %add3A_799 : i32 to index
        %get3A_802 = tpu.vector_load %arg7[%get3A_800, %get3A_801] {strides = array<i32>} : memref<128x128xf32, #tpu.memory_space<vmem>>, vector<1x16xf32>,
        %get3A_803 = vector.shape_cast %get3A_802 : vector<1x16xf32> to vector<16xf32>
        %swap3A_804 = arith.index_cast %select_n3A_786 : i32 to index
        %swap3A_805 = arith.constant 80 : index
        %swap3A_806 = tpu.vector_load %arg9[%swap3A_804, %swap3A_805] {strides = array<i32>} : memref<64x128xf32, #tpu.memory_space<vmem>>, vector<1x16xf32>,
        %swap3A_807 = vector.shape_cast %swap3A_806 : vector<1x16xf32> to vector<16xf32>
        %swap3A_808 = vector.shape_cast %get3A_803 : vector<16xf32> to vector<1x16xf32>
        tpu.vector_store %arg9[%swap3A_804, %swap3A_805], %swap3A_808 {strides = array<i32>} : memref<64x128xf32, #tpu.memory_space<vmem>>, vector<1x16xf32>,
        %add3A_809 = arith.constant 32 : i32
        %add3A_810 = arith.addi %and3A_758, %add3A_809 : i32
        %get3A_811 = arith.index_cast %add3A_762 : i32 to index
        %get3A_812 = arith.index_cast %add3A_810 : i32 to index
        %get3A_813 = tpu.vector_load %arg7[%get3A_811, %get3A_812] {strides = array<i32>} : memref<128x128xf32, #tpu.memory_space<vmem>>, vector<1x16xf32>,
        %get3A_814 = vector.shape_cast %get3A_813 : vector<1x16xf32> to vector<16xf32>
        %swap3A_815 = arith.index_cast %select_n3A_786 : i32 to index
        %swap3A_816 = arith.constant 96 : index
        %swap3A_817 = tpu.vector_load %arg9[%swap3A_815, %swap3A_816] {strides = array<i32>} : memref<64x128xf32, #tpu.memory_space<vmem>>, vector<1x16xf32>,
        %swap3A_818 = vector.shape_cast %swap3A_817 : vector<1x16xf32> to vector<16xf32>
        %swap3A_819 = vector.shape_cast %get3A_814 : vector<16xf32> to vector<1x16xf32>
        tpu.vector_store %arg9[%swap3A_815, %swap3A_816], %swap3A_819 {strides = array<i32>} : memref<64x128xf32, #tpu.memory_space<vmem>>, vector<1x16xf32>,
        %add3A_820 = arith.constant 48 : i32
        %add3A_821 = arith.addi %and3A_758, %add3A_820 : i32
        %get3A_822 = arith.index_cast %add3A_762 : i32 to index
        %get3A_823 = arith.index_cast %add3A_821 : i32 to index
        %get3A_824 = tpu.vector_load %arg7[%get3A_822, %get3A_823] {strides = array<i32>} : memref<128x128xf32, #tpu.memory_space<vmem>>, vector<1x16xf32>,
        %get3A_825 = vector.shape_cast %get3A_824 : vector<1x16xf32> to vector<16xf32>
        %swap3A_826 = arith.index_cast %select_n3A_786 : i32 to index
        %swap3A_827 = arith.constant 112 : index
        %swap3A_828 = tpu.vector_load %arg9[%swap3A_826, %swap3A_827] {strides = array<i32>} : memref<64x128xf32, #tpu.memory_space<vmem>>, vector<1x16xf32>,
        %swap3A_829 = vector.shape_cast %swap3A_828 : vector<1x16xf32> to vector<16xf32>
        %swap3A_830 = vector.shape_cast %get3A_825 : vector<16xf32> to vector<1x16xf32>
        tpu.vector_store %arg9[%swap3A_826, %swap3A_827], %swap3A_830 {strides = array<i32>} : memref<64x128xf32, #tpu.memory_space<vmem>>, vector<1x16xf32>,
        %slice3A_831 = vector.extract_strided_slice %get3A_210 {offsets = [8], sizes = [1], strides = [1]} : vector<16xi32> to vector<1xi32>
        %squeeze3A_832 = vector.extract %slice3A_831[0] : i32 from vector<1xi32>
        %shift_right_logical3A_833 = arith.constant 7 : i32
        %shift_right_logical3A_834 = arith.shrui %squeeze3A_832, %shift_right_logical3A_833 : i32
        %and3A_835 = arith.constant 64 : i32
        %and3A_836 = arith.andi %shift_right_logical3A_834, %and3A_835 : i32
        %mul3A_837 = arith.constant 16 : i32
        %mul3A_838 = arith.muli %scan3A_205, %mul3A_837 : i32
        %add3A_839 = arith.constant 8 : i32
        %add3A_840 = arith.addi %mul3A_838, %add3A_839 : i32
        %jit3A_841 = arith.constant 2 : i32
        %div3A_842 = arith.divsi %add3A_840, %jit3A_841 : i32
        %sign3A_843 = arith.constant 0 : i32
        %sign3A_844 = arith.cmpi sgt, %add3A_840, %sign3A_843 : i32
        %sign3A_845 = arith.extui %sign3A_844 : i1 to i32
        %sign3A_846 = arith.constant 0 : i32
        %sign3A_847 = arith.cmpi slt, %add3A_840, %sign3A_846 : i32
        %sign3A_848 = arith.extui %sign3A_847 : i1 to i32
        %sign3A_849 = arith.subi %sign3A_845, %sign3A_848 : i32
        %sign3A_850 = arith.constant 0 : i32
        %sign3A_851 = arith.cmpi sgt, %jit3A_841, %sign3A_850 : i32
        %sign3A_852 = arith.extui %sign3A_851 : i1 to i32
        %sign3A_853 = arith.constant 0 : i32
        %sign3A_854 = arith.cmpi slt, %jit3A_841, %sign3A_853 : i32
        %sign3A_855 = arith.extui %sign3A_854 : i1 to i32
        %sign3A_856 = arith.subi %sign3A_852, %sign3A_855 : i32
        %ne3A_857 = arith.cmpi ne, %sign3A_849, %sign3A_856 : i32
        %rem3A_858 = arith.remsi %add3A_840, %jit3A_841 : i32
        %ne3A_859 = arith.constant 0 : i32
        %ne3A_860 = arith.cmpi ne, %rem3A_858, %ne3A_859 : i32
        %and3A_861 = arith.andi %ne3A_857, %ne3A_860 : i1
        %sub3A_862 = arith.constant 1 : i32
        %sub3A_863 = arith.subi %div3A_842, %sub3A_862 : i32
        %select_n3A_864 = arith.select %and3A_861, %sub3A_863, %div3A_842 : i32
        %add3A_865 = arith.constant 0 : i32
        %add3A_866 = arith.addi %and3A_836, %add3A_865 : i32
        %get3A_867 = arith.index_cast %add3A_840 : i32 to index
        %get3A_868 = arith.index_cast %add3A_866 : i32 to index
        %get3A_869 = tpu.vector_load %arg7[%get3A_867, %get3A_868] {strides = array<i32>} : memref<128x128xf32, #tpu.memory_space<vmem>>, vector<1x16xf32>,
        %get3A_870 = vector.shape_cast %get3A_869 : vector<1x16xf32> to vector<16xf32>
        %swap3A_871 = arith.index_cast %select_n3A_864 : i32 to index
        %swap3A_872 = arith.constant 0 : index
        %swap3A_873 = tpu.vector_load %arg9[%swap3A_871, %swap3A_872] {strides = array<i32>} : memref<64x128xf32, #tpu.memory_space<vmem>>, vector<1x16xf32>,
        %swap3A_874 = vector.shape_cast %swap3A_873 : vector<1x16xf32> to vector<16xf32>
        %swap3A_875 = vector.shape_cast %get3A_870 : vector<16xf32> to vector<1x16xf32>
        tpu.vector_store %arg9[%swap3A_871, %swap3A_872], %swap3A_875 {strides = array<i32>} : memref<64x128xf32, #tpu.memory_space<vmem>>, vector<1x16xf32>,
        %add3A_876 = arith.constant 16 : i32
        %add3A_877 = arith.addi %and3A_836, %add3A_876 : i32
        %get3A_878 = arith.index_cast %add3A_840 : i32 to index
        %get3A_879 = arith.index_cast %add3A_877 : i32 to index
        %get3A_880 = tpu.vector_load %arg7[%get3A_878, %get3A_879] {strides = array<i32>} : memref<128x128xf32, #tpu.memory_space<vmem>>, vector<1x16xf32>,
        %get3A_881 = vector.shape_cast %get3A_880 : vector<1x16xf32> to vector<16xf32>
        %swap3A_882 = arith.index_cast %select_n3A_864 : i32 to index
        %swap3A_883 = arith.constant 16 : index
        %swap3A_884 = tpu.vector_load %arg9[%swap3A_882, %swap3A_883] {strides = array<i32>} : memref<64x128xf32, #tpu.memory_space<vmem>>, vector<1x16xf32>,
        %swap3A_885 = vector.shape_cast %swap3A_884 : vector<1x16xf32> to vector<16xf32>
        %swap3A_886 = vector.shape_cast %get3A_881 : vector<16xf32> to vector<1x16xf32>
        tpu.vector_store %arg9[%swap3A_882, %swap3A_883], %swap3A_886 {strides = array<i32>} : memref<64x128xf32, #tpu.memory_space<vmem>>, vector<1x16xf32>,
        %add3A_887 = arith.constant 32 : i32
        %add3A_888 = arith.addi %and3A_836, %add3A_887 : i32
        %get3A_889 = arith.index_cast %add3A_840 : i32 to index
        %get3A_890 = arith.index_cast %add3A_888 : i32 to index
        %get3A_891 = tpu.vector_load %arg7[%get3A_889, %get3A_890] {strides = array<i32>} : memref<128x128xf32, #tpu.memory_space<vmem>>, vector<1x16xf32>,
        %get3A_892 = vector.shape_cast %get3A_891 : vector<1x16xf32> to vector<16xf32>
        %swap3A_893 = arith.index_cast %select_n3A_864 : i32 to index
        %swap3A_894 = arith.constant 32 : index
        %swap3A_895 = tpu.vector_load %arg9[%swap3A_893, %swap3A_894] {strides = array<i32>} : memref<64x128xf32, #tpu.memory_space<vmem>>, vector<1x16xf32>,
        %swap3A_896 = vector.shape_cast %swap3A_895 : vector<1x16xf32> to vector<16xf32>
        %swap3A_897 = vector.shape_cast %get3A_892 : vector<16xf32> to vector<1x16xf32>
        tpu.vector_store %arg9[%swap3A_893, %swap3A_894], %swap3A_897 {strides = array<i32>} : memref<64x128xf32, #tpu.memory_space<vmem>>, vector<1x16xf32>,
        %add3A_898 = arith.constant 48 : i32
        %add3A_899 = arith.addi %and3A_836, %add3A_898 : i32
        %get3A_900 = arith.index_cast %add3A_840 : i32 to index
        %get3A_901 = arith.index_cast %add3A_899 : i32 to index
        %get3A_902 = tpu.vector_load %arg7[%get3A_900, %get3A_901] {strides = array<i32>} : memref<128x128xf32, #tpu.memory_space<vmem>>, vector<1x16xf32>,
        %get3A_903 = vector.shape_cast %get3A_902 : vector<1x16xf32> to vector<16xf32>
        %swap3A_904 = arith.index_cast %select_n3A_864 : i32 to index
        %swap3A_905 = arith.constant 48 : index
        %swap3A_906 = tpu.vector_load %arg9[%swap3A_904, %swap3A_905] {strides = array<i32>} : memref<64x128xf32, #tpu.memory_space<vmem>>, vector<1x16xf32>,
        %swap3A_907 = vector.shape_cast %swap3A_906 : vector<1x16xf32> to vector<16xf32>
        %swap3A_908 = vector.shape_cast %get3A_903 : vector<16xf32> to vector<1x16xf32>
        tpu.vector_store %arg9[%swap3A_904, %swap3A_905], %swap3A_908 {strides = array<i32>} : memref<64x128xf32, #tpu.memory_space<vmem>>, vector<1x16xf32>,
        %slice3A_909 = vector.extract_strided_slice %get3A_210 {offsets = [9], sizes = [1], strides = [1]} : vector<16xi32> to vector<1xi32>
        %squeeze3A_910 = vector.extract %slice3A_909[0] : i32 from vector<1xi32>
        %shift_right_logical3A_911 = arith.constant 7 : i32
        %shift_right_logical3A_912 = arith.shrui %squeeze3A_910, %shift_right_logical3A_911 : i32
        %and3A_913 = arith.constant 64 : i32
        %and3A_914 = arith.andi %shift_right_logical3A_912, %and3A_913 : i32
        %mul3A_915 = arith.constant 16 : i32
        %mul3A_916 = arith.muli %scan3A_205, %mul3A_915 : i32
        %add3A_917 = arith.constant 9 : i32
        %add3A_918 = arith.addi %mul3A_916, %add3A_917 : i32
        %jit3A_919 = arith.constant 2 : i32
        %div3A_920 = arith.divsi %add3A_918, %jit3A_919 : i32
        %sign3A_921 = arith.constant 0 : i32
        %sign3A_922 = arith.cmpi sgt, %add3A_918, %sign3A_921 : i32
        %sign3A_923 = arith.extui %sign3A_922 : i1 to i32
        %sign3A_924 = arith.constant 0 : i32
        %sign3A_925 = arith.cmpi slt, %add3A_918, %sign3A_924 : i32
        %sign3A_926 = arith.extui %sign3A_925 : i1 to i32
        %sign3A_927 = arith.subi %sign3A_923, %sign3A_926 : i32
        %sign3A_928 = arith.constant 0 : i32
        %sign3A_929 = arith.cmpi sgt, %jit3A_919, %sign3A_928 : i32
        %sign3A_930 = arith.extui %sign3A_929 : i1 to i32
        %sign3A_931 = arith.constant 0 : i32
        %sign3A_932 = arith.cmpi slt, %jit3A_919, %sign3A_931 : i32
        %sign3A_933 = arith.extui %sign3A_932 : i1 to i32
        %sign3A_934 = arith.subi %sign3A_930, %sign3A_933 : i32
        %ne3A_935 = arith.cmpi ne, %sign3A_927, %sign3A_934 : i32
        %rem3A_936 = arith.remsi %add3A_918, %jit3A_919 : i32
        %ne3A_937 = arith.constant 0 : i32
        %ne3A_938 = arith.cmpi ne, %rem3A_936, %ne3A_937 : i32
        %and3A_939 = arith.andi %ne3A_935, %ne3A_938 : i1
        %sub3A_940 = arith.constant 1 : i32
        %sub3A_941 = arith.subi %div3A_920, %sub3A_940 : i32
        %select_n3A_942 = arith.select %and3A_939, %sub3A_941, %div3A_920 : i32
        %add3A_943 = arith.constant 0 : i32
        %add3A_944 = arith.addi %and3A_914, %add3A_943 : i32
        %get3A_945 = arith.index_cast %add3A_918 : i32 to index
        %get3A_946 = arith.index_cast %add3A_944 : i32 to index
        %get3A_947 = tpu.vector_load %arg7[%get3A_945, %get3A_946] {strides = array<i32>} : memref<128x128xf32, #tpu.memory_space<vmem>>, vector<1x16xf32>,
        %get3A_948 = vector.shape_cast %get3A_947 : vector<1x16xf32> to vector<16xf32>
        %swap3A_949 = arith.index_cast %select_n3A_942 : i32 to index
        %swap3A_950 = arith.constant 64 : index
        %swap3A_951 = tpu.vector_load %arg9[%swap3A_949, %swap3A_950] {strides = array<i32>} : memref<64x128xf32, #tpu.memory_space<vmem>>, vector<1x16xf32>,
        %swap3A_952 = vector.shape_cast %swap3A_951 : vector<1x16xf32> to vector<16xf32>
        %swap3A_953 = vector.shape_cast %get3A_948 : vector<16xf32> to vector<1x16xf32>
        tpu.vector_store %arg9[%swap3A_949, %swap3A_950], %swap3A_953 {strides = array<i32>} : memref<64x128xf32, #tpu.memory_space<vmem>>, vector<1x16xf32>,
        %add3A_954 = arith.constant 16 : i32
        %add3A_955 = arith.addi %and3A_914, %add3A_954 : i32
        %get3A_956 = arith.index_cast %add3A_918 : i32 to index
        %get3A_957 = arith.index_cast %add3A_955 : i32 to index
        %get3A_958 = tpu.vector_load %arg7[%get3A_956, %get3A_957] {strides = array<i32>} : memref<128x128xf32, #tpu.memory_space<vmem>>, vector<1x16xf32>,
        %get3A_959 = vector.shape_cast %get3A_958 : vector<1x16xf32> to vector<16xf32>
        %swap3A_960 = arith.index_cast %select_n3A_942 : i32 to index
        %swap3A_961 = arith.constant 80 : index
        %swap3A_962 = tpu.vector_load %arg9[%swap3A_960, %swap3A_961] {strides = array<i32>} : memref<64x128xf32, #tpu.memory_space<vmem>>, vector<1x16xf32>,
        %swap3A_963 = vector.shape_cast %swap3A_962 : vector<1x16xf32> to vector<16xf32>
        %swap3A_964 = vector.shape_cast %get3A_959 : vector<16xf32> to vector<1x16xf32>
        tpu.vector_store %arg9[%swap3A_960, %swap3A_961], %swap3A_964 {strides = array<i32>} : memref<64x128xf32, #tpu.memory_space<vmem>>, vector<1x16xf32>,
        %add3A_965 = arith.constant 32 : i32
        %add3A_966 = arith.addi %and3A_914, %add3A_965 : i32
        %get3A_967 = arith.index_cast %add3A_918 : i32 to index
        %get3A_968 = arith.index_cast %add3A_966 : i32 to index
        %get3A_969 = tpu.vector_load %arg7[%get3A_967, %get3A_968] {strides = array<i32>} : memref<128x128xf32, #tpu.memory_space<vmem>>, vector<1x16xf32>,
        %get3A_970 = vector.shape_cast %get3A_969 : vector<1x16xf32> to vector<16xf32>
        %swap3A_971 = arith.index_cast %select_n3A_942 : i32 to index
        %swap3A_972 = arith.constant 96 : index
        %swap3A_973 = tpu.vector_load %arg9[%swap3A_971, %swap3A_972] {strides = array<i32>} : memref<64x128xf32, #tpu.memory_space<vmem>>, vector<1x16xf32>,
        %swap3A_974 = vector.shape_cast %swap3A_973 : vector<1x16xf32> to vector<16xf32>
        %swap3A_975 = vector.shape_cast %get3A_970 : vector<16xf32> to vector<1x16xf32>
        tpu.vector_store %arg9[%swap3A_971, %swap3A_972], %swap3A_975 {strides = array<i32>} : memref<64x128xf32, #tpu.memory_space<vmem>>, vector<1x16xf32>,
        %add3A_976 = arith.constant 48 : i32
        %add3A_977 = arith.addi %and3A_914, %add3A_976 : i32
        %get3A_978 = arith.index_cast %add3A_918 : i32 to index
        %get3A_979 = arith.index_cast %add3A_977 : i32 to index
        %get3A_980 = tpu.vector_load %arg7[%get3A_978, %get3A_979] {strides = array<i32>} : memref<128x128xf32, #tpu.memory_space<vmem>>, vector<1x16xf32>,
        %get3A_981 = vector.shape_cast %get3A_980 : vector<1x16xf32> to vector<16xf32>
        %swap3A_982 = arith.index_cast %select_n3A_942 : i32 to index
        %swap3A_983 = arith.constant 112 : index
        %swap3A_984 = tpu.vector_load %arg9[%swap3A_982, %swap3A_983] {strides = array<i32>} : memref<64x128xf32, #tpu.memory_space<vmem>>, vector<1x16xf32>,
        %swap3A_985 = vector.shape_cast %swap3A_984 : vector<1x16xf32> to vector<16xf32>
        %swap3A_986 = vector.shape_cast %get3A_981 : vector<16xf32> to vector<1x16xf32>
        tpu.vector_store %arg9[%swap3A_982, %swap3A_983], %swap3A_986 {strides = array<i32>} : memref<64x128xf32, #tpu.memory_space<vmem>>, vector<1x16xf32>,
        %slice3A_987 = vector.extract_strided_slice %get3A_210 {offsets = [10], sizes = [1], strides = [1]} : vector<16xi32> to vector<1xi32>
        %squeeze3A_988 = vector.extract %slice3A_987[0] : i32 from vector<1xi32>
        %shift_right_logical3A_989 = arith.constant 7 : i32
        %shift_right_logical3A_990 = arith.shrui %squeeze3A_988, %shift_right_logical3A_989 : i32
        %and3A_991 = arith.constant 64 : i32
        %and3A_992 = arith.andi %shift_right_logical3A_990, %and3A_991 : i32
        %mul3A_993 = arith.constant 16 : i32
        %mul3A_994 = arith.muli %scan3A_205, %mul3A_993 : i32
        %add3A_995 = arith.constant 10 : i32
        %add3A_996 = arith.addi %mul3A_994, %add3A_995 : i32
        %jit3A_997 = arith.constant 2 : i32
        %div3A_998 = arith.divsi %add3A_996, %jit3A_997 : i32
        %sign3A_999 = arith.constant 0 : i32
        %sign3A_1000 = arith.cmpi sgt, %add3A_996, %sign3A_999 : i32
        %sign3A_1001 = arith.extui %sign3A_1000 : i1 to i32
        %sign3A_1002 = arith.constant 0 : i32
        %sign3A_1003 = arith.cmpi slt, %add3A_996, %sign3A_1002 : i32
        %sign3A_1004 = arith.extui %sign3A_1003 : i1 to i32
        %sign3A_1005 = arith.subi %sign3A_1001, %sign3A_1004 : i32
        %sign3A_1006 = arith.constant 0 : i32
        %sign3A_1007 = arith.cmpi sgt, %jit3A_997, %sign3A_1006 : i32
        %sign3A_1008 = arith.extui %sign3A_1007 : i1 to i32
        %sign3A_1009 = arith.constant 0 : i32
        %sign3A_1010 = arith.cmpi slt, %jit3A_997, %sign3A_1009 : i32
        %sign3A_1011 = arith.extui %sign3A_1010 : i1 to i32
        %sign3A_1012 = arith.subi %sign3A_1008, %sign3A_1011 : i32
        %ne3A_1013 = arith.cmpi ne, %sign3A_1005, %sign3A_1012 : i32
        %rem3A_1014 = arith.remsi %add3A_996, %jit3A_997 : i32
        %ne3A_1015 = arith.constant 0 : i32
        %ne3A_1016 = arith.cmpi ne, %rem3A_1014, %ne3A_1015 : i32
        %and3A_1017 = arith.andi %ne3A_1013, %ne3A_1016 : i1
        %sub3A_1018 = arith.constant 1 : i32
        %sub3A_1019 = arith.subi %div3A_998, %sub3A_1018 : i32
        %select_n3A_1020 = arith.select %and3A_1017, %sub3A_1019, %div3A_998 : i32
        %add3A_1021 = arith.constant 0 : i32
        %add3A_1022 = arith.addi %and3A_992, %add3A_1021 : i32
        %get3A_1023 = arith.index_cast %add3A_996 : i32 to index
        %get3A_1024 = arith.index_cast %add3A_1022 : i32 to index
        %get3A_1025 = tpu.vector_load %arg7[%get3A_1023, %get3A_1024] {strides = array<i32>} : memref<128x128xf32, #tpu.memory_space<vmem>>, vector<1x16xf32>,
        %get3A_1026 = vector.shape_cast %get3A_1025 : vector<1x16xf32> to vector<16xf32>
        %swap3A_1027 = arith.index_cast %select_n3A_1020 : i32 to index
        %swap3A_1028 = arith.constant 0 : index
        %swap3A_1029 = tpu.vector_load %arg9[%swap3A_1027, %swap3A_1028] {strides = array<i32>} : memref<64x128xf32, #tpu.memory_space<vmem>>, vector<1x16xf32>,
        %swap3A_1030 = vector.shape_cast %swap3A_1029 : vector<1x16xf32> to vector<16xf32>
        %swap3A_1031 = vector.shape_cast %get3A_1026 : vector<16xf32> to vector<1x16xf32>
        tpu.vector_store %arg9[%swap3A_1027, %swap3A_1028], %swap3A_1031 {strides = array<i32>} : memref<64x128xf32, #tpu.memory_space<vmem>>, vector<1x16xf32>,
        %add3A_1032 = arith.constant 16 : i32
        %add3A_1033 = arith.addi %and3A_992, %add3A_1032 : i32
        %get3A_1034 = arith.index_cast %add3A_996 : i32 to index
        %get3A_1035 = arith.index_cast %add3A_1033 : i32 to index
        %get3A_1036 = tpu.vector_load %arg7[%get3A_1034, %get3A_1035] {strides = array<i32>} : memref<128x128xf32, #tpu.memory_space<vmem>>, vector<1x16xf32>,
        %get3A_1037 = vector.shape_cast %get3A_1036 : vector<1x16xf32> to vector<16xf32>
        %swap3A_1038 = arith.index_cast %select_n3A_1020 : i32 to index
        %swap3A_1039 = arith.constant 16 : index
        %swap3A_1040 = tpu.vector_load %arg9[%swap3A_1038, %swap3A_1039] {strides = array<i32>} : memref<64x128xf32, #tpu.memory_space<vmem>>, vector<1x16xf32>,
        %swap3A_1041 = vector.shape_cast %swap3A_1040 : vector<1x16xf32> to vector<16xf32>
        %swap3A_1042 = vector.shape_cast %get3A_1037 : vector<16xf32> to vector<1x16xf32>
        tpu.vector_store %arg9[%swap3A_1038, %swap3A_1039], %swap3A_1042 {strides = array<i32>} : memref<64x128xf32, #tpu.memory_space<vmem>>, vector<1x16xf32>,
        %add3A_1043 = arith.constant 32 : i32
        %add3A_1044 = arith.addi %and3A_992, %add3A_1043 : i32
        %get3A_1045 = arith.index_cast %add3A_996 : i32 to index
        %get3A_1046 = arith.index_cast %add3A_1044 : i32 to index
        %get3A_1047 = tpu.vector_load %arg7[%get3A_1045, %get3A_1046] {strides = array<i32>} : memref<128x128xf32, #tpu.memory_space<vmem>>, vector<1x16xf32>,
        %get3A_1048 = vector.shape_cast %get3A_1047 : vector<1x16xf32> to vector<16xf32>
        %swap3A_1049 = arith.index_cast %select_n3A_1020 : i32 to index
        %swap3A_1050 = arith.constant 32 : index
        %swap3A_1051 = tpu.vector_load %arg9[%swap3A_1049, %swap3A_1050] {strides = array<i32>} : memref<64x128xf32, #tpu.memory_space<vmem>>, vector<1x16xf32>,
        %swap3A_1052 = vector.shape_cast %swap3A_1051 : vector<1x16xf32> to vector<16xf32>
        %swap3A_1053 = vector.shape_cast %get3A_1048 : vector<16xf32> to vector<1x16xf32>
        tpu.vector_store %arg9[%swap3A_1049, %swap3A_1050], %swap3A_1053 {strides = array<i32>} : memref<64x128xf32, #tpu.memory_space<vmem>>, vector<1x16xf32>,
        %add3A_1054 = arith.constant 48 : i32
        %add3A_1055 = arith.addi %and3A_992, %add3A_1054 : i32
        %get3A_1056 = arith.index_cast %add3A_996 : i32 to index
        %get3A_1057 = arith.index_cast %add3A_1055 : i32 to index
        %get3A_1058 = tpu.vector_load %arg7[%get3A_1056, %get3A_1057] {strides = array<i32>} : memref<128x128xf32, #tpu.memory_space<vmem>>, vector<1x16xf32>,
        %get3A_1059 = vector.shape_cast %get3A_1058 : vector<1x16xf32> to vector<16xf32>
        %swap3A_1060 = arith.index_cast %select_n3A_1020 : i32 to index
        %swap3A_1061 = arith.constant 48 : index
        %swap3A_1062 = tpu.vector_load %arg9[%swap3A_1060, %swap3A_1061] {strides = array<i32>} : memref<64x128xf32, #tpu.memory_space<vmem>>, vector<1x16xf32>,
        %swap3A_1063 = vector.shape_cast %swap3A_1062 : vector<1x16xf32> to vector<16xf32>
        %swap3A_1064 = vector.shape_cast %get3A_1059 : vector<16xf32> to vector<1x16xf32>
        tpu.vector_store %arg9[%swap3A_1060, %swap3A_1061], %swap3A_1064 {strides = array<i32>} : memref<64x128xf32, #tpu.memory_space<vmem>>, vector<1x16xf32>,
        %slice3A_1065 = vector.extract_strided_slice %get3A_210 {offsets = [11], sizes = [1], strides = [1]} : vector<16xi32> to vector<1xi32>
        %squeeze3A_1066 = vector.extract %slice3A_1065[0] : i32 from vector<1xi32>
        %shift_right_logical3A_1067 = arith.constant 7 : i32
        %shift_right_logical3A_1068 = arith.shrui %squeeze3A_1066, %shift_right_logical3A_1067 : i32
        %and3A_1069 = arith.constant 64 : i32
        %and3A_1070 = arith.andi %shift_right_logical3A_1068, %and3A_1069 : i32
        %mul3A_1071 = arith.constant 16 : i32
        %mul3A_1072 = arith.muli %scan3A_205, %mul3A_1071 : i32
        %add3A_1073 = arith.constant 11 : i32
        %add3A_1074 = arith.addi %mul3A_1072, %add3A_1073 : i32
        %jit3A_1075 = arith.constant 2 : i32
        %div3A_1076 = arith.divsi %add3A_1074, %jit3A_1075 : i32
        %sign3A_1077 = arith.constant 0 : i32
        %sign3A_1078 = arith.cmpi sgt, %add3A_1074, %sign3A_1077 : i32
        %sign3A_1079 = arith.extui %sign3A_1078 : i1 to i32
        %sign3A_1080 = arith.constant 0 : i32
        %sign3A_1081 = arith.cmpi slt, %add3A_1074, %sign3A_1080 : i32
        %sign3A_1082 = arith.extui %sign3A_1081 : i1 to i32
        %sign3A_1083 = arith.subi %sign3A_1079, %sign3A_1082 : i32
        %sign3A_1084 = arith.constant 0 : i32
        %sign3A_1085 = arith.cmpi sgt, %jit3A_1075, %sign3A_1084 : i32
        %sign3A_1086 = arith.extui %sign3A_1085 : i1 to i32
        %sign3A_1087 = arith.constant 0 : i32
        %sign3A_1088 = arith.cmpi slt, %jit3A_1075, %sign3A_1087 : i32
        %sign3A_1089 = arith.extui %sign3A_1088 : i1 to i32
        %sign3A_1090 = arith.subi %sign3A_1086, %sign3A_1089 : i32
        %ne3A_1091 = arith.cmpi ne, %sign3A_1083, %sign3A_1090 : i32
        %rem3A_1092 = arith.remsi %add3A_1074, %jit3A_1075 : i32
        %ne3A_1093 = arith.constant 0 : i32
        %ne3A_1094 = arith.cmpi ne, %rem3A_1092, %ne3A_1093 : i32
        %and3A_1095 = arith.andi %ne3A_1091, %ne3A_1094 : i1
        %sub3A_1096 = arith.constant 1 : i32
        %sub3A_1097 = arith.subi %div3A_1076, %sub3A_1096 : i32
        %select_n3A_1098 = arith.select %and3A_1095, %sub3A_1097, %div3A_1076 : i32
        %add3A_1099 = arith.constant 0 : i32
        %add3A_1100 = arith.addi %and3A_1070, %add3A_1099 : i32
        %get3A_1101 = arith.index_cast %add3A_1074 : i32 to index
        %get3A_1102 = arith.index_cast %add3A_1100 : i32 to index
        %get3A_1103 = tpu.vector_load %arg7[%get3A_1101, %get3A_1102] {strides = array<i32>} : memref<128x128xf32, #tpu.memory_space<vmem>>, vector<1x16xf32>,
        %get3A_1104 = vector.shape_cast %get3A_1103 : vector<1x16xf32> to vector<16xf32>
        %swap3A_1105 = arith.index_cast %select_n3A_1098 : i32 to index
        %swap3A_1106 = arith.constant 64 : index
        %swap3A_1107 = tpu.vector_load %arg9[%swap3A_1105, %swap3A_1106] {strides = array<i32>} : memref<64x128xf32, #tpu.memory_space<vmem>>, vector<1x16xf32>,
        %swap3A_1108 = vector.shape_cast %swap3A_1107 : vector<1x16xf32> to vector<16xf32>
        %swap3A_1109 = vector.shape_cast %get3A_1104 : vector<16xf32> to vector<1x16xf32>
        tpu.vector_store %arg9[%swap3A_1105, %swap3A_1106], %swap3A_1109 {strides = array<i32>} : memref<64x128xf32, #tpu.memory_space<vmem>>, vector<1x16xf32>,
        %add3A_1110 = arith.constant 16 : i32
        %add3A_1111 = arith.addi %and3A_1070, %add3A_1110 : i32
        %get3A_1112 = arith.index_cast %add3A_1074 : i32 to index
        %get3A_1113 = arith.index_cast %add3A_1111 : i32 to index
        %get3A_1114 = tpu.vector_load %arg7[%get3A_1112, %get3A_1113] {strides = array<i32>} : memref<128x128xf32, #tpu.memory_space<vmem>>, vector<1x16xf32>,
        %get3A_1115 = vector.shape_cast %get3A_1114 : vector<1x16xf32> to vector<16xf32>
        %swap3A_1116 = arith.index_cast %select_n3A_1098 : i32 to index
        %swap3A_1117 = arith.constant 80 : index
        %swap3A_1118 = tpu.vector_load %arg9[%swap3A_1116, %swap3A_1117] {strides = array<i32>} : memref<64x128xf32, #tpu.memory_space<vmem>>, vector<1x16xf32>,
        %swap3A_1119 = vector.shape_cast %swap3A_1118 : vector<1x16xf32> to vector<16xf32>
        %swap3A_1120 = vector.shape_cast %get3A_1115 : vector<16xf32> to vector<1x16xf32>
        tpu.vector_store %arg9[%swap3A_1116, %swap3A_1117], %swap3A_1120 {strides = array<i32>} : memref<64x128xf32, #tpu.memory_space<vmem>>, vector<1x16xf32>,
        %add3A_1121 = arith.constant 32 : i32
        %add3A_1122 = arith.addi %and3A_1070, %add3A_1121 : i32
        %get3A_1123 = arith.index_cast %add3A_1074 : i32 to index
        %get3A_1124 = arith.index_cast %add3A_1122 : i32 to index
        %get3A_1125 = tpu.vector_load %arg7[%get3A_1123, %get3A_1124] {strides = array<i32>} : memref<128x128xf32, #tpu.memory_space<vmem>>, vector<1x16xf32>,
        %get3A_1126 = vector.shape_cast %get3A_1125 : vector<1x16xf32> to vector<16xf32>
        %swap3A_1127 = arith.index_cast %select_n3A_1098 : i32 to index
        %swap3A_1128 = arith.constant 96 : index
        %swap3A_1129 = tpu.vector_load %arg9[%swap3A_1127, %swap3A_1128] {strides = array<i32>} : memref<64x128xf32, #tpu.memory_space<vmem>>, vector<1x16xf32>,
        %swap3A_1130 = vector.shape_cast %swap3A_1129 : vector<1x16xf32> to vector<16xf32>
        %swap3A_1131 = vector.shape_cast %get3A_1126 : vector<16xf32> to vector<1x16xf32>
        tpu.vector_store %arg9[%swap3A_1127, %swap3A_1128], %swap3A_1131 {strides = array<i32>} : memref<64x128xf32, #tpu.memory_space<vmem>>, vector<1x16xf32>,
        %add3A_1132 = arith.constant 48 : i32
        %add3A_1133 = arith.addi %and3A_1070, %add3A_1132 : i32
        %get3A_1134 = arith.index_cast %add3A_1074 : i32 to index
        %get3A_1135 = arith.index_cast %add3A_1133 : i32 to index
        %get3A_1136 = tpu.vector_load %arg7[%get3A_1134, %get3A_1135] {strides = array<i32>} : memref<128x128xf32, #tpu.memory_space<vmem>>, vector<1x16xf32>,
        %get3A_1137 = vector.shape_cast %get3A_1136 : vector<1x16xf32> to vector<16xf32>
        %swap3A_1138 = arith.index_cast %select_n3A_1098 : i32 to index
        %swap3A_1139 = arith.constant 112 : index
        %swap3A_1140 = tpu.vector_load %arg9[%swap3A_1138, %swap3A_1139] {strides = array<i32>} : memref<64x128xf32, #tpu.memory_space<vmem>>, vector<1x16xf32>,
        %swap3A_1141 = vector.shape_cast %swap3A_1140 : vector<1x16xf32> to vector<16xf32>
        %swap3A_1142 = vector.shape_cast %get3A_1137 : vector<16xf32> to vector<1x16xf32>
        tpu.vector_store %arg9[%swap3A_1138, %swap3A_1139], %swap3A_1142 {strides = array<i32>} : memref<64x128xf32, #tpu.memory_space<vmem>>, vector<1x16xf32>,
        %slice3A_1143 = vector.extract_strided_slice %get3A_210 {offsets = [12], sizes = [1], strides = [1]} : vector<16xi32> to vector<1xi32>
        %squeeze3A_1144 = vector.extract %slice3A_1143[0] : i32 from vector<1xi32>
        %shift_right_logical3A_1145 = arith.constant 7 : i32
        %shift_right_logical3A_1146 = arith.shrui %squeeze3A_1144, %shift_right_logical3A_1145 : i32
        %and3A_1147 = arith.constant 64 : i32
        %and3A_1148 = arith.andi %shift_right_logical3A_1146, %and3A_1147 : i32
        %mul3A_1149 = arith.constant 16 : i32
        %mul3A_1150 = arith.muli %scan3A_205, %mul3A_1149 : i32
        %add3A_1151 = arith.constant 12 : i32
        %add3A_1152 = arith.addi %mul3A_1150, %add3A_1151 : i32
        %jit3A_1153 = arith.constant 2 : i32
        %div3A_1154 = arith.divsi %add3A_1152, %jit3A_1153 : i32
        %sign3A_1155 = arith.constant 0 : i32
        %sign3A_1156 = arith.cmpi sgt, %add3A_1152, %sign3A_1155 : i32
        %sign3A_1157 = arith.extui %sign3A_1156 : i1 to i32
        %sign3A_1158 = arith.constant 0 : i32
        %sign3A_1159 = arith.cmpi slt, %add3A_1152, %sign3A_1158 : i32
        %sign3A_1160 = arith.extui %sign3A_1159 : i1 to i32
        %sign3A_1161 = arith.subi %sign3A_1157, %sign3A_1160 : i32
        %sign3A_1162 = arith.constant 0 : i32
        %sign3A_1163 = arith.cmpi sgt, %jit3A_1153, %sign3A_1162 : i32
        %sign3A_1164 = arith.extui %sign3A_1163 : i1 to i32
        %sign3A_1165 = arith.constant 0 : i32
        %sign3A_1166 = arith.cmpi slt, %jit3A_1153, %sign3A_1165 : i32
        %sign3A_1167 = arith.extui %sign3A_1166 : i1 to i32
        %sign3A_1168 = arith.subi %sign3A_1164, %sign3A_1167 : i32
        %ne3A_1169 = arith.cmpi ne, %sign3A_1161, %sign3A_1168 : i32
        %rem3A_1170 = arith.remsi %add3A_1152, %jit3A_1153 : i32
        %ne3A_1171 = arith.constant 0 : i32
        %ne3A_1172 = arith.cmpi ne, %rem3A_1170, %ne3A_1171 : i32
        %and3A_1173 = arith.andi %ne3A_1169, %ne3A_1172 : i1
        %sub3A_1174 = arith.constant 1 : i32
        %sub3A_1175 = arith.subi %div3A_1154, %sub3A_1174 : i32
        %select_n3A_1176 = arith.select %and3A_1173, %sub3A_1175, %div3A_1154 : i32
        %add3A_1177 = arith.constant 0 : i32
        %add3A_1178 = arith.addi %and3A_1148, %add3A_1177 : i32
        %get3A_1179 = arith.index_cast %add3A_1152 : i32 to index
        %get3A_1180 = arith.index_cast %add3A_1178 : i32 to index
        %get3A_1181 = tpu.vector_load %arg7[%get3A_1179, %get3A_1180] {strides = array<i32>} : memref<128x128xf32, #tpu.memory_space<vmem>>, vector<1x16xf32>,
        %get3A_1182 = vector.shape_cast %get3A_1181 : vector<1x16xf32> to vector<16xf32>
        %swap3A_1183 = arith.index_cast %select_n3A_1176 : i32 to index
        %swap3A_1184 = arith.constant 0 : index
        %swap3A_1185 = tpu.vector_load %arg9[%swap3A_1183, %swap3A_1184] {strides = array<i32>} : memref<64x128xf32, #tpu.memory_space<vmem>>, vector<1x16xf32>,
        %swap3A_1186 = vector.shape_cast %swap3A_1185 : vector<1x16xf32> to vector<16xf32>
        %swap3A_1187 = vector.shape_cast %get3A_1182 : vector<16xf32> to vector<1x16xf32>
        tpu.vector_store %arg9[%swap3A_1183, %swap3A_1184], %swap3A_1187 {strides = array<i32>} : memref<64x128xf32, #tpu.memory_space<vmem>>, vector<1x16xf32>,
        %add3A_1188 = arith.constant 16 : i32
        %add3A_1189 = arith.addi %and3A_1148, %add3A_1188 : i32
        %get3A_1190 = arith.index_cast %add3A_1152 : i32 to index
        %get3A_1191 = arith.index_cast %add3A_1189 : i32 to index
        %get3A_1192 = tpu.vector_load %arg7[%get3A_1190, %get3A_1191] {strides = array<i32>} : memref<128x128xf32, #tpu.memory_space<vmem>>, vector<1x16xf32>,
        %get3A_1193 = vector.shape_cast %get3A_1192 : vector<1x16xf32> to vector<16xf32>
        %swap3A_1194 = arith.index_cast %select_n3A_1176 : i32 to index
        %swap3A_1195 = arith.constant 16 : index
        %swap3A_1196 = tpu.vector_load %arg9[%swap3A_1194, %swap3A_1195] {strides = array<i32>} : memref<64x128xf32, #tpu.memory_space<vmem>>, vector<1x16xf32>,
        %swap3A_1197 = vector.shape_cast %swap3A_1196 : vector<1x16xf32> to vector<16xf32>
        %swap3A_1198 = vector.shape_cast %get3A_1193 : vector<16xf32> to vector<1x16xf32>
        tpu.vector_store %arg9[%swap3A_1194, %swap3A_1195], %swap3A_1198 {strides = array<i32>} : memref<64x128xf32, #tpu.memory_space<vmem>>, vector<1x16xf32>,
        %add3A_1199 = arith.constant 32 : i32
        %add3A_1200 = arith.addi %and3A_1148, %add3A_1199 : i32
        %get3A_1201 = arith.index_cast %add3A_1152 : i32 to index
        %get3A_1202 = arith.index_cast %add3A_1200 : i32 to index
        %get3A_1203 = tpu.vector_load %arg7[%get3A_1201, %get3A_1202] {strides = array<i32>} : memref<128x128xf32, #tpu.memory_space<vmem>>, vector<1x16xf32>,
        %get3A_1204 = vector.shape_cast %get3A_1203 : vector<1x16xf32> to vector<16xf32>
        %swap3A_1205 = arith.index_cast %select_n3A_1176 : i32 to index
        %swap3A_1206 = arith.constant 32 : index
        %swap3A_1207 = tpu.vector_load %arg9[%swap3A_1205, %swap3A_1206] {strides = array<i32>} : memref<64x128xf32, #tpu.memory_space<vmem>>, vector<1x16xf32>,
        %swap3A_1208 = vector.shape_cast %swap3A_1207 : vector<1x16xf32> to vector<16xf32>
        %swap3A_1209 = vector.shape_cast %get3A_1204 : vector<16xf32> to vector<1x16xf32>
        tpu.vector_store %arg9[%swap3A_1205, %swap3A_1206], %swap3A_1209 {strides = array<i32>} : memref<64x128xf32, #tpu.memory_space<vmem>>, vector<1x16xf32>,
        %add3A_1210 = arith.constant 48 : i32
        %add3A_1211 = arith.addi %and3A_1148, %add3A_1210 : i32
        %get3A_1212 = arith.index_cast %add3A_1152 : i32 to index
        %get3A_1213 = arith.index_cast %add3A_1211 : i32 to index
        %get3A_1214 = tpu.vector_load %arg7[%get3A_1212, %get3A_1213] {strides = array<i32>} : memref<128x128xf32, #tpu.memory_space<vmem>>, vector<1x16xf32>,
        %get3A_1215 = vector.shape_cast %get3A_1214 : vector<1x16xf32> to vector<16xf32>
        %swap3A_1216 = arith.index_cast %select_n3A_1176 : i32 to index
        %swap3A_1217 = arith.constant 48 : index
        %swap3A_1218 = tpu.vector_load %arg9[%swap3A_1216, %swap3A_1217] {strides = array<i32>} : memref<64x128xf32, #tpu.memory_space<vmem>>, vector<1x16xf32>,
        %swap3A_1219 = vector.shape_cast %swap3A_1218 : vector<1x16xf32> to vector<16xf32>
        %swap3A_1220 = vector.shape_cast %get3A_1215 : vector<16xf32> to vector<1x16xf32>
        tpu.vector_store %arg9[%swap3A_1216, %swap3A_1217], %swap3A_1220 {strides = array<i32>} : memref<64x128xf32, #tpu.memory_space<vmem>>, vector<1x16xf32>,
        %slice3A_1221 = vector.extract_strided_slice %get3A_210 {offsets = [13], sizes = [1], strides = [1]} : vector<16xi32> to vector<1xi32>
        %squeeze3A_1222 = vector.extract %slice3A_1221[0] : i32 from vector<1xi32>
        %shift_right_logical3A_1223 = arith.constant 7 : i32
        %shift_right_logical3A_1224 = arith.shrui %squeeze3A_1222, %shift_right_logical3A_1223 : i32
        %and3A_1225 = arith.constant 64 : i32
        %and3A_1226 = arith.andi %shift_right_logical3A_1224, %and3A_1225 : i32
        %mul3A_1227 = arith.constant 16 : i32
        %mul3A_1228 = arith.muli %scan3A_205, %mul3A_1227 : i32
        %add3A_1229 = arith.constant 13 : i32
        %add3A_1230 = arith.addi %mul3A_1228, %add3A_1229 : i32
        %jit3A_1231 = arith.constant 2 : i32
        %div3A_1232 = arith.divsi %add3A_1230, %jit3A_1231 : i32
        %sign3A_1233 = arith.constant 0 : i32
        %sign3A_1234 = arith.cmpi sgt, %add3A_1230, %sign3A_1233 : i32
        %sign3A_1235 = arith.extui %sign3A_1234 : i1 to i32
        %sign3A_1236 = arith.constant 0 : i32
        %sign3A_1237 = arith.cmpi slt, %add3A_1230, %sign3A_1236 : i32
        %sign3A_1238 = arith.extui %sign3A_1237 : i1 to i32
        %sign3A_1239 = arith.subi %sign3A_1235, %sign3A_1238 : i32
        %sign3A_1240 = arith.constant 0 : i32
        %sign3A_1241 = arith.cmpi sgt, %jit3A_1231, %sign3A_1240 : i32
        %sign3A_1242 = arith.extui %sign3A_1241 : i1 to i32
        %sign3A_1243 = arith.constant 0 : i32
        %sign3A_1244 = arith.cmpi slt, %jit3A_1231, %sign3A_1243 : i32
        %sign3A_1245 = arith.extui %sign3A_1244 : i1 to i32
        %sign3A_1246 = arith.subi %sign3A_1242, %sign3A_1245 : i32
        %ne3A_1247 = arith.cmpi ne, %sign3A_1239, %sign3A_1246 : i32
        %rem3A_1248 = arith.remsi %add3A_1230, %jit3A_1231 : i32
        %ne3A_1249 = arith.constant 0 : i32
        %ne3A_1250 = arith.cmpi ne, %rem3A_1248, %ne3A_1249 : i32
        %and3A_1251 = arith.andi %ne3A_1247, %ne3A_1250 : i1
        %sub3A_1252 = arith.constant 1 : i32
        %sub3A_1253 = arith.subi %div3A_1232, %sub3A_1252 : i32
        %select_n3A_1254 = arith.select %and3A_1251, %sub3A_1253, %div3A_1232 : i32
        %add3A_1255 = arith.constant 0 : i32
        %add3A_1256 = arith.addi %and3A_1226, %add3A_1255 : i32
        %get3A_1257 = arith.index_cast %add3A_1230 : i32 to index
        %get3A_1258 = arith.index_cast %add3A_1256 : i32 to index
        %get3A_1259 = tpu.vector_load %arg7[%get3A_1257, %get3A_1258] {strides = array<i32>} : memref<128x128xf32, #tpu.memory_space<vmem>>, vector<1x16xf32>,
        %get3A_1260 = vector.shape_cast %get3A_1259 : vector<1x16xf32> to vector<16xf32>
        %swap3A_1261 = arith.index_cast %select_n3A_1254 : i32 to index
        %swap3A_1262 = arith.constant 64 : index
        %swap3A_1263 = tpu.vector_load %arg9[%swap3A_1261, %swap3A_1262] {strides = array<i32>} : memref<64x128xf32, #tpu.memory_space<vmem>>, vector<1x16xf32>,
        %swap3A_1264 = vector.shape_cast %swap3A_1263 : vector<1x16xf32> to vector<16xf32>
        %swap3A_1265 = vector.shape_cast %get3A_1260 : vector<16xf32> to vector<1x16xf32>
        tpu.vector_store %arg9[%swap3A_1261, %swap3A_1262], %swap3A_1265 {strides = array<i32>} : memref<64x128xf32, #tpu.memory_space<vmem>>, vector<1x16xf32>,
        %add3A_1266 = arith.constant 16 : i32
        %add3A_1267 = arith.addi %and3A_1226, %add3A_1266 : i32
        %get3A_1268 = arith.index_cast %add3A_1230 : i32 to index
        %get3A_1269 = arith.index_cast %add3A_1267 : i32 to index
        %get3A_1270 = tpu.vector_load %arg7[%get3A_1268, %get3A_1269] {strides = array<i32>} : memref<128x128xf32, #tpu.memory_space<vmem>>, vector<1x16xf32>,
        %get3A_1271 = vector.shape_cast %get3A_1270 : vector<1x16xf32> to vector<16xf32>
        %swap3A_1272 = arith.index_cast %select_n3A_1254 : i32 to index
        %swap3A_1273 = arith.constant 80 : index
        %swap3A_1274 = tpu.vector_load %arg9[%swap3A_1272, %swap3A_1273] {strides = array<i32>} : memref<64x128xf32, #tpu.memory_space<vmem>>, vector<1x16xf32>,
        %swap3A_1275 = vector.shape_cast %swap3A_1274 : vector<1x16xf32> to vector<16xf32>
        %swap3A_1276 = vector.shape_cast %get3A_1271 : vector<16xf32> to vector<1x16xf32>
        tpu.vector_store %arg9[%swap3A_1272, %swap3A_1273], %swap3A_1276 {strides = array<i32>} : memref<64x128xf32, #tpu.memory_space<vmem>>, vector<1x16xf32>,
        %add3A_1277 = arith.constant 32 : i32
        %add3A_1278 = arith.addi %and3A_1226, %add3A_1277 : i32
        %get3A_1279 = arith.index_cast %add3A_1230 : i32 to index
        %get3A_1280 = arith.index_cast %add3A_1278 : i32 to index
        %get3A_1281 = tpu.vector_load %arg7[%get3A_1279, %get3A_1280] {strides = array<i32>} : memref<128x128xf32, #tpu.memory_space<vmem>>, vector<1x16xf32>,
        %get3A_1282 = vector.shape_cast %get3A_1281 : vector<1x16xf32> to vector<16xf32>
        %swap3A_1283 = arith.index_cast %select_n3A_1254 : i32 to index
        %swap3A_1284 = arith.constant 96 : index
        %swap3A_1285 = tpu.vector_load %arg9[%swap3A_1283, %swap3A_1284] {strides = array<i32>} : memref<64x128xf32, #tpu.memory_space<vmem>>, vector<1x16xf32>,
        %swap3A_1286 = vector.shape_cast %swap3A_1285 : vector<1x16xf32> to vector<16xf32>
        %swap3A_1287 = vector.shape_cast %get3A_1282 : vector<16xf32> to vector<1x16xf32>
        tpu.vector_store %arg9[%swap3A_1283, %swap3A_1284], %swap3A_1287 {strides = array<i32>} : memref<64x128xf32, #tpu.memory_space<vmem>>, vector<1x16xf32>,
        %add3A_1288 = arith.constant 48 : i32
        %add3A_1289 = arith.addi %and3A_1226, %add3A_1288 : i32
        %get3A_1290 = arith.index_cast %add3A_1230 : i32 to index
        %get3A_1291 = arith.index_cast %add3A_1289 : i32 to index
        %get3A_1292 = tpu.vector_load %arg7[%get3A_1290, %get3A_1291] {strides = array<i32>} : memref<128x128xf32, #tpu.memory_space<vmem>>, vector<1x16xf32>,
        %get3A_1293 = vector.shape_cast %get3A_1292 : vector<1x16xf32> to vector<16xf32>
        %swap3A_1294 = arith.index_cast %select_n3A_1254 : i32 to index
        %swap3A_1295 = arith.constant 112 : index
        %swap3A_1296 = tpu.vector_load %arg9[%swap3A_1294, %swap3A_1295] {strides = array<i32>} : memref<64x128xf32, #tpu.memory_space<vmem>>, vector<1x16xf32>,
        %swap3A_1297 = vector.shape_cast %swap3A_1296 : vector<1x16xf32> to vector<16xf32>
        %swap3A_1298 = vector.shape_cast %get3A_1293 : vector<16xf32> to vector<1x16xf32>
        tpu.vector_store %arg9[%swap3A_1294, %swap3A_1295], %swap3A_1298 {strides = array<i32>} : memref<64x128xf32, #tpu.memory_space<vmem>>, vector<1x16xf32>,
        %slice3A_1299 = vector.extract_strided_slice %get3A_210 {offsets = [14], sizes = [1], strides = [1]} : vector<16xi32> to vector<1xi32>
        %squeeze3A_1300 = vector.extract %slice3A_1299[0] : i32 from vector<1xi32>
        %shift_right_logical3A_1301 = arith.constant 7 : i32
        %shift_right_logical3A_1302 = arith.shrui %squeeze3A_1300, %shift_right_logical3A_1301 : i32
        %and3A_1303 = arith.constant 64 : i32
        %and3A_1304 = arith.andi %shift_right_logical3A_1302, %and3A_1303 : i32
        %mul3A_1305 = arith.constant 16 : i32
        %mul3A_1306 = arith.muli %scan3A_205, %mul3A_1305 : i32
        %add3A_1307 = arith.constant 14 : i32
        %add3A_1308 = arith.addi %mul3A_1306, %add3A_1307 : i32
        %jit3A_1309 = arith.constant 2 : i32
        %div3A_1310 = arith.divsi %add3A_1308, %jit3A_1309 : i32
        %sign3A_1311 = arith.constant 0 : i32
        %sign3A_1312 = arith.cmpi sgt, %add3A_1308, %sign3A_1311 : i32
        %sign3A_1313 = arith.extui %sign3A_1312 : i1 to i32
        %sign3A_1314 = arith.constant 0 : i32
        %sign3A_1315 = arith.cmpi slt, %add3A_1308, %sign3A_1314 : i32
        %sign3A_1316 = arith.extui %sign3A_1315 : i1 to i32
        %sign3A_1317 = arith.subi %sign3A_1313, %sign3A_1316 : i32
        %sign3A_1318 = arith.constant 0 : i32
        %sign3A_1319 = arith.cmpi sgt, %jit3A_1309, %sign3A_1318 : i32
        %sign3A_1320 = arith.extui %sign3A_1319 : i1 to i32
        %sign3A_1321 = arith.constant 0 : i32
        %sign3A_1322 = arith.cmpi slt, %jit3A_1309, %sign3A_1321 : i32
        %sign3A_1323 = arith.extui %sign3A_1322 : i1 to i32
        %sign3A_1324 = arith.subi %sign3A_1320, %sign3A_1323 : i32
        %ne3A_1325 = arith.cmpi ne, %sign3A_1317, %sign3A_1324 : i32
        %rem3A_1326 = arith.remsi %add3A_1308, %jit3A_1309 : i32
        %ne3A_1327 = arith.constant 0 : i32
        %ne3A_1328 = arith.cmpi ne, %rem3A_1326, %ne3A_1327 : i32
        %and3A_1329 = arith.andi %ne3A_1325, %ne3A_1328 : i1
        %sub3A_1330 = arith.constant 1 : i32
        %sub3A_1331 = arith.subi %div3A_1310, %sub3A_1330 : i32
        %select_n3A_1332 = arith.select %and3A_1329, %sub3A_1331, %div3A_1310 : i32
        %add3A_1333 = arith.constant 0 : i32
        %add3A_1334 = arith.addi %and3A_1304, %add3A_1333 : i32
        %get3A_1335 = arith.index_cast %add3A_1308 : i32 to index
        %get3A_1336 = arith.index_cast %add3A_1334 : i32 to index
        %get3A_1337 = tpu.vector_load %arg7[%get3A_1335, %get3A_1336] {strides = array<i32>} : memref<128x128xf32, #tpu.memory_space<vmem>>, vector<1x16xf32>,
        %get3A_1338 = vector.shape_cast %get3A_1337 : vector<1x16xf32> to vector<16xf32>
        %swap3A_1339 = arith.index_cast %select_n3A_1332 : i32 to index
        %swap3A_1340 = arith.constant 0 : index
        %swap3A_1341 = tpu.vector_load %arg9[%swap3A_1339, %swap3A_1340] {strides = array<i32>} : memref<64x128xf32, #tpu.memory_space<vmem>>, vector<1x16xf32>,
        %swap3A_1342 = vector.shape_cast %swap3A_1341 : vector<1x16xf32> to vector<16xf32>
        %swap3A_1343 = vector.shape_cast %get3A_1338 : vector<16xf32> to vector<1x16xf32>
        tpu.vector_store %arg9[%swap3A_1339, %swap3A_1340], %swap3A_1343 {strides = array<i32>} : memref<64x128xf32, #tpu.memory_space<vmem>>, vector<1x16xf32>,
        %add3A_1344 = arith.constant 16 : i32
        %add3A_1345 = arith.addi %and3A_1304, %add3A_1344 : i32
        %get3A_1346 = arith.index_cast %add3A_1308 : i32 to index
        %get3A_1347 = arith.index_cast %add3A_1345 : i32 to index
        %get3A_1348 = tpu.vector_load %arg7[%get3A_1346, %get3A_1347] {strides = array<i32>} : memref<128x128xf32, #tpu.memory_space<vmem>>, vector<1x16xf32>,
        %get3A_1349 = vector.shape_cast %get3A_1348 : vector<1x16xf32> to vector<16xf32>
        %swap3A_1350 = arith.index_cast %select_n3A_1332 : i32 to index
        %swap3A_1351 = arith.constant 16 : index
        %swap3A_1352 = tpu.vector_load %arg9[%swap3A_1350, %swap3A_1351] {strides = array<i32>} : memref<64x128xf32, #tpu.memory_space<vmem>>, vector<1x16xf32>,
        %swap3A_1353 = vector.shape_cast %swap3A_1352 : vector<1x16xf32> to vector<16xf32>
        %swap3A_1354 = vector.shape_cast %get3A_1349 : vector<16xf32> to vector<1x16xf32>
        tpu.vector_store %arg9[%swap3A_1350, %swap3A_1351], %swap3A_1354 {strides = array<i32>} : memref<64x128xf32, #tpu.memory_space<vmem>>, vector<1x16xf32>,
        %add3A_1355 = arith.constant 32 : i32
        %add3A_1356 = arith.addi %and3A_1304, %add3A_1355 : i32
        %get3A_1357 = arith.index_cast %add3A_1308 : i32 to index
        %get3A_1358 = arith.index_cast %add3A_1356 : i32 to index
        %get3A_1359 = tpu.vector_load %arg7[%get3A_1357, %get3A_1358] {strides = array<i32>} : memref<128x128xf32, #tpu.memory_space<vmem>>, vector<1x16xf32>,
        %get3A_1360 = vector.shape_cast %get3A_1359 : vector<1x16xf32> to vector<16xf32>
        %swap3A_1361 = arith.index_cast %select_n3A_1332 : i32 to index
        %swap3A_1362 = arith.constant 32 : index
        %swap3A_1363 = tpu.vector_load %arg9[%swap3A_1361, %swap3A_1362] {strides = array<i32>} : memref<64x128xf32, #tpu.memory_space<vmem>>, vector<1x16xf32>,
        %swap3A_1364 = vector.shape_cast %swap3A_1363 : vector<1x16xf32> to vector<16xf32>
        %swap3A_1365 = vector.shape_cast %get3A_1360 : vector<16xf32> to vector<1x16xf32>
        tpu.vector_store %arg9[%swap3A_1361, %swap3A_1362], %swap3A_1365 {strides = array<i32>} : memref<64x128xf32, #tpu.memory_space<vmem>>, vector<1x16xf32>,
        %add3A_1366 = arith.constant 48 : i32
        %add3A_1367 = arith.addi %and3A_1304, %add3A_1366 : i32
        %get3A_1368 = arith.index_cast %add3A_1308 : i32 to index
        %get3A_1369 = arith.index_cast %add3A_1367 : i32 to index
        %get3A_1370 = tpu.vector_load %arg7[%get3A_1368, %get3A_1369] {strides = array<i32>} : memref<128x128xf32, #tpu.memory_space<vmem>>, vector<1x16xf32>,
        %get3A_1371 = vector.shape_cast %get3A_1370 : vector<1x16xf32> to vector<16xf32>
        %swap3A_1372 = arith.index_cast %select_n3A_1332 : i32 to index
        %swap3A_1373 = arith.constant 48 : index
        %swap3A_1374 = tpu.vector_load %arg9[%swap3A_1372, %swap3A_1373] {strides = array<i32>} : memref<64x128xf32, #tpu.memory_space<vmem>>, vector<1x16xf32>,
        %swap3A_1375 = vector.shape_cast %swap3A_1374 : vector<1x16xf32> to vector<16xf32>
        %swap3A_1376 = vector.shape_cast %get3A_1371 : vector<16xf32> to vector<1x16xf32>
        tpu.vector_store %arg9[%swap3A_1372, %swap3A_1373], %swap3A_1376 {strides = array<i32>} : memref<64x128xf32, #tpu.memory_space<vmem>>, vector<1x16xf32>,
        %slice3A_1377 = vector.extract_strided_slice %get3A_210 {offsets = [15], sizes = [1], strides = [1]} : vector<16xi32> to vector<1xi32>
        %squeeze3A_1378 = vector.extract %slice3A_1377[0] : i32 from vector<1xi32>
        %shift_right_logical3A_1379 = arith.constant 7 : i32
        %shift_right_logical3A_1380 = arith.shrui %squeeze3A_1378, %shift_right_logical3A_1379 : i32
        %and3A_1381 = arith.constant 64 : i32
        %and3A_1382 = arith.andi %shift_right_logical3A_1380, %and3A_1381 : i32
        %mul3A_1383 = arith.constant 16 : i32
        %mul3A_1384 = arith.muli %scan3A_205, %mul3A_1383 : i32
        %add3A_1385 = arith.constant 15 : i32
        %add3A_1386 = arith.addi %mul3A_1384, %add3A_1385 : i32
        %jit3A_1387 = arith.constant 2 : i32
        %div3A_1388 = arith.divsi %add3A_1386, %jit3A_1387 : i32
        %sign3A_1389 = arith.constant 0 : i32
        %sign3A_1390 = arith.cmpi sgt, %add3A_1386, %sign3A_1389 : i32
        %sign3A_1391 = arith.extui %sign3A_1390 : i1 to i32
        %sign3A_1392 = arith.constant 0 : i32
        %sign3A_1393 = arith.cmpi slt, %add3A_1386, %sign3A_1392 : i32
        %sign3A_1394 = arith.extui %sign3A_1393 : i1 to i32
        %sign3A_1395 = arith.subi %sign3A_1391, %sign3A_1394 : i32
        %sign3A_1396 = arith.constant 0 : i32
        %sign3A_1397 = arith.cmpi sgt, %jit3A_1387, %sign3A_1396 : i32
        %sign3A_1398 = arith.extui %sign3A_1397 : i1 to i32
        %sign3A_1399 = arith.constant 0 : i32
        %sign3A_1400 = arith.cmpi slt, %jit3A_1387, %sign3A_1399 : i32
        %sign3A_1401 = arith.extui %sign3A_1400 : i1 to i32
        %sign3A_1402 = arith.subi %sign3A_1398, %sign3A_1401 : i32
        %ne3A_1403 = arith.cmpi ne, %sign3A_1395, %sign3A_1402 : i32
        %rem3A_1404 = arith.remsi %add3A_1386, %jit3A_1387 : i32
        %ne3A_1405 = arith.constant 0 : i32
        %ne3A_1406 = arith.cmpi ne, %rem3A_1404, %ne3A_1405 : i32
        %and3A_1407 = arith.andi %ne3A_1403, %ne3A_1406 : i1
        %sub3A_1408 = arith.constant 1 : i32
        %sub3A_1409 = arith.subi %div3A_1388, %sub3A_1408 : i32
        %select_n3A_1410 = arith.select %and3A_1407, %sub3A_1409, %div3A_1388 : i32
        %add3A_1411 = arith.constant 0 : i32
        %add3A_1412 = arith.addi %and3A_1382, %add3A_1411 : i32
        %get3A_1413 = arith.index_cast %add3A_1386 : i32 to index
        %get3A_1414 = arith.index_cast %add3A_1412 : i32 to index
        %get3A_1415 = tpu.vector_load %arg7[%get3A_1413, %get3A_1414] {strides = array<i32>} : memref<128x128xf32, #tpu.memory_space<vmem>>, vector<1x16xf32>,
        %get3A_1416 = vector.shape_cast %get3A_1415 : vector<1x16xf32> to vector<16xf32>
        %swap3A_1417 = arith.index_cast %select_n3A_1410 : i32 to index
        %swap3A_1418 = arith.constant 64 : index
        %swap3A_1419 = tpu.vector_load %arg9[%swap3A_1417, %swap3A_1418] {strides = array<i32>} : memref<64x128xf32, #tpu.memory_space<vmem>>, vector<1x16xf32>,
        %swap3A_1420 = vector.shape_cast %swap3A_1419 : vector<1x16xf32> to vector<16xf32>
        %swap3A_1421 = vector.shape_cast %get3A_1416 : vector<16xf32> to vector<1x16xf32>
        tpu.vector_store %arg9[%swap3A_1417, %swap3A_1418], %swap3A_1421 {strides = array<i32>} : memref<64x128xf32, #tpu.memory_space<vmem>>, vector<1x16xf32>,
        %add3A_1422 = arith.constant 16 : i32
        %add3A_1423 = arith.addi %and3A_1382, %add3A_1422 : i32
        %get3A_1424 = arith.index_cast %add3A_1386 : i32 to index
        %get3A_1425 = arith.index_cast %add3A_1423 : i32 to index
        %get3A_1426 = tpu.vector_load %arg7[%get3A_1424, %get3A_1425] {strides = array<i32>} : memref<128x128xf32, #tpu.memory_space<vmem>>, vector<1x16xf32>,
        %get3A_1427 = vector.shape_cast %get3A_1426 : vector<1x16xf32> to vector<16xf32>
        %swap3A_1428 = arith.index_cast %select_n3A_1410 : i32 to index
        %swap3A_1429 = arith.constant 80 : index
        %swap3A_1430 = tpu.vector_load %arg9[%swap3A_1428, %swap3A_1429] {strides = array<i32>} : memref<64x128xf32, #tpu.memory_space<vmem>>, vector<1x16xf32>,
        %swap3A_1431 = vector.shape_cast %swap3A_1430 : vector<1x16xf32> to vector<16xf32>
        %swap3A_1432 = vector.shape_cast %get3A_1427 : vector<16xf32> to vector<1x16xf32>
        tpu.vector_store %arg9[%swap3A_1428, %swap3A_1429], %swap3A_1432 {strides = array<i32>} : memref<64x128xf32, #tpu.memory_space<vmem>>, vector<1x16xf32>,
        %add3A_1433 = arith.constant 32 : i32
        %add3A_1434 = arith.addi %and3A_1382, %add3A_1433 : i32
        %get3A_1435 = arith.index_cast %add3A_1386 : i32 to index
        %get3A_1436 = arith.index_cast %add3A_1434 : i32 to index
        %get3A_1437 = tpu.vector_load %arg7[%get3A_1435, %get3A_1436] {strides = array<i32>} : memref<128x128xf32, #tpu.memory_space<vmem>>, vector<1x16xf32>,
        %get3A_1438 = vector.shape_cast %get3A_1437 : vector<1x16xf32> to vector<16xf32>
        %swap3A_1439 = arith.index_cast %select_n3A_1410 : i32 to index
        %swap3A_1440 = arith.constant 96 : index
        %swap3A_1441 = tpu.vector_load %arg9[%swap3A_1439, %swap3A_1440] {strides = array<i32>} : memref<64x128xf32, #tpu.memory_space<vmem>>, vector<1x16xf32>,
        %swap3A_1442 = vector.shape_cast %swap3A_1441 : vector<1x16xf32> to vector<16xf32>
        %swap3A_1443 = vector.shape_cast %get3A_1438 : vector<16xf32> to vector<1x16xf32>
        tpu.vector_store %arg9[%swap3A_1439, %swap3A_1440], %swap3A_1443 {strides = array<i32>} : memref<64x128xf32, #tpu.memory_space<vmem>>, vector<1x16xf32>,
        %add3A_1444 = arith.constant 48 : i32
        %add3A_1445 = arith.addi %and3A_1382, %add3A_1444 : i32
        %get3A_1446 = arith.index_cast %add3A_1386 : i32 to index
        %get3A_1447 = arith.index_cast %add3A_1445 : i32 to index
        %get3A_1448 = tpu.vector_load %arg7[%get3A_1446, %get3A_1447] {strides = array<i32>} : memref<128x128xf32, #tpu.memory_space<vmem>>, vector<1x16xf32>,
        %get3A_1449 = vector.shape_cast %get3A_1448 : vector<1x16xf32> to vector<16xf32>
        %swap3A_1450 = arith.index_cast %select_n3A_1410 : i32 to index
        %swap3A_1451 = arith.constant 112 : index
        %swap3A_1452 = tpu.vector_load %arg9[%swap3A_1450, %swap3A_1451] {strides = array<i32>} : memref<64x128xf32, #tpu.memory_space<vmem>>, vector<1x16xf32>,
        %swap3A_1453 = vector.shape_cast %swap3A_1452 : vector<1x16xf32> to vector<16xf32>
        %swap3A_1454 = vector.shape_cast %get3A_1449 : vector<16xf32> to vector<1x16xf32>
        tpu.vector_store %arg9[%swap3A_1450, %swap3A_1451], %swap3A_1454 {strides = array<i32>} : memref<64x128xf32, #tpu.memory_space<vmem>>, vector<1x16xf32>,
      }
      %scan3A_123 = arith.constant 8 : i32
      %add3A_124 = arith.addi %multiple_of3A, %multiple_of3A_117 : i32
      %jit3A_125 = arith.constant 2 : i32
      %div3A_126 = arith.divsi %add3A_124, %jit3A_125 : i32
      %sign3A_127 = arith.constant 0 : i32
      %sign3A_128 = arith.cmpi sgt, %add3A_124, %sign3A_127 : i32
      %sign3A_129 = arith.extui %sign3A_128 : i1 to i32
      %sign3A_130 = arith.constant 0 : i32
      %sign3A_131 = arith.cmpi slt, %add3A_124, %sign3A_130 : i32
      %sign3A_132 = arith.extui %sign3A_131 : i1 to i32
      %sign3A_133 = arith.subi %sign3A_129, %sign3A_132 : i32
      %sign3A_134 = arith.constant 0 : i32
      %sign3A_135 = arith.cmpi sgt, %jit3A_125, %sign3A_134 : i32
      %sign3A_136 = arith.extui %sign3A_135 : i1 to i32
      %sign3A_137 = arith.constant 0 : i32
      %sign3A_138 = arith.cmpi slt, %jit3A_125, %sign3A_137 : i32
      %sign3A_139 = arith.extui %sign3A_138 : i1 to i32
      %sign3A_140 = arith.subi %sign3A_136, %sign3A_139 : i32
      %ne3A_141 = arith.cmpi ne, %sign3A_133, %sign3A_140 : i32
      %rem3A_142 = arith.remsi %add3A_124, %jit3A_125 : i32
      %ne3A_143 = arith.constant 0 : i32
      %ne3A_144 = arith.cmpi ne, %rem3A_142, %ne3A_143 : i32
      %and3A_145 = arith.andi %ne3A_141, %ne3A_144 : i1
      %sub3A_146 = arith.constant 1 : i32
      %sub3A_147 = arith.subi %div3A_126, %sub3A_146 : i32
      %select_n3A_148 = arith.select %and3A_145, %sub3A_147, %div3A_126 : i32
      %multiple_of3A_149 = tpu.assume_multiple %select_n3A_148, 64 : i32
      "tpu.region"() ({
        %run_scoped3A = tpu.sem_alloc : memref<!tpu.dma_semaphore, #tpu.memory_space<semaphore_mem>>
        %dma_start3A_205 = arith.constant 0 : i32
        %dma_start3A_206 = tpu.memref_slice %arg4[%multiple_of3A_149, %dma_start3A_205] : memref<102400x128xf32, #tpu.memory_space<hbm>> -> memref<64x128xf32, #tpu.memory_space<hbm>>
        %dma_start3A_207 = arith.constant 0 : i32
        %dma_start3A_208 = tpu.memref_slice %arg4[%multiple_of3A_149, %dma_start3A_207] : memref<102400x128xf32, #tpu.memory_space<hbm>> -> memref<64x128xf32, #tpu.memory_space<hbm>>
        tpu.enqueue_dma source(%arg9 : memref<64x128xf32, #tpu.memory_space<vmem>>) target(%dma_start3A_208 : memref<64x128xf32, #tpu.memory_space<hbm>>) target_semaphore(%run_scoped3A : memref<!tpu.dma_semaphore, #tpu.memory_space<semaphore_mem>>)
        %dma_wait3A_209 = arith.constant 0 : i32
        %dma_wait3A_210 = tpu.memref_slice %arg4[%multiple_of3A_149, %dma_wait3A_209] : memref<102400x128xf32, #tpu.memory_space<hbm>> -> memref<64x128xf32, #tpu.memory_space<hbm>>
        %dma_wait3A_211 = arith.constant 0 : i32
        %dma_wait3A_212 = tpu.memref_slice %arg4[%multiple_of3A_149, %dma_wait3A_211] : memref<102400x128xf32, #tpu.memory_space<hbm>> -> memref<64x128xf32, #tpu.memory_space<hbm>>
        tpu.wait_dma2 semaphore(%run_scoped3A : memref<!tpu.dma_semaphore, #tpu.memory_space<semaphore_mem>>) src(%arg9 : memref<64x128xf32, #tpu.memory_space<vmem>>) dst(%dma_wait3A_212 : memref<64x128xf32, #tpu.memory_space<hbm>>)
        tpu.yield
      }) : () -> ()
      %add3A_150 = arith.constant 2 : i32
      %add3A_151 = arith.addi %mul3A_98, %add3A_150 : i32
      %mul3A_152 = arith.constant 128 : i32
      %mul3A_153 = arith.muli %add3A_151, %mul3A_152 : i32
      %multiple_of3A_154 = tpu.assume_multiple %mul3A_153, 128 : i32
      %dma_start3A_155 = tpu.memref_slice %arg6[%multiple_of3A_154] : memref<6400xi32, #tpu.memory_space<vmem>> -> memref<128xi32, #tpu.memory_space<vmem>>
      %dma_start3A_156 = arith.constant 0 : i32
      %dma_start3A_157 = arith.constant 0 : i32
      %dma_start3A_158 = tpu.memref_slice %arg2[%dma_start3A_156, %dma_start3A_157] : memref<507904x128xf32, #tpu.memory_space<hbm>> -> memref<507904x128xf32, #tpu.memory_space<hbm>>
      tpu.enqueue_indirect_dma source(%dma_start3A_158 : memref<507904x128xf32, #tpu.memory_space<hbm>>) target(%arg7 : memref<128x128xf32, #tpu.memory_space<vmem>>) offsets(%dma_start3A_155 : memref<128xi32, #tpu.memory_space<vmem>>) semaphore(%arg10 : memref<!tpu.dma_semaphore, #tpu.memory_space<semaphore_mem>>)
      %add3A_159 = arith.constant 1 : i32
      %add3A_160 = arith.addi %mul3A_98, %add3A_159 : i32
      %mul3A_161 = arith.constant 128 : i32
      %mul3A_162 = arith.muli %add3A_160, %mul3A_161 : i32
      %multiple_of3A_163 = tpu.assume_multiple %mul3A_162, 128 : i32
      %dma_wait3A_164 = tpu.memref_slice %arg6[%multiple_of3A_163] : memref<6400xi32, #tpu.memory_space<vmem>> -> memref<128xi32, #tpu.memory_space<vmem>>
      %dma_wait3A_165 = arith.constant 0 : i32
      %dma_wait3A_166 = arith.constant 0 : i32
      %dma_wait3A_167 = tpu.memref_slice %arg2[%dma_wait3A_165, %dma_wait3A_166] : memref<507904x128xf32, #tpu.memory_space<hbm>> -> memref<507904x128xf32, #tpu.memory_space<hbm>>
      tpu.wait_indirect_dma semaphore(%arg11 : memref<!tpu.dma_semaphore, #tpu.memory_space<semaphore_mem>>) src(%dma_wait3A_167 : memref<507904x128xf32, #tpu.memory_space<hbm>>) dst(%arg8 : memref<128x128xf32, #tpu.memory_space<vmem>>)
      %add3A_168 = arith.constant 1 : i32
      %add3A_169 = arith.addi %mul3A_98, %add3A_168 : i32
      %mul3A_170 = arith.constant 128 : i32
      %mul3A_171 = arith.muli %add3A_169, %mul3A_170 : i32
      %multiple_of3A_172 = tpu.assume_multiple %mul3A_171, 128 : i32
      %scan3A_173 = arith.constant 0 : i32
      %scan3A_174 = arith.constant 0 : i32
      %scan3A_175 = arith.constant 8 : i32
      %scan3A_176 = arith.addi %scan3A_174, %scan3A_175 : i32
      %scan3A_177 = arith.constant 1 : i32
      scf.for %scan3A_205 = %scan3A_174 to %scan3A_176 step %scan3A_177  : i32 {
        %mul3A_206 = arith.constant 16 : i32
        %mul3A_207 = arith.muli %scan3A_205, %mul3A_206 : i32
        %add3A_208 = arith.addi %multiple_of3A_172, %mul3A_207 : i32
        %get3A = arith.index_cast %add3A_208 : i32 to index
        %get3A_209 = tpu.vector_load %arg5[%get3A] {strides = array<i32>} : memref<6400xi32, #tpu.memory_space<vmem>>, vector<16xi32>,
        %get3A_210 = vector.shape_cast %get3A_209 : vector<16xi32> to vector<16xi32>
        %slice3A = vector.extract_strided_slice %get3A_210 {offsets = [0], sizes = [1], strides = [1]} : vector<16xi32> to vector<1xi32>
        %squeeze3A = vector.extract %slice3A[0] : i32 from vector<1xi32>
        %shift_right_logical3A = arith.constant 7 : i32
        %shift_right_logical3A_211 = arith.shrui %squeeze3A, %shift_right_logical3A : i32
        %and3A_212 = arith.constant 64 : i32
        %and3A_213 = arith.andi %shift_right_logical3A_211, %and3A_212 : i32
        %mul3A_214 = arith.constant 16 : i32
        %mul3A_215 = arith.muli %scan3A_205, %mul3A_214 : i32
        %add3A_216 = arith.constant 0 : i32
        %add3A_217 = arith.addi %mul3A_215, %add3A_216 : i32
        %jit3A_218 = arith.constant 2 : i32
        %div3A_219 = arith.divsi %add3A_217, %jit3A_218 : i32
        %sign3A_220 = arith.constant 0 : i32
        %sign3A_221 = arith.cmpi sgt, %add3A_217, %sign3A_220 : i32
        %sign3A_222 = arith.extui %sign3A_221 : i1 to i32
        %sign3A_223 = arith.constant 0 : i32
        %sign3A_224 = arith.cmpi slt, %add3A_217, %sign3A_223 : i32
        %sign3A_225 = arith.extui %sign3A_224 : i1 to i32
        %sign3A_226 = arith.subi %sign3A_222, %sign3A_225 : i32
        %sign3A_227 = arith.constant 0 : i32
        %sign3A_228 = arith.cmpi sgt, %jit3A_218, %sign3A_227 : i32
        %sign3A_229 = arith.extui %sign3A_228 : i1 to i32
        %sign3A_230 = arith.constant 0 : i32
        %sign3A_231 = arith.cmpi slt, %jit3A_218, %sign3A_230 : i32
        %sign3A_232 = arith.extui %sign3A_231 : i1 to i32
        %sign3A_233 = arith.subi %sign3A_229, %sign3A_232 : i32
        %ne3A_234 = arith.cmpi ne, %sign3A_226, %sign3A_233 : i32
        %rem3A_235 = arith.remsi %add3A_217, %jit3A_218 : i32
        %ne3A_236 = arith.constant 0 : i32
        %ne3A_237 = arith.cmpi ne, %rem3A_235, %ne3A_236 : i32
        %and3A_238 = arith.andi %ne3A_234, %ne3A_237 : i1
        %sub3A_239 = arith.constant 1 : i32
        %sub3A_240 = arith.subi %div3A_219, %sub3A_239 : i32
        %select_n3A_241 = arith.select %and3A_238, %sub3A_240, %div3A_219 : i32
        %add3A_242 = arith.constant 0 : i32
        %add3A_243 = arith.addi %and3A_213, %add3A_242 : i32
        %get3A_244 = arith.index_cast %add3A_217 : i32 to index
        %get3A_245 = arith.index_cast %add3A_243 : i32 to index
        %get3A_246 = tpu.vector_load %arg8[%get3A_244, %get3A_245] {strides = array<i32>} : memref<128x128xf32, #tpu.memory_space<vmem>>, vector<1x16xf32>,
        %get3A_247 = vector.shape_cast %get3A_246 : vector<1x16xf32> to vector<16xf32>
        %swap3A = arith.index_cast %select_n3A_241 : i32 to index
        %swap3A_248 = arith.constant 0 : index
        %swap3A_249 = tpu.vector_load %arg9[%swap3A, %swap3A_248] {strides = array<i32>} : memref<64x128xf32, #tpu.memory_space<vmem>>, vector<1x16xf32>,
        %swap3A_250 = vector.shape_cast %swap3A_249 : vector<1x16xf32> to vector<16xf32>
        %swap3A_251 = vector.shape_cast %get3A_247 : vector<16xf32> to vector<1x16xf32>
        tpu.vector_store %arg9[%swap3A, %swap3A_248], %swap3A_251 {strides = array<i32>} : memref<64x128xf32, #tpu.memory_space<vmem>>, vector<1x16xf32>,
        %add3A_252 = arith.constant 16 : i32
        %add3A_253 = arith.addi %and3A_213, %add3A_252 : i32
        %get3A_254 = arith.index_cast %add3A_217 : i32 to index
        %get3A_255 = arith.index_cast %add3A_253 : i32 to index
        %get3A_256 = tpu.vector_load %arg8[%get3A_254, %get3A_255] {strides = array<i32>} : memref<128x128xf32, #tpu.memory_space<vmem>>, vector<1x16xf32>,
        %get3A_257 = vector.shape_cast %get3A_256 : vector<1x16xf32> to vector<16xf32>
        %swap3A_258 = arith.index_cast %select_n3A_241 : i32 to index
        %swap3A_259 = arith.constant 16 : index
        %swap3A_260 = tpu.vector_load %arg9[%swap3A_258, %swap3A_259] {strides = array<i32>} : memref<64x128xf32, #tpu.memory_space<vmem>>, vector<1x16xf32>,
        %swap3A_261 = vector.shape_cast %swap3A_260 : vector<1x16xf32> to vector<16xf32>
        %swap3A_262 = vector.shape_cast %get3A_257 : vector<16xf32> to vector<1x16xf32>
        tpu.vector_store %arg9[%swap3A_258, %swap3A_259], %swap3A_262 {strides = array<i32>} : memref<64x128xf32, #tpu.memory_space<vmem>>, vector<1x16xf32>,
        %add3A_263 = arith.constant 32 : i32
        %add3A_264 = arith.addi %and3A_213, %add3A_263 : i32
        %get3A_265 = arith.index_cast %add3A_217 : i32 to index
        %get3A_266 = arith.index_cast %add3A_264 : i32 to index
        %get3A_267 = tpu.vector_load %arg8[%get3A_265, %get3A_266] {strides = array<i32>} : memref<128x128xf32, #tpu.memory_space<vmem>>, vector<1x16xf32>,
        %get3A_268 = vector.shape_cast %get3A_267 : vector<1x16xf32> to vector<16xf32>
        %swap3A_269 = arith.index_cast %select_n3A_241 : i32 to index
        %swap3A_270 = arith.constant 32 : index
        %swap3A_271 = tpu.vector_load %arg9[%swap3A_269, %swap3A_270] {strides = array<i32>} : memref<64x128xf32, #tpu.memory_space<vmem>>, vector<1x16xf32>,
        %swap3A_272 = vector.shape_cast %swap3A_271 : vector<1x16xf32> to vector<16xf32>
        %swap3A_273 = vector.shape_cast %get3A_268 : vector<16xf32> to vector<1x16xf32>
        tpu.vector_store %arg9[%swap3A_269, %swap3A_270], %swap3A_273 {strides = array<i32>} : memref<64x128xf32, #tpu.memory_space<vmem>>, vector<1x16xf32>,
        %add3A_274 = arith.constant 48 : i32
        %add3A_275 = arith.addi %and3A_213, %add3A_274 : i32
        %get3A_276 = arith.index_cast %add3A_217 : i32 to index
        %get3A_277 = arith.index_cast %add3A_275 : i32 to index
        %get3A_278 = tpu.vector_load %arg8[%get3A_276, %get3A_277] {strides = array<i32>} : memref<128x128xf32, #tpu.memory_space<vmem>>, vector<1x16xf32>,
        %get3A_279 = vector.shape_cast %get3A_278 : vector<1x16xf32> to vector<16xf32>
        %swap3A_280 = arith.index_cast %select_n3A_241 : i32 to index
        %swap3A_281 = arith.constant 48 : index
        %swap3A_282 = tpu.vector_load %arg9[%swap3A_280, %swap3A_281] {strides = array<i32>} : memref<64x128xf32, #tpu.memory_space<vmem>>, vector<1x16xf32>,
        %swap3A_283 = vector.shape_cast %swap3A_282 : vector<1x16xf32> to vector<16xf32>
        %swap3A_284 = vector.shape_cast %get3A_279 : vector<16xf32> to vector<1x16xf32>
        tpu.vector_store %arg9[%swap3A_280, %swap3A_281], %swap3A_284 {strides = array<i32>} : memref<64x128xf32, #tpu.memory_space<vmem>>, vector<1x16xf32>,
        %slice3A_285 = vector.extract_strided_slice %get3A_210 {offsets = [1], sizes = [1], strides = [1]} : vector<16xi32> to vector<1xi32>
        %squeeze3A_286 = vector.extract %slice3A_285[0] : i32 from vector<1xi32>
        %shift_right_logical3A_287 = arith.constant 7 : i32
        %shift_right_logical3A_288 = arith.shrui %squeeze3A_286, %shift_right_logical3A_287 : i32
        %and3A_289 = arith.constant 64 : i32
        %and3A_290 = arith.andi %shift_right_logical3A_288, %and3A_289 : i32
        %mul3A_291 = arith.constant 16 : i32
        %mul3A_292 = arith.muli %scan3A_205, %mul3A_291 : i32
        %add3A_293 = arith.constant 1 : i32
        %add3A_294 = arith.addi %mul3A_292, %add3A_293 : i32
        %jit3A_295 = arith.constant 2 : i32
        %div3A_296 = arith.divsi %add3A_294, %jit3A_295 : i32
        %sign3A_297 = arith.constant 0 : i32
        %sign3A_298 = arith.cmpi sgt, %add3A_294, %sign3A_297 : i32
        %sign3A_299 = arith.extui %sign3A_298 : i1 to i32
        %sign3A_300 = arith.constant 0 : i32
        %sign3A_301 = arith.cmpi slt, %add3A_294, %sign3A_300 : i32
        %sign3A_302 = arith.extui %sign3A_301 : i1 to i32
        %sign3A_303 = arith.subi %sign3A_299, %sign3A_302 : i32
        %sign3A_304 = arith.constant 0 : i32
        %sign3A_305 = arith.cmpi sgt, %jit3A_295, %sign3A_304 : i32
        %sign3A_306 = arith.extui %sign3A_305 : i1 to i32
        %sign3A_307 = arith.constant 0 : i32
        %sign3A_308 = arith.cmpi slt, %jit3A_295, %sign3A_307 : i32
        %sign3A_309 = arith.extui %sign3A_308 : i1 to i32
        %sign3A_310 = arith.subi %sign3A_306, %sign3A_309 : i32
        %ne3A_311 = arith.cmpi ne, %sign3A_303, %sign3A_310 : i32
        %rem3A_312 = arith.remsi %add3A_294, %jit3A_295 : i32
        %ne3A_313 = arith.constant 0 : i32
        %ne3A_314 = arith.cmpi ne, %rem3A_312, %ne3A_313 : i32
        %and3A_315 = arith.andi %ne3A_311, %ne3A_314 : i1
        %sub3A_316 = arith.constant 1 : i32
        %sub3A_317 = arith.subi %div3A_296, %sub3A_316 : i32
        %select_n3A_318 = arith.select %and3A_315, %sub3A_317, %div3A_296 : i32
        %add3A_319 = arith.constant 0 : i32
        %add3A_320 = arith.addi %and3A_290, %add3A_319 : i32
        %get3A_321 = arith.index_cast %add3A_294 : i32 to index
        %get3A_322 = arith.index_cast %add3A_320 : i32 to index
        %get3A_323 = tpu.vector_load %arg8[%get3A_321, %get3A_322] {strides = array<i32>} : memref<128x128xf32, #tpu.memory_space<vmem>>, vector<1x16xf32>,
        %get3A_324 = vector.shape_cast %get3A_323 : vector<1x16xf32> to vector<16xf32>
        %swap3A_325 = arith.index_cast %select_n3A_318 : i32 to index
        %swap3A_326 = arith.constant 64 : index
        %swap3A_327 = tpu.vector_load %arg9[%swap3A_325, %swap3A_326] {strides = array<i32>} : memref<64x128xf32, #tpu.memory_space<vmem>>, vector<1x16xf32>,
        %swap3A_328 = vector.shape_cast %swap3A_327 : vector<1x16xf32> to vector<16xf32>
        %swap3A_329 = vector.shape_cast %get3A_324 : vector<16xf32> to vector<1x16xf32>
        tpu.vector_store %arg9[%swap3A_325, %swap3A_326], %swap3A_329 {strides = array<i32>} : memref<64x128xf32, #tpu.memory_space<vmem>>, vector<1x16xf32>,
        %add3A_330 = arith.constant 16 : i32
        %add3A_331 = arith.addi %and3A_290, %add3A_330 : i32
        %get3A_332 = arith.index_cast %add3A_294 : i32 to index
        %get3A_333 = arith.index_cast %add3A_331 : i32 to index
        %get3A_334 = tpu.vector_load %arg8[%get3A_332, %get3A_333] {strides = array<i32>} : memref<128x128xf32, #tpu.memory_space<vmem>>, vector<1x16xf32>,
        %get3A_335 = vector.shape_cast %get3A_334 : vector<1x16xf32> to vector<16xf32>
        %swap3A_336 = arith.index_cast %select_n3A_318 : i32 to index
        %swap3A_337 = arith.constant 80 : index
        %swap3A_338 = tpu.vector_load %arg9[%swap3A_336, %swap3A_337] {strides = array<i32>} : memref<64x128xf32, #tpu.memory_space<vmem>>, vector<1x16xf32>,
        %swap3A_339 = vector.shape_cast %swap3A_338 : vector<1x16xf32> to vector<16xf32>
        %swap3A_340 = vector.shape_cast %get3A_335 : vector<16xf32> to vector<1x16xf32>
        tpu.vector_store %arg9[%swap3A_336, %swap3A_337], %swap3A_340 {strides = array<i32>} : memref<64x128xf32, #tpu.memory_space<vmem>>, vector<1x16xf32>,
        %add3A_341 = arith.constant 32 : i32
        %add3A_342 = arith.addi %and3A_290, %add3A_341 : i32
        %get3A_343 = arith.index_cast %add3A_294 : i32 to index
        %get3A_344 = arith.index_cast %add3A_342 : i32 to index
        %get3A_345 = tpu.vector_load %arg8[%get3A_343, %get3A_344] {strides = array<i32>} : memref<128x128xf32, #tpu.memory_space<vmem>>, vector<1x16xf32>,
        %get3A_346 = vector.shape_cast %get3A_345 : vector<1x16xf32> to vector<16xf32>
        %swap3A_347 = arith.index_cast %select_n3A_318 : i32 to index
        %swap3A_348 = arith.constant 96 : index
        %swap3A_349 = tpu.vector_load %arg9[%swap3A_347, %swap3A_348] {strides = array<i32>} : memref<64x128xf32, #tpu.memory_space<vmem>>, vector<1x16xf32>,
        %swap3A_350 = vector.shape_cast %swap3A_349 : vector<1x16xf32> to vector<16xf32>
        %swap3A_351 = vector.shape_cast %get3A_346 : vector<16xf32> to vector<1x16xf32>
        tpu.vector_store %arg9[%swap3A_347, %swap3A_348], %swap3A_351 {strides = array<i32>} : memref<64x128xf32, #tpu.memory_space<vmem>>, vector<1x16xf32>,
        %add3A_352 = arith.constant 48 : i32
        %add3A_353 = arith.addi %and3A_290, %add3A_352 : i32
        %get3A_354 = arith.index_cast %add3A_294 : i32 to index
        %get3A_355 = arith.index_cast %add3A_353 : i32 to index
        %get3A_356 = tpu.vector_load %arg8[%get3A_354, %get3A_355] {strides = array<i32>} : memref<128x128xf32, #tpu.memory_space<vmem>>, vector<1x16xf32>,
        %get3A_357 = vector.shape_cast %get3A_356 : vector<1x16xf32> to vector<16xf32>
        %swap3A_358 = arith.index_cast %select_n3A_318 : i32 to index
        %swap3A_359 = arith.constant 112 : index
        %swap3A_360 = tpu.vector_load %arg9[%swap3A_358, %swap3A_359] {strides = array<i32>} : memref<64x128xf32, #tpu.memory_space<vmem>>, vector<1x16xf32>,
        %swap3A_361 = vector.shape_cast %swap3A_360 : vector<1x16xf32> to vector<16xf32>
        %swap3A_362 = vector.shape_cast %get3A_357 : vector<16xf32> to vector<1x16xf32>
        tpu.vector_store %arg9[%swap3A_358, %swap3A_359], %swap3A_362 {strides = array<i32>} : memref<64x128xf32, #tpu.memory_space<vmem>>, vector<1x16xf32>,
        %slice3A_363 = vector.extract_strided_slice %get3A_210 {offsets = [2], sizes = [1], strides = [1]} : vector<16xi32> to vector<1xi32>
        %squeeze3A_364 = vector.extract %slice3A_363[0] : i32 from vector<1xi32>
        %shift_right_logical3A_365 = arith.constant 7 : i32
        %shift_right_logical3A_366 = arith.shrui %squeeze3A_364, %shift_right_logical3A_365 : i32
        %and3A_367 = arith.constant 64 : i32
        %and3A_368 = arith.andi %shift_right_logical3A_366, %and3A_367 : i32
        %mul3A_369 = arith.constant 16 : i32
        %mul3A_370 = arith.muli %scan3A_205, %mul3A_369 : i32
        %add3A_371 = arith.constant 2 : i32
        %add3A_372 = arith.addi %mul3A_370, %add3A_371 : i32
        %jit3A_373 = arith.constant 2 : i32
        %div3A_374 = arith.divsi %add3A_372, %jit3A_373 : i32
        %sign3A_375 = arith.constant 0 : i32
        %sign3A_376 = arith.cmpi sgt, %add3A_372, %sign3A_375 : i32
        %sign3A_377 = arith.extui %sign3A_376 : i1 to i32
        %sign3A_378 = arith.constant 0 : i32
        %sign3A_379 = arith.cmpi slt, %add3A_372, %sign3A_378 : i32
        %sign3A_380 = arith.extui %sign3A_379 : i1 to i32
        %sign3A_381 = arith.subi %sign3A_377, %sign3A_380 : i32
        %sign3A_382 = arith.constant 0 : i32
        %sign3A_383 = arith.cmpi sgt, %jit3A_373, %sign3A_382 : i32
        %sign3A_384 = arith.extui %sign3A_383 : i1 to i32
        %sign3A_385 = arith.constant 0 : i32
        %sign3A_386 = arith.cmpi slt, %jit3A_373, %sign3A_385 : i32
        %sign3A_387 = arith.extui %sign3A_386 : i1 to i32
        %sign3A_388 = arith.subi %sign3A_384, %sign3A_387 : i32
        %ne3A_389 = arith.cmpi ne, %sign3A_381, %sign3A_388 : i32
        %rem3A_390 = arith.remsi %add3A_372, %jit3A_373 : i32
        %ne3A_391 = arith.constant 0 : i32
        %ne3A_392 = arith.cmpi ne, %rem3A_390, %ne3A_391 : i32
        %and3A_393 = arith.andi %ne3A_389, %ne3A_392 : i1
        %sub3A_394 = arith.constant 1 : i32
        %sub3A_395 = arith.subi %div3A_374, %sub3A_394 : i32
        %select_n3A_396 = arith.select %and3A_393, %sub3A_395, %div3A_374 : i32
        %add3A_397 = arith.constant 0 : i32
        %add3A_398 = arith.addi %and3A_368, %add3A_397 : i32
        %get3A_399 = arith.index_cast %add3A_372 : i32 to index
        %get3A_400 = arith.index_cast %add3A_398 : i32 to index
        %get3A_401 = tpu.vector_load %arg8[%get3A_399, %get3A_400] {strides = array<i32>} : memref<128x128xf32, #tpu.memory_space<vmem>>, vector<1x16xf32>,
        %get3A_402 = vector.shape_cast %get3A_401 : vector<1x16xf32> to vector<16xf32>
        %swap3A_403 = arith.index_cast %select_n3A_396 : i32 to index
        %swap3A_404 = arith.constant 0 : index
        %swap3A_405 = tpu.vector_load %arg9[%swap3A_403, %swap3A_404] {strides = array<i32>} : memref<64x128xf32, #tpu.memory_space<vmem>>, vector<1x16xf32>,
        %swap3A_406 = vector.shape_cast %swap3A_405 : vector<1x16xf32> to vector<16xf32>
        %swap3A_407 = vector.shape_cast %get3A_402 : vector<16xf32> to vector<1x16xf32>
        tpu.vector_store %arg9[%swap3A_403, %swap3A_404], %swap3A_407 {strides = array<i32>} : memref<64x128xf32, #tpu.memory_space<vmem>>, vector<1x16xf32>,
        %add3A_408 = arith.constant 16 : i32
        %add3A_409 = arith.addi %and3A_368, %add3A_408 : i32
        %get3A_410 = arith.index_cast %add3A_372 : i32 to index
        %get3A_411 = arith.index_cast %add3A_409 : i32 to index
        %get3A_412 = tpu.vector_load %arg8[%get3A_410, %get3A_411] {strides = array<i32>} : memref<128x128xf32, #tpu.memory_space<vmem>>, vector<1x16xf32>,
        %get3A_413 = vector.shape_cast %get3A_412 : vector<1x16xf32> to vector<16xf32>
        %swap3A_414 = arith.index_cast %select_n3A_396 : i32 to index
        %swap3A_415 = arith.constant 16 : index
        %swap3A_416 = tpu.vector_load %arg9[%swap3A_414, %swap3A_415] {strides = array<i32>} : memref<64x128xf32, #tpu.memory_space<vmem>>, vector<1x16xf32>,
        %swap3A_417 = vector.shape_cast %swap3A_416 : vector<1x16xf32> to vector<16xf32>
        %swap3A_418 = vector.shape_cast %get3A_413 : vector<16xf32> to vector<1x16xf32>
        tpu.vector_store %arg9[%swap3A_414, %swap3A_415], %swap3A_418 {strides = array<i32>} : memref<64x128xf32, #tpu.memory_space<vmem>>, vector<1x16xf32>,
        %add3A_419 = arith.constant 32 : i32
        %add3A_420 = arith.addi %and3A_368, %add3A_419 : i32
        %get3A_421 = arith.index_cast %add3A_372 : i32 to index
        %get3A_422 = arith.index_cast %add3A_420 : i32 to index
        %get3A_423 = tpu.vector_load %arg8[%get3A_421, %get3A_422] {strides = array<i32>} : memref<128x128xf32, #tpu.memory_space<vmem>>, vector<1x16xf32>,
        %get3A_424 = vector.shape_cast %get3A_423 : vector<1x16xf32> to vector<16xf32>
        %swap3A_425 = arith.index_cast %select_n3A_396 : i32 to index
        %swap3A_426 = arith.constant 32 : index
        %swap3A_427 = tpu.vector_load %arg9[%swap3A_425, %swap3A_426] {strides = array<i32>} : memref<64x128xf32, #tpu.memory_space<vmem>>, vector<1x16xf32>,
        %swap3A_428 = vector.shape_cast %swap3A_427 : vector<1x16xf32> to vector<16xf32>
        %swap3A_429 = vector.shape_cast %get3A_424 : vector<16xf32> to vector<1x16xf32>
        tpu.vector_store %arg9[%swap3A_425, %swap3A_426], %swap3A_429 {strides = array<i32>} : memref<64x128xf32, #tpu.memory_space<vmem>>, vector<1x16xf32>,
        %add3A_430 = arith.constant 48 : i32
        %add3A_431 = arith.addi %and3A_368, %add3A_430 : i32
        %get3A_432 = arith.index_cast %add3A_372 : i32 to index
        %get3A_433 = arith.index_cast %add3A_431 : i32 to index
        %get3A_434 = tpu.vector_load %arg8[%get3A_432, %get3A_433] {strides = array<i32>} : memref<128x128xf32, #tpu.memory_space<vmem>>, vector<1x16xf32>,
        %get3A_435 = vector.shape_cast %get3A_434 : vector<1x16xf32> to vector<16xf32>
        %swap3A_436 = arith.index_cast %select_n3A_396 : i32 to index
        %swap3A_437 = arith.constant 48 : index
        %swap3A_438 = tpu.vector_load %arg9[%swap3A_436, %swap3A_437] {strides = array<i32>} : memref<64x128xf32, #tpu.memory_space<vmem>>, vector<1x16xf32>,
        %swap3A_439 = vector.shape_cast %swap3A_438 : vector<1x16xf32> to vector<16xf32>
        %swap3A_440 = vector.shape_cast %get3A_435 : vector<16xf32> to vector<1x16xf32>
        tpu.vector_store %arg9[%swap3A_436, %swap3A_437], %swap3A_440 {strides = array<i32>} : memref<64x128xf32, #tpu.memory_space<vmem>>, vector<1x16xf32>,
        %slice3A_441 = vector.extract_strided_slice %get3A_210 {offsets = [3], sizes = [1], strides = [1]} : vector<16xi32> to vector<1xi32>
        %squeeze3A_442 = vector.extract %slice3A_441[0] : i32 from vector<1xi32>
        %shift_right_logical3A_443 = arith.constant 7 : i32
        %shift_right_logical3A_444 = arith.shrui %squeeze3A_442, %shift_right_logical3A_443 : i32
        %and3A_445 = arith.constant 64 : i32
        %and3A_446 = arith.andi %shift_right_logical3A_444, %and3A_445 : i32
        %mul3A_447 = arith.constant 16 : i32
        %mul3A_448 = arith.muli %scan3A_205, %mul3A_447 : i32
        %add3A_449 = arith.constant 3 : i32
        %add3A_450 = arith.addi %mul3A_448, %add3A_449 : i32
        %jit3A_451 = arith.constant 2 : i32
        %div3A_452 = arith.divsi %add3A_450, %jit3A_451 : i32
        %sign3A_453 = arith.constant 0 : i32
        %sign3A_454 = arith.cmpi sgt, %add3A_450, %sign3A_453 : i32
        %sign3A_455 = arith.extui %sign3A_454 : i1 to i32
        %sign3A_456 = arith.constant 0 : i32
        %sign3A_457 = arith.cmpi slt, %add3A_450, %sign3A_456 : i32
        %sign3A_458 = arith.extui %sign3A_457 : i1 to i32
        %sign3A_459 = arith.subi %sign3A_455, %sign3A_458 : i32
        %sign3A_460 = arith.constant 0 : i32
        %sign3A_461 = arith.cmpi sgt, %jit3A_451, %sign3A_460 : i32
        %sign3A_462 = arith.extui %sign3A_461 : i1 to i32
        %sign3A_463 = arith.constant 0 : i32
        %sign3A_464 = arith.cmpi slt, %jit3A_451, %sign3A_463 : i32
        %sign3A_465 = arith.extui %sign3A_464 : i1 to i32
        %sign3A_466 = arith.subi %sign3A_462, %sign3A_465 : i32
        %ne3A_467 = arith.cmpi ne, %sign3A_459, %sign3A_466 : i32
        %rem3A_468 = arith.remsi %add3A_450, %jit3A_451 : i32
        %ne3A_469 = arith.constant 0 : i32
        %ne3A_470 = arith.cmpi ne, %rem3A_468, %ne3A_469 : i32
        %and3A_471 = arith.andi %ne3A_467, %ne3A_470 : i1
        %sub3A_472 = arith.constant 1 : i32
        %sub3A_473 = arith.subi %div3A_452, %sub3A_472 : i32
        %select_n3A_474 = arith.select %and3A_471, %sub3A_473, %div3A_452 : i32
        %add3A_475 = arith.constant 0 : i32
        %add3A_476 = arith.addi %and3A_446, %add3A_475 : i32
        %get3A_477 = arith.index_cast %add3A_450 : i32 to index
        %get3A_478 = arith.index_cast %add3A_476 : i32 to index
        %get3A_479 = tpu.vector_load %arg8[%get3A_477, %get3A_478] {strides = array<i32>} : memref<128x128xf32, #tpu.memory_space<vmem>>, vector<1x16xf32>,
        %get3A_480 = vector.shape_cast %get3A_479 : vector<1x16xf32> to vector<16xf32>
        %swap3A_481 = arith.index_cast %select_n3A_474 : i32 to index
        %swap3A_482 = arith.constant 64 : index
        %swap3A_483 = tpu.vector_load %arg9[%swap3A_481, %swap3A_482] {strides = array<i32>} : memref<64x128xf32, #tpu.memory_space<vmem>>, vector<1x16xf32>,
        %swap3A_484 = vector.shape_cast %swap3A_483 : vector<1x16xf32> to vector<16xf32>
        %swap3A_485 = vector.shape_cast %get3A_480 : vector<16xf32> to vector<1x16xf32>
        tpu.vector_store %arg9[%swap3A_481, %swap3A_482], %swap3A_485 {strides = array<i32>} : memref<64x128xf32, #tpu.memory_space<vmem>>, vector<1x16xf32>,
        %add3A_486 = arith.constant 16 : i32
        %add3A_487 = arith.addi %and3A_446, %add3A_486 : i32
        %get3A_488 = arith.index_cast %add3A_450 : i32 to index
        %get3A_489 = arith.index_cast %add3A_487 : i32 to index
        %get3A_490 = tpu.vector_load %arg8[%get3A_488, %get3A_489] {strides = array<i32>} : memref<128x128xf32, #tpu.memory_space<vmem>>, vector<1x16xf32>,
        %get3A_491 = vector.shape_cast %get3A_490 : vector<1x16xf32> to vector<16xf32>
        %swap3A_492 = arith.index_cast %select_n3A_474 : i32 to index
        %swap3A_493 = arith.constant 80 : index
        %swap3A_494 = tpu.vector_load %arg9[%swap3A_492, %swap3A_493] {strides = array<i32>} : memref<64x128xf32, #tpu.memory_space<vmem>>, vector<1x16xf32>,
        %swap3A_495 = vector.shape_cast %swap3A_494 : vector<1x16xf32> to vector<16xf32>
        %swap3A_496 = vector.shape_cast %get3A_491 : vector<16xf32> to vector<1x16xf32>
        tpu.vector_store %arg9[%swap3A_492, %swap3A_493], %swap3A_496 {strides = array<i32>} : memref<64x128xf32, #tpu.memory_space<vmem>>, vector<1x16xf32>,
        %add3A_497 = arith.constant 32 : i32
        %add3A_498 = arith.addi %and3A_446, %add3A_497 : i32
        %get3A_499 = arith.index_cast %add3A_450 : i32 to index
        %get3A_500 = arith.index_cast %add3A_498 : i32 to index
        %get3A_501 = tpu.vector_load %arg8[%get3A_499, %get3A_500] {strides = array<i32>} : memref<128x128xf32, #tpu.memory_space<vmem>>, vector<1x16xf32>,
        %get3A_502 = vector.shape_cast %get3A_501 : vector<1x16xf32> to vector<16xf32>
        %swap3A_503 = arith.index_cast %select_n3A_474 : i32 to index
        %swap3A_504 = arith.constant 96 : index
        %swap3A_505 = tpu.vector_load %arg9[%swap3A_503, %swap3A_504] {strides = array<i32>} : memref<64x128xf32, #tpu.memory_space<vmem>>, vector<1x16xf32>,
        %swap3A_506 = vector.shape_cast %swap3A_505 : vector<1x16xf32> to vector<16xf32>
        %swap3A_507 = vector.shape_cast %get3A_502 : vector<16xf32> to vector<1x16xf32>
        tpu.vector_store %arg9[%swap3A_503, %swap3A_504], %swap3A_507 {strides = array<i32>} : memref<64x128xf32, #tpu.memory_space<vmem>>, vector<1x16xf32>,
        %add3A_508 = arith.constant 48 : i32
        %add3A_509 = arith.addi %and3A_446, %add3A_508 : i32
        %get3A_510 = arith.index_cast %add3A_450 : i32 to index
        %get3A_511 = arith.index_cast %add3A_509 : i32 to index
        %get3A_512 = tpu.vector_load %arg8[%get3A_510, %get3A_511] {strides = array<i32>} : memref<128x128xf32, #tpu.memory_space<vmem>>, vector<1x16xf32>,
        %get3A_513 = vector.shape_cast %get3A_512 : vector<1x16xf32> to vector<16xf32>
        %swap3A_514 = arith.index_cast %select_n3A_474 : i32 to index
        %swap3A_515 = arith.constant 112 : index
        %swap3A_516 = tpu.vector_load %arg9[%swap3A_514, %swap3A_515] {strides = array<i32>} : memref<64x128xf32, #tpu.memory_space<vmem>>, vector<1x16xf32>,
        %swap3A_517 = vector.shape_cast %swap3A_516 : vector<1x16xf32> to vector<16xf32>
        %swap3A_518 = vector.shape_cast %get3A_513 : vector<16xf32> to vector<1x16xf32>
        tpu.vector_store %arg9[%swap3A_514, %swap3A_515], %swap3A_518 {strides = array<i32>} : memref<64x128xf32, #tpu.memory_space<vmem>>, vector<1x16xf32>,
        %slice3A_519 = vector.extract_strided_slice %get3A_210 {offsets = [4], sizes = [1], strides = [1]} : vector<16xi32> to vector<1xi32>
        %squeeze3A_520 = vector.extract %slice3A_519[0] : i32 from vector<1xi32>
        %shift_right_logical3A_521 = arith.constant 7 : i32
        %shift_right_logical3A_522 = arith.shrui %squeeze3A_520, %shift_right_logical3A_521 : i32
        %and3A_523 = arith.constant 64 : i32
        %and3A_524 = arith.andi %shift_right_logical3A_522, %and3A_523 : i32
        %mul3A_525 = arith.constant 16 : i32
        %mul3A_526 = arith.muli %scan3A_205, %mul3A_525 : i32
        %add3A_527 = arith.constant 4 : i32
        %add3A_528 = arith.addi %mul3A_526, %add3A_527 : i32
        %jit3A_529 = arith.constant 2 : i32
        %div3A_530 = arith.divsi %add3A_528, %jit3A_529 : i32
        %sign3A_531 = arith.constant 0 : i32
        %sign3A_532 = arith.cmpi sgt, %add3A_528, %sign3A_531 : i32
        %sign3A_533 = arith.extui %sign3A_532 : i1 to i32
        %sign3A_534 = arith.constant 0 : i32
        %sign3A_535 = arith.cmpi slt, %add3A_528, %sign3A_534 : i32
        %sign3A_536 = arith.extui %sign3A_535 : i1 to i32
        %sign3A_537 = arith.subi %sign3A_533, %sign3A_536 : i32
        %sign3A_538 = arith.constant 0 : i32
        %sign3A_539 = arith.cmpi sgt, %jit3A_529, %sign3A_538 : i32
        %sign3A_540 = arith.extui %sign3A_539 : i1 to i32
        %sign3A_541 = arith.constant 0 : i32
        %sign3A_542 = arith.cmpi slt, %jit3A_529, %sign3A_541 : i32
        %sign3A_543 = arith.extui %sign3A_542 : i1 to i32
        %sign3A_544 = arith.subi %sign3A_540, %sign3A_543 : i32
        %ne3A_545 = arith.cmpi ne, %sign3A_537, %sign3A_544 : i32
        %rem3A_546 = arith.remsi %add3A_528, %jit3A_529 : i32
        %ne3A_547 = arith.constant 0 : i32
        %ne3A_548 = arith.cmpi ne, %rem3A_546, %ne3A_547 : i32
        %and3A_549 = arith.andi %ne3A_545, %ne3A_548 : i1
        %sub3A_550 = arith.constant 1 : i32
        %sub3A_551 = arith.subi %div3A_530, %sub3A_550 : i32
        %select_n3A_552 = arith.select %and3A_549, %sub3A_551, %div3A_530 : i32
        %add3A_553 = arith.constant 0 : i32
        %add3A_554 = arith.addi %and3A_524, %add3A_553 : i32
        %get3A_555 = arith.index_cast %add3A_528 : i32 to index
        %get3A_556 = arith.index_cast %add3A_554 : i32 to index
        %get3A_557 = tpu.vector_load %arg8[%get3A_555, %get3A_556] {strides = array<i32>} : memref<128x128xf32, #tpu.memory_space<vmem>>, vector<1x16xf32>,
        %get3A_558 = vector.shape_cast %get3A_557 : vector<1x16xf32> to vector<16xf32>
        %swap3A_559 = arith.index_cast %select_n3A_552 : i32 to index
        %swap3A_560 = arith.constant 0 : index
        %swap3A_561 = tpu.vector_load %arg9[%swap3A_559, %swap3A_560] {strides = array<i32>} : memref<64x128xf32, #tpu.memory_space<vmem>>, vector<1x16xf32>,
        %swap3A_562 = vector.shape_cast %swap3A_561 : vector<1x16xf32> to vector<16xf32>
        %swap3A_563 = vector.shape_cast %get3A_558 : vector<16xf32> to vector<1x16xf32>
        tpu.vector_store %arg9[%swap3A_559, %swap3A_560], %swap3A_563 {strides = array<i32>} : memref<64x128xf32, #tpu.memory_space<vmem>>, vector<1x16xf32>,
        %add3A_564 = arith.constant 16 : i32
        %add3A_565 = arith.addi %and3A_524, %add3A_564 : i32
        %get3A_566 = arith.index_cast %add3A_528 : i32 to index
        %get3A_567 = arith.index_cast %add3A_565 : i32 to index
        %get3A_568 = tpu.vector_load %arg8[%get3A_566, %get3A_567] {strides = array<i32>} : memref<128x128xf32, #tpu.memory_space<vmem>>, vector<1x16xf32>,
        %get3A_569 = vector.shape_cast %get3A_568 : vector<1x16xf32> to vector<16xf32>
        %swap3A_570 = arith.index_cast %select_n3A_552 : i32 to index
        %swap3A_571 = arith.constant 16 : index
        %swap3A_572 = tpu.vector_load %arg9[%swap3A_570, %swap3A_571] {strides = array<i32>} : memref<64x128xf32, #tpu.memory_space<vmem>>, vector<1x16xf32>,
        %swap3A_573 = vector.shape_cast %swap3A_572 : vector<1x16xf32> to vector<16xf32>
        %swap3A_574 = vector.shape_cast %get3A_569 : vector<16xf32> to vector<1x16xf32>
        tpu.vector_store %arg9[%swap3A_570, %swap3A_571], %swap3A_574 {strides = array<i32>} : memref<64x128xf32, #tpu.memory_space<vmem>>, vector<1x16xf32>,
        %add3A_575 = arith.constant 32 : i32
        %add3A_576 = arith.addi %and3A_524, %add3A_575 : i32
        %get3A_577 = arith.index_cast %add3A_528 : i32 to index
        %get3A_578 = arith.index_cast %add3A_576 : i32 to index
        %get3A_579 = tpu.vector_load %arg8[%get3A_577, %get3A_578] {strides = array<i32>} : memref<128x128xf32, #tpu.memory_space<vmem>>, vector<1x16xf32>,
        %get3A_580 = vector.shape_cast %get3A_579 : vector<1x16xf32> to vector<16xf32>
        %swap3A_581 = arith.index_cast %select_n3A_552 : i32 to index
        %swap3A_582 = arith.constant 32 : index
        %swap3A_583 = tpu.vector_load %arg9[%swap3A_581, %swap3A_582] {strides = array<i32>} : memref<64x128xf32, #tpu.memory_space<vmem>>, vector<1x16xf32>,
        %swap3A_584 = vector.shape_cast %swap3A_583 : vector<1x16xf32> to vector<16xf32>
        %swap3A_585 = vector.shape_cast %get3A_580 : vector<16xf32> to vector<1x16xf32>
        tpu.vector_store %arg9[%swap3A_581, %swap3A_582], %swap3A_585 {strides = array<i32>} : memref<64x128xf32, #tpu.memory_space<vmem>>, vector<1x16xf32>,
        %add3A_586 = arith.constant 48 : i32
        %add3A_587 = arith.addi %and3A_524, %add3A_586 : i32
        %get3A_588 = arith.index_cast %add3A_528 : i32 to index
        %get3A_589 = arith.index_cast %add3A_587 : i32 to index
        %get3A_590 = tpu.vector_load %arg8[%get3A_588, %get3A_589] {strides = array<i32>} : memref<128x128xf32, #tpu.memory_space<vmem>>, vector<1x16xf32>,
        %get3A_591 = vector.shape_cast %get3A_590 : vector<1x16xf32> to vector<16xf32>
        %swap3A_592 = arith.index_cast %select_n3A_552 : i32 to index
        %swap3A_593 = arith.constant 48 : index
        %swap3A_594 = tpu.vector_load %arg9[%swap3A_592, %swap3A_593] {strides = array<i32>} : memref<64x128xf32, #tpu.memory_space<vmem>>, vector<1x16xf32>,
        %swap3A_595 = vector.shape_cast %swap3A_594 : vector<1x16xf32> to vector<16xf32>
        %swap3A_596 = vector.shape_cast %get3A_591 : vector<16xf32> to vector<1x16xf32>
        tpu.vector_store %arg9[%swap3A_592, %swap3A_593], %swap3A_596 {strides = array<i32>} : memref<64x128xf32, #tpu.memory_space<vmem>>, vector<1x16xf32>,
        %slice3A_597 = vector.extract_strided_slice %get3A_210 {offsets = [5], sizes = [1], strides = [1]} : vector<16xi32> to vector<1xi32>
        %squeeze3A_598 = vector.extract %slice3A_597[0] : i32 from vector<1xi32>
        %shift_right_logical3A_599 = arith.constant 7 : i32
        %shift_right_logical3A_600 = arith.shrui %squeeze3A_598, %shift_right_logical3A_599 : i32
        %and3A_601 = arith.constant 64 : i32
        %and3A_602 = arith.andi %shift_right_logical3A_600, %and3A_601 : i32
        %mul3A_603 = arith.constant 16 : i32
        %mul3A_604 = arith.muli %scan3A_205, %mul3A_603 : i32
        %add3A_605 = arith.constant 5 : i32
        %add3A_606 = arith.addi %mul3A_604, %add3A_605 : i32
        %jit3A_607 = arith.constant 2 : i32
        %div3A_608 = arith.divsi %add3A_606, %jit3A_607 : i32
        %sign3A_609 = arith.constant 0 : i32
        %sign3A_610 = arith.cmpi sgt, %add3A_606, %sign3A_609 : i32
        %sign3A_611 = arith.extui %sign3A_610 : i1 to i32
        %sign3A_612 = arith.constant 0 : i32
        %sign3A_613 = arith.cmpi slt, %add3A_606, %sign3A_612 : i32
        %sign3A_614 = arith.extui %sign3A_613 : i1 to i32
        %sign3A_615 = arith.subi %sign3A_611, %sign3A_614 : i32
        %sign3A_616 = arith.constant 0 : i32
        %sign3A_617 = arith.cmpi sgt, %jit3A_607, %sign3A_616 : i32
        %sign3A_618 = arith.extui %sign3A_617 : i1 to i32
        %sign3A_619 = arith.constant 0 : i32
        %sign3A_620 = arith.cmpi slt, %jit3A_607, %sign3A_619 : i32
        %sign3A_621 = arith.extui %sign3A_620 : i1 to i32
        %sign3A_622 = arith.subi %sign3A_618, %sign3A_621 : i32
        %ne3A_623 = arith.cmpi ne, %sign3A_615, %sign3A_622 : i32
        %rem3A_624 = arith.remsi %add3A_606, %jit3A_607 : i32
        %ne3A_625 = arith.constant 0 : i32
        %ne3A_626 = arith.cmpi ne, %rem3A_624, %ne3A_625 : i32
        %and3A_627 = arith.andi %ne3A_623, %ne3A_626 : i1
        %sub3A_628 = arith.constant 1 : i32
        %sub3A_629 = arith.subi %div3A_608, %sub3A_628 : i32
        %select_n3A_630 = arith.select %and3A_627, %sub3A_629, %div3A_608 : i32
        %add3A_631 = arith.constant 0 : i32
        %add3A_632 = arith.addi %and3A_602, %add3A_631 : i32
        %get3A_633 = arith.index_cast %add3A_606 : i32 to index
        %get3A_634 = arith.index_cast %add3A_632 : i32 to index
        %get3A_635 = tpu.vector_load %arg8[%get3A_633, %get3A_634] {strides = array<i32>} : memref<128x128xf32, #tpu.memory_space<vmem>>, vector<1x16xf32>,
        %get3A_636 = vector.shape_cast %get3A_635 : vector<1x16xf32> to vector<16xf32>
        %swap3A_637 = arith.index_cast %select_n3A_630 : i32 to index
        %swap3A_638 = arith.constant 64 : index
        %swap3A_639 = tpu.vector_load %arg9[%swap3A_637, %swap3A_638] {strides = array<i32>} : memref<64x128xf32, #tpu.memory_space<vmem>>, vector<1x16xf32>,
        %swap3A_640 = vector.shape_cast %swap3A_639 : vector<1x16xf32> to vector<16xf32>
        %swap3A_641 = vector.shape_cast %get3A_636 : vector<16xf32> to vector<1x16xf32>
        tpu.vector_store %arg9[%swap3A_637, %swap3A_638], %swap3A_641 {strides = array<i32>} : memref<64x128xf32, #tpu.memory_space<vmem>>, vector<1x16xf32>,
        %add3A_642 = arith.constant 16 : i32
        %add3A_643 = arith.addi %and3A_602, %add3A_642 : i32
        %get3A_644 = arith.index_cast %add3A_606 : i32 to index
        %get3A_645 = arith.index_cast %add3A_643 : i32 to index
        %get3A_646 = tpu.vector_load %arg8[%get3A_644, %get3A_645] {strides = array<i32>} : memref<128x128xf32, #tpu.memory_space<vmem>>, vector<1x16xf32>,
        %get3A_647 = vector.shape_cast %get3A_646 : vector<1x16xf32> to vector<16xf32>
        %swap3A_648 = arith.index_cast %select_n3A_630 : i32 to index
        %swap3A_649 = arith.constant 80 : index
        %swap3A_650 = tpu.vector_load %arg9[%swap3A_648, %swap3A_649] {strides = array<i32>} : memref<64x128xf32, #tpu.memory_space<vmem>>, vector<1x16xf32>,
        %swap3A_651 = vector.shape_cast %swap3A_650 : vector<1x16xf32> to vector<16xf32>
        %swap3A_652 = vector.shape_cast %get3A_647 : vector<16xf32> to vector<1x16xf32>
        tpu.vector_store %arg9[%swap3A_648, %swap3A_649], %swap3A_652 {strides = array<i32>} : memref<64x128xf32, #tpu.memory_space<vmem>>, vector<1x16xf32>,
        %add3A_653 = arith.constant 32 : i32
        %add3A_654 = arith.addi %and3A_602, %add3A_653 : i32
        %get3A_655 = arith.index_cast %add3A_606 : i32 to index
        %get3A_656 = arith.index_cast %add3A_654 : i32 to index
        %get3A_657 = tpu.vector_load %arg8[%get3A_655, %get3A_656] {strides = array<i32>} : memref<128x128xf32, #tpu.memory_space<vmem>>, vector<1x16xf32>,
        %get3A_658 = vector.shape_cast %get3A_657 : vector<1x16xf32> to vector<16xf32>
        %swap3A_659 = arith.index_cast %select_n3A_630 : i32 to index
        %swap3A_660 = arith.constant 96 : index
        %swap3A_661 = tpu.vector_load %arg9[%swap3A_659, %swap3A_660] {strides = array<i32>} : memref<64x128xf32, #tpu.memory_space<vmem>>, vector<1x16xf32>,
        %swap3A_662 = vector.shape_cast %swap3A_661 : vector<1x16xf32> to vector<16xf32>
        %swap3A_663 = vector.shape_cast %get3A_658 : vector<16xf32> to vector<1x16xf32>
        tpu.vector_store %arg9[%swap3A_659, %swap3A_660], %swap3A_663 {strides = array<i32>} : memref<64x128xf32, #tpu.memory_space<vmem>>, vector<1x16xf32>,
        %add3A_664 = arith.constant 48 : i32
        %add3A_665 = arith.addi %and3A_602, %add3A_664 : i32
        %get3A_666 = arith.index_cast %add3A_606 : i32 to index
        %get3A_667 = arith.index_cast %add3A_665 : i32 to index
        %get3A_668 = tpu.vector_load %arg8[%get3A_666, %get3A_667] {strides = array<i32>} : memref<128x128xf32, #tpu.memory_space<vmem>>, vector<1x16xf32>,
        %get3A_669 = vector.shape_cast %get3A_668 : vector<1x16xf32> to vector<16xf32>
        %swap3A_670 = arith.index_cast %select_n3A_630 : i32 to index
        %swap3A_671 = arith.constant 112 : index
        %swap3A_672 = tpu.vector_load %arg9[%swap3A_670, %swap3A_671] {strides = array<i32>} : memref<64x128xf32, #tpu.memory_space<vmem>>, vector<1x16xf32>,
        %swap3A_673 = vector.shape_cast %swap3A_672 : vector<1x16xf32> to vector<16xf32>
        %swap3A_674 = vector.shape_cast %get3A_669 : vector<16xf32> to vector<1x16xf32>
        tpu.vector_store %arg9[%swap3A_670, %swap3A_671], %swap3A_674 {strides = array<i32>} : memref<64x128xf32, #tpu.memory_space<vmem>>, vector<1x16xf32>,
        %slice3A_675 = vector.extract_strided_slice %get3A_210 {offsets = [6], sizes = [1], strides = [1]} : vector<16xi32> to vector<1xi32>
        %squeeze3A_676 = vector.extract %slice3A_675[0] : i32 from vector<1xi32>
        %shift_right_logical3A_677 = arith.constant 7 : i32
        %shift_right_logical3A_678 = arith.shrui %squeeze3A_676, %shift_right_logical3A_677 : i32
        %and3A_679 = arith.constant 64 : i32
        %and3A_680 = arith.andi %shift_right_logical3A_678, %and3A_679 : i32
        %mul3A_681 = arith.constant 16 : i32
        %mul3A_682 = arith.muli %scan3A_205, %mul3A_681 : i32
        %add3A_683 = arith.constant 6 : i32
        %add3A_684 = arith.addi %mul3A_682, %add3A_683 : i32
        %jit3A_685 = arith.constant 2 : i32
        %div3A_686 = arith.divsi %add3A_684, %jit3A_685 : i32
        %sign3A_687 = arith.constant 0 : i32
        %sign3A_688 = arith.cmpi sgt, %add3A_684, %sign3A_687 : i32
        %sign3A_689 = arith.extui %sign3A_688 : i1 to i32
        %sign3A_690 = arith.constant 0 : i32
        %sign3A_691 = arith.cmpi slt, %add3A_684, %sign3A_690 : i32
        %sign3A_692 = arith.extui %sign3A_691 : i1 to i32
        %sign3A_693 = arith.subi %sign3A_689, %sign3A_692 : i32
        %sign3A_694 = arith.constant 0 : i32
        %sign3A_695 = arith.cmpi sgt, %jit3A_685, %sign3A_694 : i32
        %sign3A_696 = arith.extui %sign3A_695 : i1 to i32
        %sign3A_697 = arith.constant 0 : i32
        %sign3A_698 = arith.cmpi slt, %jit3A_685, %sign3A_697 : i32
        %sign3A_699 = arith.extui %sign3A_698 : i1 to i32
        %sign3A_700 = arith.subi %sign3A_696, %sign3A_699 : i32
        %ne3A_701 = arith.cmpi ne, %sign3A_693, %sign3A_700 : i32
        %rem3A_702 = arith.remsi %add3A_684, %jit3A_685 : i32
        %ne3A_703 = arith.constant 0 : i32
        %ne3A_704 = arith.cmpi ne, %rem3A_702, %ne3A_703 : i32
        %and3A_705 = arith.andi %ne3A_701, %ne3A_704 : i1
        %sub3A_706 = arith.constant 1 : i32
        %sub3A_707 = arith.subi %div3A_686, %sub3A_706 : i32
        %select_n3A_708 = arith.select %and3A_705, %sub3A_707, %div3A_686 : i32
        %add3A_709 = arith.constant 0 : i32
        %add3A_710 = arith.addi %and3A_680, %add3A_709 : i32
        %get3A_711 = arith.index_cast %add3A_684 : i32 to index
        %get3A_712 = arith.index_cast %add3A_710 : i32 to index
        %get3A_713 = tpu.vector_load %arg8[%get3A_711, %get3A_712] {strides = array<i32>} : memref<128x128xf32, #tpu.memory_space<vmem>>, vector<1x16xf32>,
        %get3A_714 = vector.shape_cast %get3A_713 : vector<1x16xf32> to vector<16xf32>
        %swap3A_715 = arith.index_cast %select_n3A_708 : i32 to index
        %swap3A_716 = arith.constant 0 : index
        %swap3A_717 = tpu.vector_load %arg9[%swap3A_715, %swap3A_716] {strides = array<i32>} : memref<64x128xf32, #tpu.memory_space<vmem>>, vector<1x16xf32>,
        %swap3A_718 = vector.shape_cast %swap3A_717 : vector<1x16xf32> to vector<16xf32>
        %swap3A_719 = vector.shape_cast %get3A_714 : vector<16xf32> to vector<1x16xf32>
        tpu.vector_store %arg9[%swap3A_715, %swap3A_716], %swap3A_719 {strides = array<i32>} : memref<64x128xf32, #tpu.memory_space<vmem>>, vector<1x16xf32>,
        %add3A_720 = arith.constant 16 : i32
        %add3A_721 = arith.addi %and3A_680, %add3A_720 : i32
        %get3A_722 = arith.index_cast %add3A_684 : i32 to index
        %get3A_723 = arith.index_cast %add3A_721 : i32 to index
        %get3A_724 = tpu.vector_load %arg8[%get3A_722, %get3A_723] {strides = array<i32>} : memref<128x128xf32, #tpu.memory_space<vmem>>, vector<1x16xf32>,
        %get3A_725 = vector.shape_cast %get3A_724 : vector<1x16xf32> to vector<16xf32>
        %swap3A_726 = arith.index_cast %select_n3A_708 : i32 to index
        %swap3A_727 = arith.constant 16 : index
        %swap3A_728 = tpu.vector_load %arg9[%swap3A_726, %swap3A_727] {strides = array<i32>} : memref<64x128xf32, #tpu.memory_space<vmem>>, vector<1x16xf32>,
        %swap3A_729 = vector.shape_cast %swap3A_728 : vector<1x16xf32> to vector<16xf32>
        %swap3A_730 = vector.shape_cast %get3A_725 : vector<16xf32> to vector<1x16xf32>
        tpu.vector_store %arg9[%swap3A_726, %swap3A_727], %swap3A_730 {strides = array<i32>} : memref<64x128xf32, #tpu.memory_space<vmem>>, vector<1x16xf32>,
        %add3A_731 = arith.constant 32 : i32
        %add3A_732 = arith.addi %and3A_680, %add3A_731 : i32
        %get3A_733 = arith.index_cast %add3A_684 : i32 to index
        %get3A_734 = arith.index_cast %add3A_732 : i32 to index
        %get3A_735 = tpu.vector_load %arg8[%get3A_733, %get3A_734] {strides = array<i32>} : memref<128x128xf32, #tpu.memory_space<vmem>>, vector<1x16xf32>,
        %get3A_736 = vector.shape_cast %get3A_735 : vector<1x16xf32> to vector<16xf32>
        %swap3A_737 = arith.index_cast %select_n3A_708 : i32 to index
        %swap3A_738 = arith.constant 32 : index
        %swap3A_739 = tpu.vector_load %arg9[%swap3A_737, %swap3A_738] {strides = array<i32>} : memref<64x128xf32, #tpu.memory_space<vmem>>, vector<1x16xf32>,
        %swap3A_740 = vector.shape_cast %swap3A_739 : vector<1x16xf32> to vector<16xf32>
        %swap3A_741 = vector.shape_cast %get3A_736 : vector<16xf32> to vector<1x16xf32>
        tpu.vector_store %arg9[%swap3A_737, %swap3A_738], %swap3A_741 {strides = array<i32>} : memref<64x128xf32, #tpu.memory_space<vmem>>, vector<1x16xf32>,
        %add3A_742 = arith.constant 48 : i32
        %add3A_743 = arith.addi %and3A_680, %add3A_742 : i32
        %get3A_744 = arith.index_cast %add3A_684 : i32 to index
        %get3A_745 = arith.index_cast %add3A_743 : i32 to index
        %get3A_746 = tpu.vector_load %arg8[%get3A_744, %get3A_745] {strides = array<i32>} : memref<128x128xf32, #tpu.memory_space<vmem>>, vector<1x16xf32>,
        %get3A_747 = vector.shape_cast %get3A_746 : vector<1x16xf32> to vector<16xf32>
        %swap3A_748 = arith.index_cast %select_n3A_708 : i32 to index
        %swap3A_749 = arith.constant 48 : index
        %swap3A_750 = tpu.vector_load %arg9[%swap3A_748, %swap3A_749] {strides = array<i32>} : memref<64x128xf32, #tpu.memory_space<vmem>>, vector<1x16xf32>,
        %swap3A_751 = vector.shape_cast %swap3A_750 : vector<1x16xf32> to vector<16xf32>
        %swap3A_752 = vector.shape_cast %get3A_747 : vector<16xf32> to vector<1x16xf32>
        tpu.vector_store %arg9[%swap3A_748, %swap3A_749], %swap3A_752 {strides = array<i32>} : memref<64x128xf32, #tpu.memory_space<vmem>>, vector<1x16xf32>,
        %slice3A_753 = vector.extract_strided_slice %get3A_210 {offsets = [7], sizes = [1], strides = [1]} : vector<16xi32> to vector<1xi32>
        %squeeze3A_754 = vector.extract %slice3A_753[0] : i32 from vector<1xi32>
        %shift_right_logical3A_755 = arith.constant 7 : i32
        %shift_right_logical3A_756 = arith.shrui %squeeze3A_754, %shift_right_logical3A_755 : i32
        %and3A_757 = arith.constant 64 : i32
        %and3A_758 = arith.andi %shift_right_logical3A_756, %and3A_757 : i32
        %mul3A_759 = arith.constant 16 : i32
        %mul3A_760 = arith.muli %scan3A_205, %mul3A_759 : i32
        %add3A_761 = arith.constant 7 : i32
        %add3A_762 = arith.addi %mul3A_760, %add3A_761 : i32
        %jit3A_763 = arith.constant 2 : i32
        %div3A_764 = arith.divsi %add3A_762, %jit3A_763 : i32
        %sign3A_765 = arith.constant 0 : i32
        %sign3A_766 = arith.cmpi sgt, %add3A_762, %sign3A_765 : i32
        %sign3A_767 = arith.extui %sign3A_766 : i1 to i32
        %sign3A_768 = arith.constant 0 : i32
        %sign3A_769 = arith.cmpi slt, %add3A_762, %sign3A_768 : i32
        %sign3A_770 = arith.extui %sign3A_769 : i1 to i32
        %sign3A_771 = arith.subi %sign3A_767, %sign3A_770 : i32
        %sign3A_772 = arith.constant 0 : i32
        %sign3A_773 = arith.cmpi sgt, %jit3A_763, %sign3A_772 : i32
        %sign3A_774 = arith.extui %sign3A_773 : i1 to i32
        %sign3A_775 = arith.constant 0 : i32
        %sign3A_776 = arith.cmpi slt, %jit3A_763, %sign3A_775 : i32
        %sign3A_777 = arith.extui %sign3A_776 : i1 to i32
        %sign3A_778 = arith.subi %sign3A_774, %sign3A_777 : i32
        %ne3A_779 = arith.cmpi ne, %sign3A_771, %sign3A_778 : i32
        %rem3A_780 = arith.remsi %add3A_762, %jit3A_763 : i32
        %ne3A_781 = arith.constant 0 : i32
        %ne3A_782 = arith.cmpi ne, %rem3A_780, %ne3A_781 : i32
        %and3A_783 = arith.andi %ne3A_779, %ne3A_782 : i1
        %sub3A_784 = arith.constant 1 : i32
        %sub3A_785 = arith.subi %div3A_764, %sub3A_784 : i32
        %select_n3A_786 = arith.select %and3A_783, %sub3A_785, %div3A_764 : i32
        %add3A_787 = arith.constant 0 : i32
        %add3A_788 = arith.addi %and3A_758, %add3A_787 : i32
        %get3A_789 = arith.index_cast %add3A_762 : i32 to index
        %get3A_790 = arith.index_cast %add3A_788 : i32 to index
        %get3A_791 = tpu.vector_load %arg8[%get3A_789, %get3A_790] {strides = array<i32>} : memref<128x128xf32, #tpu.memory_space<vmem>>, vector<1x16xf32>,
        %get3A_792 = vector.shape_cast %get3A_791 : vector<1x16xf32> to vector<16xf32>
        %swap3A_793 = arith.index_cast %select_n3A_786 : i32 to index
        %swap3A_794 = arith.constant 64 : index
        %swap3A_795 = tpu.vector_load %arg9[%swap3A_793, %swap3A_794] {strides = array<i32>} : memref<64x128xf32, #tpu.memory_space<vmem>>, vector<1x16xf32>,
        %swap3A_796 = vector.shape_cast %swap3A_795 : vector<1x16xf32> to vector<16xf32>
        %swap3A_797 = vector.shape_cast %get3A_792 : vector<16xf32> to vector<1x16xf32>
        tpu.vector_store %arg9[%swap3A_793, %swap3A_794], %swap3A_797 {strides = array<i32>} : memref<64x128xf32, #tpu.memory_space<vmem>>, vector<1x16xf32>,
        %add3A_798 = arith.constant 16 : i32
        %add3A_799 = arith.addi %and3A_758, %add3A_798 : i32
        %get3A_800 = arith.index_cast %add3A_762 : i32 to index
        %get3A_801 = arith.index_cast %add3A_799 : i32 to index
        %get3A_802 = tpu.vector_load %arg8[%get3A_800, %get3A_801] {strides = array<i32>} : memref<128x128xf32, #tpu.memory_space<vmem>>, vector<1x16xf32>,
        %get3A_803 = vector.shape_cast %get3A_802 : vector<1x16xf32> to vector<16xf32>
        %swap3A_804 = arith.index_cast %select_n3A_786 : i32 to index
        %swap3A_805 = arith.constant 80 : index
        %swap3A_806 = tpu.vector_load %arg9[%swap3A_804, %swap3A_805] {strides = array<i32>} : memref<64x128xf32, #tpu.memory_space<vmem>>, vector<1x16xf32>,
        %swap3A_807 = vector.shape_cast %swap3A_806 : vector<1x16xf32> to vector<16xf32>
        %swap3A_808 = vector.shape_cast %get3A_803 : vector<16xf32> to vector<1x16xf32>
        tpu.vector_store %arg9[%swap3A_804, %swap3A_805], %swap3A_808 {strides = array<i32>} : memref<64x128xf32, #tpu.memory_space<vmem>>, vector<1x16xf32>,
        %add3A_809 = arith.constant 32 : i32
        %add3A_810 = arith.addi %and3A_758, %add3A_809 : i32
        %get3A_811 = arith.index_cast %add3A_762 : i32 to index
        %get3A_812 = arith.index_cast %add3A_810 : i32 to index
        %get3A_813 = tpu.vector_load %arg8[%get3A_811, %get3A_812] {strides = array<i32>} : memref<128x128xf32, #tpu.memory_space<vmem>>, vector<1x16xf32>,
        %get3A_814 = vector.shape_cast %get3A_813 : vector<1x16xf32> to vector<16xf32>
        %swap3A_815 = arith.index_cast %select_n3A_786 : i32 to index
        %swap3A_816 = arith.constant 96 : index
        %swap3A_817 = tpu.vector_load %arg9[%swap3A_815, %swap3A_816] {strides = array<i32>} : memref<64x128xf32, #tpu.memory_space<vmem>>, vector<1x16xf32>,
        %swap3A_818 = vector.shape_cast %swap3A_817 : vector<1x16xf32> to vector<16xf32>
        %swap3A_819 = vector.shape_cast %get3A_814 : vector<16xf32> to vector<1x16xf32>
        tpu.vector_store %arg9[%swap3A_815, %swap3A_816], %swap3A_819 {strides = array<i32>} : memref<64x128xf32, #tpu.memory_space<vmem>>, vector<1x16xf32>,
        %add3A_820 = arith.constant 48 : i32
        %add3A_821 = arith.addi %and3A_758, %add3A_820 : i32
        %get3A_822 = arith.index_cast %add3A_762 : i32 to index
        %get3A_823 = arith.index_cast %add3A_821 : i32 to index
        %get3A_824 = tpu.vector_load %arg8[%get3A_822, %get3A_823] {strides = array<i32>} : memref<128x128xf32, #tpu.memory_space<vmem>>, vector<1x16xf32>,
        %get3A_825 = vector.shape_cast %get3A_824 : vector<1x16xf32> to vector<16xf32>
        %swap3A_826 = arith.index_cast %select_n3A_786 : i32 to index
        %swap3A_827 = arith.constant 112 : index
        %swap3A_828 = tpu.vector_load %arg9[%swap3A_826, %swap3A_827] {strides = array<i32>} : memref<64x128xf32, #tpu.memory_space<vmem>>, vector<1x16xf32>,
        %swap3A_829 = vector.shape_cast %swap3A_828 : vector<1x16xf32> to vector<16xf32>
        %swap3A_830 = vector.shape_cast %get3A_825 : vector<16xf32> to vector<1x16xf32>
        tpu.vector_store %arg9[%swap3A_826, %swap3A_827], %swap3A_830 {strides = array<i32>} : memref<64x128xf32, #tpu.memory_space<vmem>>, vector<1x16xf32>,
        %slice3A_831 = vector.extract_strided_slice %get3A_210 {offsets = [8], sizes = [1], strides = [1]} : vector<16xi32> to vector<1xi32>
        %squeeze3A_832 = vector.extract %slice3A_831[0] : i32 from vector<1xi32>
        %shift_right_logical3A_833 = arith.constant 7 : i32
        %shift_right_logical3A_834 = arith.shrui %squeeze3A_832, %shift_right_logical3A_833 : i32
        %and3A_835 = arith.constant 64 : i32
        %and3A_836 = arith.andi %shift_right_logical3A_834, %and3A_835 : i32
        %mul3A_837 = arith.constant 16 : i32
        %mul3A_838 = arith.muli %scan3A_205, %mul3A_837 : i32
        %add3A_839 = arith.constant 8 : i32
        %add3A_840 = arith.addi %mul3A_838, %add3A_839 : i32
        %jit3A_841 = arith.constant 2 : i32
        %div3A_842 = arith.divsi %add3A_840, %jit3A_841 : i32
        %sign3A_843 = arith.constant 0 : i32
        %sign3A_844 = arith.cmpi sgt, %add3A_840, %sign3A_843 : i32
        %sign3A_845 = arith.extui %sign3A_844 : i1 to i32
        %sign3A_846 = arith.constant 0 : i32
        %sign3A_847 = arith.cmpi slt, %add3A_840, %sign3A_846 : i32
        %sign3A_848 = arith.extui %sign3A_847 : i1 to i32
        %sign3A_849 = arith.subi %sign3A_845, %sign3A_848 : i32
        %sign3A_850 = arith.constant 0 : i32
        %sign3A_851 = arith.cmpi sgt, %jit3A_841, %sign3A_850 : i32
        %sign3A_852 = arith.extui %sign3A_851 : i1 to i32
        %sign3A_853 = arith.constant 0 : i32
        %sign3A_854 = arith.cmpi slt, %jit3A_841, %sign3A_853 : i32
        %sign3A_855 = arith.extui %sign3A_854 : i1 to i32
        %sign3A_856 = arith.subi %sign3A_852, %sign3A_855 : i32
        %ne3A_857 = arith.cmpi ne, %sign3A_849, %sign3A_856 : i32
        %rem3A_858 = arith.remsi %add3A_840, %jit3A_841 : i32
        %ne3A_859 = arith.constant 0 : i32
        %ne3A_860 = arith.cmpi ne, %rem3A_858, %ne3A_859 : i32
        %and3A_861 = arith.andi %ne3A_857, %ne3A_860 : i1
        %sub3A_862 = arith.constant 1 : i32
        %sub3A_863 = arith.subi %div3A_842, %sub3A_862 : i32
        %select_n3A_864 = arith.select %and3A_861, %sub3A_863, %div3A_842 : i32
        %add3A_865 = arith.constant 0 : i32
        %add3A_866 = arith.addi %and3A_836, %add3A_865 : i32
        %get3A_867 = arith.index_cast %add3A_840 : i32 to index
        %get3A_868 = arith.index_cast %add3A_866 : i32 to index
        %get3A_869 = tpu.vector_load %arg8[%get3A_867, %get3A_868] {strides = array<i32>} : memref<128x128xf32, #tpu.memory_space<vmem>>, vector<1x16xf32>,
        %get3A_870 = vector.shape_cast %get3A_869 : vector<1x16xf32> to vector<16xf32>
        %swap3A_871 = arith.index_cast %select_n3A_864 : i32 to index
        %swap3A_872 = arith.constant 0 : index
        %swap3A_873 = tpu.vector_load %arg9[%swap3A_871, %swap3A_872] {strides = array<i32>} : memref<64x128xf32, #tpu.memory_space<vmem>>, vector<1x16xf32>,
        %swap3A_874 = vector.shape_cast %swap3A_873 : vector<1x16xf32> to vector<16xf32>
        %swap3A_875 = vector.shape_cast %get3A_870 : vector<16xf32> to vector<1x16xf32>
        tpu.vector_store %arg9[%swap3A_871, %swap3A_872], %swap3A_875 {strides = array<i32>} : memref<64x128xf32, #tpu.memory_space<vmem>>, vector<1x16xf32>,
        %add3A_876 = arith.constant 16 : i32
        %add3A_877 = arith.addi %and3A_836, %add3A_876 : i32
        %get3A_878 = arith.index_cast %add3A_840 : i32 to index
        %get3A_879 = arith.index_cast %add3A_877 : i32 to index
        %get3A_880 = tpu.vector_load %arg8[%get3A_878, %get3A_879] {strides = array<i32>} : memref<128x128xf32, #tpu.memory_space<vmem>>, vector<1x16xf32>,
        %get3A_881 = vector.shape_cast %get3A_880 : vector<1x16xf32> to vector<16xf32>
        %swap3A_882 = arith.index_cast %select_n3A_864 : i32 to index
        %swap3A_883 = arith.constant 16 : index
        %swap3A_884 = tpu.vector_load %arg9[%swap3A_882, %swap3A_883] {strides = array<i32>} : memref<64x128xf32, #tpu.memory_space<vmem>>, vector<1x16xf32>,
        %swap3A_885 = vector.shape_cast %swap3A_884 : vector<1x16xf32> to vector<16xf32>
        %swap3A_886 = vector.shape_cast %get3A_881 : vector<16xf32> to vector<1x16xf32>
        tpu.vector_store %arg9[%swap3A_882, %swap3A_883], %swap3A_886 {strides = array<i32>} : memref<64x128xf32, #tpu.memory_space<vmem>>, vector<1x16xf32>,
        %add3A_887 = arith.constant 32 : i32
        %add3A_888 = arith.addi %and3A_836, %add3A_887 : i32
        %get3A_889 = arith.index_cast %add3A_840 : i32 to index
        %get3A_890 = arith.index_cast %add3A_888 : i32 to index
        %get3A_891 = tpu.vector_load %arg8[%get3A_889, %get3A_890] {strides = array<i32>} : memref<128x128xf32, #tpu.memory_space<vmem>>, vector<1x16xf32>,
        %get3A_892 = vector.shape_cast %get3A_891 : vector<1x16xf32> to vector<16xf32>
        %swap3A_893 = arith.index_cast %select_n3A_864 : i32 to index
        %swap3A_894 = arith.constant 32 : index
        %swap3A_895 = tpu.vector_load %arg9[%swap3A_893, %swap3A_894] {strides = array<i32>} : memref<64x128xf32, #tpu.memory_space<vmem>>, vector<1x16xf32>,
        %swap3A_896 = vector.shape_cast %swap3A_895 : vector<1x16xf32> to vector<16xf32>
        %swap3A_897 = vector.shape_cast %get3A_892 : vector<16xf32> to vector<1x16xf32>
        tpu.vector_store %arg9[%swap3A_893, %swap3A_894], %swap3A_897 {strides = array<i32>} : memref<64x128xf32, #tpu.memory_space<vmem>>, vector<1x16xf32>,
        %add3A_898 = arith.constant 48 : i32
        %add3A_899 = arith.addi %and3A_836, %add3A_898 : i32
        %get3A_900 = arith.index_cast %add3A_840 : i32 to index
        %get3A_901 = arith.index_cast %add3A_899 : i32 to index
        %get3A_902 = tpu.vector_load %arg8[%get3A_900, %get3A_901] {strides = array<i32>} : memref<128x128xf32, #tpu.memory_space<vmem>>, vector<1x16xf32>,
        %get3A_903 = vector.shape_cast %get3A_902 : vector<1x16xf32> to vector<16xf32>
        %swap3A_904 = arith.index_cast %select_n3A_864 : i32 to index
        %swap3A_905 = arith.constant 48 : index
        %swap3A_906 = tpu.vector_load %arg9[%swap3A_904, %swap3A_905] {strides = array<i32>} : memref<64x128xf32, #tpu.memory_space<vmem>>, vector<1x16xf32>,
        %swap3A_907 = vector.shape_cast %swap3A_906 : vector<1x16xf32> to vector<16xf32>
        %swap3A_908 = vector.shape_cast %get3A_903 : vector<16xf32> to vector<1x16xf32>
        tpu.vector_store %arg9[%swap3A_904, %swap3A_905], %swap3A_908 {strides = array<i32>} : memref<64x128xf32, #tpu.memory_space<vmem>>, vector<1x16xf32>,
        %slice3A_909 = vector.extract_strided_slice %get3A_210 {offsets = [9], sizes = [1], strides = [1]} : vector<16xi32> to vector<1xi32>
        %squeeze3A_910 = vector.extract %slice3A_909[0] : i32 from vector<1xi32>
        %shift_right_logical3A_911 = arith.constant 7 : i32
        %shift_right_logical3A_912 = arith.shrui %squeeze3A_910, %shift_right_logical3A_911 : i32
        %and3A_913 = arith.constant 64 : i32
        %and3A_914 = arith.andi %shift_right_logical3A_912, %and3A_913 : i32
        %mul3A_915 = arith.constant 16 : i32
        %mul3A_916 = arith.muli %scan3A_205, %mul3A_915 : i32
        %add3A_917 = arith.constant 9 : i32
        %add3A_918 = arith.addi %mul3A_916, %add3A_917 : i32
        %jit3A_919 = arith.constant 2 : i32
        %div3A_920 = arith.divsi %add3A_918, %jit3A_919 : i32
        %sign3A_921 = arith.constant 0 : i32
        %sign3A_922 = arith.cmpi sgt, %add3A_918, %sign3A_921 : i32
        %sign3A_923 = arith.extui %sign3A_922 : i1 to i32
        %sign3A_924 = arith.constant 0 : i32
        %sign3A_925 = arith.cmpi slt, %add3A_918, %sign3A_924 : i32
        %sign3A_926 = arith.extui %sign3A_925 : i1 to i32
        %sign3A_927 = arith.subi %sign3A_923, %sign3A_926 : i32
        %sign3A_928 = arith.constant 0 : i32
        %sign3A_929 = arith.cmpi sgt, %jit3A_919, %sign3A_928 : i32
        %sign3A_930 = arith.extui %sign3A_929 : i1 to i32
        %sign3A_931 = arith.constant 0 : i32
        %sign3A_932 = arith.cmpi slt, %jit3A_919, %sign3A_931 : i32
        %sign3A_933 = arith.extui %sign3A_932 : i1 to i32
        %sign3A_934 = arith.subi %sign3A_930, %sign3A_933 : i32
        %ne3A_935 = arith.cmpi ne, %sign3A_927, %sign3A_934 : i32
        %rem3A_936 = arith.remsi %add3A_918, %jit3A_919 : i32
        %ne3A_937 = arith.constant 0 : i32
        %ne3A_938 = arith.cmpi ne, %rem3A_936, %ne3A_937 : i32
        %and3A_939 = arith.andi %ne3A_935, %ne3A_938 : i1
        %sub3A_940 = arith.constant 1 : i32
        %sub3A_941 = arith.subi %div3A_920, %sub3A_940 : i32
        %select_n3A_942 = arith.select %and3A_939, %sub3A_941, %div3A_920 : i32
        %add3A_943 = arith.constant 0 : i32
        %add3A_944 = arith.addi %and3A_914, %add3A_943 : i32
        %get3A_945 = arith.index_cast %add3A_918 : i32 to index
        %get3A_946 = arith.index_cast %add3A_944 : i32 to index
        %get3A_947 = tpu.vector_load %arg8[%get3A_945, %get3A_946] {strides = array<i32>} : memref<128x128xf32, #tpu.memory_space<vmem>>, vector<1x16xf32>,
        %get3A_948 = vector.shape_cast %get3A_947 : vector<1x16xf32> to vector<16xf32>
        %swap3A_949 = arith.index_cast %select_n3A_942 : i32 to index
        %swap3A_950 = arith.constant 64 : index
        %swap3A_951 = tpu.vector_load %arg9[%swap3A_949, %swap3A_950] {strides = array<i32>} : memref<64x128xf32, #tpu.memory_space<vmem>>, vector<1x16xf32>,
        %swap3A_952 = vector.shape_cast %swap3A_951 : vector<1x16xf32> to vector<16xf32>
        %swap3A_953 = vector.shape_cast %get3A_948 : vector<16xf32> to vector<1x16xf32>
        tpu.vector_store %arg9[%swap3A_949, %swap3A_950], %swap3A_953 {strides = array<i32>} : memref<64x128xf32, #tpu.memory_space<vmem>>, vector<1x16xf32>,
        %add3A_954 = arith.constant 16 : i32
        %add3A_955 = arith.addi %and3A_914, %add3A_954 : i32
        %get3A_956 = arith.index_cast %add3A_918 : i32 to index
        %get3A_957 = arith.index_cast %add3A_955 : i32 to index
        %get3A_958 = tpu.vector_load %arg8[%get3A_956, %get3A_957] {strides = array<i32>} : memref<128x128xf32, #tpu.memory_space<vmem>>, vector<1x16xf32>,
        %get3A_959 = vector.shape_cast %get3A_958 : vector<1x16xf32> to vector<16xf32>
        %swap3A_960 = arith.index_cast %select_n3A_942 : i32 to index
        %swap3A_961 = arith.constant 80 : index
        %swap3A_962 = tpu.vector_load %arg9[%swap3A_960, %swap3A_961] {strides = array<i32>} : memref<64x128xf32, #tpu.memory_space<vmem>>, vector<1x16xf32>,
        %swap3A_963 = vector.shape_cast %swap3A_962 : vector<1x16xf32> to vector<16xf32>
        %swap3A_964 = vector.shape_cast %get3A_959 : vector<16xf32> to vector<1x16xf32>
        tpu.vector_store %arg9[%swap3A_960, %swap3A_961], %swap3A_964 {strides = array<i32>} : memref<64x128xf32, #tpu.memory_space<vmem>>, vector<1x16xf32>,
        %add3A_965 = arith.constant 32 : i32
        %add3A_966 = arith.addi %and3A_914, %add3A_965 : i32
        %get3A_967 = arith.index_cast %add3A_918 : i32 to index
        %get3A_968 = arith.index_cast %add3A_966 : i32 to index
        %get3A_969 = tpu.vector_load %arg8[%get3A_967, %get3A_968] {strides = array<i32>} : memref<128x128xf32, #tpu.memory_space<vmem>>, vector<1x16xf32>,
        %get3A_970 = vector.shape_cast %get3A_969 : vector<1x16xf32> to vector<16xf32>
        %swap3A_971 = arith.index_cast %select_n3A_942 : i32 to index
        %swap3A_972 = arith.constant 96 : index
        %swap3A_973 = tpu.vector_load %arg9[%swap3A_971, %swap3A_972] {strides = array<i32>} : memref<64x128xf32, #tpu.memory_space<vmem>>, vector<1x16xf32>,
        %swap3A_974 = vector.shape_cast %swap3A_973 : vector<1x16xf32> to vector<16xf32>
        %swap3A_975 = vector.shape_cast %get3A_970 : vector<16xf32> to vector<1x16xf32>
        tpu.vector_store %arg9[%swap3A_971, %swap3A_972], %swap3A_975 {strides = array<i32>} : memref<64x128xf32, #tpu.memory_space<vmem>>, vector<1x16xf32>,
        %add3A_976 = arith.constant 48 : i32
        %add3A_977 = arith.addi %and3A_914, %add3A_976 : i32
        %get3A_978 = arith.index_cast %add3A_918 : i32 to index
        %get3A_979 = arith.index_cast %add3A_977 : i32 to index
        %get3A_980 = tpu.vector_load %arg8[%get3A_978, %get3A_979] {strides = array<i32>} : memref<128x128xf32, #tpu.memory_space<vmem>>, vector<1x16xf32>,
        %get3A_981 = vector.shape_cast %get3A_980 : vector<1x16xf32> to vector<16xf32>
        %swap3A_982 = arith.index_cast %select_n3A_942 : i32 to index
        %swap3A_983 = arith.constant 112 : index
        %swap3A_984 = tpu.vector_load %arg9[%swap3A_982, %swap3A_983] {strides = array<i32>} : memref<64x128xf32, #tpu.memory_space<vmem>>, vector<1x16xf32>,
        %swap3A_985 = vector.shape_cast %swap3A_984 : vector<1x16xf32> to vector<16xf32>
        %swap3A_986 = vector.shape_cast %get3A_981 : vector<16xf32> to vector<1x16xf32>
        tpu.vector_store %arg9[%swap3A_982, %swap3A_983], %swap3A_986 {strides = array<i32>} : memref<64x128xf32, #tpu.memory_space<vmem>>, vector<1x16xf32>,
        %slice3A_987 = vector.extract_strided_slice %get3A_210 {offsets = [10], sizes = [1], strides = [1]} : vector<16xi32> to vector<1xi32>
        %squeeze3A_988 = vector.extract %slice3A_987[0] : i32 from vector<1xi32>
        %shift_right_logical3A_989 = arith.constant 7 : i32
        %shift_right_logical3A_990 = arith.shrui %squeeze3A_988, %shift_right_logical3A_989 : i32
        %and3A_991 = arith.constant 64 : i32
        %and3A_992 = arith.andi %shift_right_logical3A_990, %and3A_991 : i32
        %mul3A_993 = arith.constant 16 : i32
        %mul3A_994 = arith.muli %scan3A_205, %mul3A_993 : i32
        %add3A_995 = arith.constant 10 : i32
        %add3A_996 = arith.addi %mul3A_994, %add3A_995 : i32
        %jit3A_997 = arith.constant 2 : i32
        %div3A_998 = arith.divsi %add3A_996, %jit3A_997 : i32
        %sign3A_999 = arith.constant 0 : i32
        %sign3A_1000 = arith.cmpi sgt, %add3A_996, %sign3A_999 : i32
        %sign3A_1001 = arith.extui %sign3A_1000 : i1 to i32
        %sign3A_1002 = arith.constant 0 : i32
        %sign3A_1003 = arith.cmpi slt, %add3A_996, %sign3A_1002 : i32
        %sign3A_1004 = arith.extui %sign3A_1003 : i1 to i32
        %sign3A_1005 = arith.subi %sign3A_1001, %sign3A_1004 : i32
        %sign3A_1006 = arith.constant 0 : i32
        %sign3A_1007 = arith.cmpi sgt, %jit3A_997, %sign3A_1006 : i32
        %sign3A_1008 = arith.extui %sign3A_1007 : i1 to i32
        %sign3A_1009 = arith.constant 0 : i32
        %sign3A_1010 = arith.cmpi slt, %jit3A_997, %sign3A_1009 : i32
        %sign3A_1011 = arith.extui %sign3A_1010 : i1 to i32
        %sign3A_1012 = arith.subi %sign3A_1008, %sign3A_1011 : i32
        %ne3A_1013 = arith.cmpi ne, %sign3A_1005, %sign3A_1012 : i32
        %rem3A_1014 = arith.remsi %add3A_996, %jit3A_997 : i32
        %ne3A_1015 = arith.constant 0 : i32
        %ne3A_1016 = arith.cmpi ne, %rem3A_1014, %ne3A_1015 : i32
        %and3A_1017 = arith.andi %ne3A_1013, %ne3A_1016 : i1
        %sub3A_1018 = arith.constant 1 : i32
        %sub3A_1019 = arith.subi %div3A_998, %sub3A_1018 : i32
        %select_n3A_1020 = arith.select %and3A_1017, %sub3A_1019, %div3A_998 : i32
        %add3A_1021 = arith.constant 0 : i32
        %add3A_1022 = arith.addi %and3A_992, %add3A_1021 : i32
        %get3A_1023 = arith.index_cast %add3A_996 : i32 to index
        %get3A_1024 = arith.index_cast %add3A_1022 : i32 to index
        %get3A_1025 = tpu.vector_load %arg8[%get3A_1023, %get3A_1024] {strides = array<i32>} : memref<128x128xf32, #tpu.memory_space<vmem>>, vector<1x16xf32>,
        %get3A_1026 = vector.shape_cast %get3A_1025 : vector<1x16xf32> to vector<16xf32>
        %swap3A_1027 = arith.index_cast %select_n3A_1020 : i32 to index
        %swap3A_1028 = arith.constant 0 : index
        %swap3A_1029 = tpu.vector_load %arg9[%swap3A_1027, %swap3A_1028] {strides = array<i32>} : memref<64x128xf32, #tpu.memory_space<vmem>>, vector<1x16xf32>,
        %swap3A_1030 = vector.shape_cast %swap3A_1029 : vector<1x16xf32> to vector<16xf32>
        %swap3A_1031 = vector.shape_cast %get3A_1026 : vector<16xf32> to vector<1x16xf32>
        tpu.vector_store %arg9[%swap3A_1027, %swap3A_1028], %swap3A_1031 {strides = array<i32>} : memref<64x128xf32, #tpu.memory_space<vmem>>, vector<1x16xf32>,
        %add3A_1032 = arith.constant 16 : i32
        %add3A_1033 = arith.addi %and3A_992, %add3A_1032 : i32
        %get3A_1034 = arith.index_cast %add3A_996 : i32 to index
        %get3A_1035 = arith.index_cast %add3A_1033 : i32 to index
        %get3A_1036 = tpu.vector_load %arg8[%get3A_1034, %get3A_1035] {strides = array<i32>} : memref<128x128xf32, #tpu.memory_space<vmem>>, vector<1x16xf32>,
        %get3A_1037 = vector.shape_cast %get3A_1036 : vector<1x16xf32> to vector<16xf32>
        %swap3A_1038 = arith.index_cast %select_n3A_1020 : i32 to index
        %swap3A_1039 = arith.constant 16 : index
        %swap3A_1040 = tpu.vector_load %arg9[%swap3A_1038, %swap3A_1039] {strides = array<i32>} : memref<64x128xf32, #tpu.memory_space<vmem>>, vector<1x16xf32>,
        %swap3A_1041 = vector.shape_cast %swap3A_1040 : vector<1x16xf32> to vector<16xf32>
        %swap3A_1042 = vector.shape_cast %get3A_1037 : vector<16xf32> to vector<1x16xf32>
        tpu.vector_store %arg9[%swap3A_1038, %swap3A_1039], %swap3A_1042 {strides = array<i32>} : memref<64x128xf32, #tpu.memory_space<vmem>>, vector<1x16xf32>,
        %add3A_1043 = arith.constant 32 : i32
        %add3A_1044 = arith.addi %and3A_992, %add3A_1043 : i32
        %get3A_1045 = arith.index_cast %add3A_996 : i32 to index
        %get3A_1046 = arith.index_cast %add3A_1044 : i32 to index
        %get3A_1047 = tpu.vector_load %arg8[%get3A_1045, %get3A_1046] {strides = array<i32>} : memref<128x128xf32, #tpu.memory_space<vmem>>, vector<1x16xf32>,
        %get3A_1048 = vector.shape_cast %get3A_1047 : vector<1x16xf32> to vector<16xf32>
        %swap3A_1049 = arith.index_cast %select_n3A_1020 : i32 to index
        %swap3A_1050 = arith.constant 32 : index
        %swap3A_1051 = tpu.vector_load %arg9[%swap3A_1049, %swap3A_1050] {strides = array<i32>} : memref<64x128xf32, #tpu.memory_space<vmem>>, vector<1x16xf32>,
        %swap3A_1052 = vector.shape_cast %swap3A_1051 : vector<1x16xf32> to vector<16xf32>
        %swap3A_1053 = vector.shape_cast %get3A_1048 : vector<16xf32> to vector<1x16xf32>
        tpu.vector_store %arg9[%swap3A_1049, %swap3A_1050], %swap3A_1053 {strides = array<i32>} : memref<64x128xf32, #tpu.memory_space<vmem>>, vector<1x16xf32>,
        %add3A_1054 = arith.constant 48 : i32
        %add3A_1055 = arith.addi %and3A_992, %add3A_1054 : i32
        %get3A_1056 = arith.index_cast %add3A_996 : i32 to index
        %get3A_1057 = arith.index_cast %add3A_1055 : i32 to index
        %get3A_1058 = tpu.vector_load %arg8[%get3A_1056, %get3A_1057] {strides = array<i32>} : memref<128x128xf32, #tpu.memory_space<vmem>>, vector<1x16xf32>,
        %get3A_1059 = vector.shape_cast %get3A_1058 : vector<1x16xf32> to vector<16xf32>
        %swap3A_1060 = arith.index_cast %select_n3A_1020 : i32 to index
        %swap3A_1061 = arith.constant 48 : index
        %swap3A_1062 = tpu.vector_load %arg9[%swap3A_1060, %swap3A_1061] {strides = array<i32>} : memref<64x128xf32, #tpu.memory_space<vmem>>, vector<1x16xf32>,
        %swap3A_1063 = vector.shape_cast %swap3A_1062 : vector<1x16xf32> to vector<16xf32>
        %swap3A_1064 = vector.shape_cast %get3A_1059 : vector<16xf32> to vector<1x16xf32>
        tpu.vector_store %arg9[%swap3A_1060, %swap3A_1061], %swap3A_1064 {strides = array<i32>} : memref<64x128xf32, #tpu.memory_space<vmem>>, vector<1x16xf32>,
        %slice3A_1065 = vector.extract_strided_slice %get3A_210 {offsets = [11], sizes = [1], strides = [1]} : vector<16xi32> to vector<1xi32>
        %squeeze3A_1066 = vector.extract %slice3A_1065[0] : i32 from vector<1xi32>
        %shift_right_logical3A_1067 = arith.constant 7 : i32
        %shift_right_logical3A_1068 = arith.shrui %squeeze3A_1066, %shift_right_logical3A_1067 : i32
        %and3A_1069 = arith.constant 64 : i32
        %and3A_1070 = arith.andi %shift_right_logical3A_1068, %and3A_1069 : i32
        %mul3A_1071 = arith.constant 16 : i32
        %mul3A_1072 = arith.muli %scan3A_205, %mul3A_1071 : i32
        %add3A_1073 = arith.constant 11 : i32
        %add3A_1074 = arith.addi %mul3A_1072, %add3A_1073 : i32
        %jit3A_1075 = arith.constant 2 : i32
        %div3A_1076 = arith.divsi %add3A_1074, %jit3A_1075 : i32
        %sign3A_1077 = arith.constant 0 : i32
        %sign3A_1078 = arith.cmpi sgt, %add3A_1074, %sign3A_1077 : i32
        %sign3A_1079 = arith.extui %sign3A_1078 : i1 to i32
        %sign3A_1080 = arith.constant 0 : i32
        %sign3A_1081 = arith.cmpi slt, %add3A_1074, %sign3A_1080 : i32
        %sign3A_1082 = arith.extui %sign3A_1081 : i1 to i32
        %sign3A_1083 = arith.subi %sign3A_1079, %sign3A_1082 : i32
        %sign3A_1084 = arith.constant 0 : i32
        %sign3A_1085 = arith.cmpi sgt, %jit3A_1075, %sign3A_1084 : i32
        %sign3A_1086 = arith.extui %sign3A_1085 : i1 to i32
        %sign3A_1087 = arith.constant 0 : i32
        %sign3A_1088 = arith.cmpi slt, %jit3A_1075, %sign3A_1087 : i32
        %sign3A_1089 = arith.extui %sign3A_1088 : i1 to i32
        %sign3A_1090 = arith.subi %sign3A_1086, %sign3A_1089 : i32
        %ne3A_1091 = arith.cmpi ne, %sign3A_1083, %sign3A_1090 : i32
        %rem3A_1092 = arith.remsi %add3A_1074, %jit3A_1075 : i32
        %ne3A_1093 = arith.constant 0 : i32
        %ne3A_1094 = arith.cmpi ne, %rem3A_1092, %ne3A_1093 : i32
        %and3A_1095 = arith.andi %ne3A_1091, %ne3A_1094 : i1
        %sub3A_1096 = arith.constant 1 : i32
        %sub3A_1097 = arith.subi %div3A_1076, %sub3A_1096 : i32
        %select_n3A_1098 = arith.select %and3A_1095, %sub3A_1097, %div3A_1076 : i32
        %add3A_1099 = arith.constant 0 : i32
        %add3A_1100 = arith.addi %and3A_1070, %add3A_1099 : i32
        %get3A_1101 = arith.index_cast %add3A_1074 : i32 to index
        %get3A_1102 = arith.index_cast %add3A_1100 : i32 to index
        %get3A_1103 = tpu.vector_load %arg8[%get3A_1101, %get3A_1102] {strides = array<i32>} : memref<128x128xf32, #tpu.memory_space<vmem>>, vector<1x16xf32>,
        %get3A_1104 = vector.shape_cast %get3A_1103 : vector<1x16xf32> to vector<16xf32>
        %swap3A_1105 = arith.index_cast %select_n3A_1098 : i32 to index
        %swap3A_1106 = arith.constant 64 : index
        %swap3A_1107 = tpu.vector_load %arg9[%swap3A_1105, %swap3A_1106] {strides = array<i32>} : memref<64x128xf32, #tpu.memory_space<vmem>>, vector<1x16xf32>,
        %swap3A_1108 = vector.shape_cast %swap3A_1107 : vector<1x16xf32> to vector<16xf32>
        %swap3A_1109 = vector.shape_cast %get3A_1104 : vector<16xf32> to vector<1x16xf32>
        tpu.vector_store %arg9[%swap3A_1105, %swap3A_1106], %swap3A_1109 {strides = array<i32>} : memref<64x128xf32, #tpu.memory_space<vmem>>, vector<1x16xf32>,
        %add3A_1110 = arith.constant 16 : i32
        %add3A_1111 = arith.addi %and3A_1070, %add3A_1110 : i32
        %get3A_1112 = arith.index_cast %add3A_1074 : i32 to index
        %get3A_1113 = arith.index_cast %add3A_1111 : i32 to index
        %get3A_1114 = tpu.vector_load %arg8[%get3A_1112, %get3A_1113] {strides = array<i32>} : memref<128x128xf32, #tpu.memory_space<vmem>>, vector<1x16xf32>,
        %get3A_1115 = vector.shape_cast %get3A_1114 : vector<1x16xf32> to vector<16xf32>
        %swap3A_1116 = arith.index_cast %select_n3A_1098 : i32 to index
        %swap3A_1117 = arith.constant 80 : index
        %swap3A_1118 = tpu.vector_load %arg9[%swap3A_1116, %swap3A_1117] {strides = array<i32>} : memref<64x128xf32, #tpu.memory_space<vmem>>, vector<1x16xf32>,
        %swap3A_1119 = vector.shape_cast %swap3A_1118 : vector<1x16xf32> to vector<16xf32>
        %swap3A_1120 = vector.shape_cast %get3A_1115 : vector<16xf32> to vector<1x16xf32>
        tpu.vector_store %arg9[%swap3A_1116, %swap3A_1117], %swap3A_1120 {strides = array<i32>} : memref<64x128xf32, #tpu.memory_space<vmem>>, vector<1x16xf32>,
        %add3A_1121 = arith.constant 32 : i32
        %add3A_1122 = arith.addi %and3A_1070, %add3A_1121 : i32
        %get3A_1123 = arith.index_cast %add3A_1074 : i32 to index
        %get3A_1124 = arith.index_cast %add3A_1122 : i32 to index
        %get3A_1125 = tpu.vector_load %arg8[%get3A_1123, %get3A_1124] {strides = array<i32>} : memref<128x128xf32, #tpu.memory_space<vmem>>, vector<1x16xf32>,
        %get3A_1126 = vector.shape_cast %get3A_1125 : vector<1x16xf32> to vector<16xf32>
        %swap3A_1127 = arith.index_cast %select_n3A_1098 : i32 to index
        %swap3A_1128 = arith.constant 96 : index
        %swap3A_1129 = tpu.vector_load %arg9[%swap3A_1127, %swap3A_1128] {strides = array<i32>} : memref<64x128xf32, #tpu.memory_space<vmem>>, vector<1x16xf32>,
        %swap3A_1130 = vector.shape_cast %swap3A_1129 : vector<1x16xf32> to vector<16xf32>
        %swap3A_1131 = vector.shape_cast %get3A_1126 : vector<16xf32> to vector<1x16xf32>
        tpu.vector_store %arg9[%swap3A_1127, %swap3A_1128], %swap3A_1131 {strides = array<i32>} : memref<64x128xf32, #tpu.memory_space<vmem>>, vector<1x16xf32>,
        %add3A_1132 = arith.constant 48 : i32
        %add3A_1133 = arith.addi %and3A_1070, %add3A_1132 : i32
        %get3A_1134 = arith.index_cast %add3A_1074 : i32 to index
        %get3A_1135 = arith.index_cast %add3A_1133 : i32 to index
        %get3A_1136 = tpu.vector_load %arg8[%get3A_1134, %get3A_1135] {strides = array<i32>} : memref<128x128xf32, #tpu.memory_space<vmem>>, vector<1x16xf32>,
        %get3A_1137 = vector.shape_cast %get3A_1136 : vector<1x16xf32> to vector<16xf32>
        %swap3A_1138 = arith.index_cast %select_n3A_1098 : i32 to index
        %swap3A_1139 = arith.constant 112 : index
        %swap3A_1140 = tpu.vector_load %arg9[%swap3A_1138, %swap3A_1139] {strides = array<i32>} : memref<64x128xf32, #tpu.memory_space<vmem>>, vector<1x16xf32>,
        %swap3A_1141 = vector.shape_cast %swap3A_1140 : vector<1x16xf32> to vector<16xf32>
        %swap3A_1142 = vector.shape_cast %get3A_1137 : vector<16xf32> to vector<1x16xf32>
        tpu.vector_store %arg9[%swap3A_1138, %swap3A_1139], %swap3A_1142 {strides = array<i32>} : memref<64x128xf32, #tpu.memory_space<vmem>>, vector<1x16xf32>,
        %slice3A_1143 = vector.extract_strided_slice %get3A_210 {offsets = [12], sizes = [1], strides = [1]} : vector<16xi32> to vector<1xi32>
        %squeeze3A_1144 = vector.extract %slice3A_1143[0] : i32 from vector<1xi32>
        %shift_right_logical3A_1145 = arith.constant 7 : i32
        %shift_right_logical3A_1146 = arith.shrui %squeeze3A_1144, %shift_right_logical3A_1145 : i32
        %and3A_1147 = arith.constant 64 : i32
        %and3A_1148 = arith.andi %shift_right_logical3A_1146, %and3A_1147 : i32
        %mul3A_1149 = arith.constant 16 : i32
        %mul3A_1150 = arith.muli %scan3A_205, %mul3A_1149 : i32
        %add3A_1151 = arith.constant 12 : i32
        %add3A_1152 = arith.addi %mul3A_1150, %add3A_1151 : i32
        %jit3A_1153 = arith.constant 2 : i32
        %div3A_1154 = arith.divsi %add3A_1152, %jit3A_1153 : i32
        %sign3A_1155 = arith.constant 0 : i32
        %sign3A_1156 = arith.cmpi sgt, %add3A_1152, %sign3A_1155 : i32
        %sign3A_1157 = arith.extui %sign3A_1156 : i1 to i32
        %sign3A_1158 = arith.constant 0 : i32
        %sign3A_1159 = arith.cmpi slt, %add3A_1152, %sign3A_1158 : i32
        %sign3A_1160 = arith.extui %sign3A_1159 : i1 to i32
        %sign3A_1161 = arith.subi %sign3A_1157, %sign3A_1160 : i32
        %sign3A_1162 = arith.constant 0 : i32
        %sign3A_1163 = arith.cmpi sgt, %jit3A_1153, %sign3A_1162 : i32
        %sign3A_1164 = arith.extui %sign3A_1163 : i1 to i32
        %sign3A_1165 = arith.constant 0 : i32
        %sign3A_1166 = arith.cmpi slt, %jit3A_1153, %sign3A_1165 : i32
        %sign3A_1167 = arith.extui %sign3A_1166 : i1 to i32
        %sign3A_1168 = arith.subi %sign3A_1164, %sign3A_1167 : i32
        %ne3A_1169 = arith.cmpi ne, %sign3A_1161, %sign3A_1168 : i32
        %rem3A_1170 = arith.remsi %add3A_1152, %jit3A_1153 : i32
        %ne3A_1171 = arith.constant 0 : i32
        %ne3A_1172 = arith.cmpi ne, %rem3A_1170, %ne3A_1171 : i32
        %and3A_1173 = arith.andi %ne3A_1169, %ne3A_1172 : i1
        %sub3A_1174 = arith.constant 1 : i32
        %sub3A_1175 = arith.subi %div3A_1154, %sub3A_1174 : i32
        %select_n3A_1176 = arith.select %and3A_1173, %sub3A_1175, %div3A_1154 : i32
        %add3A_1177 = arith.constant 0 : i32
        %add3A_1178 = arith.addi %and3A_1148, %add3A_1177 : i32
        %get3A_1179 = arith.index_cast %add3A_1152 : i32 to index
        %get3A_1180 = arith.index_cast %add3A_1178 : i32 to index
        %get3A_1181 = tpu.vector_load %arg8[%get3A_1179, %get3A_1180] {strides = array<i32>} : memref<128x128xf32, #tpu.memory_space<vmem>>, vector<1x16xf32>,
        %get3A_1182 = vector.shape_cast %get3A_1181 : vector<1x16xf32> to vector<16xf32>
        %swap3A_1183 = arith.index_cast %select_n3A_1176 : i32 to index
        %swap3A_1184 = arith.constant 0 : index
        %swap3A_1185 = tpu.vector_load %arg9[%swap3A_1183, %swap3A_1184] {strides = array<i32>} : memref<64x128xf32, #tpu.memory_space<vmem>>, vector<1x16xf32>,
        %swap3A_1186 = vector.shape_cast %swap3A_1185 : vector<1x16xf32> to vector<16xf32>
        %swap3A_1187 = vector.shape_cast %get3A_1182 : vector<16xf32> to vector<1x16xf32>
        tpu.vector_store %arg9[%swap3A_1183, %swap3A_1184], %swap3A_1187 {strides = array<i32>} : memref<64x128xf32, #tpu.memory_space<vmem>>, vector<1x16xf32>,
        %add3A_1188 = arith.constant 16 : i32
        %add3A_1189 = arith.addi %and3A_1148, %add3A_1188 : i32
        %get3A_1190 = arith.index_cast %add3A_1152 : i32 to index
        %get3A_1191 = arith.index_cast %add3A_1189 : i32 to index
        %get3A_1192 = tpu.vector_load %arg8[%get3A_1190, %get3A_1191] {strides = array<i32>} : memref<128x128xf32, #tpu.memory_space<vmem>>, vector<1x16xf32>,
        %get3A_1193 = vector.shape_cast %get3A_1192 : vector<1x16xf32> to vector<16xf32>
        %swap3A_1194 = arith.index_cast %select_n3A_1176 : i32 to index
        %swap3A_1195 = arith.constant 16 : index
        %swap3A_1196 = tpu.vector_load %arg9[%swap3A_1194, %swap3A_1195] {strides = array<i32>} : memref<64x128xf32, #tpu.memory_space<vmem>>, vector<1x16xf32>,
        %swap3A_1197 = vector.shape_cast %swap3A_1196 : vector<1x16xf32> to vector<16xf32>
        %swap3A_1198 = vector.shape_cast %get3A_1193 : vector<16xf32> to vector<1x16xf32>
        tpu.vector_store %arg9[%swap3A_1194, %swap3A_1195], %swap3A_1198 {strides = array<i32>} : memref<64x128xf32, #tpu.memory_space<vmem>>, vector<1x16xf32>,
        %add3A_1199 = arith.constant 32 : i32
        %add3A_1200 = arith.addi %and3A_1148, %add3A_1199 : i32
        %get3A_1201 = arith.index_cast %add3A_1152 : i32 to index
        %get3A_1202 = arith.index_cast %add3A_1200 : i32 to index
        %get3A_1203 = tpu.vector_load %arg8[%get3A_1201, %get3A_1202] {strides = array<i32>} : memref<128x128xf32, #tpu.memory_space<vmem>>, vector<1x16xf32>,
        %get3A_1204 = vector.shape_cast %get3A_1203 : vector<1x16xf32> to vector<16xf32>
        %swap3A_1205 = arith.index_cast %select_n3A_1176 : i32 to index
        %swap3A_1206 = arith.constant 32 : index
        %swap3A_1207 = tpu.vector_load %arg9[%swap3A_1205, %swap3A_1206] {strides = array<i32>} : memref<64x128xf32, #tpu.memory_space<vmem>>, vector<1x16xf32>,
        %swap3A_1208 = vector.shape_cast %swap3A_1207 : vector<1x16xf32> to vector<16xf32>
        %swap3A_1209 = vector.shape_cast %get3A_1204 : vector<16xf32> to vector<1x16xf32>
        tpu.vector_store %arg9[%swap3A_1205, %swap3A_1206], %swap3A_1209 {strides = array<i32>} : memref<64x128xf32, #tpu.memory_space<vmem>>, vector<1x16xf32>,
        %add3A_1210 = arith.constant 48 : i32
        %add3A_1211 = arith.addi %and3A_1148, %add3A_1210 : i32
        %get3A_1212 = arith.index_cast %add3A_1152 : i32 to index
        %get3A_1213 = arith.index_cast %add3A_1211 : i32 to index
        %get3A_1214 = tpu.vector_load %arg8[%get3A_1212, %get3A_1213] {strides = array<i32>} : memref<128x128xf32, #tpu.memory_space<vmem>>, vector<1x16xf32>,
        %get3A_1215 = vector.shape_cast %get3A_1214 : vector<1x16xf32> to vector<16xf32>
        %swap3A_1216 = arith.index_cast %select_n3A_1176 : i32 to index
        %swap3A_1217 = arith.constant 48 : index
        %swap3A_1218 = tpu.vector_load %arg9[%swap3A_1216, %swap3A_1217] {strides = array<i32>} : memref<64x128xf32, #tpu.memory_space<vmem>>, vector<1x16xf32>,
        %swap3A_1219 = vector.shape_cast %swap3A_1218 : vector<1x16xf32> to vector<16xf32>
        %swap3A_1220 = vector.shape_cast %get3A_1215 : vector<16xf32> to vector<1x16xf32>
        tpu.vector_store %arg9[%swap3A_1216, %swap3A_1217], %swap3A_1220 {strides = array<i32>} : memref<64x128xf32, #tpu.memory_space<vmem>>, vector<1x16xf32>,
        %slice3A_1221 = vector.extract_strided_slice %get3A_210 {offsets = [13], sizes = [1], strides = [1]} : vector<16xi32> to vector<1xi32>
        %squeeze3A_1222 = vector.extract %slice3A_1221[0] : i32 from vector<1xi32>
        %shift_right_logical3A_1223 = arith.constant 7 : i32
        %shift_right_logical3A_1224 = arith.shrui %squeeze3A_1222, %shift_right_logical3A_1223 : i32
        %and3A_1225 = arith.constant 64 : i32
        %and3A_1226 = arith.andi %shift_right_logical3A_1224, %and3A_1225 : i32
        %mul3A_1227 = arith.constant 16 : i32
        %mul3A_1228 = arith.muli %scan3A_205, %mul3A_1227 : i32
        %add3A_1229 = arith.constant 13 : i32
        %add3A_1230 = arith.addi %mul3A_1228, %add3A_1229 : i32
        %jit3A_1231 = arith.constant 2 : i32
        %div3A_1232 = arith.divsi %add3A_1230, %jit3A_1231 : i32
        %sign3A_1233 = arith.constant 0 : i32
        %sign3A_1234 = arith.cmpi sgt, %add3A_1230, %sign3A_1233 : i32
        %sign3A_1235 = arith.extui %sign3A_1234 : i1 to i32
        %sign3A_1236 = arith.constant 0 : i32
        %sign3A_1237 = arith.cmpi slt, %add3A_1230, %sign3A_1236 : i32
        %sign3A_1238 = arith.extui %sign3A_1237 : i1 to i32
        %sign3A_1239 = arith.subi %sign3A_1235, %sign3A_1238 : i32
        %sign3A_1240 = arith.constant 0 : i32
        %sign3A_1241 = arith.cmpi sgt, %jit3A_1231, %sign3A_1240 : i32
        %sign3A_1242 = arith.extui %sign3A_1241 : i1 to i32
        %sign3A_1243 = arith.constant 0 : i32
        %sign3A_1244 = arith.cmpi slt, %jit3A_1231, %sign3A_1243 : i32
        %sign3A_1245 = arith.extui %sign3A_1244 : i1 to i32
        %sign3A_1246 = arith.subi %sign3A_1242, %sign3A_1245 : i32
        %ne3A_1247 = arith.cmpi ne, %sign3A_1239, %sign3A_1246 : i32
        %rem3A_1248 = arith.remsi %add3A_1230, %jit3A_1231 : i32
        %ne3A_1249 = arith.constant 0 : i32
        %ne3A_1250 = arith.cmpi ne, %rem3A_1248, %ne3A_1249 : i32
        %and3A_1251 = arith.andi %ne3A_1247, %ne3A_1250 : i1
        %sub3A_1252 = arith.constant 1 : i32
        %sub3A_1253 = arith.subi %div3A_1232, %sub3A_1252 : i32
        %select_n3A_1254 = arith.select %and3A_1251, %sub3A_1253, %div3A_1232 : i32
        %add3A_1255 = arith.constant 0 : i32
        %add3A_1256 = arith.addi %and3A_1226, %add3A_1255 : i32
        %get3A_1257 = arith.index_cast %add3A_1230 : i32 to index
        %get3A_1258 = arith.index_cast %add3A_1256 : i32 to index
        %get3A_1259 = tpu.vector_load %arg8[%get3A_1257, %get3A_1258] {strides = array<i32>} : memref<128x128xf32, #tpu.memory_space<vmem>>, vector<1x16xf32>,
        %get3A_1260 = vector.shape_cast %get3A_1259 : vector<1x16xf32> to vector<16xf32>
        %swap3A_1261 = arith.index_cast %select_n3A_1254 : i32 to index
        %swap3A_1262 = arith.constant 64 : index
        %swap3A_1263 = tpu.vector_load %arg9[%swap3A_1261, %swap3A_1262] {strides = array<i32>} : memref<64x128xf32, #tpu.memory_space<vmem>>, vector<1x16xf32>,
        %swap3A_1264 = vector.shape_cast %swap3A_1263 : vector<1x16xf32> to vector<16xf32>
        %swap3A_1265 = vector.shape_cast %get3A_1260 : vector<16xf32> to vector<1x16xf32>
        tpu.vector_store %arg9[%swap3A_1261, %swap3A_1262], %swap3A_1265 {strides = array<i32>} : memref<64x128xf32, #tpu.memory_space<vmem>>, vector<1x16xf32>,
        %add3A_1266 = arith.constant 16 : i32
        %add3A_1267 = arith.addi %and3A_1226, %add3A_1266 : i32
        %get3A_1268 = arith.index_cast %add3A_1230 : i32 to index
        %get3A_1269 = arith.index_cast %add3A_1267 : i32 to index
        %get3A_1270 = tpu.vector_load %arg8[%get3A_1268, %get3A_1269] {strides = array<i32>} : memref<128x128xf32, #tpu.memory_space<vmem>>, vector<1x16xf32>,
        %get3A_1271 = vector.shape_cast %get3A_1270 : vector<1x16xf32> to vector<16xf32>
        %swap3A_1272 = arith.index_cast %select_n3A_1254 : i32 to index
        %swap3A_1273 = arith.constant 80 : index
        %swap3A_1274 = tpu.vector_load %arg9[%swap3A_1272, %swap3A_1273] {strides = array<i32>} : memref<64x128xf32, #tpu.memory_space<vmem>>, vector<1x16xf32>,
        %swap3A_1275 = vector.shape_cast %swap3A_1274 : vector<1x16xf32> to vector<16xf32>
        %swap3A_1276 = vector.shape_cast %get3A_1271 : vector<16xf32> to vector<1x16xf32>
        tpu.vector_store %arg9[%swap3A_1272, %swap3A_1273], %swap3A_1276 {strides = array<i32>} : memref<64x128xf32, #tpu.memory_space<vmem>>, vector<1x16xf32>,
        %add3A_1277 = arith.constant 32 : i32
        %add3A_1278 = arith.addi %and3A_1226, %add3A_1277 : i32
        %get3A_1279 = arith.index_cast %add3A_1230 : i32 to index
        %get3A_1280 = arith.index_cast %add3A_1278 : i32 to index
        %get3A_1281 = tpu.vector_load %arg8[%get3A_1279, %get3A_1280] {strides = array<i32>} : memref<128x128xf32, #tpu.memory_space<vmem>>, vector<1x16xf32>,
        %get3A_1282 = vector.shape_cast %get3A_1281 : vector<1x16xf32> to vector<16xf32>
        %swap3A_1283 = arith.index_cast %select_n3A_1254 : i32 to index
        %swap3A_1284 = arith.constant 96 : index
        %swap3A_1285 = tpu.vector_load %arg9[%swap3A_1283, %swap3A_1284] {strides = array<i32>} : memref<64x128xf32, #tpu.memory_space<vmem>>, vector<1x16xf32>,
        %swap3A_1286 = vector.shape_cast %swap3A_1285 : vector<1x16xf32> to vector<16xf32>
        %swap3A_1287 = vector.shape_cast %get3A_1282 : vector<16xf32> to vector<1x16xf32>
        tpu.vector_store %arg9[%swap3A_1283, %swap3A_1284], %swap3A_1287 {strides = array<i32>} : memref<64x128xf32, #tpu.memory_space<vmem>>, vector<1x16xf32>,
        %add3A_1288 = arith.constant 48 : i32
        %add3A_1289 = arith.addi %and3A_1226, %add3A_1288 : i32
        %get3A_1290 = arith.index_cast %add3A_1230 : i32 to index
        %get3A_1291 = arith.index_cast %add3A_1289 : i32 to index
        %get3A_1292 = tpu.vector_load %arg8[%get3A_1290, %get3A_1291] {strides = array<i32>} : memref<128x128xf32, #tpu.memory_space<vmem>>, vector<1x16xf32>,
        %get3A_1293 = vector.shape_cast %get3A_1292 : vector<1x16xf32> to vector<16xf32>
        %swap3A_1294 = arith.index_cast %select_n3A_1254 : i32 to index
        %swap3A_1295 = arith.constant 112 : index
        %swap3A_1296 = tpu.vector_load %arg9[%swap3A_1294, %swap3A_1295] {strides = array<i32>} : memref<64x128xf32, #tpu.memory_space<vmem>>, vector<1x16xf32>,
        %swap3A_1297 = vector.shape_cast %swap3A_1296 : vector<1x16xf32> to vector<16xf32>
        %swap3A_1298 = vector.shape_cast %get3A_1293 : vector<16xf32> to vector<1x16xf32>
        tpu.vector_store %arg9[%swap3A_1294, %swap3A_1295], %swap3A_1298 {strides = array<i32>} : memref<64x128xf32, #tpu.memory_space<vmem>>, vector<1x16xf32>,
        %slice3A_1299 = vector.extract_strided_slice %get3A_210 {offsets = [14], sizes = [1], strides = [1]} : vector<16xi32> to vector<1xi32>
        %squeeze3A_1300 = vector.extract %slice3A_1299[0] : i32 from vector<1xi32>
        %shift_right_logical3A_1301 = arith.constant 7 : i32
        %shift_right_logical3A_1302 = arith.shrui %squeeze3A_1300, %shift_right_logical3A_1301 : i32
        %and3A_1303 = arith.constant 64 : i32
        %and3A_1304 = arith.andi %shift_right_logical3A_1302, %and3A_1303 : i32
        %mul3A_1305 = arith.constant 16 : i32
        %mul3A_1306 = arith.muli %scan3A_205, %mul3A_1305 : i32
        %add3A_1307 = arith.constant 14 : i32
        %add3A_1308 = arith.addi %mul3A_1306, %add3A_1307 : i32
        %jit3A_1309 = arith.constant 2 : i32
        %div3A_1310 = arith.divsi %add3A_1308, %jit3A_1309 : i32
        %sign3A_1311 = arith.constant 0 : i32
        %sign3A_1312 = arith.cmpi sgt, %add3A_1308, %sign3A_1311 : i32
        %sign3A_1313 = arith.extui %sign3A_1312 : i1 to i32
        %sign3A_1314 = arith.constant 0 : i32
        %sign3A_1315 = arith.cmpi slt, %add3A_1308, %sign3A_1314 : i32
        %sign3A_1316 = arith.extui %sign3A_1315 : i1 to i32
        %sign3A_1317 = arith.subi %sign3A_1313, %sign3A_1316 : i32
        %sign3A_1318 = arith.constant 0 : i32
        %sign3A_1319 = arith.cmpi sgt, %jit3A_1309, %sign3A_1318 : i32
        %sign3A_1320 = arith.extui %sign3A_1319 : i1 to i32
        %sign3A_1321 = arith.constant 0 : i32
        %sign3A_1322 = arith.cmpi slt, %jit3A_1309, %sign3A_1321 : i32
        %sign3A_1323 = arith.extui %sign3A_1322 : i1 to i32
        %sign3A_1324 = arith.subi %sign3A_1320, %sign3A_1323 : i32
        %ne3A_1325 = arith.cmpi ne, %sign3A_1317, %sign3A_1324 : i32
        %rem3A_1326 = arith.remsi %add3A_1308, %jit3A_1309 : i32
        %ne3A_1327 = arith.constant 0 : i32
        %ne3A_1328 = arith.cmpi ne, %rem3A_1326, %ne3A_1327 : i32
        %and3A_1329 = arith.andi %ne3A_1325, %ne3A_1328 : i1
        %sub3A_1330 = arith.constant 1 : i32
        %sub3A_1331 = arith.subi %div3A_1310, %sub3A_1330 : i32
        %select_n3A_1332 = arith.select %and3A_1329, %sub3A_1331, %div3A_1310 : i32
        %add3A_1333 = arith.constant 0 : i32
        %add3A_1334 = arith.addi %and3A_1304, %add3A_1333 : i32
        %get3A_1335 = arith.index_cast %add3A_1308 : i32 to index
        %get3A_1336 = arith.index_cast %add3A_1334 : i32 to index
        %get3A_1337 = tpu.vector_load %arg8[%get3A_1335, %get3A_1336] {strides = array<i32>} : memref<128x128xf32, #tpu.memory_space<vmem>>, vector<1x16xf32>,
        %get3A_1338 = vector.shape_cast %get3A_1337 : vector<1x16xf32> to vector<16xf32>
        %swap3A_1339 = arith.index_cast %select_n3A_1332 : i32 to index
        %swap3A_1340 = arith.constant 0 : index
        %swap3A_1341 = tpu.vector_load %arg9[%swap3A_1339, %swap3A_1340] {strides = array<i32>} : memref<64x128xf32, #tpu.memory_space<vmem>>, vector<1x16xf32>,
        %swap3A_1342 = vector.shape_cast %swap3A_1341 : vector<1x16xf32> to vector<16xf32>
        %swap3A_1343 = vector.shape_cast %get3A_1338 : vector<16xf32> to vector<1x16xf32>
        tpu.vector_store %arg9[%swap3A_1339, %swap3A_1340], %swap3A_1343 {strides = array<i32>} : memref<64x128xf32, #tpu.memory_space<vmem>>, vector<1x16xf32>,
        %add3A_1344 = arith.constant 16 : i32
        %add3A_1345 = arith.addi %and3A_1304, %add3A_1344 : i32
        %get3A_1346 = arith.index_cast %add3A_1308 : i32 to index
        %get3A_1347 = arith.index_cast %add3A_1345 : i32 to index
        %get3A_1348 = tpu.vector_load %arg8[%get3A_1346, %get3A_1347] {strides = array<i32>} : memref<128x128xf32, #tpu.memory_space<vmem>>, vector<1x16xf32>,
        %get3A_1349 = vector.shape_cast %get3A_1348 : vector<1x16xf32> to vector<16xf32>
        %swap3A_1350 = arith.index_cast %select_n3A_1332 : i32 to index
        %swap3A_1351 = arith.constant 16 : index
        %swap3A_1352 = tpu.vector_load %arg9[%swap3A_1350, %swap3A_1351] {strides = array<i32>} : memref<64x128xf32, #tpu.memory_space<vmem>>, vector<1x16xf32>,
        %swap3A_1353 = vector.shape_cast %swap3A_1352 : vector<1x16xf32> to vector<16xf32>
        %swap3A_1354 = vector.shape_cast %get3A_1349 : vector<16xf32> to vector<1x16xf32>
        tpu.vector_store %arg9[%swap3A_1350, %swap3A_1351], %swap3A_1354 {strides = array<i32>} : memref<64x128xf32, #tpu.memory_space<vmem>>, vector<1x16xf32>,
        %add3A_1355 = arith.constant 32 : i32
        %add3A_1356 = arith.addi %and3A_1304, %add3A_1355 : i32
        %get3A_1357 = arith.index_cast %add3A_1308 : i32 to index
        %get3A_1358 = arith.index_cast %add3A_1356 : i32 to index
        %get3A_1359 = tpu.vector_load %arg8[%get3A_1357, %get3A_1358] {strides = array<i32>} : memref<128x128xf32, #tpu.memory_space<vmem>>, vector<1x16xf32>,
        %get3A_1360 = vector.shape_cast %get3A_1359 : vector<1x16xf32> to vector<16xf32>
        %swap3A_1361 = arith.index_cast %select_n3A_1332 : i32 to index
        %swap3A_1362 = arith.constant 32 : index
        %swap3A_1363 = tpu.vector_load %arg9[%swap3A_1361, %swap3A_1362] {strides = array<i32>} : memref<64x128xf32, #tpu.memory_space<vmem>>, vector<1x16xf32>,
        %swap3A_1364 = vector.shape_cast %swap3A_1363 : vector<1x16xf32> to vector<16xf32>
        %swap3A_1365 = vector.shape_cast %get3A_1360 : vector<16xf32> to vector<1x16xf32>
        tpu.vector_store %arg9[%swap3A_1361, %swap3A_1362], %swap3A_1365 {strides = array<i32>} : memref<64x128xf32, #tpu.memory_space<vmem>>, vector<1x16xf32>,
        %add3A_1366 = arith.constant 48 : i32
        %add3A_1367 = arith.addi %and3A_1304, %add3A_1366 : i32
        %get3A_1368 = arith.index_cast %add3A_1308 : i32 to index
        %get3A_1369 = arith.index_cast %add3A_1367 : i32 to index
        %get3A_1370 = tpu.vector_load %arg8[%get3A_1368, %get3A_1369] {strides = array<i32>} : memref<128x128xf32, #tpu.memory_space<vmem>>, vector<1x16xf32>,
        %get3A_1371 = vector.shape_cast %get3A_1370 : vector<1x16xf32> to vector<16xf32>
        %swap3A_1372 = arith.index_cast %select_n3A_1332 : i32 to index
        %swap3A_1373 = arith.constant 48 : index
        %swap3A_1374 = tpu.vector_load %arg9[%swap3A_1372, %swap3A_1373] {strides = array<i32>} : memref<64x128xf32, #tpu.memory_space<vmem>>, vector<1x16xf32>,
        %swap3A_1375 = vector.shape_cast %swap3A_1374 : vector<1x16xf32> to vector<16xf32>
        %swap3A_1376 = vector.shape_cast %get3A_1371 : vector<16xf32> to vector<1x16xf32>
        tpu.vector_store %arg9[%swap3A_1372, %swap3A_1373], %swap3A_1376 {strides = array<i32>} : memref<64x128xf32, #tpu.memory_space<vmem>>, vector<1x16xf32>,
        %slice3A_1377 = vector.extract_strided_slice %get3A_210 {offsets = [15], sizes = [1], strides = [1]} : vector<16xi32> to vector<1xi32>
        %squeeze3A_1378 = vector.extract %slice3A_1377[0] : i32 from vector<1xi32>
        %shift_right_logical3A_1379 = arith.constant 7 : i32
        %shift_right_logical3A_1380 = arith.shrui %squeeze3A_1378, %shift_right_logical3A_1379 : i32
        %and3A_1381 = arith.constant 64 : i32
        %and3A_1382 = arith.andi %shift_right_logical3A_1380, %and3A_1381 : i32
        %mul3A_1383 = arith.constant 16 : i32
        %mul3A_1384 = arith.muli %scan3A_205, %mul3A_1383 : i32
        %add3A_1385 = arith.constant 15 : i32
        %add3A_1386 = arith.addi %mul3A_1384, %add3A_1385 : i32
        %jit3A_1387 = arith.constant 2 : i32
        %div3A_1388 = arith.divsi %add3A_1386, %jit3A_1387 : i32
        %sign3A_1389 = arith.constant 0 : i32
        %sign3A_1390 = arith.cmpi sgt, %add3A_1386, %sign3A_1389 : i32
        %sign3A_1391 = arith.extui %sign3A_1390 : i1 to i32
        %sign3A_1392 = arith.constant 0 : i32
        %sign3A_1393 = arith.cmpi slt, %add3A_1386, %sign3A_1392 : i32
        %sign3A_1394 = arith.extui %sign3A_1393 : i1 to i32
        %sign3A_1395 = arith.subi %sign3A_1391, %sign3A_1394 : i32
        %sign3A_1396 = arith.constant 0 : i32
        %sign3A_1397 = arith.cmpi sgt, %jit3A_1387, %sign3A_1396 : i32
        %sign3A_1398 = arith.extui %sign3A_1397 : i1 to i32
        %sign3A_1399 = arith.constant 0 : i32
        %sign3A_1400 = arith.cmpi slt, %jit3A_1387, %sign3A_1399 : i32
        %sign3A_1401 = arith.extui %sign3A_1400 : i1 to i32
        %sign3A_1402 = arith.subi %sign3A_1398, %sign3A_1401 : i32
        %ne3A_1403 = arith.cmpi ne, %sign3A_1395, %sign3A_1402 : i32
        %rem3A_1404 = arith.remsi %add3A_1386, %jit3A_1387 : i32
        %ne3A_1405 = arith.constant 0 : i32
        %ne3A_1406 = arith.cmpi ne, %rem3A_1404, %ne3A_1405 : i32
        %and3A_1407 = arith.andi %ne3A_1403, %ne3A_1406 : i1
        %sub3A_1408 = arith.constant 1 : i32
        %sub3A_1409 = arith.subi %div3A_1388, %sub3A_1408 : i32
        %select_n3A_1410 = arith.select %and3A_1407, %sub3A_1409, %div3A_1388 : i32
        %add3A_1411 = arith.constant 0 : i32
        %add3A_1412 = arith.addi %and3A_1382, %add3A_1411 : i32
        %get3A_1413 = arith.index_cast %add3A_1386 : i32 to index
        %get3A_1414 = arith.index_cast %add3A_1412 : i32 to index
        %get3A_1415 = tpu.vector_load %arg8[%get3A_1413, %get3A_1414] {strides = array<i32>} : memref<128x128xf32, #tpu.memory_space<vmem>>, vector<1x16xf32>,
        %get3A_1416 = vector.shape_cast %get3A_1415 : vector<1x16xf32> to vector<16xf32>
        %swap3A_1417 = arith.index_cast %select_n3A_1410 : i32 to index
        %swap3A_1418 = arith.constant 64 : index
        %swap3A_1419 = tpu.vector_load %arg9[%swap3A_1417, %swap3A_1418] {strides = array<i32>} : memref<64x128xf32, #tpu.memory_space<vmem>>, vector<1x16xf32>,
        %swap3A_1420 = vector.shape_cast %swap3A_1419 : vector<1x16xf32> to vector<16xf32>
        %swap3A_1421 = vector.shape_cast %get3A_1416 : vector<16xf32> to vector<1x16xf32>
        tpu.vector_store %arg9[%swap3A_1417, %swap3A_1418], %swap3A_1421 {strides = array<i32>} : memref<64x128xf32, #tpu.memory_space<vmem>>, vector<1x16xf32>,
        %add3A_1422 = arith.constant 16 : i32
        %add3A_1423 = arith.addi %and3A_1382, %add3A_1422 : i32
        %get3A_1424 = arith.index_cast %add3A_1386 : i32 to index
        %get3A_1425 = arith.index_cast %add3A_1423 : i32 to index
        %get3A_1426 = tpu.vector_load %arg8[%get3A_1424, %get3A_1425] {strides = array<i32>} : memref<128x128xf32, #tpu.memory_space<vmem>>, vector<1x16xf32>,
        %get3A_1427 = vector.shape_cast %get3A_1426 : vector<1x16xf32> to vector<16xf32>
        %swap3A_1428 = arith.index_cast %select_n3A_1410 : i32 to index
        %swap3A_1429 = arith.constant 80 : index
        %swap3A_1430 = tpu.vector_load %arg9[%swap3A_1428, %swap3A_1429] {strides = array<i32>} : memref<64x128xf32, #tpu.memory_space<vmem>>, vector<1x16xf32>,
        %swap3A_1431 = vector.shape_cast %swap3A_1430 : vector<1x16xf32> to vector<16xf32>
        %swap3A_1432 = vector.shape_cast %get3A_1427 : vector<16xf32> to vector<1x16xf32>
        tpu.vector_store %arg9[%swap3A_1428, %swap3A_1429], %swap3A_1432 {strides = array<i32>} : memref<64x128xf32, #tpu.memory_space<vmem>>, vector<1x16xf32>,
        %add3A_1433 = arith.constant 32 : i32
        %add3A_1434 = arith.addi %and3A_1382, %add3A_1433 : i32
        %get3A_1435 = arith.index_cast %add3A_1386 : i32 to index
        %get3A_1436 = arith.index_cast %add3A_1434 : i32 to index
        %get3A_1437 = tpu.vector_load %arg8[%get3A_1435, %get3A_1436] {strides = array<i32>} : memref<128x128xf32, #tpu.memory_space<vmem>>, vector<1x16xf32>,
        %get3A_1438 = vector.shape_cast %get3A_1437 : vector<1x16xf32> to vector<16xf32>
        %swap3A_1439 = arith.index_cast %select_n3A_1410 : i32 to index
        %swap3A_1440 = arith.constant 96 : index
        %swap3A_1441 = tpu.vector_load %arg9[%swap3A_1439, %swap3A_1440] {strides = array<i32>} : memref<64x128xf32, #tpu.memory_space<vmem>>, vector<1x16xf32>,
        %swap3A_1442 = vector.shape_cast %swap3A_1441 : vector<1x16xf32> to vector<16xf32>
        %swap3A_1443 = vector.shape_cast %get3A_1438 : vector<16xf32> to vector<1x16xf32>
        tpu.vector_store %arg9[%swap3A_1439, %swap3A_1440], %swap3A_1443 {strides = array<i32>} : memref<64x128xf32, #tpu.memory_space<vmem>>, vector<1x16xf32>,
        %add3A_1444 = arith.constant 48 : i32
        %add3A_1445 = arith.addi %and3A_1382, %add3A_1444 : i32
        %get3A_1446 = arith.index_cast %add3A_1386 : i32 to index
        %get3A_1447 = arith.index_cast %add3A_1445 : i32 to index
        %get3A_1448 = tpu.vector_load %arg8[%get3A_1446, %get3A_1447] {strides = array<i32>} : memref<128x128xf32, #tpu.memory_space<vmem>>, vector<1x16xf32>,
        %get3A_1449 = vector.shape_cast %get3A_1448 : vector<1x16xf32> to vector<16xf32>
        %swap3A_1450 = arith.index_cast %select_n3A_1410 : i32 to index
        %swap3A_1451 = arith.constant 112 : index
        %swap3A_1452 = tpu.vector_load %arg9[%swap3A_1450, %swap3A_1451] {strides = array<i32>} : memref<64x128xf32, #tpu.memory_space<vmem>>, vector<1x16xf32>,
        %swap3A_1453 = vector.shape_cast %swap3A_1452 : vector<1x16xf32> to vector<16xf32>
        %swap3A_1454 = vector.shape_cast %get3A_1449 : vector<16xf32> to vector<1x16xf32>
        tpu.vector_store %arg9[%swap3A_1450, %swap3A_1451], %swap3A_1454 {strides = array<i32>} : memref<64x128xf32, #tpu.memory_space<vmem>>, vector<1x16xf32>,
      }
      %scan3A_178 = arith.constant 8 : i32
      %add3A_179 = arith.addi %multiple_of3A, %multiple_of3A_172 : i32
      %jit3A_180 = arith.constant 2 : i32
      %div3A_181 = arith.divsi %add3A_179, %jit3A_180 : i32
      %sign3A_182 = arith.constant 0 : i32
      %sign3A_183 = arith.cmpi sgt, %add3A_179, %sign3A_182 : i32
      %sign3A_184 = arith.extui %sign3A_183 : i1 to i32
      %sign3A_185 = arith.constant 0 : i32
      %sign3A_186 = arith.cmpi slt, %add3A_179, %sign3A_185 : i32
      %sign3A_187 = arith.extui %sign3A_186 : i1 to i32
      %sign3A_188 = arith.subi %sign3A_184, %sign3A_187 : i32
      %sign3A_189 = arith.constant 0 : i32
      %sign3A_190 = arith.cmpi sgt, %jit3A_180, %sign3A_189 : i32
      %sign3A_191 = arith.extui %sign3A_190 : i1 to i32
      %sign3A_192 = arith.constant 0 : i32
      %sign3A_193 = arith.cmpi slt, %jit3A_180, %sign3A_192 : i32
      %sign3A_194 = arith.extui %sign3A_193 : i1 to i32
      %sign3A_195 = arith.subi %sign3A_191, %sign3A_194 : i32
      %ne3A_196 = arith.cmpi ne, %sign3A_188, %sign3A_195 : i32
      %rem3A_197 = arith.remsi %add3A_179, %jit3A_180 : i32
      %ne3A_198 = arith.constant 0 : i32
      %ne3A_199 = arith.cmpi ne, %rem3A_197, %ne3A_198 : i32
      %and3A_200 = arith.andi %ne3A_196, %ne3A_199 : i1
      %sub3A_201 = arith.constant 1 : i32
      %sub3A_202 = arith.subi %div3A_181, %sub3A_201 : i32
      %select_n3A_203 = arith.select %and3A_200, %sub3A_202, %div3A_181 : i32
      %multiple_of3A_204 = tpu.assume_multiple %select_n3A_203, 64 : i32
      "tpu.region"() ({
        %run_scoped3A = tpu.sem_alloc : memref<!tpu.dma_semaphore, #tpu.memory_space<semaphore_mem>>
        %dma_start3A_205 = arith.constant 0 : i32
        %dma_start3A_206 = tpu.memref_slice %arg4[%multiple_of3A_204, %dma_start3A_205] : memref<102400x128xf32, #tpu.memory_space<hbm>> -> memref<64x128xf32, #tpu.memory_space<hbm>>
        %dma_start3A_207 = arith.constant 0 : i32
        %dma_start3A_208 = tpu.memref_slice %arg4[%multiple_of3A_204, %dma_start3A_207] : memref<102400x128xf32, #tpu.memory_space<hbm>> -> memref<64x128xf32, #tpu.memory_space<hbm>>
        tpu.enqueue_dma source(%arg9 : memref<64x128xf32, #tpu.memory_space<vmem>>) target(%dma_start3A_208 : memref<64x128xf32, #tpu.memory_space<hbm>>) target_semaphore(%run_scoped3A : memref<!tpu.dma_semaphore, #tpu.memory_space<semaphore_mem>>)
        %dma_wait3A_209 = arith.constant 0 : i32
        %dma_wait3A_210 = tpu.memref_slice %arg4[%multiple_of3A_204, %dma_wait3A_209] : memref<102400x128xf32, #tpu.memory_space<hbm>> -> memref<64x128xf32, #tpu.memory_space<hbm>>
        %dma_wait3A_211 = arith.constant 0 : i32
        %dma_wait3A_212 = tpu.memref_slice %arg4[%multiple_of3A_204, %dma_wait3A_211] : memref<102400x128xf32, #tpu.memory_space<hbm>> -> memref<64x128xf32, #tpu.memory_space<hbm>>
        tpu.wait_dma2 semaphore(%run_scoped3A : memref<!tpu.dma_semaphore, #tpu.memory_space<semaphore_mem>>) src(%arg9 : memref<64x128xf32, #tpu.memory_space<vmem>>) dst(%dma_wait3A_212 : memref<64x128xf32, #tpu.memory_space<hbm>>)
        tpu.yield
      }) : () -> ()
    }
    %scan3A_18 = arith.constant 24 : i32
    %multiple_of3A_19 = arith.constant 6272 : i32
    %multiple_of3A_20 = tpu.assume_multiple %multiple_of3A_19, 128 : i32
    %dma_start3A_21 = tpu.memref_slice %arg6[%multiple_of3A_20] : memref<6400xi32, #tpu.memory_space<vmem>> -> memref<128xi32, #tpu.memory_space<vmem>>
    %dma_start3A_22 = arith.constant 0 : i32
    %dma_start3A_23 = arith.constant 0 : i32
    %dma_start3A_24 = tpu.memref_slice %arg2[%dma_start3A_22, %dma_start3A_23] : memref<507904x128xf32, #tpu.memory_space<hbm>> -> memref<507904x128xf32, #tpu.memory_space<hbm>>
    tpu.enqueue_indirect_dma source(%dma_start3A_24 : memref<507904x128xf32, #tpu.memory_space<hbm>>) target(%arg8 : memref<128x128xf32, #tpu.memory_space<vmem>>) offsets(%dma_start3A_21 : memref<128xi32, #tpu.memory_space<vmem>>) semaphore(%arg11 : memref<!tpu.dma_semaphore, #tpu.memory_space<semaphore_mem>>)
    %multiple_of3A_25 = arith.constant 6144 : i32
    %multiple_of3A_26 = tpu.assume_multiple %multiple_of3A_25, 128 : i32
    %dma_wait3A = tpu.memref_slice %arg6[%multiple_of3A_26] : memref<6400xi32, #tpu.memory_space<vmem>> -> memref<128xi32, #tpu.memory_space<vmem>>
    %dma_wait3A_27 = arith.constant 0 : i32
    %dma_wait3A_28 = arith.constant 0 : i32
    %dma_wait3A_29 = tpu.memref_slice %arg2[%dma_wait3A_27, %dma_wait3A_28] : memref<507904x128xf32, #tpu.memory_space<hbm>> -> memref<507904x128xf32, #tpu.memory_space<hbm>>
    tpu.wait_indirect_dma semaphore(%arg10 : memref<!tpu.dma_semaphore, #tpu.memory_space<semaphore_mem>>) src(%dma_wait3A_29 : memref<507904x128xf32, #tpu.memory_space<hbm>>) dst(%arg7 : memref<128x128xf32, #tpu.memory_space<vmem>>)
    %multiple_of3A_30 = arith.constant 6144 : i32
    %multiple_of3A_31 = tpu.assume_multiple %multiple_of3A_30, 128 : i32
    %scan3A_32 = arith.constant 0 : i32
    %scan3A_33 = arith.constant 0 : i32
    %scan3A_34 = arith.constant 8 : i32
    %scan3A_35 = arith.addi %scan3A_33, %scan3A_34 : i32
    %scan3A_36 = arith.constant 1 : i32
    scf.for %scan3A_96 = %scan3A_33 to %scan3A_35 step %scan3A_36  : i32 {
      %mul3A_97 = arith.constant 16 : i32
      %mul3A_98 = arith.muli %scan3A_96, %mul3A_97 : i32
      %add3A_99 = arith.addi %multiple_of3A_31, %mul3A_98 : i32
      %get3A = arith.index_cast %add3A_99 : i32 to index
      %get3A_100 = tpu.vector_load %arg5[%get3A] {strides = array<i32>} : memref<6400xi32, #tpu.memory_space<vmem>>, vector<16xi32>,
      %get3A_101 = vector.shape_cast %get3A_100 : vector<16xi32> to vector<16xi32>
      %slice3A = vector.extract_strided_slice %get3A_101 {offsets = [0], sizes = [1], strides = [1]} : vector<16xi32> to vector<1xi32>
      %squeeze3A = vector.extract %slice3A[0] : i32 from vector<1xi32>
      %shift_right_logical3A = arith.constant 7 : i32
      %shift_right_logical3A_102 = arith.shrui %squeeze3A, %shift_right_logical3A : i32
      %and3A_103 = arith.constant 64 : i32
      %and3A_104 = arith.andi %shift_right_logical3A_102, %and3A_103 : i32
      %mul3A_105 = arith.constant 16 : i32
      %mul3A_106 = arith.muli %scan3A_96, %mul3A_105 : i32
      %add3A_107 = arith.constant 0 : i32
      %add3A_108 = arith.addi %mul3A_106, %add3A_107 : i32
      %jit3A_109 = arith.constant 2 : i32
      %div3A_110 = arith.divsi %add3A_108, %jit3A_109 : i32
      %sign3A_111 = arith.constant 0 : i32
      %sign3A_112 = arith.cmpi sgt, %add3A_108, %sign3A_111 : i32
      %sign3A_113 = arith.extui %sign3A_112 : i1 to i32
      %sign3A_114 = arith.constant 0 : i32
      %sign3A_115 = arith.cmpi slt, %add3A_108, %sign3A_114 : i32
      %sign3A_116 = arith.extui %sign3A_115 : i1 to i32
      %sign3A_117 = arith.subi %sign3A_113, %sign3A_116 : i32
      %sign3A_118 = arith.constant 0 : i32
      %sign3A_119 = arith.cmpi sgt, %jit3A_109, %sign3A_118 : i32
      %sign3A_120 = arith.extui %sign3A_119 : i1 to i32
      %sign3A_121 = arith.constant 0 : i32
      %sign3A_122 = arith.cmpi slt, %jit3A_109, %sign3A_121 : i32
      %sign3A_123 = arith.extui %sign3A_122 : i1 to i32
      %sign3A_124 = arith.subi %sign3A_120, %sign3A_123 : i32
      %ne3A_125 = arith.cmpi ne, %sign3A_117, %sign3A_124 : i32
      %rem3A_126 = arith.remsi %add3A_108, %jit3A_109 : i32
      %ne3A_127 = arith.constant 0 : i32
      %ne3A_128 = arith.cmpi ne, %rem3A_126, %ne3A_127 : i32
      %and3A_129 = arith.andi %ne3A_125, %ne3A_128 : i1
      %sub3A_130 = arith.constant 1 : i32
      %sub3A_131 = arith.subi %div3A_110, %sub3A_130 : i32
      %select_n3A_132 = arith.select %and3A_129, %sub3A_131, %div3A_110 : i32
      %add3A_133 = arith.constant 0 : i32
      %add3A_134 = arith.addi %and3A_104, %add3A_133 : i32
      %get3A_135 = arith.index_cast %add3A_108 : i32 to index
      %get3A_136 = arith.index_cast %add3A_134 : i32 to index
      %get3A_137 = tpu.vector_load %arg7[%get3A_135, %get3A_136] {strides = array<i32>} : memref<128x128xf32, #tpu.memory_space<vmem>>, vector<1x16xf32>,
      %get3A_138 = vector.shape_cast %get3A_137 : vector<1x16xf32> to vector<16xf32>
      %swap3A = arith.index_cast %select_n3A_132 : i32 to index
      %swap3A_139 = arith.constant 0 : index
      %swap3A_140 = tpu.vector_load %arg9[%swap3A, %swap3A_139] {strides = array<i32>} : memref<64x128xf32, #tpu.memory_space<vmem>>, vector<1x16xf32>,
      %swap3A_141 = vector.shape_cast %swap3A_140 : vector<1x16xf32> to vector<16xf32>
      %swap3A_142 = vector.shape_cast %get3A_138 : vector<16xf32> to vector<1x16xf32>
      tpu.vector_store %arg9[%swap3A, %swap3A_139], %swap3A_142 {strides = array<i32>} : memref<64x128xf32, #tpu.memory_space<vmem>>, vector<1x16xf32>,
      %add3A_143 = arith.constant 16 : i32
      %add3A_144 = arith.addi %and3A_104, %add3A_143 : i32
      %get3A_145 = arith.index_cast %add3A_108 : i32 to index
      %get3A_146 = arith.index_cast %add3A_144 : i32 to index
      %get3A_147 = tpu.vector_load %arg7[%get3A_145, %get3A_146] {strides = array<i32>} : memref<128x128xf32, #tpu.memory_space<vmem>>, vector<1x16xf32>,
      %get3A_148 = vector.shape_cast %get3A_147 : vector<1x16xf32> to vector<16xf32>
      %swap3A_149 = arith.index_cast %select_n3A_132 : i32 to index
      %swap3A_150 = arith.constant 16 : index
      %swap3A_151 = tpu.vector_load %arg9[%swap3A_149, %swap3A_150] {strides = array<i32>} : memref<64x128xf32, #tpu.memory_space<vmem>>, vector<1x16xf32>,
      %swap3A_152 = vector.shape_cast %swap3A_151 : vector<1x16xf32> to vector<16xf32>
      %swap3A_153 = vector.shape_cast %get3A_148 : vector<16xf32> to vector<1x16xf32>
      tpu.vector_store %arg9[%swap3A_149, %swap3A_150], %swap3A_153 {strides = array<i32>} : memref<64x128xf32, #tpu.memory_space<vmem>>, vector<1x16xf32>,
      %add3A_154 = arith.constant 32 : i32
      %add3A_155 = arith.addi %and3A_104, %add3A_154 : i32
      %get3A_156 = arith.index_cast %add3A_108 : i32 to index
      %get3A_157 = arith.index_cast %add3A_155 : i32 to index
      %get3A_158 = tpu.vector_load %arg7[%get3A_156, %get3A_157] {strides = array<i32>} : memref<128x128xf32, #tpu.memory_space<vmem>>, vector<1x16xf32>,
      %get3A_159 = vector.shape_cast %get3A_158 : vector<1x16xf32> to vector<16xf32>
      %swap3A_160 = arith.index_cast %select_n3A_132 : i32 to index
      %swap3A_161 = arith.constant 32 : index
      %swap3A_162 = tpu.vector_load %arg9[%swap3A_160, %swap3A_161] {strides = array<i32>} : memref<64x128xf32, #tpu.memory_space<vmem>>, vector<1x16xf32>,
      %swap3A_163 = vector.shape_cast %swap3A_162 : vector<1x16xf32> to vector<16xf32>
      %swap3A_164 = vector.shape_cast %get3A_159 : vector<16xf32> to vector<1x16xf32>
      tpu.vector_store %arg9[%swap3A_160, %swap3A_161], %swap3A_164 {strides = array<i32>} : memref<64x128xf32, #tpu.memory_space<vmem>>, vector<1x16xf32>,
      %add3A_165 = arith.constant 48 : i32
      %add3A_166 = arith.addi %and3A_104, %add3A_165 : i32
      %get3A_167 = arith.index_cast %add3A_108 : i32 to index
      %get3A_168 = arith.index_cast %add3A_166 : i32 to index
      %get3A_169 = tpu.vector_load %arg7[%get3A_167, %get3A_168] {strides = array<i32>} : memref<128x128xf32, #tpu.memory_space<vmem>>, vector<1x16xf32>,
      %get3A_170 = vector.shape_cast %get3A_169 : vector<1x16xf32> to vector<16xf32>
      %swap3A_171 = arith.index_cast %select_n3A_132 : i32 to index
      %swap3A_172 = arith.constant 48 : index
      %swap3A_173 = tpu.vector_load %arg9[%swap3A_171, %swap3A_172] {strides = array<i32>} : memref<64x128xf32, #tpu.memory_space<vmem>>, vector<1x16xf32>,
      %swap3A_174 = vector.shape_cast %swap3A_173 : vector<1x16xf32> to vector<16xf32>
      %swap3A_175 = vector.shape_cast %get3A_170 : vector<16xf32> to vector<1x16xf32>
      tpu.vector_store %arg9[%swap3A_171, %swap3A_172], %swap3A_175 {strides = array<i32>} : memref<64x128xf32, #tpu.memory_space<vmem>>, vector<1x16xf32>,
      %slice3A_176 = vector.extract_strided_slice %get3A_101 {offsets = [1], sizes = [1], strides = [1]} : vector<16xi32> to vector<1xi32>
      %squeeze3A_177 = vector.extract %slice3A_176[0] : i32 from vector<1xi32>
      %shift_right_logical3A_178 = arith.constant 7 : i32
      %shift_right_logical3A_179 = arith.shrui %squeeze3A_177, %shift_right_logical3A_178 : i32
      %and3A_180 = arith.constant 64 : i32
      %and3A_181 = arith.andi %shift_right_logical3A_179, %and3A_180 : i32
      %mul3A_182 = arith.constant 16 : i32
      %mul3A_183 = arith.muli %scan3A_96, %mul3A_182 : i32
      %add3A_184 = arith.constant 1 : i32
      %add3A_185 = arith.addi %mul3A_183, %add3A_184 : i32
      %jit3A_186 = arith.constant 2 : i32
      %div3A_187 = arith.divsi %add3A_185, %jit3A_186 : i32
      %sign3A_188 = arith.constant 0 : i32
      %sign3A_189 = arith.cmpi sgt, %add3A_185, %sign3A_188 : i32
      %sign3A_190 = arith.extui %sign3A_189 : i1 to i32
      %sign3A_191 = arith.constant 0 : i32
      %sign3A_192 = arith.cmpi slt, %add3A_185, %sign3A_191 : i32
      %sign3A_193 = arith.extui %sign3A_192 : i1 to i32
      %sign3A_194 = arith.subi %sign3A_190, %sign3A_193 : i32
      %sign3A_195 = arith.constant 0 : i32
      %sign3A_196 = arith.cmpi sgt, %jit3A_186, %sign3A_195 : i32
      %sign3A_197 = arith.extui %sign3A_196 : i1 to i32
      %sign3A_198 = arith.constant 0 : i32
      %sign3A_199 = arith.cmpi slt, %jit3A_186, %sign3A_198 : i32
      %sign3A_200 = arith.extui %sign3A_199 : i1 to i32
      %sign3A_201 = arith.subi %sign3A_197, %sign3A_200 : i32
      %ne3A_202 = arith.cmpi ne, %sign3A_194, %sign3A_201 : i32
      %rem3A_203 = arith.remsi %add3A_185, %jit3A_186 : i32
      %ne3A_204 = arith.constant 0 : i32
      %ne3A_205 = arith.cmpi ne, %rem3A_203, %ne3A_204 : i32
      %and3A_206 = arith.andi %ne3A_202, %ne3A_205 : i1
      %sub3A_207 = arith.constant 1 : i32
      %sub3A_208 = arith.subi %div3A_187, %sub3A_207 : i32
      %select_n3A_209 = arith.select %and3A_206, %sub3A_208, %div3A_187 : i32
      %add3A_210 = arith.constant 0 : i32
      %add3A_211 = arith.addi %and3A_181, %add3A_210 : i32
      %get3A_212 = arith.index_cast %add3A_185 : i32 to index
      %get3A_213 = arith.index_cast %add3A_211 : i32 to index
      %get3A_214 = tpu.vector_load %arg7[%get3A_212, %get3A_213] {strides = array<i32>} : memref<128x128xf32, #tpu.memory_space<vmem>>, vector<1x16xf32>,
      %get3A_215 = vector.shape_cast %get3A_214 : vector<1x16xf32> to vector<16xf32>
      %swap3A_216 = arith.index_cast %select_n3A_209 : i32 to index
      %swap3A_217 = arith.constant 64 : index
      %swap3A_218 = tpu.vector_load %arg9[%swap3A_216, %swap3A_217] {strides = array<i32>} : memref<64x128xf32, #tpu.memory_space<vmem>>, vector<1x16xf32>,
      %swap3A_219 = vector.shape_cast %swap3A_218 : vector<1x16xf32> to vector<16xf32>
      %swap3A_220 = vector.shape_cast %get3A_215 : vector<16xf32> to vector<1x16xf32>
      tpu.vector_store %arg9[%swap3A_216, %swap3A_217], %swap3A_220 {strides = array<i32>} : memref<64x128xf32, #tpu.memory_space<vmem>>, vector<1x16xf32>,
      %add3A_221 = arith.constant 16 : i32
      %add3A_222 = arith.addi %and3A_181, %add3A_221 : i32
      %get3A_223 = arith.index_cast %add3A_185 : i32 to index
      %get3A_224 = arith.index_cast %add3A_222 : i32 to index
      %get3A_225 = tpu.vector_load %arg7[%get3A_223, %get3A_224] {strides = array<i32>} : memref<128x128xf32, #tpu.memory_space<vmem>>, vector<1x16xf32>,
      %get3A_226 = vector.shape_cast %get3A_225 : vector<1x16xf32> to vector<16xf32>
      %swap3A_227 = arith.index_cast %select_n3A_209 : i32 to index
      %swap3A_228 = arith.constant 80 : index
      %swap3A_229 = tpu.vector_load %arg9[%swap3A_227, %swap3A_228] {strides = array<i32>} : memref<64x128xf32, #tpu.memory_space<vmem>>, vector<1x16xf32>,
      %swap3A_230 = vector.shape_cast %swap3A_229 : vector<1x16xf32> to vector<16xf32>
      %swap3A_231 = vector.shape_cast %get3A_226 : vector<16xf32> to vector<1x16xf32>
      tpu.vector_store %arg9[%swap3A_227, %swap3A_228], %swap3A_231 {strides = array<i32>} : memref<64x128xf32, #tpu.memory_space<vmem>>, vector<1x16xf32>,
      %add3A_232 = arith.constant 32 : i32
      %add3A_233 = arith.addi %and3A_181, %add3A_232 : i32
      %get3A_234 = arith.index_cast %add3A_185 : i32 to index
      %get3A_235 = arith.index_cast %add3A_233 : i32 to index
      %get3A_236 = tpu.vector_load %arg7[%get3A_234, %get3A_235] {strides = array<i32>} : memref<128x128xf32, #tpu.memory_space<vmem>>, vector<1x16xf32>,
      %get3A_237 = vector.shape_cast %get3A_236 : vector<1x16xf32> to vector<16xf32>
      %swap3A_238 = arith.index_cast %select_n3A_209 : i32 to index
      %swap3A_239 = arith.constant 96 : index
      %swap3A_240 = tpu.vector_load %arg9[%swap3A_238, %swap3A_239] {strides = array<i32>} : memref<64x128xf32, #tpu.memory_space<vmem>>, vector<1x16xf32>,
      %swap3A_241 = vector.shape_cast %swap3A_240 : vector<1x16xf32> to vector<16xf32>
      %swap3A_242 = vector.shape_cast %get3A_237 : vector<16xf32> to vector<1x16xf32>
      tpu.vector_store %arg9[%swap3A_238, %swap3A_239], %swap3A_242 {strides = array<i32>} : memref<64x128xf32, #tpu.memory_space<vmem>>, vector<1x16xf32>,
      %add3A_243 = arith.constant 48 : i32
      %add3A_244 = arith.addi %and3A_181, %add3A_243 : i32
      %get3A_245 = arith.index_cast %add3A_185 : i32 to index
      %get3A_246 = arith.index_cast %add3A_244 : i32 to index
      %get3A_247 = tpu.vector_load %arg7[%get3A_245, %get3A_246] {strides = array<i32>} : memref<128x128xf32, #tpu.memory_space<vmem>>, vector<1x16xf32>,
      %get3A_248 = vector.shape_cast %get3A_247 : vector<1x16xf32> to vector<16xf32>
      %swap3A_249 = arith.index_cast %select_n3A_209 : i32 to index
      %swap3A_250 = arith.constant 112 : index
      %swap3A_251 = tpu.vector_load %arg9[%swap3A_249, %swap3A_250] {strides = array<i32>} : memref<64x128xf32, #tpu.memory_space<vmem>>, vector<1x16xf32>,
      %swap3A_252 = vector.shape_cast %swap3A_251 : vector<1x16xf32> to vector<16xf32>
      %swap3A_253 = vector.shape_cast %get3A_248 : vector<16xf32> to vector<1x16xf32>
      tpu.vector_store %arg9[%swap3A_249, %swap3A_250], %swap3A_253 {strides = array<i32>} : memref<64x128xf32, #tpu.memory_space<vmem>>, vector<1x16xf32>,
      %slice3A_254 = vector.extract_strided_slice %get3A_101 {offsets = [2], sizes = [1], strides = [1]} : vector<16xi32> to vector<1xi32>
      %squeeze3A_255 = vector.extract %slice3A_254[0] : i32 from vector<1xi32>
      %shift_right_logical3A_256 = arith.constant 7 : i32
      %shift_right_logical3A_257 = arith.shrui %squeeze3A_255, %shift_right_logical3A_256 : i32
      %and3A_258 = arith.constant 64 : i32
      %and3A_259 = arith.andi %shift_right_logical3A_257, %and3A_258 : i32
      %mul3A_260 = arith.constant 16 : i32
      %mul3A_261 = arith.muli %scan3A_96, %mul3A_260 : i32
      %add3A_262 = arith.constant 2 : i32
      %add3A_263 = arith.addi %mul3A_261, %add3A_262 : i32
      %jit3A_264 = arith.constant 2 : i32
      %div3A_265 = arith.divsi %add3A_263, %jit3A_264 : i32
      %sign3A_266 = arith.constant 0 : i32
      %sign3A_267 = arith.cmpi sgt, %add3A_263, %sign3A_266 : i32
      %sign3A_268 = arith.extui %sign3A_267 : i1 to i32
      %sign3A_269 = arith.constant 0 : i32
      %sign3A_270 = arith.cmpi slt, %add3A_263, %sign3A_269 : i32
      %sign3A_271 = arith.extui %sign3A_270 : i1 to i32
      %sign3A_272 = arith.subi %sign3A_268, %sign3A_271 : i32
      %sign3A_273 = arith.constant 0 : i32
      %sign3A_274 = arith.cmpi sgt, %jit3A_264, %sign3A_273 : i32
      %sign3A_275 = arith.extui %sign3A_274 : i1 to i32
      %sign3A_276 = arith.constant 0 : i32
      %sign3A_277 = arith.cmpi slt, %jit3A_264, %sign3A_276 : i32
      %sign3A_278 = arith.extui %sign3A_277 : i1 to i32
      %sign3A_279 = arith.subi %sign3A_275, %sign3A_278 : i32
      %ne3A_280 = arith.cmpi ne, %sign3A_272, %sign3A_279 : i32
      %rem3A_281 = arith.remsi %add3A_263, %jit3A_264 : i32
      %ne3A_282 = arith.constant 0 : i32
      %ne3A_283 = arith.cmpi ne, %rem3A_281, %ne3A_282 : i32
      %and3A_284 = arith.andi %ne3A_280, %ne3A_283 : i1
      %sub3A_285 = arith.constant 1 : i32
      %sub3A_286 = arith.subi %div3A_265, %sub3A_285 : i32
      %select_n3A_287 = arith.select %and3A_284, %sub3A_286, %div3A_265 : i32
      %add3A_288 = arith.constant 0 : i32
      %add3A_289 = arith.addi %and3A_259, %add3A_288 : i32
      %get3A_290 = arith.index_cast %add3A_263 : i32 to index
      %get3A_291 = arith.index_cast %add3A_289 : i32 to index
      %get3A_292 = tpu.vector_load %arg7[%get3A_290, %get3A_291] {strides = array<i32>} : memref<128x128xf32, #tpu.memory_space<vmem>>, vector<1x16xf32>,
      %get3A_293 = vector.shape_cast %get3A_292 : vector<1x16xf32> to vector<16xf32>
      %swap3A_294 = arith.index_cast %select_n3A_287 : i32 to index
      %swap3A_295 = arith.constant 0 : index
      %swap3A_296 = tpu.vector_load %arg9[%swap3A_294, %swap3A_295] {strides = array<i32>} : memref<64x128xf32, #tpu.memory_space<vmem>>, vector<1x16xf32>,
      %swap3A_297 = vector.shape_cast %swap3A_296 : vector<1x16xf32> to vector<16xf32>
      %swap3A_298 = vector.shape_cast %get3A_293 : vector<16xf32> to vector<1x16xf32>
      tpu.vector_store %arg9[%swap3A_294, %swap3A_295], %swap3A_298 {strides = array<i32>} : memref<64x128xf32, #tpu.memory_space<vmem>>, vector<1x16xf32>,
      %add3A_299 = arith.constant 16 : i32
      %add3A_300 = arith.addi %and3A_259, %add3A_299 : i32
      %get3A_301 = arith.index_cast %add3A_263 : i32 to index
      %get3A_302 = arith.index_cast %add3A_300 : i32 to index
      %get3A_303 = tpu.vector_load %arg7[%get3A_301, %get3A_302] {strides = array<i32>} : memref<128x128xf32, #tpu.memory_space<vmem>>, vector<1x16xf32>,
      %get3A_304 = vector.shape_cast %get3A_303 : vector<1x16xf32> to vector<16xf32>
      %swap3A_305 = arith.index_cast %select_n3A_287 : i32 to index
      %swap3A_306 = arith.constant 16 : index
      %swap3A_307 = tpu.vector_load %arg9[%swap3A_305, %swap3A_306] {strides = array<i32>} : memref<64x128xf32, #tpu.memory_space<vmem>>, vector<1x16xf32>,
      %swap3A_308 = vector.shape_cast %swap3A_307 : vector<1x16xf32> to vector<16xf32>
      %swap3A_309 = vector.shape_cast %get3A_304 : vector<16xf32> to vector<1x16xf32>
      tpu.vector_store %arg9[%swap3A_305, %swap3A_306], %swap3A_309 {strides = array<i32>} : memref<64x128xf32, #tpu.memory_space<vmem>>, vector<1x16xf32>,
      %add3A_310 = arith.constant 32 : i32
      %add3A_311 = arith.addi %and3A_259, %add3A_310 : i32
      %get3A_312 = arith.index_cast %add3A_263 : i32 to index
      %get3A_313 = arith.index_cast %add3A_311 : i32 to index
      %get3A_314 = tpu.vector_load %arg7[%get3A_312, %get3A_313] {strides = array<i32>} : memref<128x128xf32, #tpu.memory_space<vmem>>, vector<1x16xf32>,
      %get3A_315 = vector.shape_cast %get3A_314 : vector<1x16xf32> to vector<16xf32>
      %swap3A_316 = arith.index_cast %select_n3A_287 : i32 to index
      %swap3A_317 = arith.constant 32 : index
      %swap3A_318 = tpu.vector_load %arg9[%swap3A_316, %swap3A_317] {strides = array<i32>} : memref<64x128xf32, #tpu.memory_space<vmem>>, vector<1x16xf32>,
      %swap3A_319 = vector.shape_cast %swap3A_318 : vector<1x16xf32> to vector<16xf32>
      %swap3A_320 = vector.shape_cast %get3A_315 : vector<16xf32> to vector<1x16xf32>
      tpu.vector_store %arg9[%swap3A_316, %swap3A_317], %swap3A_320 {strides = array<i32>} : memref<64x128xf32, #tpu.memory_space<vmem>>, vector<1x16xf32>,
      %add3A_321 = arith.constant 48 : i32
      %add3A_322 = arith.addi %and3A_259, %add3A_321 : i32
      %get3A_323 = arith.index_cast %add3A_263 : i32 to index
      %get3A_324 = arith.index_cast %add3A_322 : i32 to index
      %get3A_325 = tpu.vector_load %arg7[%get3A_323, %get3A_324] {strides = array<i32>} : memref<128x128xf32, #tpu.memory_space<vmem>>, vector<1x16xf32>,
      %get3A_326 = vector.shape_cast %get3A_325 : vector<1x16xf32> to vector<16xf32>
      %swap3A_327 = arith.index_cast %select_n3A_287 : i32 to index
      %swap3A_328 = arith.constant 48 : index
      %swap3A_329 = tpu.vector_load %arg9[%swap3A_327, %swap3A_328] {strides = array<i32>} : memref<64x128xf32, #tpu.memory_space<vmem>>, vector<1x16xf32>,
      %swap3A_330 = vector.shape_cast %swap3A_329 : vector<1x16xf32> to vector<16xf32>
      %swap3A_331 = vector.shape_cast %get3A_326 : vector<16xf32> to vector<1x16xf32>
      tpu.vector_store %arg9[%swap3A_327, %swap3A_328], %swap3A_331 {strides = array<i32>} : memref<64x128xf32, #tpu.memory_space<vmem>>, vector<1x16xf32>,
      %slice3A_332 = vector.extract_strided_slice %get3A_101 {offsets = [3], sizes = [1], strides = [1]} : vector<16xi32> to vector<1xi32>
      %squeeze3A_333 = vector.extract %slice3A_332[0] : i32 from vector<1xi32>
      %shift_right_logical3A_334 = arith.constant 7 : i32
      %shift_right_logical3A_335 = arith.shrui %squeeze3A_333, %shift_right_logical3A_334 : i32
      %and3A_336 = arith.constant 64 : i32
      %and3A_337 = arith.andi %shift_right_logical3A_335, %and3A_336 : i32
      %mul3A_338 = arith.constant 16 : i32
      %mul3A_339 = arith.muli %scan3A_96, %mul3A_338 : i32
      %add3A_340 = arith.constant 3 : i32
      %add3A_341 = arith.addi %mul3A_339, %add3A_340 : i32
      %jit3A_342 = arith.constant 2 : i32
      %div3A_343 = arith.divsi %add3A_341, %jit3A_342 : i32
      %sign3A_344 = arith.constant 0 : i32
      %sign3A_345 = arith.cmpi sgt, %add3A_341, %sign3A_344 : i32
      %sign3A_346 = arith.extui %sign3A_345 : i1 to i32
      %sign3A_347 = arith.constant 0 : i32
      %sign3A_348 = arith.cmpi slt, %add3A_341, %sign3A_347 : i32
      %sign3A_349 = arith.extui %sign3A_348 : i1 to i32
      %sign3A_350 = arith.subi %sign3A_346, %sign3A_349 : i32
      %sign3A_351 = arith.constant 0 : i32
      %sign3A_352 = arith.cmpi sgt, %jit3A_342, %sign3A_351 : i32
      %sign3A_353 = arith.extui %sign3A_352 : i1 to i32
      %sign3A_354 = arith.constant 0 : i32
      %sign3A_355 = arith.cmpi slt, %jit3A_342, %sign3A_354 : i32
      %sign3A_356 = arith.extui %sign3A_355 : i1 to i32
      %sign3A_357 = arith.subi %sign3A_353, %sign3A_356 : i32
      %ne3A_358 = arith.cmpi ne, %sign3A_350, %sign3A_357 : i32
      %rem3A_359 = arith.remsi %add3A_341, %jit3A_342 : i32
      %ne3A_360 = arith.constant 0 : i32
      %ne3A_361 = arith.cmpi ne, %rem3A_359, %ne3A_360 : i32
      %and3A_362 = arith.andi %ne3A_358, %ne3A_361 : i1
      %sub3A_363 = arith.constant 1 : i32
      %sub3A_364 = arith.subi %div3A_343, %sub3A_363 : i32
      %select_n3A_365 = arith.select %and3A_362, %sub3A_364, %div3A_343 : i32
      %add3A_366 = arith.constant 0 : i32
      %add3A_367 = arith.addi %and3A_337, %add3A_366 : i32
      %get3A_368 = arith.index_cast %add3A_341 : i32 to index
      %get3A_369 = arith.index_cast %add3A_367 : i32 to index
      %get3A_370 = tpu.vector_load %arg7[%get3A_368, %get3A_369] {strides = array<i32>} : memref<128x128xf32, #tpu.memory_space<vmem>>, vector<1x16xf32>,
      %get3A_371 = vector.shape_cast %get3A_370 : vector<1x16xf32> to vector<16xf32>
      %swap3A_372 = arith.index_cast %select_n3A_365 : i32 to index
      %swap3A_373 = arith.constant 64 : index
      %swap3A_374 = tpu.vector_load %arg9[%swap3A_372, %swap3A_373] {strides = array<i32>} : memref<64x128xf32, #tpu.memory_space<vmem>>, vector<1x16xf32>,
      %swap3A_375 = vector.shape_cast %swap3A_374 : vector<1x16xf32> to vector<16xf32>
      %swap3A_376 = vector.shape_cast %get3A_371 : vector<16xf32> to vector<1x16xf32>
      tpu.vector_store %arg9[%swap3A_372, %swap3A_373], %swap3A_376 {strides = array<i32>} : memref<64x128xf32, #tpu.memory_space<vmem>>, vector<1x16xf32>,
      %add3A_377 = arith.constant 16 : i32
      %add3A_378 = arith.addi %and3A_337, %add3A_377 : i32
      %get3A_379 = arith.index_cast %add3A_341 : i32 to index
      %get3A_380 = arith.index_cast %add3A_378 : i32 to index
      %get3A_381 = tpu.vector_load %arg7[%get3A_379, %get3A_380] {strides = array<i32>} : memref<128x128xf32, #tpu.memory_space<vmem>>, vector<1x16xf32>,
      %get3A_382 = vector.shape_cast %get3A_381 : vector<1x16xf32> to vector<16xf32>
      %swap3A_383 = arith.index_cast %select_n3A_365 : i32 to index
      %swap3A_384 = arith.constant 80 : index
      %swap3A_385 = tpu.vector_load %arg9[%swap3A_383, %swap3A_384] {strides = array<i32>} : memref<64x128xf32, #tpu.memory_space<vmem>>, vector<1x16xf32>,
      %swap3A_386 = vector.shape_cast %swap3A_385 : vector<1x16xf32> to vector<16xf32>
      %swap3A_387 = vector.shape_cast %get3A_382 : vector<16xf32> to vector<1x16xf32>
      tpu.vector_store %arg9[%swap3A_383, %swap3A_384], %swap3A_387 {strides = array<i32>} : memref<64x128xf32, #tpu.memory_space<vmem>>, vector<1x16xf32>,
      %add3A_388 = arith.constant 32 : i32
      %add3A_389 = arith.addi %and3A_337, %add3A_388 : i32
      %get3A_390 = arith.index_cast %add3A_341 : i32 to index
      %get3A_391 = arith.index_cast %add3A_389 : i32 to index
      %get3A_392 = tpu.vector_load %arg7[%get3A_390, %get3A_391] {strides = array<i32>} : memref<128x128xf32, #tpu.memory_space<vmem>>, vector<1x16xf32>,
      %get3A_393 = vector.shape_cast %get3A_392 : vector<1x16xf32> to vector<16xf32>
      %swap3A_394 = arith.index_cast %select_n3A_365 : i32 to index
      %swap3A_395 = arith.constant 96 : index
      %swap3A_396 = tpu.vector_load %arg9[%swap3A_394, %swap3A_395] {strides = array<i32>} : memref<64x128xf32, #tpu.memory_space<vmem>>, vector<1x16xf32>,
      %swap3A_397 = vector.shape_cast %swap3A_396 : vector<1x16xf32> to vector<16xf32>
      %swap3A_398 = vector.shape_cast %get3A_393 : vector<16xf32> to vector<1x16xf32>
      tpu.vector_store %arg9[%swap3A_394, %swap3A_395], %swap3A_398 {strides = array<i32>} : memref<64x128xf32, #tpu.memory_space<vmem>>, vector<1x16xf32>,
      %add3A_399 = arith.constant 48 : i32
      %add3A_400 = arith.addi %and3A_337, %add3A_399 : i32
      %get3A_401 = arith.index_cast %add3A_341 : i32 to index
      %get3A_402 = arith.index_cast %add3A_400 : i32 to index
      %get3A_403 = tpu.vector_load %arg7[%get3A_401, %get3A_402] {strides = array<i32>} : memref<128x128xf32, #tpu.memory_space<vmem>>, vector<1x16xf32>,
      %get3A_404 = vector.shape_cast %get3A_403 : vector<1x16xf32> to vector<16xf32>
      %swap3A_405 = arith.index_cast %select_n3A_365 : i32 to index
      %swap3A_406 = arith.constant 112 : index
      %swap3A_407 = tpu.vector_load %arg9[%swap3A_405, %swap3A_406] {strides = array<i32>} : memref<64x128xf32, #tpu.memory_space<vmem>>, vector<1x16xf32>,
      %swap3A_408 = vector.shape_cast %swap3A_407 : vector<1x16xf32> to vector<16xf32>
      %swap3A_409 = vector.shape_cast %get3A_404 : vector<16xf32> to vector<1x16xf32>
      tpu.vector_store %arg9[%swap3A_405, %swap3A_406], %swap3A_409 {strides = array<i32>} : memref<64x128xf32, #tpu.memory_space<vmem>>, vector<1x16xf32>,
      %slice3A_410 = vector.extract_strided_slice %get3A_101 {offsets = [4], sizes = [1], strides = [1]} : vector<16xi32> to vector<1xi32>
      %squeeze3A_411 = vector.extract %slice3A_410[0] : i32 from vector<1xi32>
      %shift_right_logical3A_412 = arith.constant 7 : i32
      %shift_right_logical3A_413 = arith.shrui %squeeze3A_411, %shift_right_logical3A_412 : i32
      %and3A_414 = arith.constant 64 : i32
      %and3A_415 = arith.andi %shift_right_logical3A_413, %and3A_414 : i32
      %mul3A_416 = arith.constant 16 : i32
      %mul3A_417 = arith.muli %scan3A_96, %mul3A_416 : i32
      %add3A_418 = arith.constant 4 : i32
      %add3A_419 = arith.addi %mul3A_417, %add3A_418 : i32
      %jit3A_420 = arith.constant 2 : i32
      %div3A_421 = arith.divsi %add3A_419, %jit3A_420 : i32
      %sign3A_422 = arith.constant 0 : i32
      %sign3A_423 = arith.cmpi sgt, %add3A_419, %sign3A_422 : i32
      %sign3A_424 = arith.extui %sign3A_423 : i1 to i32
      %sign3A_425 = arith.constant 0 : i32
      %sign3A_426 = arith.cmpi slt, %add3A_419, %sign3A_425 : i32
      %sign3A_427 = arith.extui %sign3A_426 : i1 to i32
      %sign3A_428 = arith.subi %sign3A_424, %sign3A_427 : i32
      %sign3A_429 = arith.constant 0 : i32
      %sign3A_430 = arith.cmpi sgt, %jit3A_420, %sign3A_429 : i32
      %sign3A_431 = arith.extui %sign3A_430 : i1 to i32
      %sign3A_432 = arith.constant 0 : i32
      %sign3A_433 = arith.cmpi slt, %jit3A_420, %sign3A_432 : i32
      %sign3A_434 = arith.extui %sign3A_433 : i1 to i32
      %sign3A_435 = arith.subi %sign3A_431, %sign3A_434 : i32
      %ne3A_436 = arith.cmpi ne, %sign3A_428, %sign3A_435 : i32
      %rem3A_437 = arith.remsi %add3A_419, %jit3A_420 : i32
      %ne3A_438 = arith.constant 0 : i32
      %ne3A_439 = arith.cmpi ne, %rem3A_437, %ne3A_438 : i32
      %and3A_440 = arith.andi %ne3A_436, %ne3A_439 : i1
      %sub3A_441 = arith.constant 1 : i32
      %sub3A_442 = arith.subi %div3A_421, %sub3A_441 : i32
      %select_n3A_443 = arith.select %and3A_440, %sub3A_442, %div3A_421 : i32
      %add3A_444 = arith.constant 0 : i32
      %add3A_445 = arith.addi %and3A_415, %add3A_444 : i32
      %get3A_446 = arith.index_cast %add3A_419 : i32 to index
      %get3A_447 = arith.index_cast %add3A_445 : i32 to index
      %get3A_448 = tpu.vector_load %arg7[%get3A_446, %get3A_447] {strides = array<i32>} : memref<128x128xf32, #tpu.memory_space<vmem>>, vector<1x16xf32>,
      %get3A_449 = vector.shape_cast %get3A_448 : vector<1x16xf32> to vector<16xf32>
      %swap3A_450 = arith.index_cast %select_n3A_443 : i32 to index
      %swap3A_451 = arith.constant 0 : index
      %swap3A_452 = tpu.vector_load %arg9[%swap3A_450, %swap3A_451] {strides = array<i32>} : memref<64x128xf32, #tpu.memory_space<vmem>>, vector<1x16xf32>,
      %swap3A_453 = vector.shape_cast %swap3A_452 : vector<1x16xf32> to vector<16xf32>
      %swap3A_454 = vector.shape_cast %get3A_449 : vector<16xf32> to vector<1x16xf32>
      tpu.vector_store %arg9[%swap3A_450, %swap3A_451], %swap3A_454 {strides = array<i32>} : memref<64x128xf32, #tpu.memory_space<vmem>>, vector<1x16xf32>,
      %add3A_455 = arith.constant 16 : i32
      %add3A_456 = arith.addi %and3A_415, %add3A_455 : i32
      %get3A_457 = arith.index_cast %add3A_419 : i32 to index
      %get3A_458 = arith.index_cast %add3A_456 : i32 to index
      %get3A_459 = tpu.vector_load %arg7[%get3A_457, %get3A_458] {strides = array<i32>} : memref<128x128xf32, #tpu.memory_space<vmem>>, vector<1x16xf32>,
      %get3A_460 = vector.shape_cast %get3A_459 : vector<1x16xf32> to vector<16xf32>
      %swap3A_461 = arith.index_cast %select_n3A_443 : i32 to index
      %swap3A_462 = arith.constant 16 : index
      %swap3A_463 = tpu.vector_load %arg9[%swap3A_461, %swap3A_462] {strides = array<i32>} : memref<64x128xf32, #tpu.memory_space<vmem>>, vector<1x16xf32>,
      %swap3A_464 = vector.shape_cast %swap3A_463 : vector<1x16xf32> to vector<16xf32>
      %swap3A_465 = vector.shape_cast %get3A_460 : vector<16xf32> to vector<1x16xf32>
      tpu.vector_store %arg9[%swap3A_461, %swap3A_462], %swap3A_465 {strides = array<i32>} : memref<64x128xf32, #tpu.memory_space<vmem>>, vector<1x16xf32>,
      %add3A_466 = arith.constant 32 : i32
      %add3A_467 = arith.addi %and3A_415, %add3A_466 : i32
      %get3A_468 = arith.index_cast %add3A_419 : i32 to index
      %get3A_469 = arith.index_cast %add3A_467 : i32 to index
      %get3A_470 = tpu.vector_load %arg7[%get3A_468, %get3A_469] {strides = array<i32>} : memref<128x128xf32, #tpu.memory_space<vmem>>, vector<1x16xf32>,
      %get3A_471 = vector.shape_cast %get3A_470 : vector<1x16xf32> to vector<16xf32>
      %swap3A_472 = arith.index_cast %select_n3A_443 : i32 to index
      %swap3A_473 = arith.constant 32 : index
      %swap3A_474 = tpu.vector_load %arg9[%swap3A_472, %swap3A_473] {strides = array<i32>} : memref<64x128xf32, #tpu.memory_space<vmem>>, vector<1x16xf32>,
      %swap3A_475 = vector.shape_cast %swap3A_474 : vector<1x16xf32> to vector<16xf32>
      %swap3A_476 = vector.shape_cast %get3A_471 : vector<16xf32> to vector<1x16xf32>
      tpu.vector_store %arg9[%swap3A_472, %swap3A_473], %swap3A_476 {strides = array<i32>} : memref<64x128xf32, #tpu.memory_space<vmem>>, vector<1x16xf32>,
      %add3A_477 = arith.constant 48 : i32
      %add3A_478 = arith.addi %and3A_415, %add3A_477 : i32
      %get3A_479 = arith.index_cast %add3A_419 : i32 to index
      %get3A_480 = arith.index_cast %add3A_478 : i32 to index
      %get3A_481 = tpu.vector_load %arg7[%get3A_479, %get3A_480] {strides = array<i32>} : memref<128x128xf32, #tpu.memory_space<vmem>>, vector<1x16xf32>,
      %get3A_482 = vector.shape_cast %get3A_481 : vector<1x16xf32> to vector<16xf32>
      %swap3A_483 = arith.index_cast %select_n3A_443 : i32 to index
      %swap3A_484 = arith.constant 48 : index
      %swap3A_485 = tpu.vector_load %arg9[%swap3A_483, %swap3A_484] {strides = array<i32>} : memref<64x128xf32, #tpu.memory_space<vmem>>, vector<1x16xf32>,
      %swap3A_486 = vector.shape_cast %swap3A_485 : vector<1x16xf32> to vector<16xf32>
      %swap3A_487 = vector.shape_cast %get3A_482 : vector<16xf32> to vector<1x16xf32>
      tpu.vector_store %arg9[%swap3A_483, %swap3A_484], %swap3A_487 {strides = array<i32>} : memref<64x128xf32, #tpu.memory_space<vmem>>, vector<1x16xf32>,
      %slice3A_488 = vector.extract_strided_slice %get3A_101 {offsets = [5], sizes = [1], strides = [1]} : vector<16xi32> to vector<1xi32>
      %squeeze3A_489 = vector.extract %slice3A_488[0] : i32 from vector<1xi32>
      %shift_right_logical3A_490 = arith.constant 7 : i32
      %shift_right_logical3A_491 = arith.shrui %squeeze3A_489, %shift_right_logical3A_490 : i32
      %and3A_492 = arith.constant 64 : i32
      %and3A_493 = arith.andi %shift_right_logical3A_491, %and3A_492 : i32
      %mul3A_494 = arith.constant 16 : i32
      %mul3A_495 = arith.muli %scan3A_96, %mul3A_494 : i32
      %add3A_496 = arith.constant 5 : i32
      %add3A_497 = arith.addi %mul3A_495, %add3A_496 : i32
      %jit3A_498 = arith.constant 2 : i32
      %div3A_499 = arith.divsi %add3A_497, %jit3A_498 : i32
      %sign3A_500 = arith.constant 0 : i32
      %sign3A_501 = arith.cmpi sgt, %add3A_497, %sign3A_500 : i32
      %sign3A_502 = arith.extui %sign3A_501 : i1 to i32
      %sign3A_503 = arith.constant 0 : i32
      %sign3A_504 = arith.cmpi slt, %add3A_497, %sign3A_503 : i32
      %sign3A_505 = arith.extui %sign3A_504 : i1 to i32
      %sign3A_506 = arith.subi %sign3A_502, %sign3A_505 : i32
      %sign3A_507 = arith.constant 0 : i32
      %sign3A_508 = arith.cmpi sgt, %jit3A_498, %sign3A_507 : i32
      %sign3A_509 = arith.extui %sign3A_508 : i1 to i32
      %sign3A_510 = arith.constant 0 : i32
      %sign3A_511 = arith.cmpi slt, %jit3A_498, %sign3A_510 : i32
      %sign3A_512 = arith.extui %sign3A_511 : i1 to i32
      %sign3A_513 = arith.subi %sign3A_509, %sign3A_512 : i32
      %ne3A_514 = arith.cmpi ne, %sign3A_506, %sign3A_513 : i32
      %rem3A_515 = arith.remsi %add3A_497, %jit3A_498 : i32
      %ne3A_516 = arith.constant 0 : i32
      %ne3A_517 = arith.cmpi ne, %rem3A_515, %ne3A_516 : i32
      %and3A_518 = arith.andi %ne3A_514, %ne3A_517 : i1
      %sub3A_519 = arith.constant 1 : i32
      %sub3A_520 = arith.subi %div3A_499, %sub3A_519 : i32
      %select_n3A_521 = arith.select %and3A_518, %sub3A_520, %div3A_499 : i32
      %add3A_522 = arith.constant 0 : i32
      %add3A_523 = arith.addi %and3A_493, %add3A_522 : i32
      %get3A_524 = arith.index_cast %add3A_497 : i32 to index
      %get3A_525 = arith.index_cast %add3A_523 : i32 to index
      %get3A_526 = tpu.vector_load %arg7[%get3A_524, %get3A_525] {strides = array<i32>} : memref<128x128xf32, #tpu.memory_space<vmem>>, vector<1x16xf32>,
      %get3A_527 = vector.shape_cast %get3A_526 : vector<1x16xf32> to vector<16xf32>
      %swap3A_528 = arith.index_cast %select_n3A_521 : i32 to index
      %swap3A_529 = arith.constant 64 : index
      %swap3A_530 = tpu.vector_load %arg9[%swap3A_528, %swap3A_529] {strides = array<i32>} : memref<64x128xf32, #tpu.memory_space<vmem>>, vector<1x16xf32>,
      %swap3A_531 = vector.shape_cast %swap3A_530 : vector<1x16xf32> to vector<16xf32>
      %swap3A_532 = vector.shape_cast %get3A_527 : vector<16xf32> to vector<1x16xf32>
      tpu.vector_store %arg9[%swap3A_528, %swap3A_529], %swap3A_532 {strides = array<i32>} : memref<64x128xf32, #tpu.memory_space<vmem>>, vector<1x16xf32>,
      %add3A_533 = arith.constant 16 : i32
      %add3A_534 = arith.addi %and3A_493, %add3A_533 : i32
      %get3A_535 = arith.index_cast %add3A_497 : i32 to index
      %get3A_536 = arith.index_cast %add3A_534 : i32 to index
      %get3A_537 = tpu.vector_load %arg7[%get3A_535, %get3A_536] {strides = array<i32>} : memref<128x128xf32, #tpu.memory_space<vmem>>, vector<1x16xf32>,
      %get3A_538 = vector.shape_cast %get3A_537 : vector<1x16xf32> to vector<16xf32>
      %swap3A_539 = arith.index_cast %select_n3A_521 : i32 to index
      %swap3A_540 = arith.constant 80 : index
      %swap3A_541 = tpu.vector_load %arg9[%swap3A_539, %swap3A_540] {strides = array<i32>} : memref<64x128xf32, #tpu.memory_space<vmem>>, vector<1x16xf32>,
      %swap3A_542 = vector.shape_cast %swap3A_541 : vector<1x16xf32> to vector<16xf32>
      %swap3A_543 = vector.shape_cast %get3A_538 : vector<16xf32> to vector<1x16xf32>
      tpu.vector_store %arg9[%swap3A_539, %swap3A_540], %swap3A_543 {strides = array<i32>} : memref<64x128xf32, #tpu.memory_space<vmem>>, vector<1x16xf32>,
      %add3A_544 = arith.constant 32 : i32
      %add3A_545 = arith.addi %and3A_493, %add3A_544 : i32
      %get3A_546 = arith.index_cast %add3A_497 : i32 to index
      %get3A_547 = arith.index_cast %add3A_545 : i32 to index
      %get3A_548 = tpu.vector_load %arg7[%get3A_546, %get3A_547] {strides = array<i32>} : memref<128x128xf32, #tpu.memory_space<vmem>>, vector<1x16xf32>,
      %get3A_549 = vector.shape_cast %get3A_548 : vector<1x16xf32> to vector<16xf32>
      %swap3A_550 = arith.index_cast %select_n3A_521 : i32 to index
      %swap3A_551 = arith.constant 96 : index
      %swap3A_552 = tpu.vector_load %arg9[%swap3A_550, %swap3A_551] {strides = array<i32>} : memref<64x128xf32, #tpu.memory_space<vmem>>, vector<1x16xf32>,
      %swap3A_553 = vector.shape_cast %swap3A_552 : vector<1x16xf32> to vector<16xf32>
      %swap3A_554 = vector.shape_cast %get3A_549 : vector<16xf32> to vector<1x16xf32>
      tpu.vector_store %arg9[%swap3A_550, %swap3A_551], %swap3A_554 {strides = array<i32>} : memref<64x128xf32, #tpu.memory_space<vmem>>, vector<1x16xf32>,
      %add3A_555 = arith.constant 48 : i32
      %add3A_556 = arith.addi %and3A_493, %add3A_555 : i32
      %get3A_557 = arith.index_cast %add3A_497 : i32 to index
      %get3A_558 = arith.index_cast %add3A_556 : i32 to index
      %get3A_559 = tpu.vector_load %arg7[%get3A_557, %get3A_558] {strides = array<i32>} : memref<128x128xf32, #tpu.memory_space<vmem>>, vector<1x16xf32>,
      %get3A_560 = vector.shape_cast %get3A_559 : vector<1x16xf32> to vector<16xf32>
      %swap3A_561 = arith.index_cast %select_n3A_521 : i32 to index
      %swap3A_562 = arith.constant 112 : index
      %swap3A_563 = tpu.vector_load %arg9[%swap3A_561, %swap3A_562] {strides = array<i32>} : memref<64x128xf32, #tpu.memory_space<vmem>>, vector<1x16xf32>,
      %swap3A_564 = vector.shape_cast %swap3A_563 : vector<1x16xf32> to vector<16xf32>
      %swap3A_565 = vector.shape_cast %get3A_560 : vector<16xf32> to vector<1x16xf32>
      tpu.vector_store %arg9[%swap3A_561, %swap3A_562], %swap3A_565 {strides = array<i32>} : memref<64x128xf32, #tpu.memory_space<vmem>>, vector<1x16xf32>,
      %slice3A_566 = vector.extract_strided_slice %get3A_101 {offsets = [6], sizes = [1], strides = [1]} : vector<16xi32> to vector<1xi32>
      %squeeze3A_567 = vector.extract %slice3A_566[0] : i32 from vector<1xi32>
      %shift_right_logical3A_568 = arith.constant 7 : i32
      %shift_right_logical3A_569 = arith.shrui %squeeze3A_567, %shift_right_logical3A_568 : i32
      %and3A_570 = arith.constant 64 : i32
      %and3A_571 = arith.andi %shift_right_logical3A_569, %and3A_570 : i32
      %mul3A_572 = arith.constant 16 : i32
      %mul3A_573 = arith.muli %scan3A_96, %mul3A_572 : i32
      %add3A_574 = arith.constant 6 : i32
      %add3A_575 = arith.addi %mul3A_573, %add3A_574 : i32
      %jit3A_576 = arith.constant 2 : i32
      %div3A_577 = arith.divsi %add3A_575, %jit3A_576 : i32
      %sign3A_578 = arith.constant 0 : i32
      %sign3A_579 = arith.cmpi sgt, %add3A_575, %sign3A_578 : i32
      %sign3A_580 = arith.extui %sign3A_579 : i1 to i32
      %sign3A_581 = arith.constant 0 : i32
      %sign3A_582 = arith.cmpi slt, %add3A_575, %sign3A_581 : i32
      %sign3A_583 = arith.extui %sign3A_582 : i1 to i32
      %sign3A_584 = arith.subi %sign3A_580, %sign3A_583 : i32
      %sign3A_585 = arith.constant 0 : i32
      %sign3A_586 = arith.cmpi sgt, %jit3A_576, %sign3A_585 : i32
      %sign3A_587 = arith.extui %sign3A_586 : i1 to i32
      %sign3A_588 = arith.constant 0 : i32
      %sign3A_589 = arith.cmpi slt, %jit3A_576, %sign3A_588 : i32
      %sign3A_590 = arith.extui %sign3A_589 : i1 to i32
      %sign3A_591 = arith.subi %sign3A_587, %sign3A_590 : i32
      %ne3A_592 = arith.cmpi ne, %sign3A_584, %sign3A_591 : i32
      %rem3A_593 = arith.remsi %add3A_575, %jit3A_576 : i32
      %ne3A_594 = arith.constant 0 : i32
      %ne3A_595 = arith.cmpi ne, %rem3A_593, %ne3A_594 : i32
      %and3A_596 = arith.andi %ne3A_592, %ne3A_595 : i1
      %sub3A_597 = arith.constant 1 : i32
      %sub3A_598 = arith.subi %div3A_577, %sub3A_597 : i32
      %select_n3A_599 = arith.select %and3A_596, %sub3A_598, %div3A_577 : i32
      %add3A_600 = arith.constant 0 : i32
      %add3A_601 = arith.addi %and3A_571, %add3A_600 : i32
      %get3A_602 = arith.index_cast %add3A_575 : i32 to index
      %get3A_603 = arith.index_cast %add3A_601 : i32 to index
      %get3A_604 = tpu.vector_load %arg7[%get3A_602, %get3A_603] {strides = array<i32>} : memref<128x128xf32, #tpu.memory_space<vmem>>, vector<1x16xf32>,
      %get3A_605 = vector.shape_cast %get3A_604 : vector<1x16xf32> to vector<16xf32>
      %swap3A_606 = arith.index_cast %select_n3A_599 : i32 to index
      %swap3A_607 = arith.constant 0 : index
      %swap3A_608 = tpu.vector_load %arg9[%swap3A_606, %swap3A_607] {strides = array<i32>} : memref<64x128xf32, #tpu.memory_space<vmem>>, vector<1x16xf32>,
      %swap3A_609 = vector.shape_cast %swap3A_608 : vector<1x16xf32> to vector<16xf32>
      %swap3A_610 = vector.shape_cast %get3A_605 : vector<16xf32> to vector<1x16xf32>
      tpu.vector_store %arg9[%swap3A_606, %swap3A_607], %swap3A_610 {strides = array<i32>} : memref<64x128xf32, #tpu.memory_space<vmem>>, vector<1x16xf32>,
      %add3A_611 = arith.constant 16 : i32
      %add3A_612 = arith.addi %and3A_571, %add3A_611 : i32
      %get3A_613 = arith.index_cast %add3A_575 : i32 to index
      %get3A_614 = arith.index_cast %add3A_612 : i32 to index
      %get3A_615 = tpu.vector_load %arg7[%get3A_613, %get3A_614] {strides = array<i32>} : memref<128x128xf32, #tpu.memory_space<vmem>>, vector<1x16xf32>,
      %get3A_616 = vector.shape_cast %get3A_615 : vector<1x16xf32> to vector<16xf32>
      %swap3A_617 = arith.index_cast %select_n3A_599 : i32 to index
      %swap3A_618 = arith.constant 16 : index
      %swap3A_619 = tpu.vector_load %arg9[%swap3A_617, %swap3A_618] {strides = array<i32>} : memref<64x128xf32, #tpu.memory_space<vmem>>, vector<1x16xf32>,
      %swap3A_620 = vector.shape_cast %swap3A_619 : vector<1x16xf32> to vector<16xf32>
      %swap3A_621 = vector.shape_cast %get3A_616 : vector<16xf32> to vector<1x16xf32>
      tpu.vector_store %arg9[%swap3A_617, %swap3A_618], %swap3A_621 {strides = array<i32>} : memref<64x128xf32, #tpu.memory_space<vmem>>, vector<1x16xf32>,
      %add3A_622 = arith.constant 32 : i32
      %add3A_623 = arith.addi %and3A_571, %add3A_622 : i32
      %get3A_624 = arith.index_cast %add3A_575 : i32 to index
      %get3A_625 = arith.index_cast %add3A_623 : i32 to index
      %get3A_626 = tpu.vector_load %arg7[%get3A_624, %get3A_625] {strides = array<i32>} : memref<128x128xf32, #tpu.memory_space<vmem>>, vector<1x16xf32>,
      %get3A_627 = vector.shape_cast %get3A_626 : vector<1x16xf32> to vector<16xf32>
      %swap3A_628 = arith.index_cast %select_n3A_599 : i32 to index
      %swap3A_629 = arith.constant 32 : index
      %swap3A_630 = tpu.vector_load %arg9[%swap3A_628, %swap3A_629] {strides = array<i32>} : memref<64x128xf32, #tpu.memory_space<vmem>>, vector<1x16xf32>,
      %swap3A_631 = vector.shape_cast %swap3A_630 : vector<1x16xf32> to vector<16xf32>
      %swap3A_632 = vector.shape_cast %get3A_627 : vector<16xf32> to vector<1x16xf32>
      tpu.vector_store %arg9[%swap3A_628, %swap3A_629], %swap3A_632 {strides = array<i32>} : memref<64x128xf32, #tpu.memory_space<vmem>>, vector<1x16xf32>,
      %add3A_633 = arith.constant 48 : i32
      %add3A_634 = arith.addi %and3A_571, %add3A_633 : i32
      %get3A_635 = arith.index_cast %add3A_575 : i32 to index
      %get3A_636 = arith.index_cast %add3A_634 : i32 to index
      %get3A_637 = tpu.vector_load %arg7[%get3A_635, %get3A_636] {strides = array<i32>} : memref<128x128xf32, #tpu.memory_space<vmem>>, vector<1x16xf32>,
      %get3A_638 = vector.shape_cast %get3A_637 : vector<1x16xf32> to vector<16xf32>
      %swap3A_639 = arith.index_cast %select_n3A_599 : i32 to index
      %swap3A_640 = arith.constant 48 : index
      %swap3A_641 = tpu.vector_load %arg9[%swap3A_639, %swap3A_640] {strides = array<i32>} : memref<64x128xf32, #tpu.memory_space<vmem>>, vector<1x16xf32>,
      %swap3A_642 = vector.shape_cast %swap3A_641 : vector<1x16xf32> to vector<16xf32>
      %swap3A_643 = vector.shape_cast %get3A_638 : vector<16xf32> to vector<1x16xf32>
      tpu.vector_store %arg9[%swap3A_639, %swap3A_640], %swap3A_643 {strides = array<i32>} : memref<64x128xf32, #tpu.memory_space<vmem>>, vector<1x16xf32>,
      %slice3A_644 = vector.extract_strided_slice %get3A_101 {offsets = [7], sizes = [1], strides = [1]} : vector<16xi32> to vector<1xi32>
      %squeeze3A_645 = vector.extract %slice3A_644[0] : i32 from vector<1xi32>
      %shift_right_logical3A_646 = arith.constant 7 : i32
      %shift_right_logical3A_647 = arith.shrui %squeeze3A_645, %shift_right_logical3A_646 : i32
      %and3A_648 = arith.constant 64 : i32
      %and3A_649 = arith.andi %shift_right_logical3A_647, %and3A_648 : i32
      %mul3A_650 = arith.constant 16 : i32
      %mul3A_651 = arith.muli %scan3A_96, %mul3A_650 : i32
      %add3A_652 = arith.constant 7 : i32
      %add3A_653 = arith.addi %mul3A_651, %add3A_652 : i32
      %jit3A_654 = arith.constant 2 : i32
      %div3A_655 = arith.divsi %add3A_653, %jit3A_654 : i32
      %sign3A_656 = arith.constant 0 : i32
      %sign3A_657 = arith.cmpi sgt, %add3A_653, %sign3A_656 : i32
      %sign3A_658 = arith.extui %sign3A_657 : i1 to i32
      %sign3A_659 = arith.constant 0 : i32
      %sign3A_660 = arith.cmpi slt, %add3A_653, %sign3A_659 : i32
      %sign3A_661 = arith.extui %sign3A_660 : i1 to i32
      %sign3A_662 = arith.subi %sign3A_658, %sign3A_661 : i32
      %sign3A_663 = arith.constant 0 : i32
      %sign3A_664 = arith.cmpi sgt, %jit3A_654, %sign3A_663 : i32
      %sign3A_665 = arith.extui %sign3A_664 : i1 to i32
      %sign3A_666 = arith.constant 0 : i32
      %sign3A_667 = arith.cmpi slt, %jit3A_654, %sign3A_666 : i32
      %sign3A_668 = arith.extui %sign3A_667 : i1 to i32
      %sign3A_669 = arith.subi %sign3A_665, %sign3A_668 : i32
      %ne3A_670 = arith.cmpi ne, %sign3A_662, %sign3A_669 : i32
      %rem3A_671 = arith.remsi %add3A_653, %jit3A_654 : i32
      %ne3A_672 = arith.constant 0 : i32
      %ne3A_673 = arith.cmpi ne, %rem3A_671, %ne3A_672 : i32
      %and3A_674 = arith.andi %ne3A_670, %ne3A_673 : i1
      %sub3A_675 = arith.constant 1 : i32
      %sub3A_676 = arith.subi %div3A_655, %sub3A_675 : i32
      %select_n3A_677 = arith.select %and3A_674, %sub3A_676, %div3A_655 : i32
      %add3A_678 = arith.constant 0 : i32
      %add3A_679 = arith.addi %and3A_649, %add3A_678 : i32
      %get3A_680 = arith.index_cast %add3A_653 : i32 to index
      %get3A_681 = arith.index_cast %add3A_679 : i32 to index
      %get3A_682 = tpu.vector_load %arg7[%get3A_680, %get3A_681] {strides = array<i32>} : memref<128x128xf32, #tpu.memory_space<vmem>>, vector<1x16xf32>,
      %get3A_683 = vector.shape_cast %get3A_682 : vector<1x16xf32> to vector<16xf32>
      %swap3A_684 = arith.index_cast %select_n3A_677 : i32 to index
      %swap3A_685 = arith.constant 64 : index
      %swap3A_686 = tpu.vector_load %arg9[%swap3A_684, %swap3A_685] {strides = array<i32>} : memref<64x128xf32, #tpu.memory_space<vmem>>, vector<1x16xf32>,
      %swap3A_687 = vector.shape_cast %swap3A_686 : vector<1x16xf32> to vector<16xf32>
      %swap3A_688 = vector.shape_cast %get3A_683 : vector<16xf32> to vector<1x16xf32>
      tpu.vector_store %arg9[%swap3A_684, %swap3A_685], %swap3A_688 {strides = array<i32>} : memref<64x128xf32, #tpu.memory_space<vmem>>, vector<1x16xf32>,
      %add3A_689 = arith.constant 16 : i32
      %add3A_690 = arith.addi %and3A_649, %add3A_689 : i32
      %get3A_691 = arith.index_cast %add3A_653 : i32 to index
      %get3A_692 = arith.index_cast %add3A_690 : i32 to index
      %get3A_693 = tpu.vector_load %arg7[%get3A_691, %get3A_692] {strides = array<i32>} : memref<128x128xf32, #tpu.memory_space<vmem>>, vector<1x16xf32>,
      %get3A_694 = vector.shape_cast %get3A_693 : vector<1x16xf32> to vector<16xf32>
      %swap3A_695 = arith.index_cast %select_n3A_677 : i32 to index
      %swap3A_696 = arith.constant 80 : index
      %swap3A_697 = tpu.vector_load %arg9[%swap3A_695, %swap3A_696] {strides = array<i32>} : memref<64x128xf32, #tpu.memory_space<vmem>>, vector<1x16xf32>,
      %swap3A_698 = vector.shape_cast %swap3A_697 : vector<1x16xf32> to vector<16xf32>
      %swap3A_699 = vector.shape_cast %get3A_694 : vector<16xf32> to vector<1x16xf32>
      tpu.vector_store %arg9[%swap3A_695, %swap3A_696], %swap3A_699 {strides = array<i32>} : memref<64x128xf32, #tpu.memory_space<vmem>>, vector<1x16xf32>,
      %add3A_700 = arith.constant 32 : i32
      %add3A_701 = arith.addi %and3A_649, %add3A_700 : i32
      %get3A_702 = arith.index_cast %add3A_653 : i32 to index
      %get3A_703 = arith.index_cast %add3A_701 : i32 to index
      %get3A_704 = tpu.vector_load %arg7[%get3A_702, %get3A_703] {strides = array<i32>} : memref<128x128xf32, #tpu.memory_space<vmem>>, vector<1x16xf32>,
      %get3A_705 = vector.shape_cast %get3A_704 : vector<1x16xf32> to vector<16xf32>
      %swap3A_706 = arith.index_cast %select_n3A_677 : i32 to index
      %swap3A_707 = arith.constant 96 : index
      %swap3A_708 = tpu.vector_load %arg9[%swap3A_706, %swap3A_707] {strides = array<i32>} : memref<64x128xf32, #tpu.memory_space<vmem>>, vector<1x16xf32>,
      %swap3A_709 = vector.shape_cast %swap3A_708 : vector<1x16xf32> to vector<16xf32>
      %swap3A_710 = vector.shape_cast %get3A_705 : vector<16xf32> to vector<1x16xf32>
      tpu.vector_store %arg9[%swap3A_706, %swap3A_707], %swap3A_710 {strides = array<i32>} : memref<64x128xf32, #tpu.memory_space<vmem>>, vector<1x16xf32>,
      %add3A_711 = arith.constant 48 : i32
      %add3A_712 = arith.addi %and3A_649, %add3A_711 : i32
      %get3A_713 = arith.index_cast %add3A_653 : i32 to index
      %get3A_714 = arith.index_cast %add3A_712 : i32 to index
      %get3A_715 = tpu.vector_load %arg7[%get3A_713, %get3A_714] {strides = array<i32>} : memref<128x128xf32, #tpu.memory_space<vmem>>, vector<1x16xf32>,
      %get3A_716 = vector.shape_cast %get3A_715 : vector<1x16xf32> to vector<16xf32>
      %swap3A_717 = arith.index_cast %select_n3A_677 : i32 to index
      %swap3A_718 = arith.constant 112 : index
      %swap3A_719 = tpu.vector_load %arg9[%swap3A_717, %swap3A_718] {strides = array<i32>} : memref<64x128xf32, #tpu.memory_space<vmem>>, vector<1x16xf32>,
      %swap3A_720 = vector.shape_cast %swap3A_719 : vector<1x16xf32> to vector<16xf32>
      %swap3A_721 = vector.shape_cast %get3A_716 : vector<16xf32> to vector<1x16xf32>
      tpu.vector_store %arg9[%swap3A_717, %swap3A_718], %swap3A_721 {strides = array<i32>} : memref<64x128xf32, #tpu.memory_space<vmem>>, vector<1x16xf32>,
      %slice3A_722 = vector.extract_strided_slice %get3A_101 {offsets = [8], sizes = [1], strides = [1]} : vector<16xi32> to vector<1xi32>
      %squeeze3A_723 = vector.extract %slice3A_722[0] : i32 from vector<1xi32>
      %shift_right_logical3A_724 = arith.constant 7 : i32
      %shift_right_logical3A_725 = arith.shrui %squeeze3A_723, %shift_right_logical3A_724 : i32
      %and3A_726 = arith.constant 64 : i32
      %and3A_727 = arith.andi %shift_right_logical3A_725, %and3A_726 : i32
      %mul3A_728 = arith.constant 16 : i32
      %mul3A_729 = arith.muli %scan3A_96, %mul3A_728 : i32
      %add3A_730 = arith.constant 8 : i32
      %add3A_731 = arith.addi %mul3A_729, %add3A_730 : i32
      %jit3A_732 = arith.constant 2 : i32
      %div3A_733 = arith.divsi %add3A_731, %jit3A_732 : i32
      %sign3A_734 = arith.constant 0 : i32
      %sign3A_735 = arith.cmpi sgt, %add3A_731, %sign3A_734 : i32
      %sign3A_736 = arith.extui %sign3A_735 : i1 to i32
      %sign3A_737 = arith.constant 0 : i32
      %sign3A_738 = arith.cmpi slt, %add3A_731, %sign3A_737 : i32
      %sign3A_739 = arith.extui %sign3A_738 : i1 to i32
      %sign3A_740 = arith.subi %sign3A_736, %sign3A_739 : i32
      %sign3A_741 = arith.constant 0 : i32
      %sign3A_742 = arith.cmpi sgt, %jit3A_732, %sign3A_741 : i32
      %sign3A_743 = arith.extui %sign3A_742 : i1 to i32
      %sign3A_744 = arith.constant 0 : i32
      %sign3A_745 = arith.cmpi slt, %jit3A_732, %sign3A_744 : i32
      %sign3A_746 = arith.extui %sign3A_745 : i1 to i32
      %sign3A_747 = arith.subi %sign3A_743, %sign3A_746 : i32
      %ne3A_748 = arith.cmpi ne, %sign3A_740, %sign3A_747 : i32
      %rem3A_749 = arith.remsi %add3A_731, %jit3A_732 : i32
      %ne3A_750 = arith.constant 0 : i32
      %ne3A_751 = arith.cmpi ne, %rem3A_749, %ne3A_750 : i32
      %and3A_752 = arith.andi %ne3A_748, %ne3A_751 : i1
      %sub3A_753 = arith.constant 1 : i32
      %sub3A_754 = arith.subi %div3A_733, %sub3A_753 : i32
      %select_n3A_755 = arith.select %and3A_752, %sub3A_754, %div3A_733 : i32
      %add3A_756 = arith.constant 0 : i32
      %add3A_757 = arith.addi %and3A_727, %add3A_756 : i32
      %get3A_758 = arith.index_cast %add3A_731 : i32 to index
      %get3A_759 = arith.index_cast %add3A_757 : i32 to index
      %get3A_760 = tpu.vector_load %arg7[%get3A_758, %get3A_759] {strides = array<i32>} : memref<128x128xf32, #tpu.memory_space<vmem>>, vector<1x16xf32>,
      %get3A_761 = vector.shape_cast %get3A_760 : vector<1x16xf32> to vector<16xf32>
      %swap3A_762 = arith.index_cast %select_n3A_755 : i32 to index
      %swap3A_763 = arith.constant 0 : index
      %swap3A_764 = tpu.vector_load %arg9[%swap3A_762, %swap3A_763] {strides = array<i32>} : memref<64x128xf32, #tpu.memory_space<vmem>>, vector<1x16xf32>,
      %swap3A_765 = vector.shape_cast %swap3A_764 : vector<1x16xf32> to vector<16xf32>
      %swap3A_766 = vector.shape_cast %get3A_761 : vector<16xf32> to vector<1x16xf32>
      tpu.vector_store %arg9[%swap3A_762, %swap3A_763], %swap3A_766 {strides = array<i32>} : memref<64x128xf32, #tpu.memory_space<vmem>>, vector<1x16xf32>,
      %add3A_767 = arith.constant 16 : i32
      %add3A_768 = arith.addi %and3A_727, %add3A_767 : i32
      %get3A_769 = arith.index_cast %add3A_731 : i32 to index
      %get3A_770 = arith.index_cast %add3A_768 : i32 to index
      %get3A_771 = tpu.vector_load %arg7[%get3A_769, %get3A_770] {strides = array<i32>} : memref<128x128xf32, #tpu.memory_space<vmem>>, vector<1x16xf32>,
      %get3A_772 = vector.shape_cast %get3A_771 : vector<1x16xf32> to vector<16xf32>
      %swap3A_773 = arith.index_cast %select_n3A_755 : i32 to index
      %swap3A_774 = arith.constant 16 : index
      %swap3A_775 = tpu.vector_load %arg9[%swap3A_773, %swap3A_774] {strides = array<i32>} : memref<64x128xf32, #tpu.memory_space<vmem>>, vector<1x16xf32>,
      %swap3A_776 = vector.shape_cast %swap3A_775 : vector<1x16xf32> to vector<16xf32>
      %swap3A_777 = vector.shape_cast %get3A_772 : vector<16xf32> to vector<1x16xf32>
      tpu.vector_store %arg9[%swap3A_773, %swap3A_774], %swap3A_777 {strides = array<i32>} : memref<64x128xf32, #tpu.memory_space<vmem>>, vector<1x16xf32>,
      %add3A_778 = arith.constant 32 : i32
      %add3A_779 = arith.addi %and3A_727, %add3A_778 : i32
      %get3A_780 = arith.index_cast %add3A_731 : i32 to index
      %get3A_781 = arith.index_cast %add3A_779 : i32 to index
      %get3A_782 = tpu.vector_load %arg7[%get3A_780, %get3A_781] {strides = array<i32>} : memref<128x128xf32, #tpu.memory_space<vmem>>, vector<1x16xf32>,
      %get3A_783 = vector.shape_cast %get3A_782 : vector<1x16xf32> to vector<16xf32>
      %swap3A_784 = arith.index_cast %select_n3A_755 : i32 to index
      %swap3A_785 = arith.constant 32 : index
      %swap3A_786 = tpu.vector_load %arg9[%swap3A_784, %swap3A_785] {strides = array<i32>} : memref<64x128xf32, #tpu.memory_space<vmem>>, vector<1x16xf32>,
      %swap3A_787 = vector.shape_cast %swap3A_786 : vector<1x16xf32> to vector<16xf32>
      %swap3A_788 = vector.shape_cast %get3A_783 : vector<16xf32> to vector<1x16xf32>
      tpu.vector_store %arg9[%swap3A_784, %swap3A_785], %swap3A_788 {strides = array<i32>} : memref<64x128xf32, #tpu.memory_space<vmem>>, vector<1x16xf32>,
      %add3A_789 = arith.constant 48 : i32
      %add3A_790 = arith.addi %and3A_727, %add3A_789 : i32
      %get3A_791 = arith.index_cast %add3A_731 : i32 to index
      %get3A_792 = arith.index_cast %add3A_790 : i32 to index
      %get3A_793 = tpu.vector_load %arg7[%get3A_791, %get3A_792] {strides = array<i32>} : memref<128x128xf32, #tpu.memory_space<vmem>>, vector<1x16xf32>,
      %get3A_794 = vector.shape_cast %get3A_793 : vector<1x16xf32> to vector<16xf32>
      %swap3A_795 = arith.index_cast %select_n3A_755 : i32 to index
      %swap3A_796 = arith.constant 48 : index
      %swap3A_797 = tpu.vector_load %arg9[%swap3A_795, %swap3A_796] {strides = array<i32>} : memref<64x128xf32, #tpu.memory_space<vmem>>, vector<1x16xf32>,
      %swap3A_798 = vector.shape_cast %swap3A_797 : vector<1x16xf32> to vector<16xf32>
      %swap3A_799 = vector.shape_cast %get3A_794 : vector<16xf32> to vector<1x16xf32>
      tpu.vector_store %arg9[%swap3A_795, %swap3A_796], %swap3A_799 {strides = array<i32>} : memref<64x128xf32, #tpu.memory_space<vmem>>, vector<1x16xf32>,
      %slice3A_800 = vector.extract_strided_slice %get3A_101 {offsets = [9], sizes = [1], strides = [1]} : vector<16xi32> to vector<1xi32>
      %squeeze3A_801 = vector.extract %slice3A_800[0] : i32 from vector<1xi32>
      %shift_right_logical3A_802 = arith.constant 7 : i32
      %shift_right_logical3A_803 = arith.shrui %squeeze3A_801, %shift_right_logical3A_802 : i32
      %and3A_804 = arith.constant 64 : i32
      %and3A_805 = arith.andi %shift_right_logical3A_803, %and3A_804 : i32
      %mul3A_806 = arith.constant 16 : i32
      %mul3A_807 = arith.muli %scan3A_96, %mul3A_806 : i32
      %add3A_808 = arith.constant 9 : i32
      %add3A_809 = arith.addi %mul3A_807, %add3A_808 : i32
      %jit3A_810 = arith.constant 2 : i32
      %div3A_811 = arith.divsi %add3A_809, %jit3A_810 : i32
      %sign3A_812 = arith.constant 0 : i32
      %sign3A_813 = arith.cmpi sgt, %add3A_809, %sign3A_812 : i32
      %sign3A_814 = arith.extui %sign3A_813 : i1 to i32
      %sign3A_815 = arith.constant 0 : i32
      %sign3A_816 = arith.cmpi slt, %add3A_809, %sign3A_815 : i32
      %sign3A_817 = arith.extui %sign3A_816 : i1 to i32
      %sign3A_818 = arith.subi %sign3A_814, %sign3A_817 : i32
      %sign3A_819 = arith.constant 0 : i32
      %sign3A_820 = arith.cmpi sgt, %jit3A_810, %sign3A_819 : i32
      %sign3A_821 = arith.extui %sign3A_820 : i1 to i32
      %sign3A_822 = arith.constant 0 : i32
      %sign3A_823 = arith.cmpi slt, %jit3A_810, %sign3A_822 : i32
      %sign3A_824 = arith.extui %sign3A_823 : i1 to i32
      %sign3A_825 = arith.subi %sign3A_821, %sign3A_824 : i32
      %ne3A_826 = arith.cmpi ne, %sign3A_818, %sign3A_825 : i32
      %rem3A_827 = arith.remsi %add3A_809, %jit3A_810 : i32
      %ne3A_828 = arith.constant 0 : i32
      %ne3A_829 = arith.cmpi ne, %rem3A_827, %ne3A_828 : i32
      %and3A_830 = arith.andi %ne3A_826, %ne3A_829 : i1
      %sub3A_831 = arith.constant 1 : i32
      %sub3A_832 = arith.subi %div3A_811, %sub3A_831 : i32
      %select_n3A_833 = arith.select %and3A_830, %sub3A_832, %div3A_811 : i32
      %add3A_834 = arith.constant 0 : i32
      %add3A_835 = arith.addi %and3A_805, %add3A_834 : i32
      %get3A_836 = arith.index_cast %add3A_809 : i32 to index
      %get3A_837 = arith.index_cast %add3A_835 : i32 to index
      %get3A_838 = tpu.vector_load %arg7[%get3A_836, %get3A_837] {strides = array<i32>} : memref<128x128xf32, #tpu.memory_space<vmem>>, vector<1x16xf32>,
      %get3A_839 = vector.shape_cast %get3A_838 : vector<1x16xf32> to vector<16xf32>
      %swap3A_840 = arith.index_cast %select_n3A_833 : i32 to index
      %swap3A_841 = arith.constant 64 : index
      %swap3A_842 = tpu.vector_load %arg9[%swap3A_840, %swap3A_841] {strides = array<i32>} : memref<64x128xf32, #tpu.memory_space<vmem>>, vector<1x16xf32>,
      %swap3A_843 = vector.shape_cast %swap3A_842 : vector<1x16xf32> to vector<16xf32>
      %swap3A_844 = vector.shape_cast %get3A_839 : vector<16xf32> to vector<1x16xf32>
      tpu.vector_store %arg9[%swap3A_840, %swap3A_841], %swap3A_844 {strides = array<i32>} : memref<64x128xf32, #tpu.memory_space<vmem>>, vector<1x16xf32>,
      %add3A_845 = arith.constant 16 : i32
      %add3A_846 = arith.addi %and3A_805, %add3A_845 : i32
      %get3A_847 = arith.index_cast %add3A_809 : i32 to index
      %get3A_848 = arith.index_cast %add3A_846 : i32 to index
      %get3A_849 = tpu.vector_load %arg7[%get3A_847, %get3A_848] {strides = array<i32>} : memref<128x128xf32, #tpu.memory_space<vmem>>, vector<1x16xf32>,
      %get3A_850 = vector.shape_cast %get3A_849 : vector<1x16xf32> to vector<16xf32>
      %swap3A_851 = arith.index_cast %select_n3A_833 : i32 to index
      %swap3A_852 = arith.constant 80 : index
      %swap3A_853 = tpu.vector_load %arg9[%swap3A_851, %swap3A_852] {strides = array<i32>} : memref<64x128xf32, #tpu.memory_space<vmem>>, vector<1x16xf32>,
      %swap3A_854 = vector.shape_cast %swap3A_853 : vector<1x16xf32> to vector<16xf32>
      %swap3A_855 = vector.shape_cast %get3A_850 : vector<16xf32> to vector<1x16xf32>
      tpu.vector_store %arg9[%swap3A_851, %swap3A_852], %swap3A_855 {strides = array<i32>} : memref<64x128xf32, #tpu.memory_space<vmem>>, vector<1x16xf32>,
      %add3A_856 = arith.constant 32 : i32
      %add3A_857 = arith.addi %and3A_805, %add3A_856 : i32
      %get3A_858 = arith.index_cast %add3A_809 : i32 to index
      %get3A_859 = arith.index_cast %add3A_857 : i32 to index
      %get3A_860 = tpu.vector_load %arg7[%get3A_858, %get3A_859] {strides = array<i32>} : memref<128x128xf32, #tpu.memory_space<vmem>>, vector<1x16xf32>,
      %get3A_861 = vector.shape_cast %get3A_860 : vector<1x16xf32> to vector<16xf32>
      %swap3A_862 = arith.index_cast %select_n3A_833 : i32 to index
      %swap3A_863 = arith.constant 96 : index
      %swap3A_864 = tpu.vector_load %arg9[%swap3A_862, %swap3A_863] {strides = array<i32>} : memref<64x128xf32, #tpu.memory_space<vmem>>, vector<1x16xf32>,
      %swap3A_865 = vector.shape_cast %swap3A_864 : vector<1x16xf32> to vector<16xf32>
      %swap3A_866 = vector.shape_cast %get3A_861 : vector<16xf32> to vector<1x16xf32>
      tpu.vector_store %arg9[%swap3A_862, %swap3A_863], %swap3A_866 {strides = array<i32>} : memref<64x128xf32, #tpu.memory_space<vmem>>, vector<1x16xf32>,
      %add3A_867 = arith.constant 48 : i32
      %add3A_868 = arith.addi %and3A_805, %add3A_867 : i32
      %get3A_869 = arith.index_cast %add3A_809 : i32 to index
      %get3A_870 = arith.index_cast %add3A_868 : i32 to index
      %get3A_871 = tpu.vector_load %arg7[%get3A_869, %get3A_870] {strides = array<i32>} : memref<128x128xf32, #tpu.memory_space<vmem>>, vector<1x16xf32>,
      %get3A_872 = vector.shape_cast %get3A_871 : vector<1x16xf32> to vector<16xf32>
      %swap3A_873 = arith.index_cast %select_n3A_833 : i32 to index
      %swap3A_874 = arith.constant 112 : index
      %swap3A_875 = tpu.vector_load %arg9[%swap3A_873, %swap3A_874] {strides = array<i32>} : memref<64x128xf32, #tpu.memory_space<vmem>>, vector<1x16xf32>,
      %swap3A_876 = vector.shape_cast %swap3A_875 : vector<1x16xf32> to vector<16xf32>
      %swap3A_877 = vector.shape_cast %get3A_872 : vector<16xf32> to vector<1x16xf32>
      tpu.vector_store %arg9[%swap3A_873, %swap3A_874], %swap3A_877 {strides = array<i32>} : memref<64x128xf32, #tpu.memory_space<vmem>>, vector<1x16xf32>,
      %slice3A_878 = vector.extract_strided_slice %get3A_101 {offsets = [10], sizes = [1], strides = [1]} : vector<16xi32> to vector<1xi32>
      %squeeze3A_879 = vector.extract %slice3A_878[0] : i32 from vector<1xi32>
      %shift_right_logical3A_880 = arith.constant 7 : i32
      %shift_right_logical3A_881 = arith.shrui %squeeze3A_879, %shift_right_logical3A_880 : i32
      %and3A_882 = arith.constant 64 : i32
      %and3A_883 = arith.andi %shift_right_logical3A_881, %and3A_882 : i32
      %mul3A_884 = arith.constant 16 : i32
      %mul3A_885 = arith.muli %scan3A_96, %mul3A_884 : i32
      %add3A_886 = arith.constant 10 : i32
      %add3A_887 = arith.addi %mul3A_885, %add3A_886 : i32
      %jit3A_888 = arith.constant 2 : i32
      %div3A_889 = arith.divsi %add3A_887, %jit3A_888 : i32
      %sign3A_890 = arith.constant 0 : i32
      %sign3A_891 = arith.cmpi sgt, %add3A_887, %sign3A_890 : i32
      %sign3A_892 = arith.extui %sign3A_891 : i1 to i32
      %sign3A_893 = arith.constant 0 : i32
      %sign3A_894 = arith.cmpi slt, %add3A_887, %sign3A_893 : i32
      %sign3A_895 = arith.extui %sign3A_894 : i1 to i32
      %sign3A_896 = arith.subi %sign3A_892, %sign3A_895 : i32
      %sign3A_897 = arith.constant 0 : i32
      %sign3A_898 = arith.cmpi sgt, %jit3A_888, %sign3A_897 : i32
      %sign3A_899 = arith.extui %sign3A_898 : i1 to i32
      %sign3A_900 = arith.constant 0 : i32
      %sign3A_901 = arith.cmpi slt, %jit3A_888, %sign3A_900 : i32
      %sign3A_902 = arith.extui %sign3A_901 : i1 to i32
      %sign3A_903 = arith.subi %sign3A_899, %sign3A_902 : i32
      %ne3A_904 = arith.cmpi ne, %sign3A_896, %sign3A_903 : i32
      %rem3A_905 = arith.remsi %add3A_887, %jit3A_888 : i32
      %ne3A_906 = arith.constant 0 : i32
      %ne3A_907 = arith.cmpi ne, %rem3A_905, %ne3A_906 : i32
      %and3A_908 = arith.andi %ne3A_904, %ne3A_907 : i1
      %sub3A_909 = arith.constant 1 : i32
      %sub3A_910 = arith.subi %div3A_889, %sub3A_909 : i32
      %select_n3A_911 = arith.select %and3A_908, %sub3A_910, %div3A_889 : i32
      %add3A_912 = arith.constant 0 : i32
      %add3A_913 = arith.addi %and3A_883, %add3A_912 : i32
      %get3A_914 = arith.index_cast %add3A_887 : i32 to index
      %get3A_915 = arith.index_cast %add3A_913 : i32 to index
      %get3A_916 = tpu.vector_load %arg7[%get3A_914, %get3A_915] {strides = array<i32>} : memref<128x128xf32, #tpu.memory_space<vmem>>, vector<1x16xf32>,
      %get3A_917 = vector.shape_cast %get3A_916 : vector<1x16xf32> to vector<16xf32>
      %swap3A_918 = arith.index_cast %select_n3A_911 : i32 to index
      %swap3A_919 = arith.constant 0 : index
      %swap3A_920 = tpu.vector_load %arg9[%swap3A_918, %swap3A_919] {strides = array<i32>} : memref<64x128xf32, #tpu.memory_space<vmem>>, vector<1x16xf32>,
      %swap3A_921 = vector.shape_cast %swap3A_920 : vector<1x16xf32> to vector<16xf32>
      %swap3A_922 = vector.shape_cast %get3A_917 : vector<16xf32> to vector<1x16xf32>
      tpu.vector_store %arg9[%swap3A_918, %swap3A_919], %swap3A_922 {strides = array<i32>} : memref<64x128xf32, #tpu.memory_space<vmem>>, vector<1x16xf32>,
      %add3A_923 = arith.constant 16 : i32
      %add3A_924 = arith.addi %and3A_883, %add3A_923 : i32
      %get3A_925 = arith.index_cast %add3A_887 : i32 to index
      %get3A_926 = arith.index_cast %add3A_924 : i32 to index
      %get3A_927 = tpu.vector_load %arg7[%get3A_925, %get3A_926] {strides = array<i32>} : memref<128x128xf32, #tpu.memory_space<vmem>>, vector<1x16xf32>,
      %get3A_928 = vector.shape_cast %get3A_927 : vector<1x16xf32> to vector<16xf32>
      %swap3A_929 = arith.index_cast %select_n3A_911 : i32 to index
      %swap3A_930 = arith.constant 16 : index
      %swap3A_931 = tpu.vector_load %arg9[%swap3A_929, %swap3A_930] {strides = array<i32>} : memref<64x128xf32, #tpu.memory_space<vmem>>, vector<1x16xf32>,
      %swap3A_932 = vector.shape_cast %swap3A_931 : vector<1x16xf32> to vector<16xf32>
      %swap3A_933 = vector.shape_cast %get3A_928 : vector<16xf32> to vector<1x16xf32>
      tpu.vector_store %arg9[%swap3A_929, %swap3A_930], %swap3A_933 {strides = array<i32>} : memref<64x128xf32, #tpu.memory_space<vmem>>, vector<1x16xf32>,
      %add3A_934 = arith.constant 32 : i32
      %add3A_935 = arith.addi %and3A_883, %add3A_934 : i32
      %get3A_936 = arith.index_cast %add3A_887 : i32 to index
      %get3A_937 = arith.index_cast %add3A_935 : i32 to index
      %get3A_938 = tpu.vector_load %arg7[%get3A_936, %get3A_937] {strides = array<i32>} : memref<128x128xf32, #tpu.memory_space<vmem>>, vector<1x16xf32>,
      %get3A_939 = vector.shape_cast %get3A_938 : vector<1x16xf32> to vector<16xf32>
      %swap3A_940 = arith.index_cast %select_n3A_911 : i32 to index
      %swap3A_941 = arith.constant 32 : index
      %swap3A_942 = tpu.vector_load %arg9[%swap3A_940, %swap3A_941] {strides = array<i32>} : memref<64x128xf32, #tpu.memory_space<vmem>>, vector<1x16xf32>,
      %swap3A_943 = vector.shape_cast %swap3A_942 : vector<1x16xf32> to vector<16xf32>
      %swap3A_944 = vector.shape_cast %get3A_939 : vector<16xf32> to vector<1x16xf32>
      tpu.vector_store %arg9[%swap3A_940, %swap3A_941], %swap3A_944 {strides = array<i32>} : memref<64x128xf32, #tpu.memory_space<vmem>>, vector<1x16xf32>,
      %add3A_945 = arith.constant 48 : i32
      %add3A_946 = arith.addi %and3A_883, %add3A_945 : i32
      %get3A_947 = arith.index_cast %add3A_887 : i32 to index
      %get3A_948 = arith.index_cast %add3A_946 : i32 to index
      %get3A_949 = tpu.vector_load %arg7[%get3A_947, %get3A_948] {strides = array<i32>} : memref<128x128xf32, #tpu.memory_space<vmem>>, vector<1x16xf32>,
      %get3A_950 = vector.shape_cast %get3A_949 : vector<1x16xf32> to vector<16xf32>
      %swap3A_951 = arith.index_cast %select_n3A_911 : i32 to index
      %swap3A_952 = arith.constant 48 : index
      %swap3A_953 = tpu.vector_load %arg9[%swap3A_951, %swap3A_952] {strides = array<i32>} : memref<64x128xf32, #tpu.memory_space<vmem>>, vector<1x16xf32>,
      %swap3A_954 = vector.shape_cast %swap3A_953 : vector<1x16xf32> to vector<16xf32>
      %swap3A_955 = vector.shape_cast %get3A_950 : vector<16xf32> to vector<1x16xf32>
      tpu.vector_store %arg9[%swap3A_951, %swap3A_952], %swap3A_955 {strides = array<i32>} : memref<64x128xf32, #tpu.memory_space<vmem>>, vector<1x16xf32>,
      %slice3A_956 = vector.extract_strided_slice %get3A_101 {offsets = [11], sizes = [1], strides = [1]} : vector<16xi32> to vector<1xi32>
      %squeeze3A_957 = vector.extract %slice3A_956[0] : i32 from vector<1xi32>
      %shift_right_logical3A_958 = arith.constant 7 : i32
      %shift_right_logical3A_959 = arith.shrui %squeeze3A_957, %shift_right_logical3A_958 : i32
      %and3A_960 = arith.constant 64 : i32
      %and3A_961 = arith.andi %shift_right_logical3A_959, %and3A_960 : i32
      %mul3A_962 = arith.constant 16 : i32
      %mul3A_963 = arith.muli %scan3A_96, %mul3A_962 : i32
      %add3A_964 = arith.constant 11 : i32
      %add3A_965 = arith.addi %mul3A_963, %add3A_964 : i32
      %jit3A_966 = arith.constant 2 : i32
      %div3A_967 = arith.divsi %add3A_965, %jit3A_966 : i32
      %sign3A_968 = arith.constant 0 : i32
      %sign3A_969 = arith.cmpi sgt, %add3A_965, %sign3A_968 : i32
      %sign3A_970 = arith.extui %sign3A_969 : i1 to i32
      %sign3A_971 = arith.constant 0 : i32
      %sign3A_972 = arith.cmpi slt, %add3A_965, %sign3A_971 : i32
      %sign3A_973 = arith.extui %sign3A_972 : i1 to i32
      %sign3A_974 = arith.subi %sign3A_970, %sign3A_973 : i32
      %sign3A_975 = arith.constant 0 : i32
      %sign3A_976 = arith.cmpi sgt, %jit3A_966, %sign3A_975 : i32
      %sign3A_977 = arith.extui %sign3A_976 : i1 to i32
      %sign3A_978 = arith.constant 0 : i32
      %sign3A_979 = arith.cmpi slt, %jit3A_966, %sign3A_978 : i32
      %sign3A_980 = arith.extui %sign3A_979 : i1 to i32
      %sign3A_981 = arith.subi %sign3A_977, %sign3A_980 : i32
      %ne3A_982 = arith.cmpi ne, %sign3A_974, %sign3A_981 : i32
      %rem3A_983 = arith.remsi %add3A_965, %jit3A_966 : i32
      %ne3A_984 = arith.constant 0 : i32
      %ne3A_985 = arith.cmpi ne, %rem3A_983, %ne3A_984 : i32
      %and3A_986 = arith.andi %ne3A_982, %ne3A_985 : i1
      %sub3A_987 = arith.constant 1 : i32
      %sub3A_988 = arith.subi %div3A_967, %sub3A_987 : i32
      %select_n3A_989 = arith.select %and3A_986, %sub3A_988, %div3A_967 : i32
      %add3A_990 = arith.constant 0 : i32
      %add3A_991 = arith.addi %and3A_961, %add3A_990 : i32
      %get3A_992 = arith.index_cast %add3A_965 : i32 to index
      %get3A_993 = arith.index_cast %add3A_991 : i32 to index
      %get3A_994 = tpu.vector_load %arg7[%get3A_992, %get3A_993] {strides = array<i32>} : memref<128x128xf32, #tpu.memory_space<vmem>>, vector<1x16xf32>,
      %get3A_995 = vector.shape_cast %get3A_994 : vector<1x16xf32> to vector<16xf32>
      %swap3A_996 = arith.index_cast %select_n3A_989 : i32 to index
      %swap3A_997 = arith.constant 64 : index
      %swap3A_998 = tpu.vector_load %arg9[%swap3A_996, %swap3A_997] {strides = array<i32>} : memref<64x128xf32, #tpu.memory_space<vmem>>, vector<1x16xf32>,
      %swap3A_999 = vector.shape_cast %swap3A_998 : vector<1x16xf32> to vector<16xf32>
      %swap3A_1000 = vector.shape_cast %get3A_995 : vector<16xf32> to vector<1x16xf32>
      tpu.vector_store %arg9[%swap3A_996, %swap3A_997], %swap3A_1000 {strides = array<i32>} : memref<64x128xf32, #tpu.memory_space<vmem>>, vector<1x16xf32>,
      %add3A_1001 = arith.constant 16 : i32
      %add3A_1002 = arith.addi %and3A_961, %add3A_1001 : i32
      %get3A_1003 = arith.index_cast %add3A_965 : i32 to index
      %get3A_1004 = arith.index_cast %add3A_1002 : i32 to index
      %get3A_1005 = tpu.vector_load %arg7[%get3A_1003, %get3A_1004] {strides = array<i32>} : memref<128x128xf32, #tpu.memory_space<vmem>>, vector<1x16xf32>,
      %get3A_1006 = vector.shape_cast %get3A_1005 : vector<1x16xf32> to vector<16xf32>
      %swap3A_1007 = arith.index_cast %select_n3A_989 : i32 to index
      %swap3A_1008 = arith.constant 80 : index
      %swap3A_1009 = tpu.vector_load %arg9[%swap3A_1007, %swap3A_1008] {strides = array<i32>} : memref<64x128xf32, #tpu.memory_space<vmem>>, vector<1x16xf32>,
      %swap3A_1010 = vector.shape_cast %swap3A_1009 : vector<1x16xf32> to vector<16xf32>
      %swap3A_1011 = vector.shape_cast %get3A_1006 : vector<16xf32> to vector<1x16xf32>
      tpu.vector_store %arg9[%swap3A_1007, %swap3A_1008], %swap3A_1011 {strides = array<i32>} : memref<64x128xf32, #tpu.memory_space<vmem>>, vector<1x16xf32>,
      %add3A_1012 = arith.constant 32 : i32
      %add3A_1013 = arith.addi %and3A_961, %add3A_1012 : i32
      %get3A_1014 = arith.index_cast %add3A_965 : i32 to index
      %get3A_1015 = arith.index_cast %add3A_1013 : i32 to index
      %get3A_1016 = tpu.vector_load %arg7[%get3A_1014, %get3A_1015] {strides = array<i32>} : memref<128x128xf32, #tpu.memory_space<vmem>>, vector<1x16xf32>,
      %get3A_1017 = vector.shape_cast %get3A_1016 : vector<1x16xf32> to vector<16xf32>
      %swap3A_1018 = arith.index_cast %select_n3A_989 : i32 to index
      %swap3A_1019 = arith.constant 96 : index
      %swap3A_1020 = tpu.vector_load %arg9[%swap3A_1018, %swap3A_1019] {strides = array<i32>} : memref<64x128xf32, #tpu.memory_space<vmem>>, vector<1x16xf32>,
      %swap3A_1021 = vector.shape_cast %swap3A_1020 : vector<1x16xf32> to vector<16xf32>
      %swap3A_1022 = vector.shape_cast %get3A_1017 : vector<16xf32> to vector<1x16xf32>
      tpu.vector_store %arg9[%swap3A_1018, %swap3A_1019], %swap3A_1022 {strides = array<i32>} : memref<64x128xf32, #tpu.memory_space<vmem>>, vector<1x16xf32>,
      %add3A_1023 = arith.constant 48 : i32
      %add3A_1024 = arith.addi %and3A_961, %add3A_1023 : i32
      %get3A_1025 = arith.index_cast %add3A_965 : i32 to index
      %get3A_1026 = arith.index_cast %add3A_1024 : i32 to index
      %get3A_1027 = tpu.vector_load %arg7[%get3A_1025, %get3A_1026] {strides = array<i32>} : memref<128x128xf32, #tpu.memory_space<vmem>>, vector<1x16xf32>,
      %get3A_1028 = vector.shape_cast %get3A_1027 : vector<1x16xf32> to vector<16xf32>
      %swap3A_1029 = arith.index_cast %select_n3A_989 : i32 to index
      %swap3A_1030 = arith.constant 112 : index
      %swap3A_1031 = tpu.vector_load %arg9[%swap3A_1029, %swap3A_1030] {strides = array<i32>} : memref<64x128xf32, #tpu.memory_space<vmem>>, vector<1x16xf32>,
      %swap3A_1032 = vector.shape_cast %swap3A_1031 : vector<1x16xf32> to vector<16xf32>
      %swap3A_1033 = vector.shape_cast %get3A_1028 : vector<16xf32> to vector<1x16xf32>
      tpu.vector_store %arg9[%swap3A_1029, %swap3A_1030], %swap3A_1033 {strides = array<i32>} : memref<64x128xf32, #tpu.memory_space<vmem>>, vector<1x16xf32>,
      %slice3A_1034 = vector.extract_strided_slice %get3A_101 {offsets = [12], sizes = [1], strides = [1]} : vector<16xi32> to vector<1xi32>
      %squeeze3A_1035 = vector.extract %slice3A_1034[0] : i32 from vector<1xi32>
      %shift_right_logical3A_1036 = arith.constant 7 : i32
      %shift_right_logical3A_1037 = arith.shrui %squeeze3A_1035, %shift_right_logical3A_1036 : i32
      %and3A_1038 = arith.constant 64 : i32
      %and3A_1039 = arith.andi %shift_right_logical3A_1037, %and3A_1038 : i32
      %mul3A_1040 = arith.constant 16 : i32
      %mul3A_1041 = arith.muli %scan3A_96, %mul3A_1040 : i32
      %add3A_1042 = arith.constant 12 : i32
      %add3A_1043 = arith.addi %mul3A_1041, %add3A_1042 : i32
      %jit3A_1044 = arith.constant 2 : i32
      %div3A_1045 = arith.divsi %add3A_1043, %jit3A_1044 : i32
      %sign3A_1046 = arith.constant 0 : i32
      %sign3A_1047 = arith.cmpi sgt, %add3A_1043, %sign3A_1046 : i32
      %sign3A_1048 = arith.extui %sign3A_1047 : i1 to i32
      %sign3A_1049 = arith.constant 0 : i32
      %sign3A_1050 = arith.cmpi slt, %add3A_1043, %sign3A_1049 : i32
      %sign3A_1051 = arith.extui %sign3A_1050 : i1 to i32
      %sign3A_1052 = arith.subi %sign3A_1048, %sign3A_1051 : i32
      %sign3A_1053 = arith.constant 0 : i32
      %sign3A_1054 = arith.cmpi sgt, %jit3A_1044, %sign3A_1053 : i32
      %sign3A_1055 = arith.extui %sign3A_1054 : i1 to i32
      %sign3A_1056 = arith.constant 0 : i32
      %sign3A_1057 = arith.cmpi slt, %jit3A_1044, %sign3A_1056 : i32
      %sign3A_1058 = arith.extui %sign3A_1057 : i1 to i32
      %sign3A_1059 = arith.subi %sign3A_1055, %sign3A_1058 : i32
      %ne3A_1060 = arith.cmpi ne, %sign3A_1052, %sign3A_1059 : i32
      %rem3A_1061 = arith.remsi %add3A_1043, %jit3A_1044 : i32
      %ne3A_1062 = arith.constant 0 : i32
      %ne3A_1063 = arith.cmpi ne, %rem3A_1061, %ne3A_1062 : i32
      %and3A_1064 = arith.andi %ne3A_1060, %ne3A_1063 : i1
      %sub3A_1065 = arith.constant 1 : i32
      %sub3A_1066 = arith.subi %div3A_1045, %sub3A_1065 : i32
      %select_n3A_1067 = arith.select %and3A_1064, %sub3A_1066, %div3A_1045 : i32
      %add3A_1068 = arith.constant 0 : i32
      %add3A_1069 = arith.addi %and3A_1039, %add3A_1068 : i32
      %get3A_1070 = arith.index_cast %add3A_1043 : i32 to index
      %get3A_1071 = arith.index_cast %add3A_1069 : i32 to index
      %get3A_1072 = tpu.vector_load %arg7[%get3A_1070, %get3A_1071] {strides = array<i32>} : memref<128x128xf32, #tpu.memory_space<vmem>>, vector<1x16xf32>,
      %get3A_1073 = vector.shape_cast %get3A_1072 : vector<1x16xf32> to vector<16xf32>
      %swap3A_1074 = arith.index_cast %select_n3A_1067 : i32 to index
      %swap3A_1075 = arith.constant 0 : index
      %swap3A_1076 = tpu.vector_load %arg9[%swap3A_1074, %swap3A_1075] {strides = array<i32>} : memref<64x128xf32, #tpu.memory_space<vmem>>, vector<1x16xf32>,
      %swap3A_1077 = vector.shape_cast %swap3A_1076 : vector<1x16xf32> to vector<16xf32>
      %swap3A_1078 = vector.shape_cast %get3A_1073 : vector<16xf32> to vector<1x16xf32>
      tpu.vector_store %arg9[%swap3A_1074, %swap3A_1075], %swap3A_1078 {strides = array<i32>} : memref<64x128xf32, #tpu.memory_space<vmem>>, vector<1x16xf32>,
      %add3A_1079 = arith.constant 16 : i32
      %add3A_1080 = arith.addi %and3A_1039, %add3A_1079 : i32
      %get3A_1081 = arith.index_cast %add3A_1043 : i32 to index
      %get3A_1082 = arith.index_cast %add3A_1080 : i32 to index
      %get3A_1083 = tpu.vector_load %arg7[%get3A_1081, %get3A_1082] {strides = array<i32>} : memref<128x128xf32, #tpu.memory_space<vmem>>, vector<1x16xf32>,
      %get3A_1084 = vector.shape_cast %get3A_1083 : vector<1x16xf32> to vector<16xf32>
      %swap3A_1085 = arith.index_cast %select_n3A_1067 : i32 to index
      %swap3A_1086 = arith.constant 16 : index
      %swap3A_1087 = tpu.vector_load %arg9[%swap3A_1085, %swap3A_1086] {strides = array<i32>} : memref<64x128xf32, #tpu.memory_space<vmem>>, vector<1x16xf32>,
      %swap3A_1088 = vector.shape_cast %swap3A_1087 : vector<1x16xf32> to vector<16xf32>
      %swap3A_1089 = vector.shape_cast %get3A_1084 : vector<16xf32> to vector<1x16xf32>
      tpu.vector_store %arg9[%swap3A_1085, %swap3A_1086], %swap3A_1089 {strides = array<i32>} : memref<64x128xf32, #tpu.memory_space<vmem>>, vector<1x16xf32>,
      %add3A_1090 = arith.constant 32 : i32
      %add3A_1091 = arith.addi %and3A_1039, %add3A_1090 : i32
      %get3A_1092 = arith.index_cast %add3A_1043 : i32 to index
      %get3A_1093 = arith.index_cast %add3A_1091 : i32 to index
      %get3A_1094 = tpu.vector_load %arg7[%get3A_1092, %get3A_1093] {strides = array<i32>} : memref<128x128xf32, #tpu.memory_space<vmem>>, vector<1x16xf32>,
      %get3A_1095 = vector.shape_cast %get3A_1094 : vector<1x16xf32> to vector<16xf32>
      %swap3A_1096 = arith.index_cast %select_n3A_1067 : i32 to index
      %swap3A_1097 = arith.constant 32 : index
      %swap3A_1098 = tpu.vector_load %arg9[%swap3A_1096, %swap3A_1097] {strides = array<i32>} : memref<64x128xf32, #tpu.memory_space<vmem>>, vector<1x16xf32>,
      %swap3A_1099 = vector.shape_cast %swap3A_1098 : vector<1x16xf32> to vector<16xf32>
      %swap3A_1100 = vector.shape_cast %get3A_1095 : vector<16xf32> to vector<1x16xf32>
      tpu.vector_store %arg9[%swap3A_1096, %swap3A_1097], %swap3A_1100 {strides = array<i32>} : memref<64x128xf32, #tpu.memory_space<vmem>>, vector<1x16xf32>,
      %add3A_1101 = arith.constant 48 : i32
      %add3A_1102 = arith.addi %and3A_1039, %add3A_1101 : i32
      %get3A_1103 = arith.index_cast %add3A_1043 : i32 to index
      %get3A_1104 = arith.index_cast %add3A_1102 : i32 to index
      %get3A_1105 = tpu.vector_load %arg7[%get3A_1103, %get3A_1104] {strides = array<i32>} : memref<128x128xf32, #tpu.memory_space<vmem>>, vector<1x16xf32>,
      %get3A_1106 = vector.shape_cast %get3A_1105 : vector<1x16xf32> to vector<16xf32>
      %swap3A_1107 = arith.index_cast %select_n3A_1067 : i32 to index
      %swap3A_1108 = arith.constant 48 : index
      %swap3A_1109 = tpu.vector_load %arg9[%swap3A_1107, %swap3A_1108] {strides = array<i32>} : memref<64x128xf32, #tpu.memory_space<vmem>>, vector<1x16xf32>,
      %swap3A_1110 = vector.shape_cast %swap3A_1109 : vector<1x16xf32> to vector<16xf32>
      %swap3A_1111 = vector.shape_cast %get3A_1106 : vector<16xf32> to vector<1x16xf32>
      tpu.vector_store %arg9[%swap3A_1107, %swap3A_1108], %swap3A_1111 {strides = array<i32>} : memref<64x128xf32, #tpu.memory_space<vmem>>, vector<1x16xf32>,
      %slice3A_1112 = vector.extract_strided_slice %get3A_101 {offsets = [13], sizes = [1], strides = [1]} : vector<16xi32> to vector<1xi32>
      %squeeze3A_1113 = vector.extract %slice3A_1112[0] : i32 from vector<1xi32>
      %shift_right_logical3A_1114 = arith.constant 7 : i32
      %shift_right_logical3A_1115 = arith.shrui %squeeze3A_1113, %shift_right_logical3A_1114 : i32
      %and3A_1116 = arith.constant 64 : i32
      %and3A_1117 = arith.andi %shift_right_logical3A_1115, %and3A_1116 : i32
      %mul3A_1118 = arith.constant 16 : i32
      %mul3A_1119 = arith.muli %scan3A_96, %mul3A_1118 : i32
      %add3A_1120 = arith.constant 13 : i32
      %add3A_1121 = arith.addi %mul3A_1119, %add3A_1120 : i32
      %jit3A_1122 = arith.constant 2 : i32
      %div3A_1123 = arith.divsi %add3A_1121, %jit3A_1122 : i32
      %sign3A_1124 = arith.constant 0 : i32
      %sign3A_1125 = arith.cmpi sgt, %add3A_1121, %sign3A_1124 : i32
      %sign3A_1126 = arith.extui %sign3A_1125 : i1 to i32
      %sign3A_1127 = arith.constant 0 : i32
      %sign3A_1128 = arith.cmpi slt, %add3A_1121, %sign3A_1127 : i32
      %sign3A_1129 = arith.extui %sign3A_1128 : i1 to i32
      %sign3A_1130 = arith.subi %sign3A_1126, %sign3A_1129 : i32
      %sign3A_1131 = arith.constant 0 : i32
      %sign3A_1132 = arith.cmpi sgt, %jit3A_1122, %sign3A_1131 : i32
      %sign3A_1133 = arith.extui %sign3A_1132 : i1 to i32
      %sign3A_1134 = arith.constant 0 : i32
      %sign3A_1135 = arith.cmpi slt, %jit3A_1122, %sign3A_1134 : i32
      %sign3A_1136 = arith.extui %sign3A_1135 : i1 to i32
      %sign3A_1137 = arith.subi %sign3A_1133, %sign3A_1136 : i32
      %ne3A_1138 = arith.cmpi ne, %sign3A_1130, %sign3A_1137 : i32
      %rem3A_1139 = arith.remsi %add3A_1121, %jit3A_1122 : i32
      %ne3A_1140 = arith.constant 0 : i32
      %ne3A_1141 = arith.cmpi ne, %rem3A_1139, %ne3A_1140 : i32
      %and3A_1142 = arith.andi %ne3A_1138, %ne3A_1141 : i1
      %sub3A_1143 = arith.constant 1 : i32
      %sub3A_1144 = arith.subi %div3A_1123, %sub3A_1143 : i32
      %select_n3A_1145 = arith.select %and3A_1142, %sub3A_1144, %div3A_1123 : i32
      %add3A_1146 = arith.constant 0 : i32
      %add3A_1147 = arith.addi %and3A_1117, %add3A_1146 : i32
      %get3A_1148 = arith.index_cast %add3A_1121 : i32 to index
      %get3A_1149 = arith.index_cast %add3A_1147 : i32 to index
      %get3A_1150 = tpu.vector_load %arg7[%get3A_1148, %get3A_1149] {strides = array<i32>} : memref<128x128xf32, #tpu.memory_space<vmem>>, vector<1x16xf32>,
      %get3A_1151 = vector.shape_cast %get3A_1150 : vector<1x16xf32> to vector<16xf32>
      %swap3A_1152 = arith.index_cast %select_n3A_1145 : i32 to index
      %swap3A_1153 = arith.constant 64 : index
      %swap3A_1154 = tpu.vector_load %arg9[%swap3A_1152, %swap3A_1153] {strides = array<i32>} : memref<64x128xf32, #tpu.memory_space<vmem>>, vector<1x16xf32>,
      %swap3A_1155 = vector.shape_cast %swap3A_1154 : vector<1x16xf32> to vector<16xf32>
      %swap3A_1156 = vector.shape_cast %get3A_1151 : vector<16xf32> to vector<1x16xf32>
      tpu.vector_store %arg9[%swap3A_1152, %swap3A_1153], %swap3A_1156 {strides = array<i32>} : memref<64x128xf32, #tpu.memory_space<vmem>>, vector<1x16xf32>,
      %add3A_1157 = arith.constant 16 : i32
      %add3A_1158 = arith.addi %and3A_1117, %add3A_1157 : i32
      %get3A_1159 = arith.index_cast %add3A_1121 : i32 to index
      %get3A_1160 = arith.index_cast %add3A_1158 : i32 to index
      %get3A_1161 = tpu.vector_load %arg7[%get3A_1159, %get3A_1160] {strides = array<i32>} : memref<128x128xf32, #tpu.memory_space<vmem>>, vector<1x16xf32>,
      %get3A_1162 = vector.shape_cast %get3A_1161 : vector<1x16xf32> to vector<16xf32>
      %swap3A_1163 = arith.index_cast %select_n3A_1145 : i32 to index
      %swap3A_1164 = arith.constant 80 : index
      %swap3A_1165 = tpu.vector_load %arg9[%swap3A_1163, %swap3A_1164] {strides = array<i32>} : memref<64x128xf32, #tpu.memory_space<vmem>>, vector<1x16xf32>,
      %swap3A_1166 = vector.shape_cast %swap3A_1165 : vector<1x16xf32> to vector<16xf32>
      %swap3A_1167 = vector.shape_cast %get3A_1162 : vector<16xf32> to vector<1x16xf32>
      tpu.vector_store %arg9[%swap3A_1163, %swap3A_1164], %swap3A_1167 {strides = array<i32>} : memref<64x128xf32, #tpu.memory_space<vmem>>, vector<1x16xf32>,
      %add3A_1168 = arith.constant 32 : i32
      %add3A_1169 = arith.addi %and3A_1117, %add3A_1168 : i32
      %get3A_1170 = arith.index_cast %add3A_1121 : i32 to index
      %get3A_1171 = arith.index_cast %add3A_1169 : i32 to index
      %get3A_1172 = tpu.vector_load %arg7[%get3A_1170, %get3A_1171] {strides = array<i32>} : memref<128x128xf32, #tpu.memory_space<vmem>>, vector<1x16xf32>,
      %get3A_1173 = vector.shape_cast %get3A_1172 : vector<1x16xf32> to vector<16xf32>
      %swap3A_1174 = arith.index_cast %select_n3A_1145 : i32 to index
      %swap3A_1175 = arith.constant 96 : index
      %swap3A_1176 = tpu.vector_load %arg9[%swap3A_1174, %swap3A_1175] {strides = array<i32>} : memref<64x128xf32, #tpu.memory_space<vmem>>, vector<1x16xf32>,
      %swap3A_1177 = vector.shape_cast %swap3A_1176 : vector<1x16xf32> to vector<16xf32>
      %swap3A_1178 = vector.shape_cast %get3A_1173 : vector<16xf32> to vector<1x16xf32>
      tpu.vector_store %arg9[%swap3A_1174, %swap3A_1175], %swap3A_1178 {strides = array<i32>} : memref<64x128xf32, #tpu.memory_space<vmem>>, vector<1x16xf32>,
      %add3A_1179 = arith.constant 48 : i32
      %add3A_1180 = arith.addi %and3A_1117, %add3A_1179 : i32
      %get3A_1181 = arith.index_cast %add3A_1121 : i32 to index
      %get3A_1182 = arith.index_cast %add3A_1180 : i32 to index
      %get3A_1183 = tpu.vector_load %arg7[%get3A_1181, %get3A_1182] {strides = array<i32>} : memref<128x128xf32, #tpu.memory_space<vmem>>, vector<1x16xf32>,
      %get3A_1184 = vector.shape_cast %get3A_1183 : vector<1x16xf32> to vector<16xf32>
      %swap3A_1185 = arith.index_cast %select_n3A_1145 : i32 to index
      %swap3A_1186 = arith.constant 112 : index
      %swap3A_1187 = tpu.vector_load %arg9[%swap3A_1185, %swap3A_1186] {strides = array<i32>} : memref<64x128xf32, #tpu.memory_space<vmem>>, vector<1x16xf32>,
      %swap3A_1188 = vector.shape_cast %swap3A_1187 : vector<1x16xf32> to vector<16xf32>
      %swap3A_1189 = vector.shape_cast %get3A_1184 : vector<16xf32> to vector<1x16xf32>
      tpu.vector_store %arg9[%swap3A_1185, %swap3A_1186], %swap3A_1189 {strides = array<i32>} : memref<64x128xf32, #tpu.memory_space<vmem>>, vector<1x16xf32>,
      %slice3A_1190 = vector.extract_strided_slice %get3A_101 {offsets = [14], sizes = [1], strides = [1]} : vector<16xi32> to vector<1xi32>
      %squeeze3A_1191 = vector.extract %slice3A_1190[0] : i32 from vector<1xi32>
      %shift_right_logical3A_1192 = arith.constant 7 : i32
      %shift_right_logical3A_1193 = arith.shrui %squeeze3A_1191, %shift_right_logical3A_1192 : i32
      %and3A_1194 = arith.constant 64 : i32
      %and3A_1195 = arith.andi %shift_right_logical3A_1193, %and3A_1194 : i32
      %mul3A_1196 = arith.constant 16 : i32
      %mul3A_1197 = arith.muli %scan3A_96, %mul3A_1196 : i32
      %add3A_1198 = arith.constant 14 : i32
      %add3A_1199 = arith.addi %mul3A_1197, %add3A_1198 : i32
      %jit3A_1200 = arith.constant 2 : i32
      %div3A_1201 = arith.divsi %add3A_1199, %jit3A_1200 : i32
      %sign3A_1202 = arith.constant 0 : i32
      %sign3A_1203 = arith.cmpi sgt, %add3A_1199, %sign3A_1202 : i32
      %sign3A_1204 = arith.extui %sign3A_1203 : i1 to i32
      %sign3A_1205 = arith.constant 0 : i32
      %sign3A_1206 = arith.cmpi slt, %add3A_1199, %sign3A_1205 : i32
      %sign3A_1207 = arith.extui %sign3A_1206 : i1 to i32
      %sign3A_1208 = arith.subi %sign3A_1204, %sign3A_1207 : i32
      %sign3A_1209 = arith.constant 0 : i32
      %sign3A_1210 = arith.cmpi sgt, %jit3A_1200, %sign3A_1209 : i32
      %sign3A_1211 = arith.extui %sign3A_1210 : i1 to i32
      %sign3A_1212 = arith.constant 0 : i32
      %sign3A_1213 = arith.cmpi slt, %jit3A_1200, %sign3A_1212 : i32
      %sign3A_1214 = arith.extui %sign3A_1213 : i1 to i32
      %sign3A_1215 = arith.subi %sign3A_1211, %sign3A_1214 : i32
      %ne3A_1216 = arith.cmpi ne, %sign3A_1208, %sign3A_1215 : i32
      %rem3A_1217 = arith.remsi %add3A_1199, %jit3A_1200 : i32
      %ne3A_1218 = arith.constant 0 : i32
      %ne3A_1219 = arith.cmpi ne, %rem3A_1217, %ne3A_1218 : i32
      %and3A_1220 = arith.andi %ne3A_1216, %ne3A_1219 : i1
      %sub3A_1221 = arith.constant 1 : i32
      %sub3A_1222 = arith.subi %div3A_1201, %sub3A_1221 : i32
      %select_n3A_1223 = arith.select %and3A_1220, %sub3A_1222, %div3A_1201 : i32
      %add3A_1224 = arith.constant 0 : i32
      %add3A_1225 = arith.addi %and3A_1195, %add3A_1224 : i32
      %get3A_1226 = arith.index_cast %add3A_1199 : i32 to index
      %get3A_1227 = arith.index_cast %add3A_1225 : i32 to index
      %get3A_1228 = tpu.vector_load %arg7[%get3A_1226, %get3A_1227] {strides = array<i32>} : memref<128x128xf32, #tpu.memory_space<vmem>>, vector<1x16xf32>,
      %get3A_1229 = vector.shape_cast %get3A_1228 : vector<1x16xf32> to vector<16xf32>
      %swap3A_1230 = arith.index_cast %select_n3A_1223 : i32 to index
      %swap3A_1231 = arith.constant 0 : index
      %swap3A_1232 = tpu.vector_load %arg9[%swap3A_1230, %swap3A_1231] {strides = array<i32>} : memref<64x128xf32, #tpu.memory_space<vmem>>, vector<1x16xf32>,
      %swap3A_1233 = vector.shape_cast %swap3A_1232 : vector<1x16xf32> to vector<16xf32>
      %swap3A_1234 = vector.shape_cast %get3A_1229 : vector<16xf32> to vector<1x16xf32>
      tpu.vector_store %arg9[%swap3A_1230, %swap3A_1231], %swap3A_1234 {strides = array<i32>} : memref<64x128xf32, #tpu.memory_space<vmem>>, vector<1x16xf32>,
      %add3A_1235 = arith.constant 16 : i32
      %add3A_1236 = arith.addi %and3A_1195, %add3A_1235 : i32
      %get3A_1237 = arith.index_cast %add3A_1199 : i32 to index
      %get3A_1238 = arith.index_cast %add3A_1236 : i32 to index
      %get3A_1239 = tpu.vector_load %arg7[%get3A_1237, %get3A_1238] {strides = array<i32>} : memref<128x128xf32, #tpu.memory_space<vmem>>, vector<1x16xf32>,
      %get3A_1240 = vector.shape_cast %get3A_1239 : vector<1x16xf32> to vector<16xf32>
      %swap3A_1241 = arith.index_cast %select_n3A_1223 : i32 to index
      %swap3A_1242 = arith.constant 16 : index
      %swap3A_1243 = tpu.vector_load %arg9[%swap3A_1241, %swap3A_1242] {strides = array<i32>} : memref<64x128xf32, #tpu.memory_space<vmem>>, vector<1x16xf32>,
      %swap3A_1244 = vector.shape_cast %swap3A_1243 : vector<1x16xf32> to vector<16xf32>
      %swap3A_1245 = vector.shape_cast %get3A_1240 : vector<16xf32> to vector<1x16xf32>
      tpu.vector_store %arg9[%swap3A_1241, %swap3A_1242], %swap3A_1245 {strides = array<i32>} : memref<64x128xf32, #tpu.memory_space<vmem>>, vector<1x16xf32>,
      %add3A_1246 = arith.constant 32 : i32
      %add3A_1247 = arith.addi %and3A_1195, %add3A_1246 : i32
      %get3A_1248 = arith.index_cast %add3A_1199 : i32 to index
      %get3A_1249 = arith.index_cast %add3A_1247 : i32 to index
      %get3A_1250 = tpu.vector_load %arg7[%get3A_1248, %get3A_1249] {strides = array<i32>} : memref<128x128xf32, #tpu.memory_space<vmem>>, vector<1x16xf32>,
      %get3A_1251 = vector.shape_cast %get3A_1250 : vector<1x16xf32> to vector<16xf32>
      %swap3A_1252 = arith.index_cast %select_n3A_1223 : i32 to index
      %swap3A_1253 = arith.constant 32 : index
      %swap3A_1254 = tpu.vector_load %arg9[%swap3A_1252, %swap3A_1253] {strides = array<i32>} : memref<64x128xf32, #tpu.memory_space<vmem>>, vector<1x16xf32>,
      %swap3A_1255 = vector.shape_cast %swap3A_1254 : vector<1x16xf32> to vector<16xf32>
      %swap3A_1256 = vector.shape_cast %get3A_1251 : vector<16xf32> to vector<1x16xf32>
      tpu.vector_store %arg9[%swap3A_1252, %swap3A_1253], %swap3A_1256 {strides = array<i32>} : memref<64x128xf32, #tpu.memory_space<vmem>>, vector<1x16xf32>,
      %add3A_1257 = arith.constant 48 : i32
      %add3A_1258 = arith.addi %and3A_1195, %add3A_1257 : i32
      %get3A_1259 = arith.index_cast %add3A_1199 : i32 to index
      %get3A_1260 = arith.index_cast %add3A_1258 : i32 to index
      %get3A_1261 = tpu.vector_load %arg7[%get3A_1259, %get3A_1260] {strides = array<i32>} : memref<128x128xf32, #tpu.memory_space<vmem>>, vector<1x16xf32>,
      %get3A_1262 = vector.shape_cast %get3A_1261 : vector<1x16xf32> to vector<16xf32>
      %swap3A_1263 = arith.index_cast %select_n3A_1223 : i32 to index
      %swap3A_1264 = arith.constant 48 : index
      %swap3A_1265 = tpu.vector_load %arg9[%swap3A_1263, %swap3A_1264] {strides = array<i32>} : memref<64x128xf32, #tpu.memory_space<vmem>>, vector<1x16xf32>,
      %swap3A_1266 = vector.shape_cast %swap3A_1265 : vector<1x16xf32> to vector<16xf32>
      %swap3A_1267 = vector.shape_cast %get3A_1262 : vector<16xf32> to vector<1x16xf32>
      tpu.vector_store %arg9[%swap3A_1263, %swap3A_1264], %swap3A_1267 {strides = array<i32>} : memref<64x128xf32, #tpu.memory_space<vmem>>, vector<1x16xf32>,
      %slice3A_1268 = vector.extract_strided_slice %get3A_101 {offsets = [15], sizes = [1], strides = [1]} : vector<16xi32> to vector<1xi32>
      %squeeze3A_1269 = vector.extract %slice3A_1268[0] : i32 from vector<1xi32>
      %shift_right_logical3A_1270 = arith.constant 7 : i32
      %shift_right_logical3A_1271 = arith.shrui %squeeze3A_1269, %shift_right_logical3A_1270 : i32
      %and3A_1272 = arith.constant 64 : i32
      %and3A_1273 = arith.andi %shift_right_logical3A_1271, %and3A_1272 : i32
      %mul3A_1274 = arith.constant 16 : i32
      %mul3A_1275 = arith.muli %scan3A_96, %mul3A_1274 : i32
      %add3A_1276 = arith.constant 15 : i32
      %add3A_1277 = arith.addi %mul3A_1275, %add3A_1276 : i32
      %jit3A_1278 = arith.constant 2 : i32
      %div3A_1279 = arith.divsi %add3A_1277, %jit3A_1278 : i32
      %sign3A_1280 = arith.constant 0 : i32
      %sign3A_1281 = arith.cmpi sgt, %add3A_1277, %sign3A_1280 : i32
      %sign3A_1282 = arith.extui %sign3A_1281 : i1 to i32
      %sign3A_1283 = arith.constant 0 : i32
      %sign3A_1284 = arith.cmpi slt, %add3A_1277, %sign3A_1283 : i32
      %sign3A_1285 = arith.extui %sign3A_1284 : i1 to i32
      %sign3A_1286 = arith.subi %sign3A_1282, %sign3A_1285 : i32
      %sign3A_1287 = arith.constant 0 : i32
      %sign3A_1288 = arith.cmpi sgt, %jit3A_1278, %sign3A_1287 : i32
      %sign3A_1289 = arith.extui %sign3A_1288 : i1 to i32
      %sign3A_1290 = arith.constant 0 : i32
      %sign3A_1291 = arith.cmpi slt, %jit3A_1278, %sign3A_1290 : i32
      %sign3A_1292 = arith.extui %sign3A_1291 : i1 to i32
      %sign3A_1293 = arith.subi %sign3A_1289, %sign3A_1292 : i32
      %ne3A_1294 = arith.cmpi ne, %sign3A_1286, %sign3A_1293 : i32
      %rem3A_1295 = arith.remsi %add3A_1277, %jit3A_1278 : i32
      %ne3A_1296 = arith.constant 0 : i32
      %ne3A_1297 = arith.cmpi ne, %rem3A_1295, %ne3A_1296 : i32
      %and3A_1298 = arith.andi %ne3A_1294, %ne3A_1297 : i1
      %sub3A_1299 = arith.constant 1 : i32
      %sub3A_1300 = arith.subi %div3A_1279, %sub3A_1299 : i32
      %select_n3A_1301 = arith.select %and3A_1298, %sub3A_1300, %div3A_1279 : i32
      %add3A_1302 = arith.constant 0 : i32
      %add3A_1303 = arith.addi %and3A_1273, %add3A_1302 : i32
      %get3A_1304 = arith.index_cast %add3A_1277 : i32 to index
      %get3A_1305 = arith.index_cast %add3A_1303 : i32 to index
      %get3A_1306 = tpu.vector_load %arg7[%get3A_1304, %get3A_1305] {strides = array<i32>} : memref<128x128xf32, #tpu.memory_space<vmem>>, vector<1x16xf32>,
      %get3A_1307 = vector.shape_cast %get3A_1306 : vector<1x16xf32> to vector<16xf32>
      %swap3A_1308 = arith.index_cast %select_n3A_1301 : i32 to index
      %swap3A_1309 = arith.constant 64 : index
      %swap3A_1310 = tpu.vector_load %arg9[%swap3A_1308, %swap3A_1309] {strides = array<i32>} : memref<64x128xf32, #tpu.memory_space<vmem>>, vector<1x16xf32>,
      %swap3A_1311 = vector.shape_cast %swap3A_1310 : vector<1x16xf32> to vector<16xf32>
      %swap3A_1312 = vector.shape_cast %get3A_1307 : vector<16xf32> to vector<1x16xf32>
      tpu.vector_store %arg9[%swap3A_1308, %swap3A_1309], %swap3A_1312 {strides = array<i32>} : memref<64x128xf32, #tpu.memory_space<vmem>>, vector<1x16xf32>,
      %add3A_1313 = arith.constant 16 : i32
      %add3A_1314 = arith.addi %and3A_1273, %add3A_1313 : i32
      %get3A_1315 = arith.index_cast %add3A_1277 : i32 to index
      %get3A_1316 = arith.index_cast %add3A_1314 : i32 to index
      %get3A_1317 = tpu.vector_load %arg7[%get3A_1315, %get3A_1316] {strides = array<i32>} : memref<128x128xf32, #tpu.memory_space<vmem>>, vector<1x16xf32>,
      %get3A_1318 = vector.shape_cast %get3A_1317 : vector<1x16xf32> to vector<16xf32>
      %swap3A_1319 = arith.index_cast %select_n3A_1301 : i32 to index
      %swap3A_1320 = arith.constant 80 : index
      %swap3A_1321 = tpu.vector_load %arg9[%swap3A_1319, %swap3A_1320] {strides = array<i32>} : memref<64x128xf32, #tpu.memory_space<vmem>>, vector<1x16xf32>,
      %swap3A_1322 = vector.shape_cast %swap3A_1321 : vector<1x16xf32> to vector<16xf32>
      %swap3A_1323 = vector.shape_cast %get3A_1318 : vector<16xf32> to vector<1x16xf32>
      tpu.vector_store %arg9[%swap3A_1319, %swap3A_1320], %swap3A_1323 {strides = array<i32>} : memref<64x128xf32, #tpu.memory_space<vmem>>, vector<1x16xf32>,
      %add3A_1324 = arith.constant 32 : i32
      %add3A_1325 = arith.addi %and3A_1273, %add3A_1324 : i32
      %get3A_1326 = arith.index_cast %add3A_1277 : i32 to index
      %get3A_1327 = arith.index_cast %add3A_1325 : i32 to index
      %get3A_1328 = tpu.vector_load %arg7[%get3A_1326, %get3A_1327] {strides = array<i32>} : memref<128x128xf32, #tpu.memory_space<vmem>>, vector<1x16xf32>,
      %get3A_1329 = vector.shape_cast %get3A_1328 : vector<1x16xf32> to vector<16xf32>
      %swap3A_1330 = arith.index_cast %select_n3A_1301 : i32 to index
      %swap3A_1331 = arith.constant 96 : index
      %swap3A_1332 = tpu.vector_load %arg9[%swap3A_1330, %swap3A_1331] {strides = array<i32>} : memref<64x128xf32, #tpu.memory_space<vmem>>, vector<1x16xf32>,
      %swap3A_1333 = vector.shape_cast %swap3A_1332 : vector<1x16xf32> to vector<16xf32>
      %swap3A_1334 = vector.shape_cast %get3A_1329 : vector<16xf32> to vector<1x16xf32>
      tpu.vector_store %arg9[%swap3A_1330, %swap3A_1331], %swap3A_1334 {strides = array<i32>} : memref<64x128xf32, #tpu.memory_space<vmem>>, vector<1x16xf32>,
      %add3A_1335 = arith.constant 48 : i32
      %add3A_1336 = arith.addi %and3A_1273, %add3A_1335 : i32
      %get3A_1337 = arith.index_cast %add3A_1277 : i32 to index
      %get3A_1338 = arith.index_cast %add3A_1336 : i32 to index
      %get3A_1339 = tpu.vector_load %arg7[%get3A_1337, %get3A_1338] {strides = array<i32>} : memref<128x128xf32, #tpu.memory_space<vmem>>, vector<1x16xf32>,
      %get3A_1340 = vector.shape_cast %get3A_1339 : vector<1x16xf32> to vector<16xf32>
      %swap3A_1341 = arith.index_cast %select_n3A_1301 : i32 to index
      %swap3A_1342 = arith.constant 112 : index
      %swap3A_1343 = tpu.vector_load %arg9[%swap3A_1341, %swap3A_1342] {strides = array<i32>} : memref<64x128xf32, #tpu.memory_space<vmem>>, vector<1x16xf32>,
      %swap3A_1344 = vector.shape_cast %swap3A_1343 : vector<1x16xf32> to vector<16xf32>
      %swap3A_1345 = vector.shape_cast %get3A_1340 : vector<16xf32> to vector<1x16xf32>
      tpu.vector_store %arg9[%swap3A_1341, %swap3A_1342], %swap3A_1345 {strides = array<i32>} : memref<64x128xf32, #tpu.memory_space<vmem>>, vector<1x16xf32>,
    }
    %scan3A_37 = arith.constant 8 : i32
    %add3A_38 = arith.addi %multiple_of3A, %multiple_of3A_31 : i32
    %jit3A = arith.constant 2 : i32
    %div3A = arith.divsi %add3A_38, %jit3A : i32
    %sign3A = arith.constant 0 : i32
    %sign3A_39 = arith.cmpi sgt, %add3A_38, %sign3A : i32
    %sign3A_40 = arith.extui %sign3A_39 : i1 to i32
    %sign3A_41 = arith.constant 0 : i32
    %sign3A_42 = arith.cmpi slt, %add3A_38, %sign3A_41 : i32
    %sign3A_43 = arith.extui %sign3A_42 : i1 to i32
    %sign3A_44 = arith.subi %sign3A_40, %sign3A_43 : i32
    %sign3A_45 = arith.constant 0 : i32
    %sign3A_46 = arith.cmpi sgt, %jit3A, %sign3A_45 : i32
    %sign3A_47 = arith.extui %sign3A_46 : i1 to i32
    %sign3A_48 = arith.constant 0 : i32
    %sign3A_49 = arith.cmpi slt, %jit3A, %sign3A_48 : i32
    %sign3A_50 = arith.extui %sign3A_49 : i1 to i32
    %sign3A_51 = arith.subi %sign3A_47, %sign3A_50 : i32
    %ne3A = arith.cmpi ne, %sign3A_44, %sign3A_51 : i32
    %rem3A = arith.remsi %add3A_38, %jit3A : i32
    %ne3A_52 = arith.constant 0 : i32
    %ne3A_53 = arith.cmpi ne, %rem3A, %ne3A_52 : i32
    %and3A = arith.andi %ne3A, %ne3A_53 : i1
    %sub3A = arith.constant 1 : i32
    %sub3A_54 = arith.subi %div3A, %sub3A : i32
    %select_n3A = arith.select %and3A, %sub3A_54, %div3A : i32
    %multiple_of3A_55 = tpu.assume_multiple %select_n3A, 64 : i32
    "tpu.region"() ({
      %run_scoped3A = tpu.sem_alloc : memref<!tpu.dma_semaphore, #tpu.memory_space<semaphore_mem>>
      %dma_start3A_96 = arith.constant 0 : i32
      %dma_start3A_97 = tpu.memref_slice %arg4[%multiple_of3A_55, %dma_start3A_96] : memref<102400x128xf32, #tpu.memory_space<hbm>> -> memref<64x128xf32, #tpu.memory_space<hbm>>
      %dma_start3A_98 = arith.constant 0 : i32
      %dma_start3A_99 = tpu.memref_slice %arg4[%multiple_of3A_55, %dma_start3A_98] : memref<102400x128xf32, #tpu.memory_space<hbm>> -> memref<64x128xf32, #tpu.memory_space<hbm>>
      tpu.enqueue_dma source(%arg9 : memref<64x128xf32, #tpu.memory_space<vmem>>) target(%dma_start3A_99 : memref<64x128xf32, #tpu.memory_space<hbm>>) target_semaphore(%run_scoped3A : memref<!tpu.dma_semaphore, #tpu.memory_space<semaphore_mem>>)
      %dma_wait3A_100 = arith.constant 0 : i32
      %dma_wait3A_101 = tpu.memref_slice %arg4[%multiple_of3A_55, %dma_wait3A_100] : memref<102400x128xf32, #tpu.memory_space<hbm>> -> memref<64x128xf32, #tpu.memory_space<hbm>>
      %dma_wait3A_102 = arith.constant 0 : i32
      %dma_wait3A_103 = tpu.memref_slice %arg4[%multiple_of3A_55, %dma_wait3A_102] : memref<102400x128xf32, #tpu.memory_space<hbm>> -> memref<64x128xf32, #tpu.memory_space<hbm>>
      tpu.wait_dma2 semaphore(%run_scoped3A : memref<!tpu.dma_semaphore, #tpu.memory_space<semaphore_mem>>) src(%arg9 : memref<64x128xf32, #tpu.memory_space<vmem>>) dst(%dma_wait3A_103 : memref<64x128xf32, #tpu.memory_space<hbm>>)
      tpu.yield
    }) : () -> ()
    %multiple_of3A_56 = arith.constant 6272 : i32
    %multiple_of3A_57 = tpu.assume_multiple %multiple_of3A_56, 128 : i32
    %dma_wait3A_58 = tpu.memref_slice %arg6[%multiple_of3A_57] : memref<6400xi32, #tpu.memory_space<vmem>> -> memref<128xi32, #tpu.memory_space<vmem>>
    %dma_wait3A_59 = arith.constant 0 : i32
    %dma_wait3A_60 = arith.constant 0 : i32
    %dma_wait3A_61 = tpu.memref_slice %arg2[%dma_wait3A_59, %dma_wait3A_60] : memref<507904x128xf32, #tpu.memory_space<hbm>> -> memref<507904x128xf32, #tpu.memory_space<hbm>>
    tpu.wait_indirect_dma semaphore(%arg11 : memref<!tpu.dma_semaphore, #tpu.memory_space<semaphore_mem>>) src(%dma_wait3A_61 : memref<507904x128xf32, #tpu.memory_space<hbm>>) dst(%arg8 : memref<128x128xf32, #tpu.memory_space<vmem>>)
    %multiple_of3A_62 = arith.constant 6272 : i32
    %multiple_of3A_63 = tpu.assume_multiple %multiple_of3A_62, 128 : i32
    %scan3A_64 = arith.constant 0 : i32
    %scan3A_65 = arith.constant 0 : i32
    %scan3A_66 = arith.constant 8 : i32
    %scan3A_67 = arith.addi %scan3A_65, %scan3A_66 : i32
    %scan3A_68 = arith.constant 1 : i32
    scf.for %scan3A_96 = %scan3A_65 to %scan3A_67 step %scan3A_68  : i32 {
      %mul3A_97 = arith.constant 16 : i32
      %mul3A_98 = arith.muli %scan3A_96, %mul3A_97 : i32
      %add3A_99 = arith.addi %multiple_of3A_63, %mul3A_98 : i32
      %get3A = arith.index_cast %add3A_99 : i32 to index
      %get3A_100 = tpu.vector_load %arg5[%get3A] {strides = array<i32>} : memref<6400xi32, #tpu.memory_space<vmem>>, vector<16xi32>,
      %get3A_101 = vector.shape_cast %get3A_100 : vector<16xi32> to vector<16xi32>
      %slice3A = vector.extract_strided_slice %get3A_101 {offsets = [0], sizes = [1], strides = [1]} : vector<16xi32> to vector<1xi32>
      %squeeze3A = vector.extract %slice3A[0] : i32 from vector<1xi32>
      %shift_right_logical3A = arith.constant 7 : i32
      %shift_right_logical3A_102 = arith.shrui %squeeze3A, %shift_right_logical3A : i32
      %and3A_103 = arith.constant 64 : i32
      %and3A_104 = arith.andi %shift_right_logical3A_102, %and3A_103 : i32
      %mul3A_105 = arith.constant 16 : i32
      %mul3A_106 = arith.muli %scan3A_96, %mul3A_105 : i32
      %add3A_107 = arith.constant 0 : i32
      %add3A_108 = arith.addi %mul3A_106, %add3A_107 : i32
      %jit3A_109 = arith.constant 2 : i32
      %div3A_110 = arith.divsi %add3A_108, %jit3A_109 : i32
      %sign3A_111 = arith.constant 0 : i32
      %sign3A_112 = arith.cmpi sgt, %add3A_108, %sign3A_111 : i32
      %sign3A_113 = arith.extui %sign3A_112 : i1 to i32
      %sign3A_114 = arith.constant 0 : i32
      %sign3A_115 = arith.cmpi slt, %add3A_108, %sign3A_114 : i32
      %sign3A_116 = arith.extui %sign3A_115 : i1 to i32
      %sign3A_117 = arith.subi %sign3A_113, %sign3A_116 : i32
      %sign3A_118 = arith.constant 0 : i32
      %sign3A_119 = arith.cmpi sgt, %jit3A_109, %sign3A_118 : i32
      %sign3A_120 = arith.extui %sign3A_119 : i1 to i32
      %sign3A_121 = arith.constant 0 : i32
      %sign3A_122 = arith.cmpi slt, %jit3A_109, %sign3A_121 : i32
      %sign3A_123 = arith.extui %sign3A_122 : i1 to i32
      %sign3A_124 = arith.subi %sign3A_120, %sign3A_123 : i32
      %ne3A_125 = arith.cmpi ne, %sign3A_117, %sign3A_124 : i32
      %rem3A_126 = arith.remsi %add3A_108, %jit3A_109 : i32
      %ne3A_127 = arith.constant 0 : i32
      %ne3A_128 = arith.cmpi ne, %rem3A_126, %ne3A_127 : i32
      %and3A_129 = arith.andi %ne3A_125, %ne3A_128 : i1
      %sub3A_130 = arith.constant 1 : i32
      %sub3A_131 = arith.subi %div3A_110, %sub3A_130 : i32
      %select_n3A_132 = arith.select %and3A_129, %sub3A_131, %div3A_110 : i32
      %add3A_133 = arith.constant 0 : i32
      %add3A_134 = arith.addi %and3A_104, %add3A_133 : i32
      %get3A_135 = arith.index_cast %add3A_108 : i32 to index
      %get3A_136 = arith.index_cast %add3A_134 : i32 to index
      %get3A_137 = tpu.vector_load %arg8[%get3A_135, %get3A_136] {strides = array<i32>} : memref<128x128xf32, #tpu.memory_space<vmem>>, vector<1x16xf32>,
      %get3A_138 = vector.shape_cast %get3A_137 : vector<1x16xf32> to vector<16xf32>
      %swap3A = arith.index_cast %select_n3A_132 : i32 to index
      %swap3A_139 = arith.constant 0 : index
      %swap3A_140 = tpu.vector_load %arg9[%swap3A, %swap3A_139] {strides = array<i32>} : memref<64x128xf32, #tpu.memory_space<vmem>>, vector<1x16xf32>,
      %swap3A_141 = vector.shape_cast %swap3A_140 : vector<1x16xf32> to vector<16xf32>
      %swap3A_142 = vector.shape_cast %get3A_138 : vector<16xf32> to vector<1x16xf32>
      tpu.vector_store %arg9[%swap3A, %swap3A_139], %swap3A_142 {strides = array<i32>} : memref<64x128xf32, #tpu.memory_space<vmem>>, vector<1x16xf32>,
      %add3A_143 = arith.constant 16 : i32
      %add3A_144 = arith.addi %and3A_104, %add3A_143 : i32
      %get3A_145 = arith.index_cast %add3A_108 : i32 to index
      %get3A_146 = arith.index_cast %add3A_144 : i32 to index
      %get3A_147 = tpu.vector_load %arg8[%get3A_145, %get3A_146] {strides = array<i32>} : memref<128x128xf32, #tpu.memory_space<vmem>>, vector<1x16xf32>,
      %get3A_148 = vector.shape_cast %get3A_147 : vector<1x16xf32> to vector<16xf32>
      %swap3A_149 = arith.index_cast %select_n3A_132 : i32 to index
      %swap3A_150 = arith.constant 16 : index
      %swap3A_151 = tpu.vector_load %arg9[%swap3A_149, %swap3A_150] {strides = array<i32>} : memref<64x128xf32, #tpu.memory_space<vmem>>, vector<1x16xf32>,
      %swap3A_152 = vector.shape_cast %swap3A_151 : vector<1x16xf32> to vector<16xf32>
      %swap3A_153 = vector.shape_cast %get3A_148 : vector<16xf32> to vector<1x16xf32>
      tpu.vector_store %arg9[%swap3A_149, %swap3A_150], %swap3A_153 {strides = array<i32>} : memref<64x128xf32, #tpu.memory_space<vmem>>, vector<1x16xf32>,
      %add3A_154 = arith.constant 32 : i32
      %add3A_155 = arith.addi %and3A_104, %add3A_154 : i32
      %get3A_156 = arith.index_cast %add3A_108 : i32 to index
      %get3A_157 = arith.index_cast %add3A_155 : i32 to index
      %get3A_158 = tpu.vector_load %arg8[%get3A_156, %get3A_157] {strides = array<i32>} : memref<128x128xf32, #tpu.memory_space<vmem>>, vector<1x16xf32>,
      %get3A_159 = vector.shape_cast %get3A_158 : vector<1x16xf32> to vector<16xf32>
      %swap3A_160 = arith.index_cast %select_n3A_132 : i32 to index
      %swap3A_161 = arith.constant 32 : index
      %swap3A_162 = tpu.vector_load %arg9[%swap3A_160, %swap3A_161] {strides = array<i32>} : memref<64x128xf32, #tpu.memory_space<vmem>>, vector<1x16xf32>,
      %swap3A_163 = vector.shape_cast %swap3A_162 : vector<1x16xf32> to vector<16xf32>
      %swap3A_164 = vector.shape_cast %get3A_159 : vector<16xf32> to vector<1x16xf32>
      tpu.vector_store %arg9[%swap3A_160, %swap3A_161], %swap3A_164 {strides = array<i32>} : memref<64x128xf32, #tpu.memory_space<vmem>>, vector<1x16xf32>,
      %add3A_165 = arith.constant 48 : i32
      %add3A_166 = arith.addi %and3A_104, %add3A_165 : i32
      %get3A_167 = arith.index_cast %add3A_108 : i32 to index
      %get3A_168 = arith.index_cast %add3A_166 : i32 to index
      %get3A_169 = tpu.vector_load %arg8[%get3A_167, %get3A_168] {strides = array<i32>} : memref<128x128xf32, #tpu.memory_space<vmem>>, vector<1x16xf32>,
      %get3A_170 = vector.shape_cast %get3A_169 : vector<1x16xf32> to vector<16xf32>
      %swap3A_171 = arith.index_cast %select_n3A_132 : i32 to index
      %swap3A_172 = arith.constant 48 : index
      %swap3A_173 = tpu.vector_load %arg9[%swap3A_171, %swap3A_172] {strides = array<i32>} : memref<64x128xf32, #tpu.memory_space<vmem>>, vector<1x16xf32>,
      %swap3A_174 = vector.shape_cast %swap3A_173 : vector<1x16xf32> to vector<16xf32>
      %swap3A_175 = vector.shape_cast %get3A_170 : vector<16xf32> to vector<1x16xf32>
      tpu.vector_store %arg9[%swap3A_171, %swap3A_172], %swap3A_175 {strides = array<i32>} : memref<64x128xf32, #tpu.memory_space<vmem>>, vector<1x16xf32>,
      %slice3A_176 = vector.extract_strided_slice %get3A_101 {offsets = [1], sizes = [1], strides = [1]} : vector<16xi32> to vector<1xi32>
      %squeeze3A_177 = vector.extract %slice3A_176[0] : i32 from vector<1xi32>
      %shift_right_logical3A_178 = arith.constant 7 : i32
      %shift_right_logical3A_179 = arith.shrui %squeeze3A_177, %shift_right_logical3A_178 : i32
      %and3A_180 = arith.constant 64 : i32
      %and3A_181 = arith.andi %shift_right_logical3A_179, %and3A_180 : i32
      %mul3A_182 = arith.constant 16 : i32
      %mul3A_183 = arith.muli %scan3A_96, %mul3A_182 : i32
      %add3A_184 = arith.constant 1 : i32
      %add3A_185 = arith.addi %mul3A_183, %add3A_184 : i32
      %jit3A_186 = arith.constant 2 : i32
      %div3A_187 = arith.divsi %add3A_185, %jit3A_186 : i32
      %sign3A_188 = arith.constant 0 : i32
      %sign3A_189 = arith.cmpi sgt, %add3A_185, %sign3A_188 : i32
      %sign3A_190 = arith.extui %sign3A_189 : i1 to i32
      %sign3A_191 = arith.constant 0 : i32
      %sign3A_192 = arith.cmpi slt, %add3A_185, %sign3A_191 : i32
      %sign3A_193 = arith.extui %sign3A_192 : i1 to i32
      %sign3A_194 = arith.subi %sign3A_190, %sign3A_193 : i32
      %sign3A_195 = arith.constant 0 : i32
      %sign3A_196 = arith.cmpi sgt, %jit3A_186, %sign3A_195 : i32
      %sign3A_197 = arith.extui %sign3A_196 : i1 to i32
      %sign3A_198 = arith.constant 0 : i32
      %sign3A_199 = arith.cmpi slt, %jit3A_186, %sign3A_198 : i32
      %sign3A_200 = arith.extui %sign3A_199 : i1 to i32
      %sign3A_201 = arith.subi %sign3A_197, %sign3A_200 : i32
      %ne3A_202 = arith.cmpi ne, %sign3A_194, %sign3A_201 : i32
      %rem3A_203 = arith.remsi %add3A_185, %jit3A_186 : i32
      %ne3A_204 = arith.constant 0 : i32
      %ne3A_205 = arith.cmpi ne, %rem3A_203, %ne3A_204 : i32
      %and3A_206 = arith.andi %ne3A_202, %ne3A_205 : i1
      %sub3A_207 = arith.constant 1 : i32
      %sub3A_208 = arith.subi %div3A_187, %sub3A_207 : i32
      %select_n3A_209 = arith.select %and3A_206, %sub3A_208, %div3A_187 : i32
      %add3A_210 = arith.constant 0 : i32
      %add3A_211 = arith.addi %and3A_181, %add3A_210 : i32
      %get3A_212 = arith.index_cast %add3A_185 : i32 to index
      %get3A_213 = arith.index_cast %add3A_211 : i32 to index
      %get3A_214 = tpu.vector_load %arg8[%get3A_212, %get3A_213] {strides = array<i32>} : memref<128x128xf32, #tpu.memory_space<vmem>>, vector<1x16xf32>,
      %get3A_215 = vector.shape_cast %get3A_214 : vector<1x16xf32> to vector<16xf32>
      %swap3A_216 = arith.index_cast %select_n3A_209 : i32 to index
      %swap3A_217 = arith.constant 64 : index
      %swap3A_218 = tpu.vector_load %arg9[%swap3A_216, %swap3A_217] {strides = array<i32>} : memref<64x128xf32, #tpu.memory_space<vmem>>, vector<1x16xf32>,
      %swap3A_219 = vector.shape_cast %swap3A_218 : vector<1x16xf32> to vector<16xf32>
      %swap3A_220 = vector.shape_cast %get3A_215 : vector<16xf32> to vector<1x16xf32>
      tpu.vector_store %arg9[%swap3A_216, %swap3A_217], %swap3A_220 {strides = array<i32>} : memref<64x128xf32, #tpu.memory_space<vmem>>, vector<1x16xf32>,
      %add3A_221 = arith.constant 16 : i32
      %add3A_222 = arith.addi %and3A_181, %add3A_221 : i32
      %get3A_223 = arith.index_cast %add3A_185 : i32 to index
      %get3A_224 = arith.index_cast %add3A_222 : i32 to index
      %get3A_225 = tpu.vector_load %arg8[%get3A_223, %get3A_224] {strides = array<i32>} : memref<128x128xf32, #tpu.memory_space<vmem>>, vector<1x16xf32>,
      %get3A_226 = vector.shape_cast %get3A_225 : vector<1x16xf32> to vector<16xf32>
      %swap3A_227 = arith.index_cast %select_n3A_209 : i32 to index
      %swap3A_228 = arith.constant 80 : index
      %swap3A_229 = tpu.vector_load %arg9[%swap3A_227, %swap3A_228] {strides = array<i32>} : memref<64x128xf32, #tpu.memory_space<vmem>>, vector<1x16xf32>,
      %swap3A_230 = vector.shape_cast %swap3A_229 : vector<1x16xf32> to vector<16xf32>
      %swap3A_231 = vector.shape_cast %get3A_226 : vector<16xf32> to vector<1x16xf32>
      tpu.vector_store %arg9[%swap3A_227, %swap3A_228], %swap3A_231 {strides = array<i32>} : memref<64x128xf32, #tpu.memory_space<vmem>>, vector<1x16xf32>,
      %add3A_232 = arith.constant 32 : i32
      %add3A_233 = arith.addi %and3A_181, %add3A_232 : i32
      %get3A_234 = arith.index_cast %add3A_185 : i32 to index
      %get3A_235 = arith.index_cast %add3A_233 : i32 to index
      %get3A_236 = tpu.vector_load %arg8[%get3A_234, %get3A_235] {strides = array<i32>} : memref<128x128xf32, #tpu.memory_space<vmem>>, vector<1x16xf32>,
      %get3A_237 = vector.shape_cast %get3A_236 : vector<1x16xf32> to vector<16xf32>
      %swap3A_238 = arith.index_cast %select_n3A_209 : i32 to index
      %swap3A_239 = arith.constant 96 : index
      %swap3A_240 = tpu.vector_load %arg9[%swap3A_238, %swap3A_239] {strides = array<i32>} : memref<64x128xf32, #tpu.memory_space<vmem>>, vector<1x16xf32>,
      %swap3A_241 = vector.shape_cast %swap3A_240 : vector<1x16xf32> to vector<16xf32>
      %swap3A_242 = vector.shape_cast %get3A_237 : vector<16xf32> to vector<1x16xf32>
      tpu.vector_store %arg9[%swap3A_238, %swap3A_239], %swap3A_242 {strides = array<i32>} : memref<64x128xf32, #tpu.memory_space<vmem>>, vector<1x16xf32>,
      %add3A_243 = arith.constant 48 : i32
      %add3A_244 = arith.addi %and3A_181, %add3A_243 : i32
      %get3A_245 = arith.index_cast %add3A_185 : i32 to index
      %get3A_246 = arith.index_cast %add3A_244 : i32 to index
      %get3A_247 = tpu.vector_load %arg8[%get3A_245, %get3A_246] {strides = array<i32>} : memref<128x128xf32, #tpu.memory_space<vmem>>, vector<1x16xf32>,
      %get3A_248 = vector.shape_cast %get3A_247 : vector<1x16xf32> to vector<16xf32>
      %swap3A_249 = arith.index_cast %select_n3A_209 : i32 to index
      %swap3A_250 = arith.constant 112 : index
      %swap3A_251 = tpu.vector_load %arg9[%swap3A_249, %swap3A_250] {strides = array<i32>} : memref<64x128xf32, #tpu.memory_space<vmem>>, vector<1x16xf32>,
      %swap3A_252 = vector.shape_cast %swap3A_251 : vector<1x16xf32> to vector<16xf32>
      %swap3A_253 = vector.shape_cast %get3A_248 : vector<16xf32> to vector<1x16xf32>
      tpu.vector_store %arg9[%swap3A_249, %swap3A_250], %swap3A_253 {strides = array<i32>} : memref<64x128xf32, #tpu.memory_space<vmem>>, vector<1x16xf32>,
      %slice3A_254 = vector.extract_strided_slice %get3A_101 {offsets = [2], sizes = [1], strides = [1]} : vector<16xi32> to vector<1xi32>
      %squeeze3A_255 = vector.extract %slice3A_254[0] : i32 from vector<1xi32>
      %shift_right_logical3A_256 = arith.constant 7 : i32
      %shift_right_logical3A_257 = arith.shrui %squeeze3A_255, %shift_right_logical3A_256 : i32
      %and3A_258 = arith.constant 64 : i32
      %and3A_259 = arith.andi %shift_right_logical3A_257, %and3A_258 : i32
      %mul3A_260 = arith.constant 16 : i32
      %mul3A_261 = arith.muli %scan3A_96, %mul3A_260 : i32
      %add3A_262 = arith.constant 2 : i32
      %add3A_263 = arith.addi %mul3A_261, %add3A_262 : i32
      %jit3A_264 = arith.constant 2 : i32
      %div3A_265 = arith.divsi %add3A_263, %jit3A_264 : i32
      %sign3A_266 = arith.constant 0 : i32
      %sign3A_267 = arith.cmpi sgt, %add3A_263, %sign3A_266 : i32
      %sign3A_268 = arith.extui %sign3A_267 : i1 to i32
      %sign3A_269 = arith.constant 0 : i32
      %sign3A_270 = arith.cmpi slt, %add3A_263, %sign3A_269 : i32
      %sign3A_271 = arith.extui %sign3A_270 : i1 to i32
      %sign3A_272 = arith.subi %sign3A_268, %sign3A_271 : i32
      %sign3A_273 = arith.constant 0 : i32
      %sign3A_274 = arith.cmpi sgt, %jit3A_264, %sign3A_273 : i32
      %sign3A_275 = arith.extui %sign3A_274 : i1 to i32
      %sign3A_276 = arith.constant 0 : i32
      %sign3A_277 = arith.cmpi slt, %jit3A_264, %sign3A_276 : i32
      %sign3A_278 = arith.extui %sign3A_277 : i1 to i32
      %sign3A_279 = arith.subi %sign3A_275, %sign3A_278 : i32
      %ne3A_280 = arith.cmpi ne, %sign3A_272, %sign3A_279 : i32
      %rem3A_281 = arith.remsi %add3A_263, %jit3A_264 : i32
      %ne3A_282 = arith.constant 0 : i32
      %ne3A_283 = arith.cmpi ne, %rem3A_281, %ne3A_282 : i32
      %and3A_284 = arith.andi %ne3A_280, %ne3A_283 : i1
      %sub3A_285 = arith.constant 1 : i32
      %sub3A_286 = arith.subi %div3A_265, %sub3A_285 : i32
      %select_n3A_287 = arith.select %and3A_284, %sub3A_286, %div3A_265 : i32
      %add3A_288 = arith.constant 0 : i32
      %add3A_289 = arith.addi %and3A_259, %add3A_288 : i32
      %get3A_290 = arith.index_cast %add3A_263 : i32 to index
      %get3A_291 = arith.index_cast %add3A_289 : i32 to index
      %get3A_292 = tpu.vector_load %arg8[%get3A_290, %get3A_291] {strides = array<i32>} : memref<128x128xf32, #tpu.memory_space<vmem>>, vector<1x16xf32>,
      %get3A_293 = vector.shape_cast %get3A_292 : vector<1x16xf32> to vector<16xf32>
      %swap3A_294 = arith.index_cast %select_n3A_287 : i32 to index
      %swap3A_295 = arith.constant 0 : index
      %swap3A_296 = tpu.vector_load %arg9[%swap3A_294, %swap3A_295] {strides = array<i32>} : memref<64x128xf32, #tpu.memory_space<vmem>>, vector<1x16xf32>,
      %swap3A_297 = vector.shape_cast %swap3A_296 : vector<1x16xf32> to vector<16xf32>
      %swap3A_298 = vector.shape_cast %get3A_293 : vector<16xf32> to vector<1x16xf32>
      tpu.vector_store %arg9[%swap3A_294, %swap3A_295], %swap3A_298 {strides = array<i32>} : memref<64x128xf32, #tpu.memory_space<vmem>>, vector<1x16xf32>,
      %add3A_299 = arith.constant 16 : i32
      %add3A_300 = arith.addi %and3A_259, %add3A_299 : i32
      %get3A_301 = arith.index_cast %add3A_263 : i32 to index
      %get3A_302 = arith.index_cast %add3A_300 : i32 to index
      %get3A_303 = tpu.vector_load %arg8[%get3A_301, %get3A_302] {strides = array<i32>} : memref<128x128xf32, #tpu.memory_space<vmem>>, vector<1x16xf32>,
      %get3A_304 = vector.shape_cast %get3A_303 : vector<1x16xf32> to vector<16xf32>
      %swap3A_305 = arith.index_cast %select_n3A_287 : i32 to index
      %swap3A_306 = arith.constant 16 : index
      %swap3A_307 = tpu.vector_load %arg9[%swap3A_305, %swap3A_306] {strides = array<i32>} : memref<64x128xf32, #tpu.memory_space<vmem>>, vector<1x16xf32>,
      %swap3A_308 = vector.shape_cast %swap3A_307 : vector<1x16xf32> to vector<16xf32>
      %swap3A_309 = vector.shape_cast %get3A_304 : vector<16xf32> to vector<1x16xf32>
      tpu.vector_store %arg9[%swap3A_305, %swap3A_306], %swap3A_309 {strides = array<i32>} : memref<64x128xf32, #tpu.memory_space<vmem>>, vector<1x16xf32>,
      %add3A_310 = arith.constant 32 : i32
      %add3A_311 = arith.addi %and3A_259, %add3A_310 : i32
      %get3A_312 = arith.index_cast %add3A_263 : i32 to index
      %get3A_313 = arith.index_cast %add3A_311 : i32 to index
      %get3A_314 = tpu.vector_load %arg8[%get3A_312, %get3A_313] {strides = array<i32>} : memref<128x128xf32, #tpu.memory_space<vmem>>, vector<1x16xf32>,
      %get3A_315 = vector.shape_cast %get3A_314 : vector<1x16xf32> to vector<16xf32>
      %swap3A_316 = arith.index_cast %select_n3A_287 : i32 to index
      %swap3A_317 = arith.constant 32 : index
      %swap3A_318 = tpu.vector_load %arg9[%swap3A_316, %swap3A_317] {strides = array<i32>} : memref<64x128xf32, #tpu.memory_space<vmem>>, vector<1x16xf32>,
      %swap3A_319 = vector.shape_cast %swap3A_318 : vector<1x16xf32> to vector<16xf32>
      %swap3A_320 = vector.shape_cast %get3A_315 : vector<16xf32> to vector<1x16xf32>
      tpu.vector_store %arg9[%swap3A_316, %swap3A_317], %swap3A_320 {strides = array<i32>} : memref<64x128xf32, #tpu.memory_space<vmem>>, vector<1x16xf32>,
      %add3A_321 = arith.constant 48 : i32
      %add3A_322 = arith.addi %and3A_259, %add3A_321 : i32
      %get3A_323 = arith.index_cast %add3A_263 : i32 to index
      %get3A_324 = arith.index_cast %add3A_322 : i32 to index
      %get3A_325 = tpu.vector_load %arg8[%get3A_323, %get3A_324] {strides = array<i32>} : memref<128x128xf32, #tpu.memory_space<vmem>>, vector<1x16xf32>,
      %get3A_326 = vector.shape_cast %get3A_325 : vector<1x16xf32> to vector<16xf32>
      %swap3A_327 = arith.index_cast %select_n3A_287 : i32 to index
      %swap3A_328 = arith.constant 48 : index
      %swap3A_329 = tpu.vector_load %arg9[%swap3A_327, %swap3A_328] {strides = array<i32>} : memref<64x128xf32, #tpu.memory_space<vmem>>, vector<1x16xf32>,
      %swap3A_330 = vector.shape_cast %swap3A_329 : vector<1x16xf32> to vector<16xf32>
      %swap3A_331 = vector.shape_cast %get3A_326 : vector<16xf32> to vector<1x16xf32>
      tpu.vector_store %arg9[%swap3A_327, %swap3A_328], %swap3A_331 {strides = array<i32>} : memref<64x128xf32, #tpu.memory_space<vmem>>, vector<1x16xf32>,
      %slice3A_332 = vector.extract_strided_slice %get3A_101 {offsets = [3], sizes = [1], strides = [1]} : vector<16xi32> to vector<1xi32>
      %squeeze3A_333 = vector.extract %slice3A_332[0] : i32 from vector<1xi32>
      %shift_right_logical3A_334 = arith.constant 7 : i32
      %shift_right_logical3A_335 = arith.shrui %squeeze3A_333, %shift_right_logical3A_334 : i32
      %and3A_336 = arith.constant 64 : i32
      %and3A_337 = arith.andi %shift_right_logical3A_335, %and3A_336 : i32
      %mul3A_338 = arith.constant 16 : i32
      %mul3A_339 = arith.muli %scan3A_96, %mul3A_338 : i32
      %add3A_340 = arith.constant 3 : i32
      %add3A_341 = arith.addi %mul3A_339, %add3A_340 : i32
      %jit3A_342 = arith.constant 2 : i32
      %div3A_343 = arith.divsi %add3A_341, %jit3A_342 : i32
      %sign3A_344 = arith.constant 0 : i32
      %sign3A_345 = arith.cmpi sgt, %add3A_341, %sign3A_344 : i32
      %sign3A_346 = arith.extui %sign3A_345 : i1 to i32
      %sign3A_347 = arith.constant 0 : i32
      %sign3A_348 = arith.cmpi slt, %add3A_341, %sign3A_347 : i32
      %sign3A_349 = arith.extui %sign3A_348 : i1 to i32
      %sign3A_350 = arith.subi %sign3A_346, %sign3A_349 : i32
      %sign3A_351 = arith.constant 0 : i32
      %sign3A_352 = arith.cmpi sgt, %jit3A_342, %sign3A_351 : i32
      %sign3A_353 = arith.extui %sign3A_352 : i1 to i32
      %sign3A_354 = arith.constant 0 : i32
      %sign3A_355 = arith.cmpi slt, %jit3A_342, %sign3A_354 : i32
      %sign3A_356 = arith.extui %sign3A_355 : i1 to i32
      %sign3A_357 = arith.subi %sign3A_353, %sign3A_356 : i32
      %ne3A_358 = arith.cmpi ne, %sign3A_350, %sign3A_357 : i32
      %rem3A_359 = arith.remsi %add3A_341, %jit3A_342 : i32
      %ne3A_360 = arith.constant 0 : i32
      %ne3A_361 = arith.cmpi ne, %rem3A_359, %ne3A_360 : i32
      %and3A_362 = arith.andi %ne3A_358, %ne3A_361 : i1
      %sub3A_363 = arith.constant 1 : i32
      %sub3A_364 = arith.subi %div3A_343, %sub3A_363 : i32
      %select_n3A_365 = arith.select %and3A_362, %sub3A_364, %div3A_343 : i32
      %add3A_366 = arith.constant 0 : i32
      %add3A_367 = arith.addi %and3A_337, %add3A_366 : i32
      %get3A_368 = arith.index_cast %add3A_341 : i32 to index
      %get3A_369 = arith.index_cast %add3A_367 : i32 to index
      %get3A_370 = tpu.vector_load %arg8[%get3A_368, %get3A_369] {strides = array<i32>} : memref<128x128xf32, #tpu.memory_space<vmem>>, vector<1x16xf32>,
      %get3A_371 = vector.shape_cast %get3A_370 : vector<1x16xf32> to vector<16xf32>
      %swap3A_372 = arith.index_cast %select_n3A_365 : i32 to index
      %swap3A_373 = arith.constant 64 : index
      %swap3A_374 = tpu.vector_load %arg9[%swap3A_372, %swap3A_373] {strides = array<i32>} : memref<64x128xf32, #tpu.memory_space<vmem>>, vector<1x16xf32>,
      %swap3A_375 = vector.shape_cast %swap3A_374 : vector<1x16xf32> to vector<16xf32>
      %swap3A_376 = vector.shape_cast %get3A_371 : vector<16xf32> to vector<1x16xf32>
      tpu.vector_store %arg9[%swap3A_372, %swap3A_373], %swap3A_376 {strides = array<i32>} : memref<64x128xf32, #tpu.memory_space<vmem>>, vector<1x16xf32>,
      %add3A_377 = arith.constant 16 : i32
      %add3A_378 = arith.addi %and3A_337, %add3A_377 : i32
      %get3A_379 = arith.index_cast %add3A_341 : i32 to index
      %get3A_380 = arith.index_cast %add3A_378 : i32 to index
      %get3A_381 = tpu.vector_load %arg8[%get3A_379, %get3A_380] {strides = array<i32>} : memref<128x128xf32, #tpu.memory_space<vmem>>, vector<1x16xf32>,
      %get3A_382 = vector.shape_cast %get3A_381 : vector<1x16xf32> to vector<16xf32>
      %swap3A_383 = arith.index_cast %select_n3A_365 : i32 to index
      %swap3A_384 = arith.constant 80 : index
      %swap3A_385 = tpu.vector_load %arg9[%swap3A_383, %swap3A_384] {strides = array<i32>} : memref<64x128xf32, #tpu.memory_space<vmem>>, vector<1x16xf32>,
      %swap3A_386 = vector.shape_cast %swap3A_385 : vector<1x16xf32> to vector<16xf32>
      %swap3A_387 = vector.shape_cast %get3A_382 : vector<16xf32> to vector<1x16xf32>
      tpu.vector_store %arg9[%swap3A_383, %swap3A_384], %swap3A_387 {strides = array<i32>} : memref<64x128xf32, #tpu.memory_space<vmem>>, vector<1x16xf32>,
      %add3A_388 = arith.constant 32 : i32
      %add3A_389 = arith.addi %and3A_337, %add3A_388 : i32
      %get3A_390 = arith.index_cast %add3A_341 : i32 to index
      %get3A_391 = arith.index_cast %add3A_389 : i32 to index
      %get3A_392 = tpu.vector_load %arg8[%get3A_390, %get3A_391] {strides = array<i32>} : memref<128x128xf32, #tpu.memory_space<vmem>>, vector<1x16xf32>,
      %get3A_393 = vector.shape_cast %get3A_392 : vector<1x16xf32> to vector<16xf32>
      %swap3A_394 = arith.index_cast %select_n3A_365 : i32 to index
      %swap3A_395 = arith.constant 96 : index
      %swap3A_396 = tpu.vector_load %arg9[%swap3A_394, %swap3A_395] {strides = array<i32>} : memref<64x128xf32, #tpu.memory_space<vmem>>, vector<1x16xf32>,
      %swap3A_397 = vector.shape_cast %swap3A_396 : vector<1x16xf32> to vector<16xf32>
      %swap3A_398 = vector.shape_cast %get3A_393 : vector<16xf32> to vector<1x16xf32>
      tpu.vector_store %arg9[%swap3A_394, %swap3A_395], %swap3A_398 {strides = array<i32>} : memref<64x128xf32, #tpu.memory_space<vmem>>, vector<1x16xf32>,
      %add3A_399 = arith.constant 48 : i32
      %add3A_400 = arith.addi %and3A_337, %add3A_399 : i32
      %get3A_401 = arith.index_cast %add3A_341 : i32 to index
      %get3A_402 = arith.index_cast %add3A_400 : i32 to index
      %get3A_403 = tpu.vector_load %arg8[%get3A_401, %get3A_402] {strides = array<i32>} : memref<128x128xf32, #tpu.memory_space<vmem>>, vector<1x16xf32>,
      %get3A_404 = vector.shape_cast %get3A_403 : vector<1x16xf32> to vector<16xf32>
      %swap3A_405 = arith.index_cast %select_n3A_365 : i32 to index
      %swap3A_406 = arith.constant 112 : index
      %swap3A_407 = tpu.vector_load %arg9[%swap3A_405, %swap3A_406] {strides = array<i32>} : memref<64x128xf32, #tpu.memory_space<vmem>>, vector<1x16xf32>,
      %swap3A_408 = vector.shape_cast %swap3A_407 : vector<1x16xf32> to vector<16xf32>
      %swap3A_409 = vector.shape_cast %get3A_404 : vector<16xf32> to vector<1x16xf32>
      tpu.vector_store %arg9[%swap3A_405, %swap3A_406], %swap3A_409 {strides = array<i32>} : memref<64x128xf32, #tpu.memory_space<vmem>>, vector<1x16xf32>,
      %slice3A_410 = vector.extract_strided_slice %get3A_101 {offsets = [4], sizes = [1], strides = [1]} : vector<16xi32> to vector<1xi32>
      %squeeze3A_411 = vector.extract %slice3A_410[0] : i32 from vector<1xi32>
      %shift_right_logical3A_412 = arith.constant 7 : i32
      %shift_right_logical3A_413 = arith.shrui %squeeze3A_411, %shift_right_logical3A_412 : i32
      %and3A_414 = arith.constant 64 : i32
      %and3A_415 = arith.andi %shift_right_logical3A_413, %and3A_414 : i32
      %mul3A_416 = arith.constant 16 : i32
      %mul3A_417 = arith.muli %scan3A_96, %mul3A_416 : i32
      %add3A_418 = arith.constant 4 : i32
      %add3A_419 = arith.addi %mul3A_417, %add3A_418 : i32
      %jit3A_420 = arith.constant 2 : i32
      %div3A_421 = arith.divsi %add3A_419, %jit3A_420 : i32
      %sign3A_422 = arith.constant 0 : i32
      %sign3A_423 = arith.cmpi sgt, %add3A_419, %sign3A_422 : i32
      %sign3A_424 = arith.extui %sign3A_423 : i1 to i32
      %sign3A_425 = arith.constant 0 : i32
      %sign3A_426 = arith.cmpi slt, %add3A_419, %sign3A_425 : i32
      %sign3A_427 = arith.extui %sign3A_426 : i1 to i32
      %sign3A_428 = arith.subi %sign3A_424, %sign3A_427 : i32
      %sign3A_429 = arith.constant 0 : i32
      %sign3A_430 = arith.cmpi sgt, %jit3A_420, %sign3A_429 : i32
      %sign3A_431 = arith.extui %sign3A_430 : i1 to i32
      %sign3A_432 = arith.constant 0 : i32
      %sign3A_433 = arith.cmpi slt, %jit3A_420, %sign3A_432 : i32
      %sign3A_434 = arith.extui %sign3A_433 : i1 to i32
      %sign3A_435 = arith.subi %sign3A_431, %sign3A_434 : i32
      %ne3A_436 = arith.cmpi ne, %sign3A_428, %sign3A_435 : i32
      %rem3A_437 = arith.remsi %add3A_419, %jit3A_420 : i32
      %ne3A_438 = arith.constant 0 : i32
      %ne3A_439 = arith.cmpi ne, %rem3A_437, %ne3A_438 : i32
      %and3A_440 = arith.andi %ne3A_436, %ne3A_439 : i1
      %sub3A_441 = arith.constant 1 : i32
      %sub3A_442 = arith.subi %div3A_421, %sub3A_441 : i32
      %select_n3A_443 = arith.select %and3A_440, %sub3A_442, %div3A_421 : i32
      %add3A_444 = arith.constant 0 : i32
      %add3A_445 = arith.addi %and3A_415, %add3A_444 : i32
      %get3A_446 = arith.index_cast %add3A_419 : i32 to index
      %get3A_447 = arith.index_cast %add3A_445 : i32 to index
      %get3A_448 = tpu.vector_load %arg8[%get3A_446, %get3A_447] {strides = array<i32>} : memref<128x128xf32, #tpu.memory_space<vmem>>, vector<1x16xf32>,
      %get3A_449 = vector.shape_cast %get3A_448 : vector<1x16xf32> to vector<16xf32>
      %swap3A_450 = arith.index_cast %select_n3A_443 : i32 to index
      %swap3A_451 = arith.constant 0 : index
      %swap3A_452 = tpu.vector_load %arg9[%swap3A_450, %swap3A_451] {strides = array<i32>} : memref<64x128xf32, #tpu.memory_space<vmem>>, vector<1x16xf32>,
      %swap3A_453 = vector.shape_cast %swap3A_452 : vector<1x16xf32> to vector<16xf32>
      %swap3A_454 = vector.shape_cast %get3A_449 : vector<16xf32> to vector<1x16xf32>
      tpu.vector_store %arg9[%swap3A_450, %swap3A_451], %swap3A_454 {strides = array<i32>} : memref<64x128xf32, #tpu.memory_space<vmem>>, vector<1x16xf32>,
      %add3A_455 = arith.constant 16 : i32
      %add3A_456 = arith.addi %and3A_415, %add3A_455 : i32
      %get3A_457 = arith.index_cast %add3A_419 : i32 to index
      %get3A_458 = arith.index_cast %add3A_456 : i32 to index
      %get3A_459 = tpu.vector_load %arg8[%get3A_457, %get3A_458] {strides = array<i32>} : memref<128x128xf32, #tpu.memory_space<vmem>>, vector<1x16xf32>,
      %get3A_460 = vector.shape_cast %get3A_459 : vector<1x16xf32> to vector<16xf32>
      %swap3A_461 = arith.index_cast %select_n3A_443 : i32 to index
      %swap3A_462 = arith.constant 16 : index
      %swap3A_463 = tpu.vector_load %arg9[%swap3A_461, %swap3A_462] {strides = array<i32>} : memref<64x128xf32, #tpu.memory_space<vmem>>, vector<1x16xf32>,
      %swap3A_464 = vector.shape_cast %swap3A_463 : vector<1x16xf32> to vector<16xf32>
      %swap3A_465 = vector.shape_cast %get3A_460 : vector<16xf32> to vector<1x16xf32>
      tpu.vector_store %arg9[%swap3A_461, %swap3A_462], %swap3A_465 {strides = array<i32>} : memref<64x128xf32, #tpu.memory_space<vmem>>, vector<1x16xf32>,
      %add3A_466 = arith.constant 32 : i32
      %add3A_467 = arith.addi %and3A_415, %add3A_466 : i32
      %get3A_468 = arith.index_cast %add3A_419 : i32 to index
      %get3A_469 = arith.index_cast %add3A_467 : i32 to index
      %get3A_470 = tpu.vector_load %arg8[%get3A_468, %get3A_469] {strides = array<i32>} : memref<128x128xf32, #tpu.memory_space<vmem>>, vector<1x16xf32>,
      %get3A_471 = vector.shape_cast %get3A_470 : vector<1x16xf32> to vector<16xf32>
      %swap3A_472 = arith.index_cast %select_n3A_443 : i32 to index
      %swap3A_473 = arith.constant 32 : index
      %swap3A_474 = tpu.vector_load %arg9[%swap3A_472, %swap3A_473] {strides = array<i32>} : memref<64x128xf32, #tpu.memory_space<vmem>>, vector<1x16xf32>,
      %swap3A_475 = vector.shape_cast %swap3A_474 : vector<1x16xf32> to vector<16xf32>
      %swap3A_476 = vector.shape_cast %get3A_471 : vector<16xf32> to vector<1x16xf32>
      tpu.vector_store %arg9[%swap3A_472, %swap3A_473], %swap3A_476 {strides = array<i32>} : memref<64x128xf32, #tpu.memory_space<vmem>>, vector<1x16xf32>,
      %add3A_477 = arith.constant 48 : i32
      %add3A_478 = arith.addi %and3A_415, %add3A_477 : i32
      %get3A_479 = arith.index_cast %add3A_419 : i32 to index
      %get3A_480 = arith.index_cast %add3A_478 : i32 to index
      %get3A_481 = tpu.vector_load %arg8[%get3A_479, %get3A_480] {strides = array<i32>} : memref<128x128xf32, #tpu.memory_space<vmem>>, vector<1x16xf32>,
      %get3A_482 = vector.shape_cast %get3A_481 : vector<1x16xf32> to vector<16xf32>
      %swap3A_483 = arith.index_cast %select_n3A_443 : i32 to index
      %swap3A_484 = arith.constant 48 : index
      %swap3A_485 = tpu.vector_load %arg9[%swap3A_483, %swap3A_484] {strides = array<i32>} : memref<64x128xf32, #tpu.memory_space<vmem>>, vector<1x16xf32>,
      %swap3A_486 = vector.shape_cast %swap3A_485 : vector<1x16xf32> to vector<16xf32>
      %swap3A_487 = vector.shape_cast %get3A_482 : vector<16xf32> to vector<1x16xf32>
      tpu.vector_store %arg9[%swap3A_483, %swap3A_484], %swap3A_487 {strides = array<i32>} : memref<64x128xf32, #tpu.memory_space<vmem>>, vector<1x16xf32>,
      %slice3A_488 = vector.extract_strided_slice %get3A_101 {offsets = [5], sizes = [1], strides = [1]} : vector<16xi32> to vector<1xi32>
      %squeeze3A_489 = vector.extract %slice3A_488[0] : i32 from vector<1xi32>
      %shift_right_logical3A_490 = arith.constant 7 : i32
      %shift_right_logical3A_491 = arith.shrui %squeeze3A_489, %shift_right_logical3A_490 : i32
      %and3A_492 = arith.constant 64 : i32
      %and3A_493 = arith.andi %shift_right_logical3A_491, %and3A_492 : i32
      %mul3A_494 = arith.constant 16 : i32
      %mul3A_495 = arith.muli %scan3A_96, %mul3A_494 : i32
      %add3A_496 = arith.constant 5 : i32
      %add3A_497 = arith.addi %mul3A_495, %add3A_496 : i32
      %jit3A_498 = arith.constant 2 : i32
      %div3A_499 = arith.divsi %add3A_497, %jit3A_498 : i32
      %sign3A_500 = arith.constant 0 : i32
      %sign3A_501 = arith.cmpi sgt, %add3A_497, %sign3A_500 : i32
      %sign3A_502 = arith.extui %sign3A_501 : i1 to i32
      %sign3A_503 = arith.constant 0 : i32
      %sign3A_504 = arith.cmpi slt, %add3A_497, %sign3A_503 : i32
      %sign3A_505 = arith.extui %sign3A_504 : i1 to i32
      %sign3A_506 = arith.subi %sign3A_502, %sign3A_505 : i32
      %sign3A_507 = arith.constant 0 : i32
      %sign3A_508 = arith.cmpi sgt, %jit3A_498, %sign3A_507 : i32
      %sign3A_509 = arith.extui %sign3A_508 : i1 to i32
      %sign3A_510 = arith.constant 0 : i32
      %sign3A_511 = arith.cmpi slt, %jit3A_498, %sign3A_510 : i32
      %sign3A_512 = arith.extui %sign3A_511 : i1 to i32
      %sign3A_513 = arith.subi %sign3A_509, %sign3A_512 : i32
      %ne3A_514 = arith.cmpi ne, %sign3A_506, %sign3A_513 : i32
      %rem3A_515 = arith.remsi %add3A_497, %jit3A_498 : i32
      %ne3A_516 = arith.constant 0 : i32
      %ne3A_517 = arith.cmpi ne, %rem3A_515, %ne3A_516 : i32
      %and3A_518 = arith.andi %ne3A_514, %ne3A_517 : i1
      %sub3A_519 = arith.constant 1 : i32
      %sub3A_520 = arith.subi %div3A_499, %sub3A_519 : i32
      %select_n3A_521 = arith.select %and3A_518, %sub3A_520, %div3A_499 : i32
      %add3A_522 = arith.constant 0 : i32
      %add3A_523 = arith.addi %and3A_493, %add3A_522 : i32
      %get3A_524 = arith.index_cast %add3A_497 : i32 to index
      %get3A_525 = arith.index_cast %add3A_523 : i32 to index
      %get3A_526 = tpu.vector_load %arg8[%get3A_524, %get3A_525] {strides = array<i32>} : memref<128x128xf32, #tpu.memory_space<vmem>>, vector<1x16xf32>,
      %get3A_527 = vector.shape_cast %get3A_526 : vector<1x16xf32> to vector<16xf32>
      %swap3A_528 = arith.index_cast %select_n3A_521 : i32 to index
      %swap3A_529 = arith.constant 64 : index
      %swap3A_530 = tpu.vector_load %arg9[%swap3A_528, %swap3A_529] {strides = array<i32>} : memref<64x128xf32, #tpu.memory_space<vmem>>, vector<1x16xf32>,
      %swap3A_531 = vector.shape_cast %swap3A_530 : vector<1x16xf32> to vector<16xf32>
      %swap3A_532 = vector.shape_cast %get3A_527 : vector<16xf32> to vector<1x16xf32>
      tpu.vector_store %arg9[%swap3A_528, %swap3A_529], %swap3A_532 {strides = array<i32>} : memref<64x128xf32, #tpu.memory_space<vmem>>, vector<1x16xf32>,
      %add3A_533 = arith.constant 16 : i32
      %add3A_534 = arith.addi %and3A_493, %add3A_533 : i32
      %get3A_535 = arith.index_cast %add3A_497 : i32 to index
      %get3A_536 = arith.index_cast %add3A_534 : i32 to index
      %get3A_537 = tpu.vector_load %arg8[%get3A_535, %get3A_536] {strides = array<i32>} : memref<128x128xf32, #tpu.memory_space<vmem>>, vector<1x16xf32>,
      %get3A_538 = vector.shape_cast %get3A_537 : vector<1x16xf32> to vector<16xf32>
      %swap3A_539 = arith.index_cast %select_n3A_521 : i32 to index
      %swap3A_540 = arith.constant 80 : index
      %swap3A_541 = tpu.vector_load %arg9[%swap3A_539, %swap3A_540] {strides = array<i32>} : memref<64x128xf32, #tpu.memory_space<vmem>>, vector<1x16xf32>,
      %swap3A_542 = vector.shape_cast %swap3A_541 : vector<1x16xf32> to vector<16xf32>
      %swap3A_543 = vector.shape_cast %get3A_538 : vector<16xf32> to vector<1x16xf32>
      tpu.vector_store %arg9[%swap3A_539, %swap3A_540], %swap3A_543 {strides = array<i32>} : memref<64x128xf32, #tpu.memory_space<vmem>>, vector<1x16xf32>,
      %add3A_544 = arith.constant 32 : i32
      %add3A_545 = arith.addi %and3A_493, %add3A_544 : i32
      %get3A_546 = arith.index_cast %add3A_497 : i32 to index
      %get3A_547 = arith.index_cast %add3A_545 : i32 to index
      %get3A_548 = tpu.vector_load %arg8[%get3A_546, %get3A_547] {strides = array<i32>} : memref<128x128xf32, #tpu.memory_space<vmem>>, vector<1x16xf32>,
      %get3A_549 = vector.shape_cast %get3A_548 : vector<1x16xf32> to vector<16xf32>
      %swap3A_550 = arith.index_cast %select_n3A_521 : i32 to index
      %swap3A_551 = arith.constant 96 : index
      %swap3A_552 = tpu.vector_load %arg9[%swap3A_550, %swap3A_551] {strides = array<i32>} : memref<64x128xf32, #tpu.memory_space<vmem>>, vector<1x16xf32>,
      %swap3A_553 = vector.shape_cast %swap3A_552 : vector<1x16xf32> to vector<16xf32>
      %swap3A_554 = vector.shape_cast %get3A_549 : vector<16xf32> to vector<1x16xf32>
      tpu.vector_store %arg9[%swap3A_550, %swap3A_551], %swap3A_554 {strides = array<i32>} : memref<64x128xf32, #tpu.memory_space<vmem>>, vector<1x16xf32>,
      %add3A_555 = arith.constant 48 : i32
      %add3A_556 = arith.addi %and3A_493, %add3A_555 : i32
      %get3A_557 = arith.index_cast %add3A_497 : i32 to index
      %get3A_558 = arith.index_cast %add3A_556 : i32 to index
      %get3A_559 = tpu.vector_load %arg8[%get3A_557, %get3A_558] {strides = array<i32>} : memref<128x128xf32, #tpu.memory_space<vmem>>, vector<1x16xf32>,
      %get3A_560 = vector.shape_cast %get3A_559 : vector<1x16xf32> to vector<16xf32>
      %swap3A_561 = arith.index_cast %select_n3A_521 : i32 to index
      %swap3A_562 = arith.constant 112 : index
      %swap3A_563 = tpu.vector_load %arg9[%swap3A_561, %swap3A_562] {strides = array<i32>} : memref<64x128xf32, #tpu.memory_space<vmem>>, vector<1x16xf32>,
      %swap3A_564 = vector.shape_cast %swap3A_563 : vector<1x16xf32> to vector<16xf32>
      %swap3A_565 = vector.shape_cast %get3A_560 : vector<16xf32> to vector<1x16xf32>
      tpu.vector_store %arg9[%swap3A_561, %swap3A_562], %swap3A_565 {strides = array<i32>} : memref<64x128xf32, #tpu.memory_space<vmem>>, vector<1x16xf32>,
      %slice3A_566 = vector.extract_strided_slice %get3A_101 {offsets = [6], sizes = [1], strides = [1]} : vector<16xi32> to vector<1xi32>
      %squeeze3A_567 = vector.extract %slice3A_566[0] : i32 from vector<1xi32>
      %shift_right_logical3A_568 = arith.constant 7 : i32
      %shift_right_logical3A_569 = arith.shrui %squeeze3A_567, %shift_right_logical3A_568 : i32
      %and3A_570 = arith.constant 64 : i32
      %and3A_571 = arith.andi %shift_right_logical3A_569, %and3A_570 : i32
      %mul3A_572 = arith.constant 16 : i32
      %mul3A_573 = arith.muli %scan3A_96, %mul3A_572 : i32
      %add3A_574 = arith.constant 6 : i32
      %add3A_575 = arith.addi %mul3A_573, %add3A_574 : i32
      %jit3A_576 = arith.constant 2 : i32
      %div3A_577 = arith.divsi %add3A_575, %jit3A_576 : i32
      %sign3A_578 = arith.constant 0 : i32
      %sign3A_579 = arith.cmpi sgt, %add3A_575, %sign3A_578 : i32
      %sign3A_580 = arith.extui %sign3A_579 : i1 to i32
      %sign3A_581 = arith.constant 0 : i32
      %sign3A_582 = arith.cmpi slt, %add3A_575, %sign3A_581 : i32
      %sign3A_583 = arith.extui %sign3A_582 : i1 to i32
      %sign3A_584 = arith.subi %sign3A_580, %sign3A_583 : i32
      %sign3A_585 = arith.constant 0 : i32
      %sign3A_586 = arith.cmpi sgt, %jit3A_576, %sign3A_585 : i32
      %sign3A_587 = arith.extui %sign3A_586 : i1 to i32
      %sign3A_588 = arith.constant 0 : i32
      %sign3A_589 = arith.cmpi slt, %jit3A_576, %sign3A_588 : i32
      %sign3A_590 = arith.extui %sign3A_589 : i1 to i32
      %sign3A_591 = arith.subi %sign3A_587, %sign3A_590 : i32
      %ne3A_592 = arith.cmpi ne, %sign3A_584, %sign3A_591 : i32
      %rem3A_593 = arith.remsi %add3A_575, %jit3A_576 : i32
      %ne3A_594 = arith.constant 0 : i32
      %ne3A_595 = arith.cmpi ne, %rem3A_593, %ne3A_594 : i32
      %and3A_596 = arith.andi %ne3A_592, %ne3A_595 : i1
      %sub3A_597 = arith.constant 1 : i32
      %sub3A_598 = arith.subi %div3A_577, %sub3A_597 : i32
      %select_n3A_599 = arith.select %and3A_596, %sub3A_598, %div3A_577 : i32
      %add3A_600 = arith.constant 0 : i32
      %add3A_601 = arith.addi %and3A_571, %add3A_600 : i32
      %get3A_602 = arith.index_cast %add3A_575 : i32 to index
      %get3A_603 = arith.index_cast %add3A_601 : i32 to index
      %get3A_604 = tpu.vector_load %arg8[%get3A_602, %get3A_603] {strides = array<i32>} : memref<128x128xf32, #tpu.memory_space<vmem>>, vector<1x16xf32>,
      %get3A_605 = vector.shape_cast %get3A_604 : vector<1x16xf32> to vector<16xf32>
      %swap3A_606 = arith.index_cast %select_n3A_599 : i32 to index
      %swap3A_607 = arith.constant 0 : index
      %swap3A_608 = tpu.vector_load %arg9[%swap3A_606, %swap3A_607] {strides = array<i32>} : memref<64x128xf32, #tpu.memory_space<vmem>>, vector<1x16xf32>,
      %swap3A_609 = vector.shape_cast %swap3A_608 : vector<1x16xf32> to vector<16xf32>
      %swap3A_610 = vector.shape_cast %get3A_605 : vector<16xf32> to vector<1x16xf32>
      tpu.vector_store %arg9[%swap3A_606, %swap3A_607], %swap3A_610 {strides = array<i32>} : memref<64x128xf32, #tpu.memory_space<vmem>>, vector<1x16xf32>,
      %add3A_611 = arith.constant 16 : i32
      %add3A_612 = arith.addi %and3A_571, %add3A_611 : i32
      %get3A_613 = arith.index_cast %add3A_575 : i32 to index
      %get3A_614 = arith.index_cast %add3A_612 : i32 to index
      %get3A_615 = tpu.vector_load %arg8[%get3A_613, %get3A_614] {strides = array<i32>} : memref<128x128xf32, #tpu.memory_space<vmem>>, vector<1x16xf32>,
      %get3A_616 = vector.shape_cast %get3A_615 : vector<1x16xf32> to vector<16xf32>
      %swap3A_617 = arith.index_cast %select_n3A_599 : i32 to index
      %swap3A_618 = arith.constant 16 : index
      %swap3A_619 = tpu.vector_load %arg9[%swap3A_617, %swap3A_618] {strides = array<i32>} : memref<64x128xf32, #tpu.memory_space<vmem>>, vector<1x16xf32>,
      %swap3A_620 = vector.shape_cast %swap3A_619 : vector<1x16xf32> to vector<16xf32>
      %swap3A_621 = vector.shape_cast %get3A_616 : vector<16xf32> to vector<1x16xf32>
      tpu.vector_store %arg9[%swap3A_617, %swap3A_618], %swap3A_621 {strides = array<i32>} : memref<64x128xf32, #tpu.memory_space<vmem>>, vector<1x16xf32>,
      %add3A_622 = arith.constant 32 : i32
      %add3A_623 = arith.addi %and3A_571, %add3A_622 : i32
      %get3A_624 = arith.index_cast %add3A_575 : i32 to index
      %get3A_625 = arith.index_cast %add3A_623 : i32 to index
      %get3A_626 = tpu.vector_load %arg8[%get3A_624, %get3A_625] {strides = array<i32>} : memref<128x128xf32, #tpu.memory_space<vmem>>, vector<1x16xf32>,
      %get3A_627 = vector.shape_cast %get3A_626 : vector<1x16xf32> to vector<16xf32>
      %swap3A_628 = arith.index_cast %select_n3A_599 : i32 to index
      %swap3A_629 = arith.constant 32 : index
      %swap3A_630 = tpu.vector_load %arg9[%swap3A_628, %swap3A_629] {strides = array<i32>} : memref<64x128xf32, #tpu.memory_space<vmem>>, vector<1x16xf32>,
      %swap3A_631 = vector.shape_cast %swap3A_630 : vector<1x16xf32> to vector<16xf32>
      %swap3A_632 = vector.shape_cast %get3A_627 : vector<16xf32> to vector<1x16xf32>
      tpu.vector_store %arg9[%swap3A_628, %swap3A_629], %swap3A_632 {strides = array<i32>} : memref<64x128xf32, #tpu.memory_space<vmem>>, vector<1x16xf32>,
      %add3A_633 = arith.constant 48 : i32
      %add3A_634 = arith.addi %and3A_571, %add3A_633 : i32
      %get3A_635 = arith.index_cast %add3A_575 : i32 to index
      %get3A_636 = arith.index_cast %add3A_634 : i32 to index
      %get3A_637 = tpu.vector_load %arg8[%get3A_635, %get3A_636] {strides = array<i32>} : memref<128x128xf32, #tpu.memory_space<vmem>>, vector<1x16xf32>,
      %get3A_638 = vector.shape_cast %get3A_637 : vector<1x16xf32> to vector<16xf32>
      %swap3A_639 = arith.index_cast %select_n3A_599 : i32 to index
      %swap3A_640 = arith.constant 48 : index
      %swap3A_641 = tpu.vector_load %arg9[%swap3A_639, %swap3A_640] {strides = array<i32>} : memref<64x128xf32, #tpu.memory_space<vmem>>, vector<1x16xf32>,
      %swap3A_642 = vector.shape_cast %swap3A_641 : vector<1x16xf32> to vector<16xf32>
      %swap3A_643 = vector.shape_cast %get3A_638 : vector<16xf32> to vector<1x16xf32>
      tpu.vector_store %arg9[%swap3A_639, %swap3A_640], %swap3A_643 {strides = array<i32>} : memref<64x128xf32, #tpu.memory_space<vmem>>, vector<1x16xf32>,
      %slice3A_644 = vector.extract_strided_slice %get3A_101 {offsets = [7], sizes = [1], strides = [1]} : vector<16xi32> to vector<1xi32>
      %squeeze3A_645 = vector.extract %slice3A_644[0] : i32 from vector<1xi32>
      %shift_right_logical3A_646 = arith.constant 7 : i32
      %shift_right_logical3A_647 = arith.shrui %squeeze3A_645, %shift_right_logical3A_646 : i32
      %and3A_648 = arith.constant 64 : i32
      %and3A_649 = arith.andi %shift_right_logical3A_647, %and3A_648 : i32
      %mul3A_650 = arith.constant 16 : i32
      %mul3A_651 = arith.muli %scan3A_96, %mul3A_650 : i32
      %add3A_652 = arith.constant 7 : i32
      %add3A_653 = arith.addi %mul3A_651, %add3A_652 : i32
      %jit3A_654 = arith.constant 2 : i32
      %div3A_655 = arith.divsi %add3A_653, %jit3A_654 : i32
      %sign3A_656 = arith.constant 0 : i32
      %sign3A_657 = arith.cmpi sgt, %add3A_653, %sign3A_656 : i32
      %sign3A_658 = arith.extui %sign3A_657 : i1 to i32
      %sign3A_659 = arith.constant 0 : i32
      %sign3A_660 = arith.cmpi slt, %add3A_653, %sign3A_659 : i32
      %sign3A_661 = arith.extui %sign3A_660 : i1 to i32
      %sign3A_662 = arith.subi %sign3A_658, %sign3A_661 : i32
      %sign3A_663 = arith.constant 0 : i32
      %sign3A_664 = arith.cmpi sgt, %jit3A_654, %sign3A_663 : i32
      %sign3A_665 = arith.extui %sign3A_664 : i1 to i32
      %sign3A_666 = arith.constant 0 : i32
      %sign3A_667 = arith.cmpi slt, %jit3A_654, %sign3A_666 : i32
      %sign3A_668 = arith.extui %sign3A_667 : i1 to i32
      %sign3A_669 = arith.subi %sign3A_665, %sign3A_668 : i32
      %ne3A_670 = arith.cmpi ne, %sign3A_662, %sign3A_669 : i32
      %rem3A_671 = arith.remsi %add3A_653, %jit3A_654 : i32
      %ne3A_672 = arith.constant 0 : i32
      %ne3A_673 = arith.cmpi ne, %rem3A_671, %ne3A_672 : i32
      %and3A_674 = arith.andi %ne3A_670, %ne3A_673 : i1
      %sub3A_675 = arith.constant 1 : i32
      %sub3A_676 = arith.subi %div3A_655, %sub3A_675 : i32
      %select_n3A_677 = arith.select %and3A_674, %sub3A_676, %div3A_655 : i32
      %add3A_678 = arith.constant 0 : i32
      %add3A_679 = arith.addi %and3A_649, %add3A_678 : i32
      %get3A_680 = arith.index_cast %add3A_653 : i32 to index
      %get3A_681 = arith.index_cast %add3A_679 : i32 to index
      %get3A_682 = tpu.vector_load %arg8[%get3A_680, %get3A_681] {strides = array<i32>} : memref<128x128xf32, #tpu.memory_space<vmem>>, vector<1x16xf32>,
      %get3A_683 = vector.shape_cast %get3A_682 : vector<1x16xf32> to vector<16xf32>
      %swap3A_684 = arith.index_cast %select_n3A_677 : i32 to index
      %swap3A_685 = arith.constant 64 : index
      %swap3A_686 = tpu.vector_load %arg9[%swap3A_684, %swap3A_685] {strides = array<i32>} : memref<64x128xf32, #tpu.memory_space<vmem>>, vector<1x16xf32>,
      %swap3A_687 = vector.shape_cast %swap3A_686 : vector<1x16xf32> to vector<16xf32>
      %swap3A_688 = vector.shape_cast %get3A_683 : vector<16xf32> to vector<1x16xf32>
      tpu.vector_store %arg9[%swap3A_684, %swap3A_685], %swap3A_688 {strides = array<i32>} : memref<64x128xf32, #tpu.memory_space<vmem>>, vector<1x16xf32>,
      %add3A_689 = arith.constant 16 : i32
      %add3A_690 = arith.addi %and3A_649, %add3A_689 : i32
      %get3A_691 = arith.index_cast %add3A_653 : i32 to index
      %get3A_692 = arith.index_cast %add3A_690 : i32 to index
      %get3A_693 = tpu.vector_load %arg8[%get3A_691, %get3A_692] {strides = array<i32>} : memref<128x128xf32, #tpu.memory_space<vmem>>, vector<1x16xf32>,
      %get3A_694 = vector.shape_cast %get3A_693 : vector<1x16xf32> to vector<16xf32>
      %swap3A_695 = arith.index_cast %select_n3A_677 : i32 to index
      %swap3A_696 = arith.constant 80 : index
      %swap3A_697 = tpu.vector_load %arg9[%swap3A_695, %swap3A_696] {strides = array<i32>} : memref<64x128xf32, #tpu.memory_space<vmem>>, vector<1x16xf32>,
      %swap3A_698 = vector.shape_cast %swap3A_697 : vector<1x16xf32> to vector<16xf32>
      %swap3A_699 = vector.shape_cast %get3A_694 : vector<16xf32> to vector<1x16xf32>
      tpu.vector_store %arg9[%swap3A_695, %swap3A_696], %swap3A_699 {strides = array<i32>} : memref<64x128xf32, #tpu.memory_space<vmem>>, vector<1x16xf32>,
      %add3A_700 = arith.constant 32 : i32
      %add3A_701 = arith.addi %and3A_649, %add3A_700 : i32
      %get3A_702 = arith.index_cast %add3A_653 : i32 to index
      %get3A_703 = arith.index_cast %add3A_701 : i32 to index
      %get3A_704 = tpu.vector_load %arg8[%get3A_702, %get3A_703] {strides = array<i32>} : memref<128x128xf32, #tpu.memory_space<vmem>>, vector<1x16xf32>,
      %get3A_705 = vector.shape_cast %get3A_704 : vector<1x16xf32> to vector<16xf32>
      %swap3A_706 = arith.index_cast %select_n3A_677 : i32 to index
      %swap3A_707 = arith.constant 96 : index
      %swap3A_708 = tpu.vector_load %arg9[%swap3A_706, %swap3A_707] {strides = array<i32>} : memref<64x128xf32, #tpu.memory_space<vmem>>, vector<1x16xf32>,
      %swap3A_709 = vector.shape_cast %swap3A_708 : vector<1x16xf32> to vector<16xf32>
      %swap3A_710 = vector.shape_cast %get3A_705 : vector<16xf32> to vector<1x16xf32>
      tpu.vector_store %arg9[%swap3A_706, %swap3A_707], %swap3A_710 {strides = array<i32>} : memref<64x128xf32, #tpu.memory_space<vmem>>, vector<1x16xf32>,
      %add3A_711 = arith.constant 48 : i32
      %add3A_712 = arith.addi %and3A_649, %add3A_711 : i32
      %get3A_713 = arith.index_cast %add3A_653 : i32 to index
      %get3A_714 = arith.index_cast %add3A_712 : i32 to index
      %get3A_715 = tpu.vector_load %arg8[%get3A_713, %get3A_714] {strides = array<i32>} : memref<128x128xf32, #tpu.memory_space<vmem>>, vector<1x16xf32>,
      %get3A_716 = vector.shape_cast %get3A_715 : vector<1x16xf32> to vector<16xf32>
      %swap3A_717 = arith.index_cast %select_n3A_677 : i32 to index
      %swap3A_718 = arith.constant 112 : index
      %swap3A_719 = tpu.vector_load %arg9[%swap3A_717, %swap3A_718] {strides = array<i32>} : memref<64x128xf32, #tpu.memory_space<vmem>>, vector<1x16xf32>,
      %swap3A_720 = vector.shape_cast %swap3A_719 : vector<1x16xf32> to vector<16xf32>
      %swap3A_721 = vector.shape_cast %get3A_716 : vector<16xf32> to vector<1x16xf32>
      tpu.vector_store %arg9[%swap3A_717, %swap3A_718], %swap3A_721 {strides = array<i32>} : memref<64x128xf32, #tpu.memory_space<vmem>>, vector<1x16xf32>,
      %slice3A_722 = vector.extract_strided_slice %get3A_101 {offsets = [8], sizes = [1], strides = [1]} : vector<16xi32> to vector<1xi32>
      %squeeze3A_723 = vector.extract %slice3A_722[0] : i32 from vector<1xi32>
      %shift_right_logical3A_724 = arith.constant 7 : i32
      %shift_right_logical3A_725 = arith.shrui %squeeze3A_723, %shift_right_logical3A_724 : i32
      %and3A_726 = arith.constant 64 : i32
      %and3A_727 = arith.andi %shift_right_logical3A_725, %and3A_726 : i32
      %mul3A_728 = arith.constant 16 : i32
      %mul3A_729 = arith.muli %scan3A_96, %mul3A_728 : i32
      %add3A_730 = arith.constant 8 : i32
      %add3A_731 = arith.addi %mul3A_729, %add3A_730 : i32
      %jit3A_732 = arith.constant 2 : i32
      %div3A_733 = arith.divsi %add3A_731, %jit3A_732 : i32
      %sign3A_734 = arith.constant 0 : i32
      %sign3A_735 = arith.cmpi sgt, %add3A_731, %sign3A_734 : i32
      %sign3A_736 = arith.extui %sign3A_735 : i1 to i32
      %sign3A_737 = arith.constant 0 : i32
      %sign3A_738 = arith.cmpi slt, %add3A_731, %sign3A_737 : i32
      %sign3A_739 = arith.extui %sign3A_738 : i1 to i32
      %sign3A_740 = arith.subi %sign3A_736, %sign3A_739 : i32
      %sign3A_741 = arith.constant 0 : i32
      %sign3A_742 = arith.cmpi sgt, %jit3A_732, %sign3A_741 : i32
      %sign3A_743 = arith.extui %sign3A_742 : i1 to i32
      %sign3A_744 = arith.constant 0 : i32
      %sign3A_745 = arith.cmpi slt, %jit3A_732, %sign3A_744 : i32
      %sign3A_746 = arith.extui %sign3A_745 : i1 to i32
      %sign3A_747 = arith.subi %sign3A_743, %sign3A_746 : i32
      %ne3A_748 = arith.cmpi ne, %sign3A_740, %sign3A_747 : i32
      %rem3A_749 = arith.remsi %add3A_731, %jit3A_732 : i32
      %ne3A_750 = arith.constant 0 : i32
      %ne3A_751 = arith.cmpi ne, %rem3A_749, %ne3A_750 : i32
      %and3A_752 = arith.andi %ne3A_748, %ne3A_751 : i1
      %sub3A_753 = arith.constant 1 : i32
      %sub3A_754 = arith.subi %div3A_733, %sub3A_753 : i32
      %select_n3A_755 = arith.select %and3A_752, %sub3A_754, %div3A_733 : i32
      %add3A_756 = arith.constant 0 : i32
      %add3A_757 = arith.addi %and3A_727, %add3A_756 : i32
      %get3A_758 = arith.index_cast %add3A_731 : i32 to index
      %get3A_759 = arith.index_cast %add3A_757 : i32 to index
      %get3A_760 = tpu.vector_load %arg8[%get3A_758, %get3A_759] {strides = array<i32>} : memref<128x128xf32, #tpu.memory_space<vmem>>, vector<1x16xf32>,
      %get3A_761 = vector.shape_cast %get3A_760 : vector<1x16xf32> to vector<16xf32>
      %swap3A_762 = arith.index_cast %select_n3A_755 : i32 to index
      %swap3A_763 = arith.constant 0 : index
      %swap3A_764 = tpu.vector_load %arg9[%swap3A_762, %swap3A_763] {strides = array<i32>} : memref<64x128xf32, #tpu.memory_space<vmem>>, vector<1x16xf32>,
      %swap3A_765 = vector.shape_cast %swap3A_764 : vector<1x16xf32> to vector<16xf32>
      %swap3A_766 = vector.shape_cast %get3A_761 : vector<16xf32> to vector<1x16xf32>
      tpu.vector_store %arg9[%swap3A_762, %swap3A_763], %swap3A_766 {strides = array<i32>} : memref<64x128xf32, #tpu.memory_space<vmem>>, vector<1x16xf32>,
      %add3A_767 = arith.constant 16 : i32
      %add3A_768 = arith.addi %and3A_727, %add3A_767 : i32
      %get3A_769 = arith.index_cast %add3A_731 : i32 to index
      %get3A_770 = arith.index_cast %add3A_768 : i32 to index
      %get3A_771 = tpu.vector_load %arg8[%get3A_769, %get3A_770] {strides = array<i32>} : memref<128x128xf32, #tpu.memory_space<vmem>>, vector<1x16xf32>,
      %get3A_772 = vector.shape_cast %get3A_771 : vector<1x16xf32> to vector<16xf32>
      %swap3A_773 = arith.index_cast %select_n3A_755 : i32 to index
      %swap3A_774 = arith.constant 16 : index
      %swap3A_775 = tpu.vector_load %arg9[%swap3A_773, %swap3A_774] {strides = array<i32>} : memref<64x128xf32, #tpu.memory_space<vmem>>, vector<1x16xf32>,
      %swap3A_776 = vector.shape_cast %swap3A_775 : vector<1x16xf32> to vector<16xf32>
      %swap3A_777 = vector.shape_cast %get3A_772 : vector<16xf32> to vector<1x16xf32>
      tpu.vector_store %arg9[%swap3A_773, %swap3A_774], %swap3A_777 {strides = array<i32>} : memref<64x128xf32, #tpu.memory_space<vmem>>, vector<1x16xf32>,
      %add3A_778 = arith.constant 32 : i32
      %add3A_779 = arith.addi %and3A_727, %add3A_778 : i32
      %get3A_780 = arith.index_cast %add3A_731 : i32 to index
      %get3A_781 = arith.index_cast %add3A_779 : i32 to index
      %get3A_782 = tpu.vector_load %arg8[%get3A_780, %get3A_781] {strides = array<i32>} : memref<128x128xf32, #tpu.memory_space<vmem>>, vector<1x16xf32>,
      %get3A_783 = vector.shape_cast %get3A_782 : vector<1x16xf32> to vector<16xf32>
      %swap3A_784 = arith.index_cast %select_n3A_755 : i32 to index
      %swap3A_785 = arith.constant 32 : index
      %swap3A_786 = tpu.vector_load %arg9[%swap3A_784, %swap3A_785] {strides = array<i32>} : memref<64x128xf32, #tpu.memory_space<vmem>>, vector<1x16xf32>,
      %swap3A_787 = vector.shape_cast %swap3A_786 : vector<1x16xf32> to vector<16xf32>
      %swap3A_788 = vector.shape_cast %get3A_783 : vector<16xf32> to vector<1x16xf32>
      tpu.vector_store %arg9[%swap3A_784, %swap3A_785], %swap3A_788 {strides = array<i32>} : memref<64x128xf32, #tpu.memory_space<vmem>>, vector<1x16xf32>,
      %add3A_789 = arith.constant 48 : i32
      %add3A_790 = arith.addi %and3A_727, %add3A_789 : i32
      %get3A_791 = arith.index_cast %add3A_731 : i32 to index
      %get3A_792 = arith.index_cast %add3A_790 : i32 to index
      %get3A_793 = tpu.vector_load %arg8[%get3A_791, %get3A_792] {strides = array<i32>} : memref<128x128xf32, #tpu.memory_space<vmem>>, vector<1x16xf32>,
      %get3A_794 = vector.shape_cast %get3A_793 : vector<1x16xf32> to vector<16xf32>
      %swap3A_795 = arith.index_cast %select_n3A_755 : i32 to index
      %swap3A_796 = arith.constant 48 : index
      %swap3A_797 = tpu.vector_load %arg9[%swap3A_795, %swap3A_796] {strides = array<i32>} : memref<64x128xf32, #tpu.memory_space<vmem>>, vector<1x16xf32>,
      %swap3A_798 = vector.shape_cast %swap3A_797 : vector<1x16xf32> to vector<16xf32>
      %swap3A_799 = vector.shape_cast %get3A_794 : vector<16xf32> to vector<1x16xf32>
      tpu.vector_store %arg9[%swap3A_795, %swap3A_796], %swap3A_799 {strides = array<i32>} : memref<64x128xf32, #tpu.memory_space<vmem>>, vector<1x16xf32>,
      %slice3A_800 = vector.extract_strided_slice %get3A_101 {offsets = [9], sizes = [1], strides = [1]} : vector<16xi32> to vector<1xi32>
      %squeeze3A_801 = vector.extract %slice3A_800[0] : i32 from vector<1xi32>
      %shift_right_logical3A_802 = arith.constant 7 : i32
      %shift_right_logical3A_803 = arith.shrui %squeeze3A_801, %shift_right_logical3A_802 : i32
      %and3A_804 = arith.constant 64 : i32
      %and3A_805 = arith.andi %shift_right_logical3A_803, %and3A_804 : i32
      %mul3A_806 = arith.constant 16 : i32
      %mul3A_807 = arith.muli %scan3A_96, %mul3A_806 : i32
      %add3A_808 = arith.constant 9 : i32
      %add3A_809 = arith.addi %mul3A_807, %add3A_808 : i32
      %jit3A_810 = arith.constant 2 : i32
      %div3A_811 = arith.divsi %add3A_809, %jit3A_810 : i32
      %sign3A_812 = arith.constant 0 : i32
      %sign3A_813 = arith.cmpi sgt, %add3A_809, %sign3A_812 : i32
      %sign3A_814 = arith.extui %sign3A_813 : i1 to i32
      %sign3A_815 = arith.constant 0 : i32
      %sign3A_816 = arith.cmpi slt, %add3A_809, %sign3A_815 : i32
      %sign3A_817 = arith.extui %sign3A_816 : i1 to i32
      %sign3A_818 = arith.subi %sign3A_814, %sign3A_817 : i32
      %sign3A_819 = arith.constant 0 : i32
      %sign3A_820 = arith.cmpi sgt, %jit3A_810, %sign3A_819 : i32
      %sign3A_821 = arith.extui %sign3A_820 : i1 to i32
      %sign3A_822 = arith.constant 0 : i32
      %sign3A_823 = arith.cmpi slt, %jit3A_810, %sign3A_822 : i32
      %sign3A_824 = arith.extui %sign3A_823 : i1 to i32
      %sign3A_825 = arith.subi %sign3A_821, %sign3A_824 : i32
      %ne3A_826 = arith.cmpi ne, %sign3A_818, %sign3A_825 : i32
      %rem3A_827 = arith.remsi %add3A_809, %jit3A_810 : i32
      %ne3A_828 = arith.constant 0 : i32
      %ne3A_829 = arith.cmpi ne, %rem3A_827, %ne3A_828 : i32
      %and3A_830 = arith.andi %ne3A_826, %ne3A_829 : i1
      %sub3A_831 = arith.constant 1 : i32
      %sub3A_832 = arith.subi %div3A_811, %sub3A_831 : i32
      %select_n3A_833 = arith.select %and3A_830, %sub3A_832, %div3A_811 : i32
      %add3A_834 = arith.constant 0 : i32
      %add3A_835 = arith.addi %and3A_805, %add3A_834 : i32
      %get3A_836 = arith.index_cast %add3A_809 : i32 to index
      %get3A_837 = arith.index_cast %add3A_835 : i32 to index
      %get3A_838 = tpu.vector_load %arg8[%get3A_836, %get3A_837] {strides = array<i32>} : memref<128x128xf32, #tpu.memory_space<vmem>>, vector<1x16xf32>,
      %get3A_839 = vector.shape_cast %get3A_838 : vector<1x16xf32> to vector<16xf32>
      %swap3A_840 = arith.index_cast %select_n3A_833 : i32 to index
      %swap3A_841 = arith.constant 64 : index
      %swap3A_842 = tpu.vector_load %arg9[%swap3A_840, %swap3A_841] {strides = array<i32>} : memref<64x128xf32, #tpu.memory_space<vmem>>, vector<1x16xf32>,
      %swap3A_843 = vector.shape_cast %swap3A_842 : vector<1x16xf32> to vector<16xf32>
      %swap3A_844 = vector.shape_cast %get3A_839 : vector<16xf32> to vector<1x16xf32>
      tpu.vector_store %arg9[%swap3A_840, %swap3A_841], %swap3A_844 {strides = array<i32>} : memref<64x128xf32, #tpu.memory_space<vmem>>, vector<1x16xf32>,
      %add3A_845 = arith.constant 16 : i32
      %add3A_846 = arith.addi %and3A_805, %add3A_845 : i32
      %get3A_847 = arith.index_cast %add3A_809 : i32 to index
      %get3A_848 = arith.index_cast %add3A_846 : i32 to index
      %get3A_849 = tpu.vector_load %arg8[%get3A_847, %get3A_848] {strides = array<i32>} : memref<128x128xf32, #tpu.memory_space<vmem>>, vector<1x16xf32>,
      %get3A_850 = vector.shape_cast %get3A_849 : vector<1x16xf32> to vector<16xf32>
      %swap3A_851 = arith.index_cast %select_n3A_833 : i32 to index
      %swap3A_852 = arith.constant 80 : index
      %swap3A_853 = tpu.vector_load %arg9[%swap3A_851, %swap3A_852] {strides = array<i32>} : memref<64x128xf32, #tpu.memory_space<vmem>>, vector<1x16xf32>,
      %swap3A_854 = vector.shape_cast %swap3A_853 : vector<1x16xf32> to vector<16xf32>
      %swap3A_855 = vector.shape_cast %get3A_850 : vector<16xf32> to vector<1x16xf32>
      tpu.vector_store %arg9[%swap3A_851, %swap3A_852], %swap3A_855 {strides = array<i32>} : memref<64x128xf32, #tpu.memory_space<vmem>>, vector<1x16xf32>,
      %add3A_856 = arith.constant 32 : i32
      %add3A_857 = arith.addi %and3A_805, %add3A_856 : i32
      %get3A_858 = arith.index_cast %add3A_809 : i32 to index
      %get3A_859 = arith.index_cast %add3A_857 : i32 to index
      %get3A_860 = tpu.vector_load %arg8[%get3A_858, %get3A_859] {strides = array<i32>} : memref<128x128xf32, #tpu.memory_space<vmem>>, vector<1x16xf32>,
      %get3A_861 = vector.shape_cast %get3A_860 : vector<1x16xf32> to vector<16xf32>
      %swap3A_862 = arith.index_cast %select_n3A_833 : i32 to index
      %swap3A_863 = arith.constant 96 : index
      %swap3A_864 = tpu.vector_load %arg9[%swap3A_862, %swap3A_863] {strides = array<i32>} : memref<64x128xf32, #tpu.memory_space<vmem>>, vector<1x16xf32>,
      %swap3A_865 = vector.shape_cast %swap3A_864 : vector<1x16xf32> to vector<16xf32>
      %swap3A_866 = vector.shape_cast %get3A_861 : vector<16xf32> to vector<1x16xf32>
      tpu.vector_store %arg9[%swap3A_862, %swap3A_863], %swap3A_866 {strides = array<i32>} : memref<64x128xf32, #tpu.memory_space<vmem>>, vector<1x16xf32>,
      %add3A_867 = arith.constant 48 : i32
      %add3A_868 = arith.addi %and3A_805, %add3A_867 : i32
      %get3A_869 = arith.index_cast %add3A_809 : i32 to index
      %get3A_870 = arith.index_cast %add3A_868 : i32 to index
      %get3A_871 = tpu.vector_load %arg8[%get3A_869, %get3A_870] {strides = array<i32>} : memref<128x128xf32, #tpu.memory_space<vmem>>, vector<1x16xf32>,
      %get3A_872 = vector.shape_cast %get3A_871 : vector<1x16xf32> to vector<16xf32>
      %swap3A_873 = arith.index_cast %select_n3A_833 : i32 to index
      %swap3A_874 = arith.constant 112 : index
      %swap3A_875 = tpu.vector_load %arg9[%swap3A_873, %swap3A_874] {strides = array<i32>} : memref<64x128xf32, #tpu.memory_space<vmem>>, vector<1x16xf32>,
      %swap3A_876 = vector.shape_cast %swap3A_875 : vector<1x16xf32> to vector<16xf32>
      %swap3A_877 = vector.shape_cast %get3A_872 : vector<16xf32> to vector<1x16xf32>
      tpu.vector_store %arg9[%swap3A_873, %swap3A_874], %swap3A_877 {strides = array<i32>} : memref<64x128xf32, #tpu.memory_space<vmem>>, vector<1x16xf32>,
      %slice3A_878 = vector.extract_strided_slice %get3A_101 {offsets = [10], sizes = [1], strides = [1]} : vector<16xi32> to vector<1xi32>
      %squeeze3A_879 = vector.extract %slice3A_878[0] : i32 from vector<1xi32>
      %shift_right_logical3A_880 = arith.constant 7 : i32
      %shift_right_logical3A_881 = arith.shrui %squeeze3A_879, %shift_right_logical3A_880 : i32
      %and3A_882 = arith.constant 64 : i32
      %and3A_883 = arith.andi %shift_right_logical3A_881, %and3A_882 : i32
      %mul3A_884 = arith.constant 16 : i32
      %mul3A_885 = arith.muli %scan3A_96, %mul3A_884 : i32
      %add3A_886 = arith.constant 10 : i32
      %add3A_887 = arith.addi %mul3A_885, %add3A_886 : i32
      %jit3A_888 = arith.constant 2 : i32
      %div3A_889 = arith.divsi %add3A_887, %jit3A_888 : i32
      %sign3A_890 = arith.constant 0 : i32
      %sign3A_891 = arith.cmpi sgt, %add3A_887, %sign3A_890 : i32
      %sign3A_892 = arith.extui %sign3A_891 : i1 to i32
      %sign3A_893 = arith.constant 0 : i32
      %sign3A_894 = arith.cmpi slt, %add3A_887, %sign3A_893 : i32
      %sign3A_895 = arith.extui %sign3A_894 : i1 to i32
      %sign3A_896 = arith.subi %sign3A_892, %sign3A_895 : i32
      %sign3A_897 = arith.constant 0 : i32
      %sign3A_898 = arith.cmpi sgt, %jit3A_888, %sign3A_897 : i32
      %sign3A_899 = arith.extui %sign3A_898 : i1 to i32
      %sign3A_900 = arith.constant 0 : i32
      %sign3A_901 = arith.cmpi slt, %jit3A_888, %sign3A_900 : i32
      %sign3A_902 = arith.extui %sign3A_901 : i1 to i32
      %sign3A_903 = arith.subi %sign3A_899, %sign3A_902 : i32
      %ne3A_904 = arith.cmpi ne, %sign3A_896, %sign3A_903 : i32
      %rem3A_905 = arith.remsi %add3A_887, %jit3A_888 : i32
      %ne3A_906 = arith.constant 0 : i32
      %ne3A_907 = arith.cmpi ne, %rem3A_905, %ne3A_906 : i32
      %and3A_908 = arith.andi %ne3A_904, %ne3A_907 : i1
      %sub3A_909 = arith.constant 1 : i32
      %sub3A_910 = arith.subi %div3A_889, %sub3A_909 : i32
      %select_n3A_911 = arith.select %and3A_908, %sub3A_910, %div3A_889 : i32
      %add3A_912 = arith.constant 0 : i32
      %add3A_913 = arith.addi %and3A_883, %add3A_912 : i32
      %get3A_914 = arith.index_cast %add3A_887 : i32 to index
      %get3A_915 = arith.index_cast %add3A_913 : i32 to index
      %get3A_916 = tpu.vector_load %arg8[%get3A_914, %get3A_915] {strides = array<i32>} : memref<128x128xf32, #tpu.memory_space<vmem>>, vector<1x16xf32>,
      %get3A_917 = vector.shape_cast %get3A_916 : vector<1x16xf32> to vector<16xf32>
      %swap3A_918 = arith.index_cast %select_n3A_911 : i32 to index
      %swap3A_919 = arith.constant 0 : index
      %swap3A_920 = tpu.vector_load %arg9[%swap3A_918, %swap3A_919] {strides = array<i32>} : memref<64x128xf32, #tpu.memory_space<vmem>>, vector<1x16xf32>,
      %swap3A_921 = vector.shape_cast %swap3A_920 : vector<1x16xf32> to vector<16xf32>
      %swap3A_922 = vector.shape_cast %get3A_917 : vector<16xf32> to vector<1x16xf32>
      tpu.vector_store %arg9[%swap3A_918, %swap3A_919], %swap3A_922 {strides = array<i32>} : memref<64x128xf32, #tpu.memory_space<vmem>>, vector<1x16xf32>,
      %add3A_923 = arith.constant 16 : i32
      %add3A_924 = arith.addi %and3A_883, %add3A_923 : i32
      %get3A_925 = arith.index_cast %add3A_887 : i32 to index
      %get3A_926 = arith.index_cast %add3A_924 : i32 to index
      %get3A_927 = tpu.vector_load %arg8[%get3A_925, %get3A_926] {strides = array<i32>} : memref<128x128xf32, #tpu.memory_space<vmem>>, vector<1x16xf32>,
      %get3A_928 = vector.shape_cast %get3A_927 : vector<1x16xf32> to vector<16xf32>
      %swap3A_929 = arith.index_cast %select_n3A_911 : i32 to index
      %swap3A_930 = arith.constant 16 : index
      %swap3A_931 = tpu.vector_load %arg9[%swap3A_929, %swap3A_930] {strides = array<i32>} : memref<64x128xf32, #tpu.memory_space<vmem>>, vector<1x16xf32>,
      %swap3A_932 = vector.shape_cast %swap3A_931 : vector<1x16xf32> to vector<16xf32>
      %swap3A_933 = vector.shape_cast %get3A_928 : vector<16xf32> to vector<1x16xf32>
      tpu.vector_store %arg9[%swap3A_929, %swap3A_930], %swap3A_933 {strides = array<i32>} : memref<64x128xf32, #tpu.memory_space<vmem>>, vector<1x16xf32>,
      %add3A_934 = arith.constant 32 : i32
      %add3A_935 = arith.addi %and3A_883, %add3A_934 : i32
      %get3A_936 = arith.index_cast %add3A_887 : i32 to index
      %get3A_937 = arith.index_cast %add3A_935 : i32 to index
      %get3A_938 = tpu.vector_load %arg8[%get3A_936, %get3A_937] {strides = array<i32>} : memref<128x128xf32, #tpu.memory_space<vmem>>, vector<1x16xf32>,
      %get3A_939 = vector.shape_cast %get3A_938 : vector<1x16xf32> to vector<16xf32>
      %swap3A_940 = arith.index_cast %select_n3A_911 : i32 to index
      %swap3A_941 = arith.constant 32 : index
      %swap3A_942 = tpu.vector_load %arg9[%swap3A_940, %swap3A_941] {strides = array<i32>} : memref<64x128xf32, #tpu.memory_space<vmem>>, vector<1x16xf32>,
      %swap3A_943 = vector.shape_cast %swap3A_942 : vector<1x16xf32> to vector<16xf32>
      %swap3A_944 = vector.shape_cast %get3A_939 : vector<16xf32> to vector<1x16xf32>
      tpu.vector_store %arg9[%swap3A_940, %swap3A_941], %swap3A_944 {strides = array<i32>} : memref<64x128xf32, #tpu.memory_space<vmem>>, vector<1x16xf32>,
      %add3A_945 = arith.constant 48 : i32
      %add3A_946 = arith.addi %and3A_883, %add3A_945 : i32
      %get3A_947 = arith.index_cast %add3A_887 : i32 to index
      %get3A_948 = arith.index_cast %add3A_946 : i32 to index
      %get3A_949 = tpu.vector_load %arg8[%get3A_947, %get3A_948] {strides = array<i32>} : memref<128x128xf32, #tpu.memory_space<vmem>>, vector<1x16xf32>,
      %get3A_950 = vector.shape_cast %get3A_949 : vector<1x16xf32> to vector<16xf32>
      %swap3A_951 = arith.index_cast %select_n3A_911 : i32 to index
      %swap3A_952 = arith.constant 48 : index
      %swap3A_953 = tpu.vector_load %arg9[%swap3A_951, %swap3A_952] {strides = array<i32>} : memref<64x128xf32, #tpu.memory_space<vmem>>, vector<1x16xf32>,
      %swap3A_954 = vector.shape_cast %swap3A_953 : vector<1x16xf32> to vector<16xf32>
      %swap3A_955 = vector.shape_cast %get3A_950 : vector<16xf32> to vector<1x16xf32>
      tpu.vector_store %arg9[%swap3A_951, %swap3A_952], %swap3A_955 {strides = array<i32>} : memref<64x128xf32, #tpu.memory_space<vmem>>, vector<1x16xf32>,
      %slice3A_956 = vector.extract_strided_slice %get3A_101 {offsets = [11], sizes = [1], strides = [1]} : vector<16xi32> to vector<1xi32>
      %squeeze3A_957 = vector.extract %slice3A_956[0] : i32 from vector<1xi32>
      %shift_right_logical3A_958 = arith.constant 7 : i32
      %shift_right_logical3A_959 = arith.shrui %squeeze3A_957, %shift_right_logical3A_958 : i32
      %and3A_960 = arith.constant 64 : i32
      %and3A_961 = arith.andi %shift_right_logical3A_959, %and3A_960 : i32
      %mul3A_962 = arith.constant 16 : i32
      %mul3A_963 = arith.muli %scan3A_96, %mul3A_962 : i32
      %add3A_964 = arith.constant 11 : i32
      %add3A_965 = arith.addi %mul3A_963, %add3A_964 : i32
      %jit3A_966 = arith.constant 2 : i32
      %div3A_967 = arith.divsi %add3A_965, %jit3A_966 : i32
      %sign3A_968 = arith.constant 0 : i32
      %sign3A_969 = arith.cmpi sgt, %add3A_965, %sign3A_968 : i32
      %sign3A_970 = arith.extui %sign3A_969 : i1 to i32
      %sign3A_971 = arith.constant 0 : i32
      %sign3A_972 = arith.cmpi slt, %add3A_965, %sign3A_971 : i32
      %sign3A_973 = arith.extui %sign3A_972 : i1 to i32
      %sign3A_974 = arith.subi %sign3A_970, %sign3A_973 : i32
      %sign3A_975 = arith.constant 0 : i32
      %sign3A_976 = arith.cmpi sgt, %jit3A_966, %sign3A_975 : i32
      %sign3A_977 = arith.extui %sign3A_976 : i1 to i32
      %sign3A_978 = arith.constant 0 : i32
      %sign3A_979 = arith.cmpi slt, %jit3A_966, %sign3A_978 : i32
      %sign3A_980 = arith.extui %sign3A_979 : i1 to i32
      %sign3A_981 = arith.subi %sign3A_977, %sign3A_980 : i32
      %ne3A_982 = arith.cmpi ne, %sign3A_974, %sign3A_981 : i32
      %rem3A_983 = arith.remsi %add3A_965, %jit3A_966 : i32
      %ne3A_984 = arith.constant 0 : i32
      %ne3A_985 = arith.cmpi ne, %rem3A_983, %ne3A_984 : i32
      %and3A_986 = arith.andi %ne3A_982, %ne3A_985 : i1
      %sub3A_987 = arith.constant 1 : i32
      %sub3A_988 = arith.subi %div3A_967, %sub3A_987 : i32
      %select_n3A_989 = arith.select %and3A_986, %sub3A_988, %div3A_967 : i32
      %add3A_990 = arith.constant 0 : i32
      %add3A_991 = arith.addi %and3A_961, %add3A_990 : i32
      %get3A_992 = arith.index_cast %add3A_965 : i32 to index
      %get3A_993 = arith.index_cast %add3A_991 : i32 to index
      %get3A_994 = tpu.vector_load %arg8[%get3A_992, %get3A_993] {strides = array<i32>} : memref<128x128xf32, #tpu.memory_space<vmem>>, vector<1x16xf32>,
      %get3A_995 = vector.shape_cast %get3A_994 : vector<1x16xf32> to vector<16xf32>
      %swap3A_996 = arith.index_cast %select_n3A_989 : i32 to index
      %swap3A_997 = arith.constant 64 : index
      %swap3A_998 = tpu.vector_load %arg9[%swap3A_996, %swap3A_997] {strides = array<i32>} : memref<64x128xf32, #tpu.memory_space<vmem>>, vector<1x16xf32>,
      %swap3A_999 = vector.shape_cast %swap3A_998 : vector<1x16xf32> to vector<16xf32>
      %swap3A_1000 = vector.shape_cast %get3A_995 : vector<16xf32> to vector<1x16xf32>
      tpu.vector_store %arg9[%swap3A_996, %swap3A_997], %swap3A_1000 {strides = array<i32>} : memref<64x128xf32, #tpu.memory_space<vmem>>, vector<1x16xf32>,
      %add3A_1001 = arith.constant 16 : i32
      %add3A_1002 = arith.addi %and3A_961, %add3A_1001 : i32
      %get3A_1003 = arith.index_cast %add3A_965 : i32 to index
      %get3A_1004 = arith.index_cast %add3A_1002 : i32 to index
      %get3A_1005 = tpu.vector_load %arg8[%get3A_1003, %get3A_1004] {strides = array<i32>} : memref<128x128xf32, #tpu.memory_space<vmem>>, vector<1x16xf32>,
      %get3A_1006 = vector.shape_cast %get3A_1005 : vector<1x16xf32> to vector<16xf32>
      %swap3A_1007 = arith.index_cast %select_n3A_989 : i32 to index
      %swap3A_1008 = arith.constant 80 : index
      %swap3A_1009 = tpu.vector_load %arg9[%swap3A_1007, %swap3A_1008] {strides = array<i32>} : memref<64x128xf32, #tpu.memory_space<vmem>>, vector<1x16xf32>,
      %swap3A_1010 = vector.shape_cast %swap3A_1009 : vector<1x16xf32> to vector<16xf32>
      %swap3A_1011 = vector.shape_cast %get3A_1006 : vector<16xf32> to vector<1x16xf32>
      tpu.vector_store %arg9[%swap3A_1007, %swap3A_1008], %swap3A_1011 {strides = array<i32>} : memref<64x128xf32, #tpu.memory_space<vmem>>, vector<1x16xf32>,
      %add3A_1012 = arith.constant 32 : i32
      %add3A_1013 = arith.addi %and3A_961, %add3A_1012 : i32
      %get3A_1014 = arith.index_cast %add3A_965 : i32 to index
      %get3A_1015 = arith.index_cast %add3A_1013 : i32 to index
      %get3A_1016 = tpu.vector_load %arg8[%get3A_1014, %get3A_1015] {strides = array<i32>} : memref<128x128xf32, #tpu.memory_space<vmem>>, vector<1x16xf32>,
      %get3A_1017 = vector.shape_cast %get3A_1016 : vector<1x16xf32> to vector<16xf32>
      %swap3A_1018 = arith.index_cast %select_n3A_989 : i32 to index
      %swap3A_1019 = arith.constant 96 : index
      %swap3A_1020 = tpu.vector_load %arg9[%swap3A_1018, %swap3A_1019] {strides = array<i32>} : memref<64x128xf32, #tpu.memory_space<vmem>>, vector<1x16xf32>,
      %swap3A_1021 = vector.shape_cast %swap3A_1020 : vector<1x16xf32> to vector<16xf32>
      %swap3A_1022 = vector.shape_cast %get3A_1017 : vector<16xf32> to vector<1x16xf32>
      tpu.vector_store %arg9[%swap3A_1018, %swap3A_1019], %swap3A_1022 {strides = array<i32>} : memref<64x128xf32, #tpu.memory_space<vmem>>, vector<1x16xf32>,
      %add3A_1023 = arith.constant 48 : i32
      %add3A_1024 = arith.addi %and3A_961, %add3A_1023 : i32
      %get3A_1025 = arith.index_cast %add3A_965 : i32 to index
      %get3A_1026 = arith.index_cast %add3A_1024 : i32 to index
      %get3A_1027 = tpu.vector_load %arg8[%get3A_1025, %get3A_1026] {strides = array<i32>} : memref<128x128xf32, #tpu.memory_space<vmem>>, vector<1x16xf32>,
      %get3A_1028 = vector.shape_cast %get3A_1027 : vector<1x16xf32> to vector<16xf32>
      %swap3A_1029 = arith.index_cast %select_n3A_989 : i32 to index
      %swap3A_1030 = arith.constant 112 : index
      %swap3A_1031 = tpu.vector_load %arg9[%swap3A_1029, %swap3A_1030] {strides = array<i32>} : memref<64x128xf32, #tpu.memory_space<vmem>>, vector<1x16xf32>,
      %swap3A_1032 = vector.shape_cast %swap3A_1031 : vector<1x16xf32> to vector<16xf32>
      %swap3A_1033 = vector.shape_cast %get3A_1028 : vector<16xf32> to vector<1x16xf32>
      tpu.vector_store %arg9[%swap3A_1029, %swap3A_1030], %swap3A_1033 {strides = array<i32>} : memref<64x128xf32, #tpu.memory_space<vmem>>, vector<1x16xf32>,
      %slice3A_1034 = vector.extract_strided_slice %get3A_101 {offsets = [12], sizes = [1], strides = [1]} : vector<16xi32> to vector<1xi32>
      %squeeze3A_1035 = vector.extract %slice3A_1034[0] : i32 from vector<1xi32>
      %shift_right_logical3A_1036 = arith.constant 7 : i32
      %shift_right_logical3A_1037 = arith.shrui %squeeze3A_1035, %shift_right_logical3A_1036 : i32
      %and3A_1038 = arith.constant 64 : i32
      %and3A_1039 = arith.andi %shift_right_logical3A_1037, %and3A_1038 : i32
      %mul3A_1040 = arith.constant 16 : i32
      %mul3A_1041 = arith.muli %scan3A_96, %mul3A_1040 : i32
      %add3A_1042 = arith.constant 12 : i32
      %add3A_1043 = arith.addi %mul3A_1041, %add3A_1042 : i32
      %jit3A_1044 = arith.constant 2 : i32
      %div3A_1045 = arith.divsi %add3A_1043, %jit3A_1044 : i32
      %sign3A_1046 = arith.constant 0 : i32
      %sign3A_1047 = arith.cmpi sgt, %add3A_1043, %sign3A_1046 : i32
      %sign3A_1048 = arith.extui %sign3A_1047 : i1 to i32
      %sign3A_1049 = arith.constant 0 : i32
      %sign3A_1050 = arith.cmpi slt, %add3A_1043, %sign3A_1049 : i32
      %sign3A_1051 = arith.extui %sign3A_1050 : i1 to i32
      %sign3A_1052 = arith.subi %sign3A_1048, %sign3A_1051 : i32
      %sign3A_1053 = arith.constant 0 : i32
      %sign3A_1054 = arith.cmpi sgt, %jit3A_1044, %sign3A_1053 : i32
      %sign3A_1055 = arith.extui %sign3A_1054 : i1 to i32
      %sign3A_1056 = arith.constant 0 : i32
      %sign3A_1057 = arith.cmpi slt, %jit3A_1044, %sign3A_1056 : i32
      %sign3A_1058 = arith.extui %sign3A_1057 : i1 to i32
      %sign3A_1059 = arith.subi %sign3A_1055, %sign3A_1058 : i32
      %ne3A_1060 = arith.cmpi ne, %sign3A_1052, %sign3A_1059 : i32
      %rem3A_1061 = arith.remsi %add3A_1043, %jit3A_1044 : i32
      %ne3A_1062 = arith.constant 0 : i32
      %ne3A_1063 = arith.cmpi ne, %rem3A_1061, %ne3A_1062 : i32
      %and3A_1064 = arith.andi %ne3A_1060, %ne3A_1063 : i1
      %sub3A_1065 = arith.constant 1 : i32
      %sub3A_1066 = arith.subi %div3A_1045, %sub3A_1065 : i32
      %select_n3A_1067 = arith.select %and3A_1064, %sub3A_1066, %div3A_1045 : i32
      %add3A_1068 = arith.constant 0 : i32
      %add3A_1069 = arith.addi %and3A_1039, %add3A_1068 : i32
      %get3A_1070 = arith.index_cast %add3A_1043 : i32 to index
      %get3A_1071 = arith.index_cast %add3A_1069 : i32 to index
      %get3A_1072 = tpu.vector_load %arg8[%get3A_1070, %get3A_1071] {strides = array<i32>} : memref<128x128xf32, #tpu.memory_space<vmem>>, vector<1x16xf32>,
      %get3A_1073 = vector.shape_cast %get3A_1072 : vector<1x16xf32> to vector<16xf32>
      %swap3A_1074 = arith.index_cast %select_n3A_1067 : i32 to index
      %swap3A_1075 = arith.constant 0 : index
      %swap3A_1076 = tpu.vector_load %arg9[%swap3A_1074, %swap3A_1075] {strides = array<i32>} : memref<64x128xf32, #tpu.memory_space<vmem>>, vector<1x16xf32>,
      %swap3A_1077 = vector.shape_cast %swap3A_1076 : vector<1x16xf32> to vector<16xf32>
      %swap3A_1078 = vector.shape_cast %get3A_1073 : vector<16xf32> to vector<1x16xf32>
      tpu.vector_store %arg9[%swap3A_1074, %swap3A_1075], %swap3A_1078 {strides = array<i32>} : memref<64x128xf32, #tpu.memory_space<vmem>>, vector<1x16xf32>,
      %add3A_1079 = arith.constant 16 : i32
      %add3A_1080 = arith.addi %and3A_1039, %add3A_1079 : i32
      %get3A_1081 = arith.index_cast %add3A_1043 : i32 to index
      %get3A_1082 = arith.index_cast %add3A_1080 : i32 to index
      %get3A_1083 = tpu.vector_load %arg8[%get3A_1081, %get3A_1082] {strides = array<i32>} : memref<128x128xf32, #tpu.memory_space<vmem>>, vector<1x16xf32>,
      %get3A_1084 = vector.shape_cast %get3A_1083 : vector<1x16xf32> to vector<16xf32>
      %swap3A_1085 = arith.index_cast %select_n3A_1067 : i32 to index
      %swap3A_1086 = arith.constant 16 : index
      %swap3A_1087 = tpu.vector_load %arg9[%swap3A_1085, %swap3A_1086] {strides = array<i32>} : memref<64x128xf32, #tpu.memory_space<vmem>>, vector<1x16xf32>,
      %swap3A_1088 = vector.shape_cast %swap3A_1087 : vector<1x16xf32> to vector<16xf32>
      %swap3A_1089 = vector.shape_cast %get3A_1084 : vector<16xf32> to vector<1x16xf32>
      tpu.vector_store %arg9[%swap3A_1085, %swap3A_1086], %swap3A_1089 {strides = array<i32>} : memref<64x128xf32, #tpu.memory_space<vmem>>, vector<1x16xf32>,
      %add3A_1090 = arith.constant 32 : i32
      %add3A_1091 = arith.addi %and3A_1039, %add3A_1090 : i32
      %get3A_1092 = arith.index_cast %add3A_1043 : i32 to index
      %get3A_1093 = arith.index_cast %add3A_1091 : i32 to index
      %get3A_1094 = tpu.vector_load %arg8[%get3A_1092, %get3A_1093] {strides = array<i32>} : memref<128x128xf32, #tpu.memory_space<vmem>>, vector<1x16xf32>,
      %get3A_1095 = vector.shape_cast %get3A_1094 : vector<1x16xf32> to vector<16xf32>
      %swap3A_1096 = arith.index_cast %select_n3A_1067 : i32 to index
      %swap3A_1097 = arith.constant 32 : index
      %swap3A_1098 = tpu.vector_load %arg9[%swap3A_1096, %swap3A_1097] {strides = array<i32>} : memref<64x128xf32, #tpu.memory_space<vmem>>, vector<1x16xf32>,
      %swap3A_1099 = vector.shape_cast %swap3A_1098 : vector<1x16xf32> to vector<16xf32>
      %swap3A_1100 = vector.shape_cast %get3A_1095 : vector<16xf32> to vector<1x16xf32>
      tpu.vector_store %arg9[%swap3A_1096, %swap3A_1097], %swap3A_1100 {strides = array<i32>} : memref<64x128xf32, #tpu.memory_space<vmem>>, vector<1x16xf32>,
      %add3A_1101 = arith.constant 48 : i32
      %add3A_1102 = arith.addi %and3A_1039, %add3A_1101 : i32
      %get3A_1103 = arith.index_cast %add3A_1043 : i32 to index
      %get3A_1104 = arith.index_cast %add3A_1102 : i32 to index
      %get3A_1105 = tpu.vector_load %arg8[%get3A_1103, %get3A_1104] {strides = array<i32>} : memref<128x128xf32, #tpu.memory_space<vmem>>, vector<1x16xf32>,
      %get3A_1106 = vector.shape_cast %get3A_1105 : vector<1x16xf32> to vector<16xf32>
      %swap3A_1107 = arith.index_cast %select_n3A_1067 : i32 to index
      %swap3A_1108 = arith.constant 48 : index
      %swap3A_1109 = tpu.vector_load %arg9[%swap3A_1107, %swap3A_1108] {strides = array<i32>} : memref<64x128xf32, #tpu.memory_space<vmem>>, vector<1x16xf32>,
      %swap3A_1110 = vector.shape_cast %swap3A_1109 : vector<1x16xf32> to vector<16xf32>
      %swap3A_1111 = vector.shape_cast %get3A_1106 : vector<16xf32> to vector<1x16xf32>
      tpu.vector_store %arg9[%swap3A_1107, %swap3A_1108], %swap3A_1111 {strides = array<i32>} : memref<64x128xf32, #tpu.memory_space<vmem>>, vector<1x16xf32>,
      %slice3A_1112 = vector.extract_strided_slice %get3A_101 {offsets = [13], sizes = [1], strides = [1]} : vector<16xi32> to vector<1xi32>
      %squeeze3A_1113 = vector.extract %slice3A_1112[0] : i32 from vector<1xi32>
      %shift_right_logical3A_1114 = arith.constant 7 : i32
      %shift_right_logical3A_1115 = arith.shrui %squeeze3A_1113, %shift_right_logical3A_1114 : i32
      %and3A_1116 = arith.constant 64 : i32
      %and3A_1117 = arith.andi %shift_right_logical3A_1115, %and3A_1116 : i32
      %mul3A_1118 = arith.constant 16 : i32
      %mul3A_1119 = arith.muli %scan3A_96, %mul3A_1118 : i32
      %add3A_1120 = arith.constant 13 : i32
      %add3A_1121 = arith.addi %mul3A_1119, %add3A_1120 : i32
      %jit3A_1122 = arith.constant 2 : i32
      %div3A_1123 = arith.divsi %add3A_1121, %jit3A_1122 : i32
      %sign3A_1124 = arith.constant 0 : i32
      %sign3A_1125 = arith.cmpi sgt, %add3A_1121, %sign3A_1124 : i32
      %sign3A_1126 = arith.extui %sign3A_1125 : i1 to i32
      %sign3A_1127 = arith.constant 0 : i32
      %sign3A_1128 = arith.cmpi slt, %add3A_1121, %sign3A_1127 : i32
      %sign3A_1129 = arith.extui %sign3A_1128 : i1 to i32
      %sign3A_1130 = arith.subi %sign3A_1126, %sign3A_1129 : i32
      %sign3A_1131 = arith.constant 0 : i32
      %sign3A_1132 = arith.cmpi sgt, %jit3A_1122, %sign3A_1131 : i32
      %sign3A_1133 = arith.extui %sign3A_1132 : i1 to i32
      %sign3A_1134 = arith.constant 0 : i32
      %sign3A_1135 = arith.cmpi slt, %jit3A_1122, %sign3A_1134 : i32
      %sign3A_1136 = arith.extui %sign3A_1135 : i1 to i32
      %sign3A_1137 = arith.subi %sign3A_1133, %sign3A_1136 : i32
      %ne3A_1138 = arith.cmpi ne, %sign3A_1130, %sign3A_1137 : i32
      %rem3A_1139 = arith.remsi %add3A_1121, %jit3A_1122 : i32
      %ne3A_1140 = arith.constant 0 : i32
      %ne3A_1141 = arith.cmpi ne, %rem3A_1139, %ne3A_1140 : i32
      %and3A_1142 = arith.andi %ne3A_1138, %ne3A_1141 : i1
      %sub3A_1143 = arith.constant 1 : i32
      %sub3A_1144 = arith.subi %div3A_1123, %sub3A_1143 : i32
      %select_n3A_1145 = arith.select %and3A_1142, %sub3A_1144, %div3A_1123 : i32
      %add3A_1146 = arith.constant 0 : i32
      %add3A_1147 = arith.addi %and3A_1117, %add3A_1146 : i32
      %get3A_1148 = arith.index_cast %add3A_1121 : i32 to index
      %get3A_1149 = arith.index_cast %add3A_1147 : i32 to index
      %get3A_1150 = tpu.vector_load %arg8[%get3A_1148, %get3A_1149] {strides = array<i32>} : memref<128x128xf32, #tpu.memory_space<vmem>>, vector<1x16xf32>,
      %get3A_1151 = vector.shape_cast %get3A_1150 : vector<1x16xf32> to vector<16xf32>
      %swap3A_1152 = arith.index_cast %select_n3A_1145 : i32 to index
      %swap3A_1153 = arith.constant 64 : index
      %swap3A_1154 = tpu.vector_load %arg9[%swap3A_1152, %swap3A_1153] {strides = array<i32>} : memref<64x128xf32, #tpu.memory_space<vmem>>, vector<1x16xf32>,
      %swap3A_1155 = vector.shape_cast %swap3A_1154 : vector<1x16xf32> to vector<16xf32>
      %swap3A_1156 = vector.shape_cast %get3A_1151 : vector<16xf32> to vector<1x16xf32>
      tpu.vector_store %arg9[%swap3A_1152, %swap3A_1153], %swap3A_1156 {strides = array<i32>} : memref<64x128xf32, #tpu.memory_space<vmem>>, vector<1x16xf32>,
      %add3A_1157 = arith.constant 16 : i32
      %add3A_1158 = arith.addi %and3A_1117, %add3A_1157 : i32
      %get3A_1159 = arith.index_cast %add3A_1121 : i32 to index
      %get3A_1160 = arith.index_cast %add3A_1158 : i32 to index
      %get3A_1161 = tpu.vector_load %arg8[%get3A_1159, %get3A_1160] {strides = array<i32>} : memref<128x128xf32, #tpu.memory_space<vmem>>, vector<1x16xf32>,
      %get3A_1162 = vector.shape_cast %get3A_1161 : vector<1x16xf32> to vector<16xf32>
      %swap3A_1163 = arith.index_cast %select_n3A_1145 : i32 to index
      %swap3A_1164 = arith.constant 80 : index
      %swap3A_1165 = tpu.vector_load %arg9[%swap3A_1163, %swap3A_1164] {strides = array<i32>} : memref<64x128xf32, #tpu.memory_space<vmem>>, vector<1x16xf32>,
      %swap3A_1166 = vector.shape_cast %swap3A_1165 : vector<1x16xf32> to vector<16xf32>
      %swap3A_1167 = vector.shape_cast %get3A_1162 : vector<16xf32> to vector<1x16xf32>
      tpu.vector_store %arg9[%swap3A_1163, %swap3A_1164], %swap3A_1167 {strides = array<i32>} : memref<64x128xf32, #tpu.memory_space<vmem>>, vector<1x16xf32>,
      %add3A_1168 = arith.constant 32 : i32
      %add3A_1169 = arith.addi %and3A_1117, %add3A_1168 : i32
      %get3A_1170 = arith.index_cast %add3A_1121 : i32 to index
      %get3A_1171 = arith.index_cast %add3A_1169 : i32 to index
      %get3A_1172 = tpu.vector_load %arg8[%get3A_1170, %get3A_1171] {strides = array<i32>} : memref<128x128xf32, #tpu.memory_space<vmem>>, vector<1x16xf32>,
      %get3A_1173 = vector.shape_cast %get3A_1172 : vector<1x16xf32> to vector<16xf32>
      %swap3A_1174 = arith.index_cast %select_n3A_1145 : i32 to index
      %swap3A_1175 = arith.constant 96 : index
      %swap3A_1176 = tpu.vector_load %arg9[%swap3A_1174, %swap3A_1175] {strides = array<i32>} : memref<64x128xf32, #tpu.memory_space<vmem>>, vector<1x16xf32>,
      %swap3A_1177 = vector.shape_cast %swap3A_1176 : vector<1x16xf32> to vector<16xf32>
      %swap3A_1178 = vector.shape_cast %get3A_1173 : vector<16xf32> to vector<1x16xf32>
      tpu.vector_store %arg9[%swap3A_1174, %swap3A_1175], %swap3A_1178 {strides = array<i32>} : memref<64x128xf32, #tpu.memory_space<vmem>>, vector<1x16xf32>,
      %add3A_1179 = arith.constant 48 : i32
      %add3A_1180 = arith.addi %and3A_1117, %add3A_1179 : i32
      %get3A_1181 = arith.index_cast %add3A_1121 : i32 to index
      %get3A_1182 = arith.index_cast %add3A_1180 : i32 to index
      %get3A_1183 = tpu.vector_load %arg8[%get3A_1181, %get3A_1182] {strides = array<i32>} : memref<128x128xf32, #tpu.memory_space<vmem>>, vector<1x16xf32>,
      %get3A_1184 = vector.shape_cast %get3A_1183 : vector<1x16xf32> to vector<16xf32>
      %swap3A_1185 = arith.index_cast %select_n3A_1145 : i32 to index
      %swap3A_1186 = arith.constant 112 : index
      %swap3A_1187 = tpu.vector_load %arg9[%swap3A_1185, %swap3A_1186] {strides = array<i32>} : memref<64x128xf32, #tpu.memory_space<vmem>>, vector<1x16xf32>,
      %swap3A_1188 = vector.shape_cast %swap3A_1187 : vector<1x16xf32> to vector<16xf32>
      %swap3A_1189 = vector.shape_cast %get3A_1184 : vector<16xf32> to vector<1x16xf32>
      tpu.vector_store %arg9[%swap3A_1185, %swap3A_1186], %swap3A_1189 {strides = array<i32>} : memref<64x128xf32, #tpu.memory_space<vmem>>, vector<1x16xf32>,
      %slice3A_1190 = vector.extract_strided_slice %get3A_101 {offsets = [14], sizes = [1], strides = [1]} : vector<16xi32> to vector<1xi32>
      %squeeze3A_1191 = vector.extract %slice3A_1190[0] : i32 from vector<1xi32>
      %shift_right_logical3A_1192 = arith.constant 7 : i32
      %shift_right_logical3A_1193 = arith.shrui %squeeze3A_1191, %shift_right_logical3A_1192 : i32
      %and3A_1194 = arith.constant 64 : i32
      %and3A_1195 = arith.andi %shift_right_logical3A_1193, %and3A_1194 : i32
      %mul3A_1196 = arith.constant 16 : i32
      %mul3A_1197 = arith.muli %scan3A_96, %mul3A_1196 : i32
      %add3A_1198 = arith.constant 14 : i32
      %add3A_1199 = arith.addi %mul3A_1197, %add3A_1198 : i32
      %jit3A_1200 = arith.constant 2 : i32
      %div3A_1201 = arith.divsi %add3A_1199, %jit3A_1200 : i32
      %sign3A_1202 = arith.constant 0 : i32
      %sign3A_1203 = arith.cmpi sgt, %add3A_1199, %sign3A_1202 : i32
      %sign3A_1204 = arith.extui %sign3A_1203 : i1 to i32
      %sign3A_1205 = arith.constant 0 : i32
      %sign3A_1206 = arith.cmpi slt, %add3A_1199, %sign3A_1205 : i32
      %sign3A_1207 = arith.extui %sign3A_1206 : i1 to i32
      %sign3A_1208 = arith.subi %sign3A_1204, %sign3A_1207 : i32
      %sign3A_1209 = arith.constant 0 : i32
      %sign3A_1210 = arith.cmpi sgt, %jit3A_1200, %sign3A_1209 : i32
      %sign3A_1211 = arith.extui %sign3A_1210 : i1 to i32
      %sign3A_1212 = arith.constant 0 : i32
      %sign3A_1213 = arith.cmpi slt, %jit3A_1200, %sign3A_1212 : i32
      %sign3A_1214 = arith.extui %sign3A_1213 : i1 to i32
      %sign3A_1215 = arith.subi %sign3A_1211, %sign3A_1214 : i32
      %ne3A_1216 = arith.cmpi ne, %sign3A_1208, %sign3A_1215 : i32
      %rem3A_1217 = arith.remsi %add3A_1199, %jit3A_1200 : i32
      %ne3A_1218 = arith.constant 0 : i32
      %ne3A_1219 = arith.cmpi ne, %rem3A_1217, %ne3A_1218 : i32
      %and3A_1220 = arith.andi %ne3A_1216, %ne3A_1219 : i1
      %sub3A_1221 = arith.constant 1 : i32
      %sub3A_1222 = arith.subi %div3A_1201, %sub3A_1221 : i32
      %select_n3A_1223 = arith.select %and3A_1220, %sub3A_1222, %div3A_1201 : i32
      %add3A_1224 = arith.constant 0 : i32
      %add3A_1225 = arith.addi %and3A_1195, %add3A_1224 : i32
      %get3A_1226 = arith.index_cast %add3A_1199 : i32 to index
      %get3A_1227 = arith.index_cast %add3A_1225 : i32 to index
      %get3A_1228 = tpu.vector_load %arg8[%get3A_1226, %get3A_1227] {strides = array<i32>} : memref<128x128xf32, #tpu.memory_space<vmem>>, vector<1x16xf32>,
      %get3A_1229 = vector.shape_cast %get3A_1228 : vector<1x16xf32> to vector<16xf32>
      %swap3A_1230 = arith.index_cast %select_n3A_1223 : i32 to index
      %swap3A_1231 = arith.constant 0 : index
      %swap3A_1232 = tpu.vector_load %arg9[%swap3A_1230, %swap3A_1231] {strides = array<i32>} : memref<64x128xf32, #tpu.memory_space<vmem>>, vector<1x16xf32>,
      %swap3A_1233 = vector.shape_cast %swap3A_1232 : vector<1x16xf32> to vector<16xf32>
      %swap3A_1234 = vector.shape_cast %get3A_1229 : vector<16xf32> to vector<1x16xf32>
      tpu.vector_store %arg9[%swap3A_1230, %swap3A_1231], %swap3A_1234 {strides = array<i32>} : memref<64x128xf32, #tpu.memory_space<vmem>>, vector<1x16xf32>,
      %add3A_1235 = arith.constant 16 : i32
      %add3A_1236 = arith.addi %and3A_1195, %add3A_1235 : i32
      %get3A_1237 = arith.index_cast %add3A_1199 : i32 to index
      %get3A_1238 = arith.index_cast %add3A_1236 : i32 to index
      %get3A_1239 = tpu.vector_load %arg8[%get3A_1237, %get3A_1238] {strides = array<i32>} : memref<128x128xf32, #tpu.memory_space<vmem>>, vector<1x16xf32>,
      %get3A_1240 = vector.shape_cast %get3A_1239 : vector<1x16xf32> to vector<16xf32>
      %swap3A_1241 = arith.index_cast %select_n3A_1223 : i32 to index
      %swap3A_1242 = arith.constant 16 : index
      %swap3A_1243 = tpu.vector_load %arg9[%swap3A_1241, %swap3A_1242] {strides = array<i32>} : memref<64x128xf32, #tpu.memory_space<vmem>>, vector<1x16xf32>,
      %swap3A_1244 = vector.shape_cast %swap3A_1243 : vector<1x16xf32> to vector<16xf32>
      %swap3A_1245 = vector.shape_cast %get3A_1240 : vector<16xf32> to vector<1x16xf32>
      tpu.vector_store %arg9[%swap3A_1241, %swap3A_1242], %swap3A_1245 {strides = array<i32>} : memref<64x128xf32, #tpu.memory_space<vmem>>, vector<1x16xf32>,
      %add3A_1246 = arith.constant 32 : i32
      %add3A_1247 = arith.addi %and3A_1195, %add3A_1246 : i32
      %get3A_1248 = arith.index_cast %add3A_1199 : i32 to index
      %get3A_1249 = arith.index_cast %add3A_1247 : i32 to index
      %get3A_1250 = tpu.vector_load %arg8[%get3A_1248, %get3A_1249] {strides = array<i32>} : memref<128x128xf32, #tpu.memory_space<vmem>>, vector<1x16xf32>,
      %get3A_1251 = vector.shape_cast %get3A_1250 : vector<1x16xf32> to vector<16xf32>
      %swap3A_1252 = arith.index_cast %select_n3A_1223 : i32 to index
      %swap3A_1253 = arith.constant 32 : index
      %swap3A_1254 = tpu.vector_load %arg9[%swap3A_1252, %swap3A_1253] {strides = array<i32>} : memref<64x128xf32, #tpu.memory_space<vmem>>, vector<1x16xf32>,
      %swap3A_1255 = vector.shape_cast %swap3A_1254 : vector<1x16xf32> to vector<16xf32>
      %swap3A_1256 = vector.shape_cast %get3A_1251 : vector<16xf32> to vector<1x16xf32>
      tpu.vector_store %arg9[%swap3A_1252, %swap3A_1253], %swap3A_1256 {strides = array<i32>} : memref<64x128xf32, #tpu.memory_space<vmem>>, vector<1x16xf32>,
      %add3A_1257 = arith.constant 48 : i32
      %add3A_1258 = arith.addi %and3A_1195, %add3A_1257 : i32
      %get3A_1259 = arith.index_cast %add3A_1199 : i32 to index
      %get3A_1260 = arith.index_cast %add3A_1258 : i32 to index
      %get3A_1261 = tpu.vector_load %arg8[%get3A_1259, %get3A_1260] {strides = array<i32>} : memref<128x128xf32, #tpu.memory_space<vmem>>, vector<1x16xf32>,
      %get3A_1262 = vector.shape_cast %get3A_1261 : vector<1x16xf32> to vector<16xf32>
      %swap3A_1263 = arith.index_cast %select_n3A_1223 : i32 to index
      %swap3A_1264 = arith.constant 48 : index
      %swap3A_1265 = tpu.vector_load %arg9[%swap3A_1263, %swap3A_1264] {strides = array<i32>} : memref<64x128xf32, #tpu.memory_space<vmem>>, vector<1x16xf32>,
      %swap3A_1266 = vector.shape_cast %swap3A_1265 : vector<1x16xf32> to vector<16xf32>
      %swap3A_1267 = vector.shape_cast %get3A_1262 : vector<16xf32> to vector<1x16xf32>
      tpu.vector_store %arg9[%swap3A_1263, %swap3A_1264], %swap3A_1267 {strides = array<i32>} : memref<64x128xf32, #tpu.memory_space<vmem>>, vector<1x16xf32>,
      %slice3A_1268 = vector.extract_strided_slice %get3A_101 {offsets = [15], sizes = [1], strides = [1]} : vector<16xi32> to vector<1xi32>
      %squeeze3A_1269 = vector.extract %slice3A_1268[0] : i32 from vector<1xi32>
      %shift_right_logical3A_1270 = arith.constant 7 : i32
      %shift_right_logical3A_1271 = arith.shrui %squeeze3A_1269, %shift_right_logical3A_1270 : i32
      %and3A_1272 = arith.constant 64 : i32
      %and3A_1273 = arith.andi %shift_right_logical3A_1271, %and3A_1272 : i32
      %mul3A_1274 = arith.constant 16 : i32
      %mul3A_1275 = arith.muli %scan3A_96, %mul3A_1274 : i32
      %add3A_1276 = arith.constant 15 : i32
      %add3A_1277 = arith.addi %mul3A_1275, %add3A_1276 : i32
      %jit3A_1278 = arith.constant 2 : i32
      %div3A_1279 = arith.divsi %add3A_1277, %jit3A_1278 : i32
      %sign3A_1280 = arith.constant 0 : i32
      %sign3A_1281 = arith.cmpi sgt, %add3A_1277, %sign3A_1280 : i32
      %sign3A_1282 = arith.extui %sign3A_1281 : i1 to i32
      %sign3A_1283 = arith.constant 0 : i32
      %sign3A_1284 = arith.cmpi slt, %add3A_1277, %sign3A_1283 : i32
      %sign3A_1285 = arith.extui %sign3A_1284 : i1 to i32
      %sign3A_1286 = arith.subi %sign3A_1282, %sign3A_1285 : i32
      %sign3A_1287 = arith.constant 0 : i32
      %sign3A_1288 = arith.cmpi sgt, %jit3A_1278, %sign3A_1287 : i32
      %sign3A_1289 = arith.extui %sign3A_1288 : i1 to i32
      %sign3A_1290 = arith.constant 0 : i32
      %sign3A_1291 = arith.cmpi slt, %jit3A_1278, %sign3A_1290 : i32
      %sign3A_1292 = arith.extui %sign3A_1291 : i1 to i32
      %sign3A_1293 = arith.subi %sign3A_1289, %sign3A_1292 : i32
      %ne3A_1294 = arith.cmpi ne, %sign3A_1286, %sign3A_1293 : i32
      %rem3A_1295 = arith.remsi %add3A_1277, %jit3A_1278 : i32
      %ne3A_1296 = arith.constant 0 : i32
      %ne3A_1297 = arith.cmpi ne, %rem3A_1295, %ne3A_1296 : i32
      %and3A_1298 = arith.andi %ne3A_1294, %ne3A_1297 : i1
      %sub3A_1299 = arith.constant 1 : i32
      %sub3A_1300 = arith.subi %div3A_1279, %sub3A_1299 : i32
      %select_n3A_1301 = arith.select %and3A_1298, %sub3A_1300, %div3A_1279 : i32
      %add3A_1302 = arith.constant 0 : i32
      %add3A_1303 = arith.addi %and3A_1273, %add3A_1302 : i32
      %get3A_1304 = arith.index_cast %add3A_1277 : i32 to index
      %get3A_1305 = arith.index_cast %add3A_1303 : i32 to index
      %get3A_1306 = tpu.vector_load %arg8[%get3A_1304, %get3A_1305] {strides = array<i32>} : memref<128x128xf32, #tpu.memory_space<vmem>>, vector<1x16xf32>,
      %get3A_1307 = vector.shape_cast %get3A_1306 : vector<1x16xf32> to vector<16xf32>
      %swap3A_1308 = arith.index_cast %select_n3A_1301 : i32 to index
      %swap3A_1309 = arith.constant 64 : index
      %swap3A_1310 = tpu.vector_load %arg9[%swap3A_1308, %swap3A_1309] {strides = array<i32>} : memref<64x128xf32, #tpu.memory_space<vmem>>, vector<1x16xf32>,
      %swap3A_1311 = vector.shape_cast %swap3A_1310 : vector<1x16xf32> to vector<16xf32>
      %swap3A_1312 = vector.shape_cast %get3A_1307 : vector<16xf32> to vector<1x16xf32>
      tpu.vector_store %arg9[%swap3A_1308, %swap3A_1309], %swap3A_1312 {strides = array<i32>} : memref<64x128xf32, #tpu.memory_space<vmem>>, vector<1x16xf32>,
      %add3A_1313 = arith.constant 16 : i32
      %add3A_1314 = arith.addi %and3A_1273, %add3A_1313 : i32
      %get3A_1315 = arith.index_cast %add3A_1277 : i32 to index
      %get3A_1316 = arith.index_cast %add3A_1314 : i32 to index
      %get3A_1317 = tpu.vector_load %arg8[%get3A_1315, %get3A_1316] {strides = array<i32>} : memref<128x128xf32, #tpu.memory_space<vmem>>, vector<1x16xf32>,
      %get3A_1318 = vector.shape_cast %get3A_1317 : vector<1x16xf32> to vector<16xf32>
      %swap3A_1319 = arith.index_cast %select_n3A_1301 : i32 to index
      %swap3A_1320 = arith.constant 80 : index
      %swap3A_1321 = tpu.vector_load %arg9[%swap3A_1319, %swap3A_1320] {strides = array<i32>} : memref<64x128xf32, #tpu.memory_space<vmem>>, vector<1x16xf32>,
      %swap3A_1322 = vector.shape_cast %swap3A_1321 : vector<1x16xf32> to vector<16xf32>
      %swap3A_1323 = vector.shape_cast %get3A_1318 : vector<16xf32> to vector<1x16xf32>
      tpu.vector_store %arg9[%swap3A_1319, %swap3A_1320], %swap3A_1323 {strides = array<i32>} : memref<64x128xf32, #tpu.memory_space<vmem>>, vector<1x16xf32>,
      %add3A_1324 = arith.constant 32 : i32
      %add3A_1325 = arith.addi %and3A_1273, %add3A_1324 : i32
      %get3A_1326 = arith.index_cast %add3A_1277 : i32 to index
      %get3A_1327 = arith.index_cast %add3A_1325 : i32 to index
      %get3A_1328 = tpu.vector_load %arg8[%get3A_1326, %get3A_1327] {strides = array<i32>} : memref<128x128xf32, #tpu.memory_space<vmem>>, vector<1x16xf32>,
      %get3A_1329 = vector.shape_cast %get3A_1328 : vector<1x16xf32> to vector<16xf32>
      %swap3A_1330 = arith.index_cast %select_n3A_1301 : i32 to index
      %swap3A_1331 = arith.constant 96 : index
      %swap3A_1332 = tpu.vector_load %arg9[%swap3A_1330, %swap3A_1331] {strides = array<i32>} : memref<64x128xf32, #tpu.memory_space<vmem>>, vector<1x16xf32>,
      %swap3A_1333 = vector.shape_cast %swap3A_1332 : vector<1x16xf32> to vector<16xf32>
      %swap3A_1334 = vector.shape_cast %get3A_1329 : vector<16xf32> to vector<1x16xf32>
      tpu.vector_store %arg9[%swap3A_1330, %swap3A_1331], %swap3A_1334 {strides = array<i32>} : memref<64x128xf32, #tpu.memory_space<vmem>>, vector<1x16xf32>,
      %add3A_1335 = arith.constant 48 : i32
      %add3A_1336 = arith.addi %and3A_1273, %add3A_1335 : i32
      %get3A_1337 = arith.index_cast %add3A_1277 : i32 to index
      %get3A_1338 = arith.index_cast %add3A_1336 : i32 to index
      %get3A_1339 = tpu.vector_load %arg8[%get3A_1337, %get3A_1338] {strides = array<i32>} : memref<128x128xf32, #tpu.memory_space<vmem>>, vector<1x16xf32>,
      %get3A_1340 = vector.shape_cast %get3A_1339 : vector<1x16xf32> to vector<16xf32>
      %swap3A_1341 = arith.index_cast %select_n3A_1301 : i32 to index
      %swap3A_1342 = arith.constant 112 : index
      %swap3A_1343 = tpu.vector_load %arg9[%swap3A_1341, %swap3A_1342] {strides = array<i32>} : memref<64x128xf32, #tpu.memory_space<vmem>>, vector<1x16xf32>,
      %swap3A_1344 = vector.shape_cast %swap3A_1343 : vector<1x16xf32> to vector<16xf32>
      %swap3A_1345 = vector.shape_cast %get3A_1340 : vector<16xf32> to vector<1x16xf32>
      tpu.vector_store %arg9[%swap3A_1341, %swap3A_1342], %swap3A_1345 {strides = array<i32>} : memref<64x128xf32, #tpu.memory_space<vmem>>, vector<1x16xf32>,
    }
    %scan3A_69 = arith.constant 8 : i32
    %add3A_70 = arith.addi %multiple_of3A, %multiple_of3A_63 : i32
    %jit3A_71 = arith.constant 2 : i32
    %div3A_72 = arith.divsi %add3A_70, %jit3A_71 : i32
    %sign3A_73 = arith.constant 0 : i32
    %sign3A_74 = arith.cmpi sgt, %add3A_70, %sign3A_73 : i32
    %sign3A_75 = arith.extui %sign3A_74 : i1 to i32
    %sign3A_76 = arith.constant 0 : i32
    %sign3A_77 = arith.cmpi slt, %add3A_70, %sign3A_76 : i32
    %sign3A_78 = arith.extui %sign3A_77 : i1 to i32
    %sign3A_79 = arith.subi %sign3A_75, %sign3A_78 : i32
    %sign3A_80 = arith.constant 0 : i32
    %sign3A_81 = arith.cmpi sgt, %jit3A_71, %sign3A_80 : i32
    %sign3A_82 = arith.extui %sign3A_81 : i1 to i32
    %sign3A_83 = arith.constant 0 : i32
    %sign3A_84 = arith.cmpi slt, %jit3A_71, %sign3A_83 : i32
    %sign3A_85 = arith.extui %sign3A_84 : i1 to i32
    %sign3A_86 = arith.subi %sign3A_82, %sign3A_85 : i32
    %ne3A_87 = arith.cmpi ne, %sign3A_79, %sign3A_86 : i32
    %rem3A_88 = arith.remsi %add3A_70, %jit3A_71 : i32
    %ne3A_89 = arith.constant 0 : i32
    %ne3A_90 = arith.cmpi ne, %rem3A_88, %ne3A_89 : i32
    %and3A_91 = arith.andi %ne3A_87, %ne3A_90 : i1
    %sub3A_92 = arith.constant 1 : i32
    %sub3A_93 = arith.subi %div3A_72, %sub3A_92 : i32
    %select_n3A_94 = arith.select %and3A_91, %sub3A_93, %div3A_72 : i32
    %multiple_of3A_95 = tpu.assume_multiple %select_n3A_94, 64 : i32
    "tpu.region"() ({
      %run_scoped3A = tpu.sem_alloc : memref<!tpu.dma_semaphore, #tpu.memory_space<semaphore_mem>>
      %dma_start3A_96 = arith.constant 0 : i32
      %dma_start3A_97 = tpu.memref_slice %arg4[%multiple_of3A_95, %dma_start3A_96] : memref<102400x128xf32, #tpu.memory_space<hbm>> -> memref<64x128xf32, #tpu.memory_space<hbm>>
      %dma_start3A_98 = arith.constant 0 : i32
      %dma_start3A_99 = tpu.memref_slice %arg4[%multiple_of3A_95, %dma_start3A_98] : memref<102400x128xf32, #tpu.memory_space<hbm>> -> memref<64x128xf32, #tpu.memory_space<hbm>>
      tpu.enqueue_dma source(%arg9 : memref<64x128xf32, #tpu.memory_space<vmem>>) target(%dma_start3A_99 : memref<64x128xf32, #tpu.memory_space<hbm>>) target_semaphore(%run_scoped3A : memref<!tpu.dma_semaphore, #tpu.memory_space<semaphore_mem>>)
      %dma_wait3A_100 = arith.constant 0 : i32
      %dma_wait3A_101 = tpu.memref_slice %arg4[%multiple_of3A_95, %dma_wait3A_100] : memref<102400x128xf32, #tpu.memory_space<hbm>> -> memref<64x128xf32, #tpu.memory_space<hbm>>
      %dma_wait3A_102 = arith.constant 0 : i32
      %dma_wait3A_103 = tpu.memref_slice %arg4[%multiple_of3A_95, %dma_wait3A_102] : memref<102400x128xf32, #tpu.memory_space<hbm>> -> memref<64x128xf32, #tpu.memory_space<hbm>>
      tpu.wait_dma2 semaphore(%run_scoped3A : memref<!tpu.dma_semaphore, #tpu.memory_space<semaphore_mem>>) src(%arg9 : memref<64x128xf32, #tpu.memory_space<vmem>>) dst(%dma_wait3A_103 : memref<64x128xf32, #tpu.memory_space<hbm>>)
      tpu.yield
    }) : () -> ()
    return
  }
}

module attributes {stable_mosaic.version = 14 : i64} {
  func.func @_transpose_block(%arg0: i32, %arg1: memref<64x8192xf32, #tpu.memory_space<vmem>>, %arg2: memref<64x8192xf32, #tpu.memory_space<vmem>>, %arg3: memref<8192x128xf32, #tpu.memory_space<vmem>>) attributes {dimension_semantics = [#tpu.dimension_semantics<arbitrary>], iteration_bounds = array<i64: 62>, scalar_prefetch = 0 : i64, scratch_operands = 0 : i64, tpu.core_type = #tpu.core_type<tc>, window_params = [{transform_indices = @transform_0, window_bounds = array<i64: 64, 8192>}, {transform_indices = @transform_1, window_bounds = array<i64: 64, 8192>}, {transform_indices = @transform_2, window_bounds = array<i64: 8192, 128>}]} {
    %get3A = arith.constant 0 : index
    %get3A_0 = arith.constant 0 : index
    %get3A_1 = vector.load %arg1[%get3A, %get3A_0] : memref<64x8192xf32, #tpu.memory_space<vmem>>, vector<64x8192xf32>
    %transpose3A = tpu.transpose %get3A_1, [1, 0] : vector<64x8192xf32> -> vector<8192x64xf32>
    %mul3A = arith.constant 8.000000e+00 : f32
    %mul3A_2 = vector.broadcast %mul3A : f32 to vector<8192x64xf32>
    %mul3A_3 = arith.mulf %transpose3A, %mul3A_2 : vector<8192x64xf32>
    %swap3A = arith.constant 0 : index
    %swap3A_4 = arith.constant 0 : index
    %swap3A_5 = vector.load %arg3[%swap3A, %swap3A_4] : memref<8192x128xf32, #tpu.memory_space<vmem>>, vector<8192x64xf32>
    tpu.vector_store %arg3[%swap3A, %swap3A_4], %mul3A_3 {strides = array<i32>} : memref<8192x128xf32, #tpu.memory_space<vmem>>, vector<8192x64xf32>,
    %get3A_6 = arith.constant 0 : index
    %get3A_7 = arith.constant 0 : index
    %get3A_8 = vector.load %arg2[%get3A_6, %get3A_7] : memref<64x8192xf32, #tpu.memory_space<vmem>>, vector<64x8192xf32>
    %transpose3A_9 = tpu.transpose %get3A_8, [1, 0] : vector<64x8192xf32> -> vector<8192x64xf32>
    %mul3A_10 = arith.constant 8.000000e+00 : f32
    %mul3A_11 = vector.broadcast %mul3A_10 : f32 to vector<8192x64xf32>
    %mul3A_12 = arith.mulf %transpose3A_9, %mul3A_11 : vector<8192x64xf32>
    %swap3A_13 = arith.constant 0 : index
    %swap3A_14 = arith.constant 64 : index
    %swap3A_15 = vector.load %arg3[%swap3A_13, %swap3A_14] : memref<8192x128xf32, #tpu.memory_space<vmem>>, vector<8192x64xf32>
    tpu.vector_store %arg3[%swap3A_13, %swap3A_14], %mul3A_12 {strides = array<i32>} : memref<8192x128xf32, #tpu.memory_space<vmem>>, vector<8192x64xf32>,
    return
  }
  func.func @transform_0(%arg0: i32) -> (i32, i32) {
    %mul3A = arith.constant 2 : i32
    %mul3A_0 = arith.muli %mul3A, %arg0 : i32
    %c0_i32 = arith.constant 0 : i32
    %c0_i32_1 = arith.constant 0 : i32
    return %c0_i32, %mul3A_0 : i32, i32
  }
  func.func @transform_1(%arg0: i32) -> (i32, i32) {
    %mul3A = arith.constant 2 : i32
    %mul3A_0 = arith.muli %mul3A, %arg0 : i32
    %add3A = arith.constant 1 : i32
    %add3A_1 = arith.addi %mul3A_0, %add3A : i32
    %min3A = arith.constant 122 : i32
    %min3A_2 = arith.minsi %add3A_1, %min3A : i32
    %c0_i32 = arith.constant 0 : i32
    %c0_i32_3 = arith.constant 0 : i32
    return %c0_i32, %min3A_2 : i32, i32
  }
  func.func @transform_2(%arg0: i32) -> (i32, i32) {
    %c0_i32 = arith.constant 0 : i32
    %c0_i32_0 = arith.constant 0 : i32
    return %arg0, %c0_i32 : i32, i32
  }
}

</mosaic_0001>

<sc_bundles>
// kernel: kernel.4.cloned.1.call-start
scs
__scs_entry_jumppad:
0x0: {  	(pc) =	sbr.rel $0x88, $3  }
0x1: {  	(tag) =	ssettag $0x0;
	lr =	simm.s32 $0x1  }
0x2: {  	[smem:$0x3F9F] =	sst lr;
	_ =	strace $0xD0000000  }
0x3: {  	_ = 	snop  }
0x4: {  	_ = 	snop  }
0x5: {  	_ = 	snop  }
0x6: {  	_ = 	snop  }
0x7: {  	_ = 	snop  }
__scs_overlays_trampoline_lowered:
0x8: {  	[smem:$0x3FAE] =	sst s0  }
0x9: {  	[smem:$0x3FAF] =	sst s1  }
0xa: {  	[smem:$0x3FB0] =	sst s2  }
0xb: {  	[smem:$0x3FB1] =	sst s3  }
0xc: {  	[smem:$0x3FB2] =	sst s4  }
0xd: {  	[smem:$0x3FB3] =	sst s5  }
0xe: {  	[smem:$0x3FB4] =	sst s6  }
0xf: {  	[smem:$0x3FB5] =	sst s7  }
0x10: {  	[smem:$0x3FB6] =	sst s8  }
0x11: {  	[smem:$0x3FB7] =	sst s9;
	s0 =	simm.s32 @!p0 $0x0  }
0x12: {  	s1 =	sld [smem:$0x3F9D];
	s0 =	simm.s32 @p0 $0x1  }
0x13: {  	[smem:$0x3FB8] =	sst s0;
	s0 =	simm.s32 @!p1 $0x0  }
0x14: {  	s2 =	sld [smem:$0x3F9C];
	s0 =	simm.s32 @p1 $0x1  }
0x15: {  	[smem:$0x3FB9] =	sst s0;
	s0 =	simm.s32 @!p2 $0x0  }
0x16: {  	s3 =	sld [smem:$0x3FDB];
	s0 =	simm.s32 @p2 $0x1  }
0x17: {  	s4 =	simm.s32 $0x1BF5;
	[smem:$0x3FBB] =	sst s0  }
0x18: {  	s0 =	sld [smem:$0x3F9E];
	_ =	swait.ge [sflag:s4], $0x0  }
0x19: {  	s7 =	sld [smem:$0x3F9F]  }
0x1a: {  	s8 =	sadd.s32 $0xFFFFE003, lr  }
0x1b: {  	s9 =	sadd.s32 $0xFFFFFEF7, lr;
	s5 =	simm.s32 $0xFFFFFFFF;
	p2 =	slt.u32 s8, $0xFFFFF086  }
0x1c: {  	p1 =	slt.u32 s9, $0xF7A;
	s5 =	simm.s32 @!p2 $0x0  }
0x1d: {  	s5 =	simm.s32 @p1 $0x1;
	p0 =	seq.s32 s7, s2  }
0x1e: {  	s7 =	smul.u32 @!p0 $0xF7A, s2;
	p2 =	seq.s32 @!p0 s5, $0x0  }
0x1f: {  	s9 =	smul.u32 $0xF7A, s1;
	s8 =	simm.s32 @!p0 $0x1BF5;
	p2 =	por !p2, p0  }
0x20: {  	[sflag:s8] =	ssyncset.s32 @!p0 $0xFFFFF086;
	s6 =	sadd.s32 @!p0 s3, s7;
	s7 =	simm.s32 @!p0 $0x108  }
0x21: {  	s3 =	sadd.s32 s3, s9;
	s6 =	sadd.s32 @!p0 $0x88, s6;
	s7 =	simm.s32 @p2 $0x1082  }
0x22: {  	[simem:s7], [sflag:s8] =	dma.local @!p0 [hbm:s6], $0xF7A  }
0x23: {  	s9 =	sor.u32 $0xD0000000, s2;
	s6 =	simm.s32 $0x108;
	_ =	swait.ge @!p0 [sflag:s8], $0x0  }
0x24: {  	s3 =	sadd.s32 $0x88, s3;
	s6 =	simm.s32 @!p1 $0x1082;
	[sflag:s4] =	ssyncset.s32 $0xFFFFF086  }
0x25: {  	[simem:s6], [sflag:s4] =	dma.local [hbm:s3], $0xF7A  }
0x26: {  	[smem:$0x3F9F] =	sst s1;
	(tag) =	ssettag s2;
	_ =	strace s9  }
0x27: {  	s1 =	sld [smem:$0x3FAF]  }
0x28: {  	s2 =	sld [smem:$0x3FB0]  }
0x29: {  	s4 =	sld [smem:$0x3FB2]  }
0x2a: {  	p0 =	seq.s32 s5, $0x0;
	s5 =	sld [smem:$0x3FB3]  }
0x2b: {  	s6 =	sld [smem:$0x3FB4]  }
0x2c: {  	s7 =	sld [smem:$0x3FB5]  }
0x2d: {  	s3 =	simm.s32 $0x108;
	s8 =	sld [smem:$0x3FB6]  }
0x2e: {  	s3 =	simm.s32 @!p0 $0x1082;
	s9 =	sld [smem:$0x3FB7]  }
0x2f: {  	lr =	sadd.s32 s0, s3;
	s0 =	sld [smem:$0x3FAE]  }
0x30: {  	s3 =	sld [smem:$0x3FB1]  }
0x31: {  	[smem:$0x3FBA] =	sst s10  }
0x32: {  	s10 =	sld [smem:$0x3FB8];
	_ =	sdelay $0x3  }
0x33: {  	p0 =	seq.s32 s10, $0x1;
	s10 =	sld [smem:$0x3FBA];
	_ =	sdelay $0x3  }
0x34: {  	[smem:$0x3FBA] =	sst s10  }
0x35: {  	s10 =	sld [smem:$0x3FB9];
	_ =	sdelay $0x3  }
0x36: {  	p1 =	seq.s32 s10, $0x1;
	s10 =	sld [smem:$0x3FBA];
	_ =	sdelay $0x3  }
0x37: {  	[smem:$0x3FBA] =	sst s10  }
0x38: {  	s10 =	sld [smem:$0x3FBB]  }
0x39: {  	_ = 	snop;
	(pc) =	sbr.ind lr, $3  }
0x3a: {  	_ = 	snop  }
0x3b: {  	_ = 	snop  }
0x3c: {  	p2 =	seq.s32 s10, $0x1;
	s10 =	sld [smem:$0x3FBA]  }
0x3d: {  	_ =	shalt  }
0x3e: {  	_ =	shalt  }
0x3f: {  	_ =	shalt  }
0x40: {  	_ =	shalt  }
0x41: {  	_ =	shalt  }
0x42: {  	_ =	shalt  }
0x43: {  	_ =	shalt  }
0x44: {  	_ =	shalt  }
0x45: {  	_ =	shalt  }
0x46: {  	_ =	shalt  }
0x47: {  	_ =	shalt  }
0x48: {  	_ =	shalt  }
0x49: {  	_ =	shalt  }
0x4a: {  	_ =	shalt  }
0x4b: {  	_ =	shalt  }
0x4c: {  	_ =	shalt  }
0x4d: {  	_ =	shalt  }
0x4e: {  	_ =	shalt  }
0x4f: {  	_ =	shalt  }
0x50: {  	_ =	shalt  }
0x51: {  	_ =	shalt  }
0x52: {  	_ =	shalt  }
0x53: {  	_ =	shalt  }
0x54: {  	_ =	shalt  }
0x55: {  	_ =	shalt  }
0x56: {  	_ =	shalt  }
0x57: {  	_ =	shalt  }
0x58: {  	_ =	shalt  }
0x59: {  	_ =	shalt  }
0x5a: {  	_ =	shalt  }
0x5b: {  	_ =	shalt  }
0x5c: {  	_ =	shalt  }
0x5d: {  	_ =	shalt  }
0x5e: {  	_ =	shalt  }
0x5f: {  	_ =	shalt  }
0x60: {  	_ =	shalt  }
0x61: {  	_ =	shalt  }
0x62: {  	_ =	shalt  }
0x63: {  	_ =	shalt  }
0x64: {  	_ =	shalt  }
0x65: {  	_ =	shalt  }
0x66: {  	_ =	shalt  }
0x67: {  	_ =	shalt  }
0x68: {  	_ =	shalt  }
0x69: {  	_ =	shalt  }
0x6a: {  	_ =	shalt  }
0x6b: {  	_ =	shalt  }
0x6c: {  	_ =	shalt  }
0x6d: {  	_ =	shalt  }
0x6e: {  	_ =	shalt  }
0x6f: {  	_ =	shalt  }
0x70: {  	_ =	shalt  }
0x71: {  	_ =	shalt  }
0x72: {  	_ =	shalt  }
0x73: {  	_ =	shalt  }
0x74: {  	_ =	shalt  }
0x75: {  	_ =	shalt  }
0x76: {  	_ =	shalt  }
0x77: {  	_ =	shalt  }
0x78: {  	_ =	shalt  }
0x79: {  	_ =	shalt  }
0x7a: {  	_ =	shalt  }
0x7b: {  	_ =	shalt  }
0x7c: {  	_ =	shalt  }
0x7d: {  	_ =	shalt  }
0x7e: {  	_ =	shalt  }
0x7f: {  	_ =	shalt  }
0x80: {  	_ =	shalt  }
0x81: {  	_ =	shalt  }
0x82: {  	_ =	shalt  }
0x83: {  	_ =	shalt  }
0x84: {  	_ =	shalt  }
0x85: {  	_ =	shalt  }
0x86: {  	_ =	shalt  }
0x87: {  	_ =	shalt  }
.Lfunc_end0:
.L_simem_size_0:
called_computation.1_lowered:
.L_overlay_start_0:
0x88: {  	s2 =	sld [smem:$0x3FD9]  }
0x89: {  	s3 =	sld [smem:$0x3FFE];
	_ =	sdelay $0x1  }
0x8a: {  	s1 =	srdreg.scid  }
0x8b: {  	s0 =	sand.u32 $0x1, s1  }
0x8c: {  	s17 =	sshll.u32 s0, $0xA;
	s2 =	sadd.s32 s3, s2  }
0x8d: {  	s2 =	sadd.s32 s2, s17  }
0x8e: {  	[smem:$0x3FC6] =	sst s2  }
0x8f: {  	_ = 	snop  }
0x90: {  	s2 =	sld [smem:$0x3FD0];
	(tm) =	ssettm $0x1  }
0x91: {  	s18 =	sld [smem:$0x3FFB];
	_ =	sdelay $0x3  }
0x92: {  	_ =	strace s18  }
0x93: {  	s3 =	sld [smem:$0x3FFC];
	_ =	sdelay $0x3  }
0x94: {  	_ =	strace s3  }
0x95: {  	s3 =	sld [smem:$0x3FFD];
	_ =	sdelay $0x3  }
0x96: {  	_ =	strace s3  }
0x97: {  	_ =	strace $0x8FFFFFFF  }
0x98: {  	s19 =	sld [smem:$0x3FDB];
	_ =	sdelay $0x1  }
0x99: {  	s4 =	simm.s32 $_scs_section_size  }
0x9a: {  	s5 =	simm.s32 $_size__tile_overlayer_lowered;
	s6 =	simm.s32 $_tile_overlayer_lowered  }
0x9b: {  	s22 =	simm.s32 $0x1BFF;
	s21 =	sshll.u32 s6, $0x1;
	s3 =	sadd.s32 s4, s19  }
0x9c: {  	s7 =	simm.s32 $0x0;
	s20 =	sshll.u32 s5, $0x1;
	s5 =	sadd.s32 s21, s3  }
0x9d: {  	[timem:s7], [sflag:s22] =	dma.local [hbm:s5], s20  }
0x9e: {  	_ =	swait.ge [sflag:s22], s20  }
0x9f: {  	s4 =	ssub.s32 $0x0, s20;
	[sflag:s22] =	ssyncset.done $0x0  }
0xa0: {  	[sflag:s22] =	ssyncadd.s32 s4;
	_ =	sdelay $0x1  }
0xa1: {  	s23 =	simm.s32 $0x1B8B  }
0xa2: {  	_ =	swait.ge [sflag:s23], $0x1  }
0xa3: {  	[sflag:s23] =	ssyncset.done $0x0  }
0xa4: {  	s25 =	simm.s32 $0x1B8E;
	s24 =	sld [smem:$0x3FFE];
	[sflag:s23] =	ssyncadd.s32 $0xFFFFFFFF  }
0xa5: {  	s26 =	simm.s32 $execute0_lowered;
	[smem:$0x3FD2] =	sst s25  }
0xa6: {  	s5 =	sshll.u32 s26, $0x1;
	_ =	strace $0x80000046;
	[dreg:$0x1] =	wrdreg $0xFFFFFFFF  }
0xa7: {  	s28 =	simm.s32 $_size_execute0_lowered;
	s3 =	sadd.s32 s3, s5;
	[dreg:$0x0] =	wrdreg $0x0  }
0xa8: {  	s5 =	sshll.u32 s28, $0x1;
	[dreg:$0x2] =	wrdreg s3  }
0xa9: {  	[dreg:$0x3] =	wrdreg s5  }
0xaa: {  	[dreg:$0x4] =	wrdreg $0xC0  }
0xab: {  	_ =	task [dreg:s7], $0x5FFFF  }
0xac: {  	[dreg:$0x1] =	wrdreg $0xFFFFFFFF  }
0xad: {  	[dreg:$0x0] =	wrdreg $0x60  }
0xae: {  	[dreg:$0x2] =	wrdreg s24  }
0xaf: {  	[dreg:$0x3] =	wrdreg s2  }
0xb0: {  	[dreg:$0x4] =	wrdreg $0x9  }
0xb1: {  	_ =	task.clear_ibuf [dreg:s7], $0x5FFFF;
	_ =	strace $0x90000046  }
0xb2: {  	s29 =	simm.s32 $0x9;
	_ =	strace $0x80000048  }
0xb3: {  	_ =	swait.ge [sflag:s29], $0x1  }
0xb4: {  	[sflag:s29] =	ssyncadd.s32 $0xFFFFFFFF  }
0xb5: {  	_ =	strace $0x90000048  }
0xb6: {  	_ =	sfence  }
0xb7: {  	s30 =	sld [smem:$0x0];
	_ =	sdelay $0x2  }
0xb8: {  	s31 =	sshll.u32 s1, $0xD;
	s1 =	sshrl.u32 s1, $0x2  }
0xb9: {  	s3 =	sand.u32 $0x4000, s31;
	s1 =	sadd.s32 s1, s30  }
0xba: {  	s0 =	sor.u32 s3, s0;
	s1 =	sshll.u32 s1, $0x11  }
0xbb: {  	s0 =	sor.u32 s1, s0  }
0xbc: {  	s0 =	sadd.s32 $0x8F2B, s0  }
0xbd: {  	[sflag:s0] =	ssyncadd.remote.s32 $0x1  }
0xbe: {  	_ =	sfence.sel $0xFFFF  }
0xbf: {  	[dreg:$0x0] =	wrdreg $0xFFFFFFFF;
	(pc) =	sbr.abs _section_cstart, $3  }
0xc0: {  	[dreg:$0x1] =	wrdreg $0xFFFFFFFF  }
0xc1: {  	_ =	task.clear_ibuf [dreg:s7], $0x2FFFF;
	_ =	strace $0x9FFFFFFF  }
0xc2: {  	(tm) =	ssettm $0x7FFFFFFF  }
0xc3: {  	_ =	shalt  }
tec
execute0_lowered:
.L_overlay_start_1:
0x0: {  	(tag) =	ssettag $0x1  }
0x1: {  	s1 =	srdreg.scid;
	s6 =	rddreg [dreg:$0x0]  }
0x2: {  	s0 =	stileid.u32;
	s2 =	rddreg [dreg:$0x1];
	s3 =	simm.s32 $0x0  }
0x3: {  	s10 =	simm.s32 $0x3;
	s11 =	simm.s32 $0x1900;
	s12 =	simm.s32 $0x3200  }
0x4: {  	s13 =	simm.s32 $0x80;
	s14 =	simm.s32 $0x7200;
	s15 =	simm.s32 $0x1  }
0x5: {  	s16 =	simm.s32 $0xB200;
	s7 =	sand.u32 $0x1, s1;
	s30 =	sshll.u32 s0, $0x1  }
0x6: {  	s17 =	simm.s32 $0x2;
	s18 =	simm.s32 $0x3180;
	s5 =	sor.u32 s7, s30  }
0x7: {  	s19 =	simm.s32 $0x0;
	[smem:$0x7FF] =	sst s3;
	s4 =	smul.u32 $0x1900, s5  }
0x8: {  	s1 =	rddreg [dreg:$0x2];
	_ =	strace $0x80000047;
	s8 =	smul.u32 $0x64000, s5  }
0x9: {  	s7 =	ssub.s32 $0x2, s7;
	s5 =	sadd.s32 $0x6C00, s6;
	s9 =	sshrl.u32 s4, $0x3  }
0xa: {  	s31 =	sshrl.u32 s7, $0x1;
	s8 =	sshrl.u32 s8, $0x3;
	s6 =	sadd.s32 s9, s6  }
0xb: {  	s8 =	sadd.s32 s2, s8;
	s9 =	ssub.s32 s7, s31;
	s6 =	sadd.s32 $0x800, s6  }
0xc: {  	s7 =	sadd.s32 $0xC000, s8;
	s8 =	sadd.s32 $0xC400, s8;
	s9 =	smax.u32 s9, $0x1  }
.LBB2_1:
0xd: {  	[tilespmem:s3], [sflag:$0x3] =	stream.linear.gather [hbm4b:s6+s3], $0x1900, $0x38;
	[tilespmem:$0xD200] =	vst v63  }
0xe: {  	_ =	swait.ge [sflag:s10], $0x1900  }
0xf: {  	[sflag:s10] =	ssyncset.done $0x0  }
0x10: {  	s20 =	simm.s32 $0x0;
	[sflag:s10] =	ssyncadd.s32 $0xFFFFE700  }
0x11: {  	s21 =	simm.s32 $0x40;
	v0 =	vld [tilespmem:s20+$0x0]  }
.LBB2_2:
0x12: {  	_ =	sdelay $0x1  }
0x13: {  	p0 =	sne.s32 s21, $0x63C0  }
.Ltmp0:
0x14: {  	_ = 	snop;
	(pc) =	sbr.rel @p0 .LBB2_2-.Ltmp0, $4  }
0x15: {  	v1 =	vshrl.u32 v0, $0x1  }
0x16: {  	v2 =	vand.u32 $0x1FFF, v0;
	v1 =	vand.u32 $0x7FFFE000, v1  }
0x17: {  	s22 =	sshra.s32 s21, $0x2;
	v1 =	vor.u32 v2, v1  }
0x18: {  	s21 =	sadd.s32 $0x40, s21;
	v0 =	vld [tilespmem:s22+$0x0];
	[tilespmem:s20+$0x1900] =	vst v1;
	s20 =	smov.u32 s22  }
0x19: {  	_ =	sdelay $0x3  }
0x1a: {  	v1 =	vshrl.u32 v0, $0x1  }
0x1b: {  	v63 =	vand.u32 $0x1FFF, v0;
	v1 =	vand.u32 $0x7FFFE000, v1  }
0x1c: {  	v0 =	vor.u32 v63, v1  }
0x1d: {  	s21 =	simm.s32 $0x0;
	s22 =	simm.s32 $0x0;
	[tilespmem:s20+$0x1900] =	vst v0;
	s20 =	simm.s32 $0x80  }
0x1e: {  	[tilespmem:s12], [sflag:$0x1] =	stream.indirect.gather [hbm4b:s5+s20], $0x80, s11, s20, $0xb8;
	[tilespmem:$0xD200] =	vst v63  }
.LBB2_4:
0x1f: {  	s24 =	sshll.u32 s22, $0x8  }
0x20: {  	s23 =	sadd.s32 $0x1980, s24  }
0x21: {  	[tilespmem:s14], [sflag:$0x2] =	stream.indirect.gather [hbm4b:s5+s13], $0x80, s23, s13, $0xb8;
	[tilespmem:$0xD200] =	vst v63  }
0x22: {  	_ =	swait.ge [sflag:s15], $0x4000  }
0x23: {  	s25 =	simm.s32 $0xB400;
	s26 =	smov.u32 s21;
	[sflag:s15] =	ssyncset.done $0x0  }
0x24: {  	s28 =	simm.s32 $0x0;
	s23 =	sor.u32 $0x80, s24;
	[sflag:s15] =	ssyncadd.s32 $0xFFFFC000  }
.LBB2_5:
0x25: {  	v0 =	vld [tilespmem:s26+$0x0];
	_ =	sdelay $0x4  }
0x26: {  	v0 =	vshrl.u32 v0, $0x7  }
0x27: {  	(v2sf) =	vpush v0, $0x1  }
0x28: {  	(v2sf) =	vpush v0, $0x0;
	_ =	sdelay $0xd  }
0x29: {  	s30 =	spop (v2sf)  }
0x2a: {  	s29 =	spop (v2sf)  }
0x2b: {  	s31 =	sand.u32 $0x40, s29;
	s29 =	sshra.s32 s28, $0x2  }
0x2c: {  	s31 =	sadd.s32 s29, s31  }
0x2d: {  	v1 =	vld [tilespmem:s31+$0x3200];
	_ =	sdelay $0x4  }
0x2e: {  	[tilespmem:s25+$0xFFFFFE00] =	vst v1  }
0x2f: {  	v1 =	vld [tilespmem:s31+$0x3210];
	_ =	sdelay $0x4  }
0x30: {  	[tilespmem:s25+$0xFFFFFE10] =	vst v1  }
0x31: {  	v1 =	vld [tilespmem:s31+$0x3220];
	_ =	sdelay $0x4  }
0x32: {  	[tilespmem:s25+$0xFFFFFE20] =	vst v1  }
0x33: {  	v1 =	vld [tilespmem:s31+$0x3230];
	_ =	sdelay $0x3  }
0x34: {  	s30 =	sand.u32 $0x40, s30  }
0x35: {  	s30 =	sadd.s32 s29, s30;
	[tilespmem:s25+$0xFFFFFE30] =	vst v1  }
0x36: {  	v1 =	vld [tilespmem:s30+$0x3280];
	_ =	sdelay $0x4  }
0x37: {  	(v2sf) =	vpush v0, $0x3;
	[tilespmem:s25+$0xFFFFFE40] =	vst v1  }
0x38: {  	(v2sf) =	vpush v0, $0x2;
	v1 =	vld [tilespmem:s30+$0x3290];
	_ =	sdelay $0x4  }
0x39: {  	[tilespmem:s25+$0xFFFFFE50] =	vst v1  }
0x3a: {  	v1 =	vld [tilespmem:s30+$0x32A0];
	_ =	sdelay $0x4  }
0x3b: {  	[tilespmem:s25+$0xFFFFFE60] =	vst v1  }
0x3c: {  	v1 =	vld [tilespmem:s30+$0x32B0];
	_ =	sdelay $0x1  }
0x3d: {  	s30 =	spop (v2sf)  }
0x3e: {  	s31 =	spop (v2sf)  }
0x3f: {  	s31 =	sand.u32 $0x40, s31  }
0x40: {  	s31 =	sadd.s32 s29, s31;
	[tilespmem:s25+$0xFFFFFE70] =	vst v1  }
0x41: {  	v1 =	vld [tilespmem:s31+$0x3300];
	_ =	sdelay $0x4  }
0x42: {  	[tilespmem:s25+$0xFFFFFE80] =	vst v1  }
0x43: {  	v1 =	vld [tilespmem:s31+$0x3310];
	_ =	sdelay $0x4  }
0x44: {  	[tilespmem:s25+$0xFFFFFE90] =	vst v1  }
0x45: {  	v1 =	vld [tilespmem:s31+$0x3320];
	_ =	sdelay $0x4  }
0x46: {  	[tilespmem:s25+$0xFFFFFEA0] =	vst v1  }
0x47: {  	v1 =	vld [tilespmem:s31+$0x3330];
	_ =	sdelay $0x3  }
0x48: {  	s30 =	sand.u32 $0x40, s30  }
0x49: {  	s30 =	sadd.s32 s29, s30;
	[tilespmem:s25+$0xFFFFFEB0] =	vst v1  }
0x4a: {  	v1 =	vld [tilespmem:s30+$0x3380];
	_ =	sdelay $0x4  }
0x4b: {  	(v2sf) =	vpush v0, $0x5;
	[tilespmem:s25+$0xFFFFFEC0] =	vst v1  }
0x4c: {  	(v2sf) =	vpush v0, $0x4;
	v1 =	vld [tilespmem:s30+$0x3390];
	_ =	sdelay $0x4  }
0x4d: {  	[tilespmem:s25+$0xFFFFFED0] =	vst v1  }
0x4e: {  	v1 =	vld [tilespmem:s30+$0x33A0];
	_ =	sdelay $0x4  }
0x4f: {  	[tilespmem:s25+$0xFFFFFEE0] =	vst v1  }
0x50: {  	v1 =	vld [tilespmem:s30+$0x33B0];
	_ =	sdelay $0x1  }
0x51: {  	s30 =	spop (v2sf)  }
0x52: {  	s31 =	spop (v2sf)  }
0x53: {  	s31 =	sand.u32 $0x40, s31  }
0x54: {  	s31 =	sadd.s32 s29, s31;
	[tilespmem:s25+$0xFFFFFEF0] =	vst v1  }
0x55: {  	v1 =	vld [tilespmem:s31+$0x3400];
	_ =	sdelay $0x4  }
0x56: {  	[tilespmem:s25+$0xFFFFFF00] =	vst v1  }
0x57: {  	v1 =	vld [tilespmem:s31+$0x3410];
	_ =	sdelay $0x4  }
0x58: {  	[tilespmem:s25+$0xFFFFFF10] =	vst v1  }
0x59: {  	v1 =	vld [tilespmem:s31+$0x3420];
	_ =	sdelay $0x4  }
0x5a: {  	[tilespmem:s25+$0xFFFFFF20] =	vst v1  }
0x5b: {  	v1 =	vld [tilespmem:s31+$0x3430];
	_ =	sdelay $0x3  }
0x5c: {  	s30 =	sand.u32 $0x40, s30  }
0x5d: {  	s30 =	sadd.s32 s29, s30;
	[tilespmem:s25+$0xFFFFFF30] =	vst v1  }
0x5e: {  	v1 =	vld [tilespmem:s30+$0x3480];
	_ =	sdelay $0x4  }
0x5f: {  	(v2sf) =	vpush v0, $0x7;
	[tilespmem:s25+$0xFFFFFF40] =	vst v1  }
0x60: {  	(v2sf) =	vpush v0, $0x6;
	v1 =	vld [tilespmem:s30+$0x3490];
	_ =	sdelay $0x4  }
0x61: {  	[tilespmem:s25+$0xFFFFFF50] =	vst v1  }
0x62: {  	v1 =	vld [tilespmem:s30+$0x34A0];
	_ =	sdelay $0x4  }
0x63: {  	[tilespmem:s25+$0xFFFFFF60] =	vst v1  }
0x64: {  	v1 =	vld [tilespmem:s30+$0x34B0];
	_ =	sdelay $0x1  }
0x65: {  	s30 =	spop (v2sf)  }
0x66: {  	s31 =	spop (v2sf)  }
0x67: {  	s31 =	sand.u32 $0x40, s31  }
0x68: {  	s31 =	sadd.s32 s29, s31;
	[tilespmem:s25+$0xFFFFFF70] =	vst v1  }
0x69: {  	v1 =	vld [tilespmem:s31+$0x3500];
	_ =	sdelay $0x4  }
0x6a: {  	[tilespmem:s25+$0xFFFFFF80] =	vst v1  }
0x6b: {  	v1 =	vld [tilespmem:s31+$0x3510];
	_ =	sdelay $0x4  }
0x6c: {  	[tilespmem:s25+$0xFFFFFF90] =	vst v1  }
0x6d: {  	v1 =	vld [tilespmem:s31+$0x3520];
	_ =	sdelay $0x4  }
0x6e: {  	[tilespmem:s25+$0xFFFFFFA0] =	vst v1  }
0x6f: {  	v1 =	vld [tilespmem:s31+$0x3530];
	_ =	sdelay $0x3  }
0x70: {  	s30 =	sand.u32 $0x40, s30  }
0x71: {  	s30 =	sadd.s32 s29, s30;
	[tilespmem:s25+$0xFFFFFFB0] =	vst v1  }
0x72: {  	v1 =	vld [tilespmem:s30+$0x3580];
	_ =	sdelay $0x4  }
0x73: {  	(v2sf) =	vpush v0, $0x9;
	[tilespmem:s25+$0xFFFFFFC0] =	vst v1  }
0x74: {  	(v2sf) =	vpush v0, $0x8;
	v1 =	vld [tilespmem:s30+$0x3590];
	_ =	sdelay $0x4  }
0x75: {  	[tilespmem:s25+$0xFFFFFFD0] =	vst v1  }
0x76: {  	v1 =	vld [tilespmem:s30+$0x35A0];
	_ =	sdelay $0x4  }
0x77: {  	[tilespmem:s25+$0xFFFFFFE0] =	vst v1  }
0x78: {  	v1 =	vld [tilespmem:s30+$0x35B0];
	_ =	sdelay $0x1  }
0x79: {  	s30 =	spop (v2sf)  }
0x7a: {  	s31 =	spop (v2sf)  }
0x7b: {  	s31 =	sand.u32 $0x40, s31  }
0x7c: {  	s31 =	sadd.s32 s29, s31;
	[tilespmem:s25+$0xFFFFFFF0] =	vst v1  }
0x7d: {  	v1 =	vld [tilespmem:s31+$0x3600];
	_ =	sdelay $0x4  }
0x7e: {  	[tilespmem:s25+$0x0] =	vst v1  }
0x7f: {  	v1 =	vld [tilespmem:s31+$0x3610];
	_ =	sdelay $0x4  }
0x80: {  	[tilespmem:s25+$0x10] =	vst v1  }
0x81: {  	v1 =	vld [tilespmem:s31+$0x3620];
	_ =	sdelay $0x4  }
0x82: {  	[tilespmem:s25+$0x20] =	vst v1  }
0x83: {  	v1 =	vld [tilespmem:s31+$0x3630];
	_ =	sdelay $0x3  }
0x84: {  	s30 =	sand.u32 $0x40, s30  }
0x85: {  	s30 =	sadd.s32 s29, s30;
	[tilespmem:s25+$0x30] =	vst v1  }
0x86: {  	v1 =	vld [tilespmem:s30+$0x3680];
	_ =	sdelay $0x4  }
0x87: {  	(v2sf) =	vpush v0, $0xB;
	[tilespmem:s25+$0x40] =	vst v1  }
0x88: {  	(v2sf) =	vpush v0, $0xA;
	v1 =	vld [tilespmem:s30+$0x3690];
	_ =	sdelay $0x4  }
0x89: {  	[tilespmem:s25+$0x50] =	vst v1  }
0x8a: {  	v1 =	vld [tilespmem:s30+$0x36A0];
	_ =	sdelay $0x4  }
0x8b: {  	[tilespmem:s25+$0x60] =	vst v1  }
0x8c: {  	v1 =	vld [tilespmem:s30+$0x36B0];
	_ =	sdelay $0x1  }
0x8d: {  	s30 =	spop (v2sf)  }
0x8e: {  	s31 =	spop (v2sf)  }
0x8f: {  	s31 =	sand.u32 $0x40, s31  }
0x90: {  	s31 =	sadd.s32 s29, s31;
	[tilespmem:s25+$0x70] =	vst v1  }
0x91: {  	v1 =	vld [tilespmem:s31+$0x3700];
	_ =	sdelay $0x4  }
0x92: {  	[tilespmem:s25+$0x80] =	vst v1  }
0x93: {  	v1 =	vld [tilespmem:s31+$0x3710];
	_ =	sdelay $0x4  }
0x94: {  	[tilespmem:s25+$0x90] =	vst v1  }
0x95: {  	v1 =	vld [tilespmem:s31+$0x3720];
	_ =	sdelay $0x4  }
0x96: {  	[tilespmem:s25+$0xA0] =	vst v1  }
0x97: {  	v1 =	vld [tilespmem:s31+$0x3730];
	_ =	sdelay $0x3  }
0x98: {  	s30 =	sand.u32 $0x40, s30  }
0x99: {  	s30 =	sadd.s32 s29, s30;
	[tilespmem:s25+$0xB0] =	vst v1  }
0x9a: {  	v1 =	vld [tilespmem:s30+$0x3780];
	_ =	sdelay $0x4  }
0x9b: {  	(v2sf) =	vpush v0, $0xD;
	[tilespmem:s25+$0xC0] =	vst v1  }
0x9c: {  	(v2sf) =	vpush v0, $0xC;
	v1 =	vld [tilespmem:s30+$0x3790];
	_ =	sdelay $0x4  }
0x9d: {  	[tilespmem:s25+$0xD0] =	vst v1  }
0x9e: {  	v1 =	vld [tilespmem:s30+$0x37A0];
	_ =	sdelay $0x4  }
0x9f: {  	[tilespmem:s25+$0xE0] =	vst v1  }
0xa0: {  	v1 =	vld [tilespmem:s30+$0x37B0];
	_ =	sdelay $0x1  }
0xa1: {  	s30 =	spop (v2sf)  }
0xa2: {  	s31 =	spop (v2sf)  }
0xa3: {  	s31 =	sand.u32 $0x40, s31  }
0xa4: {  	s31 =	sadd.s32 s29, s31;
	[tilespmem:s25+$0xF0] =	vst v1  }
0xa5: {  	v1 =	vld [tilespmem:s31+$0x3800];
	_ =	sdelay $0x4  }
0xa6: {  	[tilespmem:s25+$0x100] =	vst v1  }
0xa7: {  	v1 =	vld [tilespmem:s31+$0x3810];
	_ =	sdelay $0x4  }
0xa8: {  	[tilespmem:s25+$0x110] =	vst v1  }
0xa9: {  	v1 =	vld [tilespmem:s31+$0x3820];
	_ =	sdelay $0x4  }
0xaa: {  	[tilespmem:s25+$0x120] =	vst v1  }
0xab: {  	v1 =	vld [tilespmem:s31+$0x3830];
	_ =	sdelay $0x3  }
0xac: {  	s30 =	sand.u32 $0x40, s30  }
0xad: {  	s30 =	sadd.s32 s29, s30;
	[tilespmem:s25+$0x130] =	vst v1  }
0xae: {  	v1 =	vld [tilespmem:s30+$0x3880];
	_ =	sdelay $0x4  }
0xaf: {  	(v2sf) =	vpush v0, $0xF;
	[tilespmem:s25+$0x140] =	vst v1  }
0xb0: {  	(v2sf) =	vpush v0, $0xE;
	v1 =	vld [tilespmem:s30+$0x3890];
	_ =	sdelay $0x4  }
0xb1: {  	[tilespmem:s25+$0x150] =	vst v1  }
0xb2: {  	v63 =	vld [tilespmem:s30+$0x38A0];
	_ =	sdelay $0x4  }
0xb3: {  	[tilespmem:s25+$0x160] =	vst v63  }
0xb4: {  	v0 =	vld [tilespmem:s30+$0x38B0];
	_ =	sdelay $0x1  }
0xb5: {  	s30 =	spop (v2sf)  }
0xb6: {  	s31 =	spop (v2sf)  }
0xb7: {  	s31 =	sand.u32 $0x40, s31  }
0xb8: {  	s31 =	sadd.s32 s29, s31;
	[tilespmem:s25+$0x170] =	vst v0  }
0xb9: {  	v0 =	vld [tilespmem:s31+$0x3900];
	_ =	sdelay $0x4  }
0xba: {  	[tilespmem:s25+$0x180] =	vst v0  }
0xbb: {  	v0 =	vld [tilespmem:s31+$0x3910];
	_ =	sdelay $0x4  }
0xbc: {  	[tilespmem:s25+$0x190] =	vst v0  }
0xbd: {  	v0 =	vld [tilespmem:s31+$0x3920];
	_ =	sdelay $0x4  }
0xbe: {  	[tilespmem:s25+$0x1A0] =	vst v0  }
0xbf: {  	v0 =	vld [tilespmem:s31+$0x3930];
	_ =	sdelay $0x3  }
0xc0: {  	s30 =	sand.u32 $0x40, s30  }
0xc1: {  	s29 =	sadd.s32 s29, s30;
	[tilespmem:s25+$0x1B0] =	vst v0  }
0xc2: {  	v0 =	vld [tilespmem:s29+$0x3980];
	_ =	sdelay $0x4  }
0xc3: {  	[tilespmem:s25+$0x1C0] =	vst v0  }
0xc4: {  	v0 =	vld [tilespmem:s29+$0x3990];
	_ =	sdelay $0x4  }
0xc5: {  	[tilespmem:s25+$0x1D0] =	vst v0  }
0xc6: {  	v0 =	vld [tilespmem:s29+$0x39A0];
	_ =	sdelay $0x4  }
0xc7: {  	[tilespmem:s25+$0x1E0] =	vst v0  }
0xc8: {  	p0 =	sne.s32 s28, $0xE000;
	v0 =	vld [tilespmem:s29+$0x39B0]  }
.Ltmp1:
0xc9: {  	_ = 	snop;
	(pc) =	sbr.rel @p0 .LBB2_5-.Ltmp1, $2  }
0xca: {  	_ =	sdelay $0x2  }
0xcb: {  	s26 =	sadd.s32 $0x10, s26;
	s28 =	sadd.s32 $0x2000, s28;
	[tilespmem:s25+$0x1F0] =	vst v0;
	s25 =	sadd.s32 $0x400, s25  }
0xcc: {  	s25 =	sadd.s32 s4, s24  }
0xcd: {  	s25 =	sshll.u32 s25, $0x3  }
0xce: {  	s26 =	sadd.s32 s2, s25;
	s25 =	simm.s32 $0x0  }
0xcf: {  	[hbm4b:s26+s25] =	stream.linear.scatter [tilespmem:s16], [sflag:$0x3], $0x2000, $0x38;
	[tilespmem:$0xD200] =	vst v63  }
0xd0: {  	_ =	swait.ge [sflag:s10], $0x2000  }
0xd1: {  	s31 =	sand.u32 $0x3FFFFF00, s24;
	[sflag:s10] =	ssyncset.done $0x0  }
0xd2: {  	s24 =	sadd.s32 $0x1A00, s31;
	[sflag:s10] =	ssyncadd.s32 $0xFFFFE000  }
0xd3: {  	[tilespmem:s12], [sflag:$0x1] =	stream.indirect.gather [hbm4b:s5+s13], $0x80, s24, s13, $0xb8;
	[tilespmem:$0xD200] =	vst v63  }
0xd4: {  	_ =	swait.ge [sflag:s17], $0x4000  }
0xd5: {  	[sflag:s17] =	ssyncset.done $0x0  }
0xd6: {  	s26 =	smov.u32 s20;
	s24 =	simm.s32 $0xB400;
	[sflag:s17] =	ssyncadd.s32 $0xFFFFC000  }
.LBB2_7:
0xd7: {  	v0 =	vld [tilespmem:s26+$0x0];
	_ =	sdelay $0x4  }
0xd8: {  	v0 =	vshrl.u32 v0, $0x7  }
0xd9: {  	(v2sf) =	vpush v0, $0x1  }
0xda: {  	(v2sf) =	vpush v0, $0x0;
	_ =	sdelay $0xd  }
0xdb: {  	s29 =	spop (v2sf)  }
0xdc: {  	s28 =	spop (v2sf)  }
0xdd: {  	s30 =	sand.u32 $0x40, s28;
	s28 =	sshra.s32 s25, $0x2  }
0xde: {  	s30 =	sadd.s32 s28, s30  }
0xdf: {  	v1 =	vld [tilespmem:s30+$0x7200];
	_ =	sdelay $0x4  }
0xe0: {  	[tilespmem:s24+$0xFFFFFE00] =	vst v1  }
0xe1: {  	v1 =	vld [tilespmem:s30+$0x7210];
	_ =	sdelay $0x4  }
0xe2: {  	[tilespmem:s24+$0xFFFFFE10] =	vst v1  }
0xe3: {  	v1 =	vld [tilespmem:s30+$0x7220];
	_ =	sdelay $0x4  }
0xe4: {  	[tilespmem:s24+$0xFFFFFE20] =	vst v1  }
0xe5: {  	v1 =	vld [tilespmem:s30+$0x7230];
	_ =	sdelay $0x3  }
0xe6: {  	s29 =	sand.u32 $0x40, s29  }
0xe7: {  	s29 =	sadd.s32 s28, s29;
	[tilespmem:s24+$0xFFFFFE30] =	vst v1  }
0xe8: {  	v1 =	vld [tilespmem:s29+$0x7280];
	_ =	sdelay $0x4  }
0xe9: {  	(v2sf) =	vpush v0, $0x3;
	[tilespmem:s24+$0xFFFFFE40] =	vst v1  }
0xea: {  	(v2sf) =	vpush v0, $0x2;
	v1 =	vld [tilespmem:s29+$0x7290];
	_ =	sdelay $0x4  }
0xeb: {  	[tilespmem:s24+$0xFFFFFE50] =	vst v1  }
0xec: {  	v1 =	vld [tilespmem:s29+$0x72A0];
	_ =	sdelay $0x4  }
0xed: {  	[tilespmem:s24+$0xFFFFFE60] =	vst v1  }
0xee: {  	v1 =	vld [tilespmem:s29+$0x72B0];
	_ =	sdelay $0x1  }
0xef: {  	s29 =	spop (v2sf)  }
0xf0: {  	s31 =	spop (v2sf)  }
0xf1: {  	s30 =	sand.u32 $0x40, s31  }
0xf2: {  	s30 =	sadd.s32 s28, s30;
	[tilespmem:s24+$0xFFFFFE70] =	vst v1  }
0xf3: {  	v1 =	vld [tilespmem:s30+$0x7300];
	_ =	sdelay $0x4  }
0xf4: {  	[tilespmem:s24+$0xFFFFFE80] =	vst v1  }
0xf5: {  	v1 =	vld [tilespmem:s30+$0x7310];
	_ =	sdelay $0x4  }
0xf6: {  	[tilespmem:s24+$0xFFFFFE90] =	vst v1  }
0xf7: {  	v1 =	vld [tilespmem:s30+$0x7320];
	_ =	sdelay $0x4  }
0xf8: {  	[tilespmem:s24+$0xFFFFFEA0] =	vst v1  }
0xf9: {  	v1 =	vld [tilespmem:s30+$0x7330];
	_ =	sdelay $0x3  }
0xfa: {  	s29 =	sand.u32 $0x40, s29  }
0xfb: {  	s29 =	sadd.s32 s28, s29;
	[tilespmem:s24+$0xFFFFFEB0] =	vst v1  }
0xfc: {  	v1 =	vld [tilespmem:s29+$0x7380];
	_ =	sdelay $0x4  }
0xfd: {  	(v2sf) =	vpush v0, $0x5;
	[tilespmem:s24+$0xFFFFFEC0] =	vst v1  }
0xfe: {  	(v2sf) =	vpush v0, $0x4;
	v1 =	vld [tilespmem:s29+$0x7390];
	_ =	sdelay $0x4  }
0xff: {  	[tilespmem:s24+$0xFFFFFED0] =	vst v1  }
0x100: {  	v1 =	vld [tilespmem:s29+$0x73A0];
	_ =	sdelay $0x4  }
0x101: {  	[tilespmem:s24+$0xFFFFFEE0] =	vst v1  }
0x102: {  	v1 =	vld [tilespmem:s29+$0x73B0];
	_ =	sdelay $0x1  }
0x103: {  	s29 =	spop (v2sf)  }
0x104: {  	s31 =	spop (v2sf)  }
0x105: {  	s30 =	sand.u32 $0x40, s31  }
0x106: {  	s30 =	sadd.s32 s28, s30;
	[tilespmem:s24+$0xFFFFFEF0] =	vst v1  }
0x107: {  	v1 =	vld [tilespmem:s30+$0x7400];
	_ =	sdelay $0x4  }
0x108: {  	[tilespmem:s24+$0xFFFFFF00] =	vst v1  }
0x109: {  	v1 =	vld [tilespmem:s30+$0x7410];
	_ =	sdelay $0x4  }
0x10a: {  	[tilespmem:s24+$0xFFFFFF10] =	vst v1  }
0x10b: {  	v1 =	vld [tilespmem:s30+$0x7420];
	_ =	sdelay $0x4  }
0x10c: {  	[tilespmem:s24+$0xFFFFFF20] =	vst v1  }
0x10d: {  	v1 =	vld [tilespmem:s30+$0x7430];
	_ =	sdelay $0x3  }
0x10e: {  	s29 =	sand.u32 $0x40, s29  }
0x10f: {  	s29 =	sadd.s32 s28, s29;
	[tilespmem:s24+$0xFFFFFF30] =	vst v1  }
0x110: {  	v1 =	vld [tilespmem:s29+$0x7480];
	_ =	sdelay $0x4  }
0x111: {  	(v2sf) =	vpush v0, $0x7;
	[tilespmem:s24+$0xFFFFFF40] =	vst v1  }
0x112: {  	(v2sf) =	vpush v0, $0x6;
	v1 =	vld [tilespmem:s29+$0x7490];
	_ =	sdelay $0x4  }
0x113: {  	[tilespmem:s24+$0xFFFFFF50] =	vst v1  }
0x114: {  	v1 =	vld [tilespmem:s29+$0x74A0];
	_ =	sdelay $0x4  }
0x115: {  	[tilespmem:s24+$0xFFFFFF60] =	vst v1  }
0x116: {  	v1 =	vld [tilespmem:s29+$0x74B0];
	_ =	sdelay $0x1  }
0x117: {  	s29 =	spop (v2sf)  }
0x118: {  	s31 =	spop (v2sf)  }
0x119: {  	s30 =	sand.u32 $0x40, s31  }
0x11a: {  	s30 =	sadd.s32 s28, s30;
	[tilespmem:s24+$0xFFFFFF70] =	vst v1  }
0x11b: {  	v1 =	vld [tilespmem:s30+$0x7500];
	_ =	sdelay $0x4  }
0x11c: {  	[tilespmem:s24+$0xFFFFFF80] =	vst v1  }
0x11d: {  	v1 =	vld [tilespmem:s30+$0x7510];
	_ =	sdelay $0x4  }
0x11e: {  	[tilespmem:s24+$0xFFFFFF90] =	vst v1  }
0x11f: {  	v1 =	vld [tilespmem:s30+$0x7520];
	_ =	sdelay $0x4  }
0x120: {  	[tilespmem:s24+$0xFFFFFFA0] =	vst v1  }
0x121: {  	v1 =	vld [tilespmem:s30+$0x7530];
	_ =	sdelay $0x3  }
0x122: {  	s29 =	sand.u32 $0x40, s29  }
0x123: {  	s29 =	sadd.s32 s28, s29;
	[tilespmem:s24+$0xFFFFFFB0] =	vst v1  }
0x124: {  	v1 =	vld [tilespmem:s29+$0x7580];
	_ =	sdelay $0x4  }
0x125: {  	(v2sf) =	vpush v0, $0x9;
	[tilespmem:s24+$0xFFFFFFC0] =	vst v1  }
0x126: {  	(v2sf) =	vpush v0, $0x8;
	v1 =	vld [tilespmem:s29+$0x7590];
	_ =	sdelay $0x4  }
0x127: {  	[tilespmem:s24+$0xFFFFFFD0] =	vst v1  }
0x128: {  	v1 =	vld [tilespmem:s29+$0x75A0];
	_ =	sdelay $0x4  }
0x129: {  	[tilespmem:s24+$0xFFFFFFE0] =	vst v1  }
0x12a: {  	v1 =	vld [tilespmem:s29+$0x75B0];
	_ =	sdelay $0x1  }
0x12b: {  	s29 =	spop (v2sf)  }
0x12c: {  	s31 =	spop (v2sf)  }
0x12d: {  	s30 =	sand.u32 $0x40, s31  }
0x12e: {  	s30 =	sadd.s32 s28, s30;
	[tilespmem:s24+$0xFFFFFFF0] =	vst v1  }
0x12f: {  	v1 =	vld [tilespmem:s30+$0x7600];
	_ =	sdelay $0x4  }
0x130: {  	[tilespmem:s24+$0x0] =	vst v1  }
0x131: {  	v1 =	vld [tilespmem:s30+$0x7610];
	_ =	sdelay $0x4  }
0x132: {  	[tilespmem:s24+$0x10] =	vst v1  }
0x133: {  	v1 =	vld [tilespmem:s30+$0x7620];
	_ =	sdelay $0x4  }
0x134: {  	[tilespmem:s24+$0x20] =	vst v1  }
0x135: {  	v1 =	vld [tilespmem:s30+$0x7630];
	_ =	sdelay $0x3  }
0x136: {  	s29 =	sand.u32 $0x40, s29  }
0x137: {  	s29 =	sadd.s32 s28, s29;
	[tilespmem:s24+$0x30] =	vst v1  }
0x138: {  	v1 =	vld [tilespmem:s29+$0x7680];
	_ =	sdelay $0x4  }
0x139: {  	(v2sf) =	vpush v0, $0xB;
	[tilespmem:s24+$0x40] =	vst v1  }
0x13a: {  	(v2sf) =	vpush v0, $0xA;
	v1 =	vld [tilespmem:s29+$0x7690];
	_ =	sdelay $0x4  }
0x13b: {  	[tilespmem:s24+$0x50] =	vst v1  }
0x13c: {  	v1 =	vld [tilespmem:s29+$0x76A0];
	_ =	sdelay $0x4  }
0x13d: {  	[tilespmem:s24+$0x60] =	vst v1  }
0x13e: {  	v1 =	vld [tilespmem:s29+$0x76B0];
	_ =	sdelay $0x1  }
0x13f: {  	s29 =	spop (v2sf)  }
0x140: {  	s31 =	spop (v2sf)  }
0x141: {  	s30 =	sand.u32 $0x40, s31  }
0x142: {  	s30 =	sadd.s32 s28, s30;
	[tilespmem:s24+$0x70] =	vst v1  }
0x143: {  	v1 =	vld [tilespmem:s30+$0x7700];
	_ =	sdelay $0x4  }
0x144: {  	[tilespmem:s24+$0x80] =	vst v1  }
0x145: {  	v1 =	vld [tilespmem:s30+$0x7710];
	_ =	sdelay $0x4  }
0x146: {  	[tilespmem:s24+$0x90] =	vst v1  }
0x147: {  	v1 =	vld [tilespmem:s30+$0x7720];
	_ =	sdelay $0x4  }
0x148: {  	[tilespmem:s24+$0xA0] =	vst v1  }
0x149: {  	v1 =	vld [tilespmem:s30+$0x7730];
	_ =	sdelay $0x3  }
0x14a: {  	s29 =	sand.u32 $0x40, s29  }
0x14b: {  	s29 =	sadd.s32 s28, s29;
	[tilespmem:s24+$0xB0] =	vst v1  }
0x14c: {  	v1 =	vld [tilespmem:s29+$0x7780];
	_ =	sdelay $0x4  }
0x14d: {  	(v2sf) =	vpush v0, $0xD;
	[tilespmem:s24+$0xC0] =	vst v1  }
0x14e: {  	(v2sf) =	vpush v0, $0xC;
	v1 =	vld [tilespmem:s29+$0x7790];
	_ =	sdelay $0x4  }
0x14f: {  	[tilespmem:s24+$0xD0] =	vst v1  }
0x150: {  	v1 =	vld [tilespmem:s29+$0x77A0];
	_ =	sdelay $0x4  }
0x151: {  	[tilespmem:s24+$0xE0] =	vst v1  }
0x152: {  	v1 =	vld [tilespmem:s29+$0x77B0];
	_ =	sdelay $0x1  }
0x153: {  	s29 =	spop (v2sf)  }
0x154: {  	s31 =	spop (v2sf)  }
0x155: {  	s30 =	sand.u32 $0x40, s31  }
0x156: {  	s30 =	sadd.s32 s28, s30;
	[tilespmem:s24+$0xF0] =	vst v1  }
0x157: {  	v1 =	vld [tilespmem:s30+$0x7800];
	_ =	sdelay $0x4  }
0x158: {  	[tilespmem:s24+$0x100] =	vst v1  }
0x159: {  	v1 =	vld [tilespmem:s30+$0x7810];
	_ =	sdelay $0x4  }
0x15a: {  	[tilespmem:s24+$0x110] =	vst v1  }
0x15b: {  	v1 =	vld [tilespmem:s30+$0x7820];
	_ =	sdelay $0x4  }
0x15c: {  	[tilespmem:s24+$0x120] =	vst v1  }
0x15d: {  	v1 =	vld [tilespmem:s30+$0x7830];
	_ =	sdelay $0x3  }
0x15e: {  	s29 =	sand.u32 $0x40, s29  }
0x15f: {  	s29 =	sadd.s32 s28, s29;
	[tilespmem:s24+$0x130] =	vst v1  }
0x160: {  	v1 =	vld [tilespmem:s29+$0x7880];
	_ =	sdelay $0x4  }
0x161: {  	(v2sf) =	vpush v0, $0xF;
	[tilespmem:s24+$0x140] =	vst v1  }
0x162: {  	(v2sf) =	vpush v0, $0xE;
	v1 =	vld [tilespmem:s29+$0x7890];
	_ =	sdelay $0x4  }
0x163: {  	[tilespmem:s24+$0x150] =	vst v1  }
0x164: {  	v63 =	vld [tilespmem:s29+$0x78A0];
	_ =	sdelay $0x4  }
0x165: {  	[tilespmem:s24+$0x160] =	vst v63  }
0x166: {  	v0 =	vld [tilespmem:s29+$0x78B0];
	_ =	sdelay $0x1  }
0x167: {  	s29 =	spop (v2sf)  }
0x168: {  	s31 =	spop (v2sf)  }
0x169: {  	s30 =	sand.u32 $0x40, s31  }
0x16a: {  	s30 =	sadd.s32 s28, s30;
	[tilespmem:s24+$0x170] =	vst v0  }
0x16b: {  	v0 =	vld [tilespmem:s30+$0x7900];
	_ =	sdelay $0x4  }
0x16c: {  	[tilespmem:s24+$0x180] =	vst v0  }
0x16d: {  	v0 =	vld [tilespmem:s30+$0x7910];
	_ =	sdelay $0x4  }
0x16e: {  	[tilespmem:s24+$0x190] =	vst v0  }
0x16f: {  	v0 =	vld [tilespmem:s30+$0x7920];
	_ =	sdelay $0x4  }
0x170: {  	[tilespmem:s24+$0x1A0] =	vst v0  }
0x171: {  	v0 =	vld [tilespmem:s30+$0x7930];
	_ =	sdelay $0x3  }
0x172: {  	s29 =	sand.u32 $0x40, s29  }
0x173: {  	s28 =	sadd.s32 s28, s29;
	[tilespmem:s24+$0x1B0] =	vst v0  }
0x174: {  	v0 =	vld [tilespmem:s28+$0x7980];
	_ =	sdelay $0x4  }
0x175: {  	[tilespmem:s24+$0x1C0] =	vst v0  }
0x176: {  	v0 =	vld [tilespmem:s28+$0x7990];
	_ =	sdelay $0x4  }
0x177: {  	[tilespmem:s24+$0x1D0] =	vst v0  }
0x178: {  	v0 =	vld [tilespmem:s28+$0x79A0];
	_ =	sdelay $0x4  }
0x179: {  	[tilespmem:s24+$0x1E0] =	vst v0  }
0x17a: {  	p0 =	sne.s32 s25, $0xE000;
	v0 =	vld [tilespmem:s28+$0x79B0]  }
.Ltmp2:
0x17b: {  	_ = 	snop;
	(pc) =	sbr.rel @p0 .LBB2_7-.Ltmp2, $2  }
0x17c: {  	_ =	sdelay $0x2  }
0x17d: {  	s26 =	sadd.s32 $0x10, s26;
	s25 =	sadd.s32 $0x2000, s25;
	[tilespmem:s24+$0x1F0] =	vst v0;
	s24 =	sadd.s32 $0x400, s24  }
0x17e: {  	s23 =	sadd.s32 s4, s23;
	s22 =	sadd.s32 $0x1, s22  }
0x17f: {  	s23 =	sshll.u32 s23, $0x3;
	p0 =	sne.s32 s22, $0x18  }
.Ltmp3:
0x180: {  	s23 =	sadd.s32 s2, s23;
	(pc) =	sbr.rel @p0 .LBB2_4-.Ltmp3, $4  }
0x181: {  	[hbm4b:s23+s3] =	stream.linear.scatter [tilespmem:s16], [sflag:$0x3], $0x2000, $0x38;
	[tilespmem:$0xD200] =	vst v63  }
0x182: {  	_ =	swait.ge [sflag:s10], $0x2000  }
0x183: {  	[sflag:s10] =	ssyncset.done $0x0  }
0x184: {  	s21 =	sadd.s32 $0x100, s21;
	s20 =	sadd.s32 $0x100, s20;
	[sflag:s10] =	ssyncadd.s32 $0xFFFFE000  }
0x185: {  	[tilespmem:s14], [sflag:$0x2] =	stream.indirect.gather [hbm4b:s5+s13], $0x80, s18, s13, $0xb8;
	[tilespmem:$0xD200] =	vst v63  }
0x186: {  	_ =	swait.ge [sflag:s15], $0x4000  }
0x187: {  	s20 =	simm.s32 $0x0;
	[sflag:s15] =	ssyncset.done $0x0  }
0x188: {  	s21 =	simm.s32 $0x1800;
	s22 =	simm.s32 $0xB400;
	[sflag:s15] =	ssyncadd.s32 $0xFFFFC000  }
.LBB2_10:
0x189: {  	v0 =	vld [tilespmem:s21+$0x0];
	_ =	sdelay $0x4  }
0x18a: {  	v0 =	vshrl.u32 v0, $0x7  }
0x18b: {  	(v2sf) =	vpush v0, $0x1  }
0x18c: {  	(v2sf) =	vpush v0, $0x0;
	_ =	sdelay $0xd  }
0x18d: {  	s24 =	spop (v2sf)  }
0x18e: {  	s23 =	spop (v2sf)  }
0x18f: {  	s25 =	sand.u32 $0x40, s23;
	s23 =	sshra.s32 s20, $0x2  }
0x190: {  	s25 =	sadd.s32 s23, s25  }
0x191: {  	v1 =	vld [tilespmem:s25+$0x3200];
	_ =	sdelay $0x4  }
0x192: {  	[tilespmem:s22+$0xFFFFFE00] =	vst v1  }
0x193: {  	v1 =	vld [tilespmem:s25+$0x3210];
	_ =	sdelay $0x4  }
0x194: {  	[tilespmem:s22+$0xFFFFFE10] =	vst v1  }
0x195: {  	v1 =	vld [tilespmem:s25+$0x3220];
	_ =	sdelay $0x4  }
0x196: {  	[tilespmem:s22+$0xFFFFFE20] =	vst v1  }
0x197: {  	v1 =	vld [tilespmem:s25+$0x3230];
	_ =	sdelay $0x3  }
0x198: {  	s24 =	sand.u32 $0x40, s24  }
0x199: {  	s24 =	sadd.s32 s23, s24;
	[tilespmem:s22+$0xFFFFFE30] =	vst v1  }
0x19a: {  	v1 =	vld [tilespmem:s24+$0x3280];
	_ =	sdelay $0x4  }
0x19b: {  	(v2sf) =	vpush v0, $0x3;
	[tilespmem:s22+$0xFFFFFE40] =	vst v1  }
0x19c: {  	(v2sf) =	vpush v0, $0x2;
	v1 =	vld [tilespmem:s24+$0x3290];
	_ =	sdelay $0x4  }
0x19d: {  	[tilespmem:s22+$0xFFFFFE50] =	vst v1  }
0x19e: {  	v1 =	vld [tilespmem:s24+$0x32A0];
	_ =	sdelay $0x4  }
0x19f: {  	[tilespmem:s22+$0xFFFFFE60] =	vst v1  }
0x1a0: {  	v1 =	vld [tilespmem:s24+$0x32B0];
	_ =	sdelay $0x1  }
0x1a1: {  	s28 =	spop (v2sf)  }
0x1a2: {  	s29 =	spop (v2sf)  }
0x1a3: {  	s25 =	sand.u32 $0x40, s29  }
0x1a4: {  	s25 =	sadd.s32 s23, s25;
	[tilespmem:s22+$0xFFFFFE70] =	vst v1  }
0x1a5: {  	v1 =	vld [tilespmem:s25+$0x3300];
	_ =	sdelay $0x4  }
0x1a6: {  	[tilespmem:s22+$0xFFFFFE80] =	vst v1  }
0x1a7: {  	v1 =	vld [tilespmem:s25+$0x3310];
	_ =	sdelay $0x4  }
0x1a8: {  	[tilespmem:s22+$0xFFFFFE90] =	vst v1  }
0x1a9: {  	v1 =	vld [tilespmem:s25+$0x3320];
	_ =	sdelay $0x4  }
0x1aa: {  	[tilespmem:s22+$0xFFFFFEA0] =	vst v1  }
0x1ab: {  	v1 =	vld [tilespmem:s25+$0x3330];
	_ =	sdelay $0x3  }
0x1ac: {  	s24 =	sand.u32 $0x40, s28  }
0x1ad: {  	s24 =	sadd.s32 s23, s24;
	[tilespmem:s22+$0xFFFFFEB0] =	vst v1  }
0x1ae: {  	v1 =	vld [tilespmem:s24+$0x3380];
	_ =	sdelay $0x4  }
0x1af: {  	(v2sf) =	vpush v0, $0x5;
	[tilespmem:s22+$0xFFFFFEC0] =	vst v1  }
0x1b0: {  	(v2sf) =	vpush v0, $0x4;
	v1 =	vld [tilespmem:s24+$0x3390];
	_ =	sdelay $0x4  }
0x1b1: {  	[tilespmem:s22+$0xFFFFFED0] =	vst v1  }
0x1b2: {  	v1 =	vld [tilespmem:s24+$0x33A0];
	_ =	sdelay $0x4  }
0x1b3: {  	[tilespmem:s22+$0xFFFFFEE0] =	vst v1  }
0x1b4: {  	v1 =	vld [tilespmem:s24+$0x33B0];
	_ =	sdelay $0x1  }
0x1b5: {  	s30 =	spop (v2sf)  }
0x1b6: {  	s31 =	spop (v2sf)  }
0x1b7: {  	s25 =	sand.u32 $0x40, s31  }
0x1b8: {  	s25 =	sadd.s32 s23, s25;
	[tilespmem:s22+$0xFFFFFEF0] =	vst v1  }
0x1b9: {  	v1 =	vld [tilespmem:s25+$0x3400];
	_ =	sdelay $0x4  }
0x1ba: {  	[tilespmem:s22+$0xFFFFFF00] =	vst v1  }
0x1bb: {  	v1 =	vld [tilespmem:s25+$0x3410];
	_ =	sdelay $0x4  }
0x1bc: {  	[tilespmem:s22+$0xFFFFFF10] =	vst v1  }
0x1bd: {  	v1 =	vld [tilespmem:s25+$0x3420];
	_ =	sdelay $0x4  }
0x1be: {  	[tilespmem:s22+$0xFFFFFF20] =	vst v1  }
0x1bf: {  	v1 =	vld [tilespmem:s25+$0x3430];
	_ =	sdelay $0x3  }
0x1c0: {  	s24 =	sand.u32 $0x40, s30  }
0x1c1: {  	s24 =	sadd.s32 s23, s24;
	[tilespmem:s22+$0xFFFFFF30] =	vst v1  }
0x1c2: {  	v1 =	vld [tilespmem:s24+$0x3480];
	_ =	sdelay $0x4  }
0x1c3: {  	(v2sf) =	vpush v0, $0x7;
	[tilespmem:s22+$0xFFFFFF40] =	vst v1  }
0x1c4: {  	(v2sf) =	vpush v0, $0x6;
	v1 =	vld [tilespmem:s24+$0x3490];
	_ =	sdelay $0x4  }
0x1c5: {  	[tilespmem:s22+$0xFFFFFF50] =	vst v1  }
0x1c6: {  	v1 =	vld [tilespmem:s24+$0x34A0];
	_ =	sdelay $0x4  }
0x1c7: {  	[tilespmem:s22+$0xFFFFFF60] =	vst v1  }
0x1c8: {  	v1 =	vld [tilespmem:s24+$0x34B0];
	_ =	sdelay $0x1  }
0x1c9: {  	s26 =	spop (v2sf)  }
0x1ca: {  	s28 =	spop (v2sf)  }
0x1cb: {  	s25 =	sand.u32 $0x40, s28  }
0x1cc: {  	s25 =	sadd.s32 s23, s25;
	[tilespmem:s22+$0xFFFFFF70] =	vst v1  }
0x1cd: {  	v1 =	vld [tilespmem:s25+$0x3500];
	_ =	sdelay $0x4  }
0x1ce: {  	[tilespmem:s22+$0xFFFFFF80] =	vst v1  }
0x1cf: {  	v1 =	vld [tilespmem:s25+$0x3510];
	_ =	sdelay $0x4  }
0x1d0: {  	[tilespmem:s22+$0xFFFFFF90] =	vst v1  }
0x1d1: {  	v1 =	vld [tilespmem:s25+$0x3520];
	_ =	sdelay $0x4  }
0x1d2: {  	[tilespmem:s22+$0xFFFFFFA0] =	vst v1  }
0x1d3: {  	v1 =	vld [tilespmem:s25+$0x3530];
	_ =	sdelay $0x3  }
0x1d4: {  	s24 =	sand.u32 $0x40, s26  }
0x1d5: {  	s24 =	sadd.s32 s23, s24;
	[tilespmem:s22+$0xFFFFFFB0] =	vst v1  }
0x1d6: {  	v1 =	vld [tilespmem:s24+$0x3580];
	_ =	sdelay $0x4  }
0x1d7: {  	(v2sf) =	vpush v0, $0x9;
	[tilespmem:s22+$0xFFFFFFC0] =	vst v1  }
0x1d8: {  	(v2sf) =	vpush v0, $0x8;
	v1 =	vld [tilespmem:s24+$0x3590];
	_ =	sdelay $0x4  }
0x1d9: {  	[tilespmem:s22+$0xFFFFFFD0] =	vst v1  }
0x1da: {  	v1 =	vld [tilespmem:s24+$0x35A0];
	_ =	sdelay $0x4  }
0x1db: {  	[tilespmem:s22+$0xFFFFFFE0] =	vst v1  }
0x1dc: {  	v1 =	vld [tilespmem:s24+$0x35B0];
	_ =	sdelay $0x1  }
0x1dd: {  	s29 =	spop (v2sf)  }
0x1de: {  	s30 =	spop (v2sf)  }
0x1df: {  	s25 =	sand.u32 $0x40, s30  }
0x1e0: {  	s25 =	sadd.s32 s23, s25;
	[tilespmem:s22+$0xFFFFFFF0] =	vst v1  }
0x1e1: {  	v1 =	vld [tilespmem:s25+$0x3600];
	_ =	sdelay $0x4  }
0x1e2: {  	[tilespmem:s22+$0x0] =	vst v1  }
0x1e3: {  	v1 =	vld [tilespmem:s25+$0x3610];
	_ =	sdelay $0x4  }
0x1e4: {  	[tilespmem:s22+$0x10] =	vst v1  }
0x1e5: {  	v1 =	vld [tilespmem:s25+$0x3620];
	_ =	sdelay $0x4  }
0x1e6: {  	[tilespmem:s22+$0x20] =	vst v1  }
0x1e7: {  	v1 =	vld [tilespmem:s25+$0x3630];
	_ =	sdelay $0x3  }
0x1e8: {  	s24 =	sand.u32 $0x40, s29  }
0x1e9: {  	s24 =	sadd.s32 s23, s24;
	[tilespmem:s22+$0x30] =	vst v1  }
0x1ea: {  	v1 =	vld [tilespmem:s24+$0x3680];
	_ =	sdelay $0x4  }
0x1eb: {  	(v2sf) =	vpush v0, $0xB;
	[tilespmem:s22+$0x40] =	vst v1  }
0x1ec: {  	(v2sf) =	vpush v0, $0xA;
	v1 =	vld [tilespmem:s24+$0x3690];
	_ =	sdelay $0x4  }
0x1ed: {  	[tilespmem:s22+$0x50] =	vst v1  }
0x1ee: {  	v1 =	vld [tilespmem:s24+$0x36A0];
	_ =	sdelay $0x4  }
0x1ef: {  	[tilespmem:s22+$0x60] =	vst v1  }
0x1f0: {  	v1 =	vld [tilespmem:s24+$0x36B0];
	_ =	sdelay $0x1  }
0x1f1: {  	s31 =	spop (v2sf)  }
0x1f2: {  	s26 =	spop (v2sf)  }
0x1f3: {  	s25 =	sand.u32 $0x40, s26  }
0x1f4: {  	s25 =	sadd.s32 s23, s25;
	[tilespmem:s22+$0x70] =	vst v1  }
0x1f5: {  	v1 =	vld [tilespmem:s25+$0x3700];
	_ =	sdelay $0x4  }
0x1f6: {  	[tilespmem:s22+$0x80] =	vst v1  }
0x1f7: {  	v1 =	vld [tilespmem:s25+$0x3710];
	_ =	sdelay $0x4  }
0x1f8: {  	[tilespmem:s22+$0x90] =	vst v1  }
0x1f9: {  	v1 =	vld [tilespmem:s25+$0x3720];
	_ =	sdelay $0x4  }
0x1fa: {  	[tilespmem:s22+$0xA0] =	vst v1  }
0x1fb: {  	v1 =	vld [tilespmem:s25+$0x3730];
	_ =	sdelay $0x3  }
0x1fc: {  	s24 =	sand.u32 $0x40, s31  }
0x1fd: {  	s24 =	sadd.s32 s23, s24;
	[tilespmem:s22+$0xB0] =	vst v1  }
0x1fe: {  	v1 =	vld [tilespmem:s24+$0x3780];
	_ =	sdelay $0x4  }
0x1ff: {  	(v2sf) =	vpush v0, $0xD;
	[tilespmem:s22+$0xC0] =	vst v1  }
0x200: {  	(v2sf) =	vpush v0, $0xC;
	v1 =	vld [tilespmem:s24+$0x3790];
	_ =	sdelay $0x4  }
0x201: {  	[tilespmem:s22+$0xD0] =	vst v1  }
0x202: {  	v1 =	vld [tilespmem:s24+$0x37A0];
	_ =	sdelay $0x4  }
0x203: {  	[tilespmem:s22+$0xE0] =	vst v1  }
0x204: {  	v1 =	vld [tilespmem:s24+$0x37B0];
	_ =	sdelay $0x1  }
0x205: {  	s28 =	spop (v2sf)  }
0x206: {  	s29 =	spop (v2sf)  }
0x207: {  	s25 =	sand.u32 $0x40, s29  }
0x208: {  	s25 =	sadd.s32 s23, s25;
	[tilespmem:s22+$0xF0] =	vst v1  }
0x209: {  	v1 =	vld [tilespmem:s25+$0x3800];
	_ =	sdelay $0x4  }
0x20a: {  	[tilespmem:s22+$0x100] =	vst v1  }
0x20b: {  	v1 =	vld [tilespmem:s25+$0x3810];
	_ =	sdelay $0x4  }
0x20c: {  	[tilespmem:s22+$0x110] =	vst v1  }
0x20d: {  	v1 =	vld [tilespmem:s25+$0x3820];
	_ =	sdelay $0x4  }
0x20e: {  	[tilespmem:s22+$0x120] =	vst v1  }
0x20f: {  	v1 =	vld [tilespmem:s25+$0x3830];
	_ =	sdelay $0x3  }
0x210: {  	s24 =	sand.u32 $0x40, s28  }
0x211: {  	s24 =	sadd.s32 s23, s24;
	[tilespmem:s22+$0x130] =	vst v1  }
0x212: {  	v1 =	vld [tilespmem:s24+$0x3880];
	_ =	sdelay $0x4  }
0x213: {  	(v2sf) =	vpush v0, $0xF;
	[tilespmem:s22+$0x140] =	vst v1  }
0x214: {  	(v2sf) =	vpush v0, $0xE;
	v1 =	vld [tilespmem:s24+$0x3890];
	_ =	sdelay $0x4  }
0x215: {  	[tilespmem:s22+$0x150] =	vst v1  }
0x216: {  	v63 =	vld [tilespmem:s24+$0x38A0];
	_ =	sdelay $0x4  }
0x217: {  	[tilespmem:s22+$0x160] =	vst v63  }
0x218: {  	v0 =	vld [tilespmem:s24+$0x38B0];
	_ =	sdelay $0x1  }
0x219: {  	s30 =	spop (v2sf)  }
0x21a: {  	s31 =	spop (v2sf)  }
0x21b: {  	s25 =	sand.u32 $0x40, s31  }
0x21c: {  	s25 =	sadd.s32 s23, s25;
	[tilespmem:s22+$0x170] =	vst v0  }
0x21d: {  	v0 =	vld [tilespmem:s25+$0x3900];
	_ =	sdelay $0x4  }
0x21e: {  	[tilespmem:s22+$0x180] =	vst v0  }
0x21f: {  	v0 =	vld [tilespmem:s25+$0x3910];
	_ =	sdelay $0x4  }
0x220: {  	[tilespmem:s22+$0x190] =	vst v0  }
0x221: {  	v0 =	vld [tilespmem:s25+$0x3920];
	_ =	sdelay $0x4  }
0x222: {  	[tilespmem:s22+$0x1A0] =	vst v0  }
0x223: {  	v0 =	vld [tilespmem:s25+$0x3930];
	_ =	sdelay $0x3  }
0x224: {  	s24 =	sand.u32 $0x40, s30  }
0x225: {  	s23 =	sadd.s32 s23, s24;
	[tilespmem:s22+$0x1B0] =	vst v0  }
0x226: {  	v0 =	vld [tilespmem:s23+$0x3980];
	_ =	sdelay $0x4  }
0x227: {  	[tilespmem:s22+$0x1C0] =	vst v0  }
0x228: {  	v0 =	vld [tilespmem:s23+$0x3990];
	_ =	sdelay $0x4  }
0x229: {  	[tilespmem:s22+$0x1D0] =	vst v0  }
0x22a: {  	v0 =	vld [tilespmem:s23+$0x39A0];
	_ =	sdelay $0x4  }
0x22b: {  	[tilespmem:s22+$0x1E0] =	vst v0  }
0x22c: {  	p0 =	sne.s32 s20, $0xE000;
	v0 =	vld [tilespmem:s23+$0x39B0]  }
.Ltmp4:
0x22d: {  	_ = 	snop;
	(pc) =	sbr.rel @p0 .LBB2_10-.Ltmp4, $2  }
0x22e: {  	_ =	sdelay $0x2  }
0x22f: {  	s21 =	sadd.s32 $0x10, s21;
	s20 =	sadd.s32 $0x2000, s20;
	[tilespmem:s22+$0x1F0] =	vst v0;
	s22 =	sadd.s32 $0x400, s22  }
0x230: {  	s20 =	simm.s32 $0x0  }
0x231: {  	[hbm4b:s7+s20] =	stream.linear.scatter [tilespmem:s16], [sflag:$0x3], $0x2000, $0x38;
	[tilespmem:$0xD200] =	vst v63  }
0x232: {  	_ =	swait.ge [sflag:s10], $0x2000  }
0x233: {  	[sflag:s10] =	ssyncset.done $0x0  }
0x234: {  	[sflag:s10] =	ssyncadd.s32 $0xFFFFE000  }
0x235: {  	_ =	swait.ge [sflag:s17], $0x4000  }
0x236: {  	[sflag:s17] =	ssyncset.done $0x0  }
0x237: {  	s21 =	simm.s32 $0x1880;
	s22 =	simm.s32 $0xB400;
	[sflag:s17] =	ssyncadd.s32 $0xFFFFC000  }
.LBB2_12:
0x238: {  	v0 =	vld [tilespmem:s21+$0x0];
	_ =	sdelay $0x4  }
0x239: {  	v0 =	vshrl.u32 v0, $0x7  }
0x23a: {  	(v2sf) =	vpush v0, $0x1  }
0x23b: {  	(v2sf) =	vpush v0, $0x0;
	_ =	sdelay $0xd  }
0x23c: {  	s24 =	spop (v2sf)  }
0x23d: {  	s23 =	spop (v2sf)  }
0x23e: {  	s25 =	sand.u32 $0x40, s23;
	s23 =	sshra.s32 s20, $0x2  }
0x23f: {  	s25 =	sadd.s32 s23, s25  }
0x240: {  	v1 =	vld [tilespmem:s25+$0x7200];
	_ =	sdelay $0x4  }
0x241: {  	[tilespmem:s22+$0xFFFFFE00] =	vst v1  }
0x242: {  	v1 =	vld [tilespmem:s25+$0x7210];
	_ =	sdelay $0x4  }
0x243: {  	[tilespmem:s22+$0xFFFFFE10] =	vst v1  }
0x244: {  	v1 =	vld [tilespmem:s25+$0x7220];
	_ =	sdelay $0x4  }
0x245: {  	[tilespmem:s22+$0xFFFFFE20] =	vst v1  }
0x246: {  	v1 =	vld [tilespmem:s25+$0x7230];
	_ =	sdelay $0x3  }
0x247: {  	s24 =	sand.u32 $0x40, s24  }
0x248: {  	s24 =	sadd.s32 s23, s24;
	[tilespmem:s22+$0xFFFFFE30] =	vst v1  }
0x249: {  	v1 =	vld [tilespmem:s24+$0x7280];
	_ =	sdelay $0x4  }
0x24a: {  	(v2sf) =	vpush v0, $0x3;
	[tilespmem:s22+$0xFFFFFE40] =	vst v1  }
0x24b: {  	(v2sf) =	vpush v0, $0x2;
	v1 =	vld [tilespmem:s24+$0x7290];
	_ =	sdelay $0x4  }
0x24c: {  	[tilespmem:s22+$0xFFFFFE50] =	vst v1  }
0x24d: {  	v1 =	vld [tilespmem:s24+$0x72A0];
	_ =	sdelay $0x4  }
0x24e: {  	[tilespmem:s22+$0xFFFFFE60] =	vst v1  }
0x24f: {  	v1 =	vld [tilespmem:s24+$0x72B0];
	_ =	sdelay $0x1  }
0x250: {  	s28 =	spop (v2sf)  }
0x251: {  	s29 =	spop (v2sf)  }
0x252: {  	s25 =	sand.u32 $0x40, s29  }
0x253: {  	s25 =	sadd.s32 s23, s25;
	[tilespmem:s22+$0xFFFFFE70] =	vst v1  }
0x254: {  	v1 =	vld [tilespmem:s25+$0x7300];
	_ =	sdelay $0x4  }
0x255: {  	[tilespmem:s22+$0xFFFFFE80] =	vst v1  }
0x256: {  	v1 =	vld [tilespmem:s25+$0x7310];
	_ =	sdelay $0x4  }
0x257: {  	[tilespmem:s22+$0xFFFFFE90] =	vst v1  }
0x258: {  	v1 =	vld [tilespmem:s25+$0x7320];
	_ =	sdelay $0x4  }
0x259: {  	[tilespmem:s22+$0xFFFFFEA0] =	vst v1  }
0x25a: {  	v1 =	vld [tilespmem:s25+$0x7330];
	_ =	sdelay $0x3  }
0x25b: {  	s24 =	sand.u32 $0x40, s28  }
0x25c: {  	s24 =	sadd.s32 s23, s24;
	[tilespmem:s22+$0xFFFFFEB0] =	vst v1  }
0x25d: {  	v1 =	vld [tilespmem:s24+$0x7380];
	_ =	sdelay $0x4  }
0x25e: {  	(v2sf) =	vpush v0, $0x5;
	[tilespmem:s22+$0xFFFFFEC0] =	vst v1  }
0x25f: {  	(v2sf) =	vpush v0, $0x4;
	v1 =	vld [tilespmem:s24+$0x7390];
	_ =	sdelay $0x4  }
0x260: {  	[tilespmem:s22+$0xFFFFFED0] =	vst v1  }
0x261: {  	v1 =	vld [tilespmem:s24+$0x73A0];
	_ =	sdelay $0x4  }
0x262: {  	[tilespmem:s22+$0xFFFFFEE0] =	vst v1  }
0x263: {  	v1 =	vld [tilespmem:s24+$0x73B0];
	_ =	sdelay $0x1  }
0x264: {  	s30 =	spop (v2sf)  }
0x265: {  	s31 =	spop (v2sf)  }
0x266: {  	s25 =	sand.u32 $0x40, s31  }
0x267: {  	s25 =	sadd.s32 s23, s25;
	[tilespmem:s22+$0xFFFFFEF0] =	vst v1  }
0x268: {  	v1 =	vld [tilespmem:s25+$0x7400];
	_ =	sdelay $0x4  }
0x269: {  	[tilespmem:s22+$0xFFFFFF00] =	vst v1  }
0x26a: {  	v1 =	vld [tilespmem:s25+$0x7410];
	_ =	sdelay $0x4  }
0x26b: {  	[tilespmem:s22+$0xFFFFFF10] =	vst v1  }
0x26c: {  	v1 =	vld [tilespmem:s25+$0x7420];
	_ =	sdelay $0x4  }
0x26d: {  	[tilespmem:s22+$0xFFFFFF20] =	vst v1  }
0x26e: {  	v1 =	vld [tilespmem:s25+$0x7430];
	_ =	sdelay $0x3  }
0x26f: {  	s24 =	sand.u32 $0x40, s30  }
0x270: {  	s24 =	sadd.s32 s23, s24;
	[tilespmem:s22+$0xFFFFFF30] =	vst v1  }
0x271: {  	v1 =	vld [tilespmem:s24+$0x7480];
	_ =	sdelay $0x4  }
0x272: {  	(v2sf) =	vpush v0, $0x7;
	[tilespmem:s22+$0xFFFFFF40] =	vst v1  }
0x273: {  	(v2sf) =	vpush v0, $0x6;
	v1 =	vld [tilespmem:s24+$0x7490];
	_ =	sdelay $0x4  }
0x274: {  	[tilespmem:s22+$0xFFFFFF50] =	vst v1  }
0x275: {  	v1 =	vld [tilespmem:s24+$0x74A0];
	_ =	sdelay $0x4  }
0x276: {  	[tilespmem:s22+$0xFFFFFF60] =	vst v1  }
0x277: {  	v1 =	vld [tilespmem:s24+$0x74B0];
	_ =	sdelay $0x1  }
0x278: {  	s26 =	spop (v2sf)  }
0x279: {  	s28 =	spop (v2sf)  }
0x27a: {  	s25 =	sand.u32 $0x40, s28  }
0x27b: {  	s25 =	sadd.s32 s23, s25;
	[tilespmem:s22+$0xFFFFFF70] =	vst v1  }
0x27c: {  	v1 =	vld [tilespmem:s25+$0x7500];
	_ =	sdelay $0x4  }
0x27d: {  	[tilespmem:s22+$0xFFFFFF80] =	vst v1  }
0x27e: {  	v1 =	vld [tilespmem:s25+$0x7510];
	_ =	sdelay $0x4  }
0x27f: {  	[tilespmem:s22+$0xFFFFFF90] =	vst v1  }
0x280: {  	v1 =	vld [tilespmem:s25+$0x7520];
	_ =	sdelay $0x4  }
0x281: {  	[tilespmem:s22+$0xFFFFFFA0] =	vst v1  }
0x282: {  	v1 =	vld [tilespmem:s25+$0x7530];
	_ =	sdelay $0x3  }
0x283: {  	s24 =	sand.u32 $0x40, s26  }
0x284: {  	s24 =	sadd.s32 s23, s24;
	[tilespmem:s22+$0xFFFFFFB0] =	vst v1  }
0x285: {  	v1 =	vld [tilespmem:s24+$0x7580];
	_ =	sdelay $0x4  }
0x286: {  	(v2sf) =	vpush v0, $0x9;
	[tilespmem:s22+$0xFFFFFFC0] =	vst v1  }
0x287: {  	(v2sf) =	vpush v0, $0x8;
	v1 =	vld [tilespmem:s24+$0x7590];
	_ =	sdelay $0x4  }
0x288: {  	[tilespmem:s22+$0xFFFFFFD0] =	vst v1  }
0x289: {  	v1 =	vld [tilespmem:s24+$0x75A0];
	_ =	sdelay $0x4  }
0x28a: {  	[tilespmem:s22+$0xFFFFFFE0] =	vst v1  }
0x28b: {  	v1 =	vld [tilespmem:s24+$0x75B0];
	_ =	sdelay $0x1  }
0x28c: {  	s29 =	spop (v2sf)  }
0x28d: {  	s30 =	spop (v2sf)  }
0x28e: {  	s25 =	sand.u32 $0x40, s30  }
0x28f: {  	s25 =	sadd.s32 s23, s25;
	[tilespmem:s22+$0xFFFFFFF0] =	vst v1  }
0x290: {  	v1 =	vld [tilespmem:s25+$0x7600];
	_ =	sdelay $0x4  }
0x291: {  	[tilespmem:s22+$0x0] =	vst v1  }
0x292: {  	v1 =	vld [tilespmem:s25+$0x7610];
	_ =	sdelay $0x4  }
0x293: {  	[tilespmem:s22+$0x10] =	vst v1  }
0x294: {  	v1 =	vld [tilespmem:s25+$0x7620];
	_ =	sdelay $0x4  }
0x295: {  	[tilespmem:s22+$0x20] =	vst v1  }
0x296: {  	v1 =	vld [tilespmem:s25+$0x7630];
	_ =	sdelay $0x3  }
0x297: {  	s24 =	sand.u32 $0x40, s29  }
0x298: {  	s24 =	sadd.s32 s23, s24;
	[tilespmem:s22+$0x30] =	vst v1  }
0x299: {  	v1 =	vld [tilespmem:s24+$0x7680];
	_ =	sdelay $0x4  }
0x29a: {  	(v2sf) =	vpush v0, $0xB;
	[tilespmem:s22+$0x40] =	vst v1  }
0x29b: {  	(v2sf) =	vpush v0, $0xA;
	v1 =	vld [tilespmem:s24+$0x7690];
	_ =	sdelay $0x4  }
0x29c: {  	[tilespmem:s22+$0x50] =	vst v1  }
0x29d: {  	v1 =	vld [tilespmem:s24+$0x76A0];
	_ =	sdelay $0x4  }
0x29e: {  	[tilespmem:s22+$0x60] =	vst v1  }
0x29f: {  	v1 =	vld [tilespmem:s24+$0x76B0];
	_ =	sdelay $0x1  }
0x2a0: {  	s31 =	spop (v2sf)  }
0x2a1: {  	s26 =	spop (v2sf)  }
0x2a2: {  	s25 =	sand.u32 $0x40, s26  }
0x2a3: {  	s25 =	sadd.s32 s23, s25;
	[tilespmem:s22+$0x70] =	vst v1  }
0x2a4: {  	v1 =	vld [tilespmem:s25+$0x7700];
	_ =	sdelay $0x4  }
0x2a5: {  	[tilespmem:s22+$0x80] =	vst v1  }
0x2a6: {  	v1 =	vld [tilespmem:s25+$0x7710];
	_ =	sdelay $0x4  }
0x2a7: {  	[tilespmem:s22+$0x90] =	vst v1  }
0x2a8: {  	v1 =	vld [tilespmem:s25+$0x7720];
	_ =	sdelay $0x4  }
0x2a9: {  	[tilespmem:s22+$0xA0] =	vst v1  }
0x2aa: {  	v1 =	vld [tilespmem:s25+$0x7730];
	_ =	sdelay $0x3  }
0x2ab: {  	s24 =	sand.u32 $0x40, s31  }
0x2ac: {  	s24 =	sadd.s32 s23, s24;
	[tilespmem:s22+$0xB0] =	vst v1  }
0x2ad: {  	v1 =	vld [tilespmem:s24+$0x7780];
	_ =	sdelay $0x4  }
0x2ae: {  	(v2sf) =	vpush v0, $0xD;
	[tilespmem:s22+$0xC0] =	vst v1  }
0x2af: {  	(v2sf) =	vpush v0, $0xC;
	v1 =	vld [tilespmem:s24+$0x7790];
	_ =	sdelay $0x4  }
0x2b0: {  	[tilespmem:s22+$0xD0] =	vst v1  }
0x2b1: {  	v1 =	vld [tilespmem:s24+$0x77A0];
	_ =	sdelay $0x4  }
0x2b2: {  	[tilespmem:s22+$0xE0] =	vst v1  }
0x2b3: {  	v1 =	vld [tilespmem:s24+$0x77B0];
	_ =	sdelay $0x1  }
0x2b4: {  	s28 =	spop (v2sf)  }
0x2b5: {  	s29 =	spop (v2sf)  }
0x2b6: {  	s25 =	sand.u32 $0x40, s29  }
0x2b7: {  	s25 =	sadd.s32 s23, s25;
	[tilespmem:s22+$0xF0] =	vst v1  }
0x2b8: {  	v1 =	vld [tilespmem:s25+$0x7800];
	_ =	sdelay $0x4  }
0x2b9: {  	[tilespmem:s22+$0x100] =	vst v1  }
0x2ba: {  	v1 =	vld [tilespmem:s25+$0x7810];
	_ =	sdelay $0x4  }
0x2bb: {  	[tilespmem:s22+$0x110] =	vst v1  }
0x2bc: {  	v1 =	vld [tilespmem:s25+$0x7820];
	_ =	sdelay $0x4  }
0x2bd: {  	[tilespmem:s22+$0x120] =	vst v1  }
0x2be: {  	v1 =	vld [tilespmem:s25+$0x7830];
	_ =	sdelay $0x3  }
0x2bf: {  	s24 =	sand.u32 $0x40, s28  }
0x2c0: {  	s24 =	sadd.s32 s23, s24;
	[tilespmem:s22+$0x130] =	vst v1  }
0x2c1: {  	v1 =	vld [tilespmem:s24+$0x7880];
	_ =	sdelay $0x4  }
0x2c2: {  	(v2sf) =	vpush v0, $0xF;
	[tilespmem:s22+$0x140] =	vst v1  }
0x2c3: {  	(v2sf) =	vpush v0, $0xE;
	v1 =	vld [tilespmem:s24+$0x7890];
	_ =	sdelay $0x4  }
0x2c4: {  	[tilespmem:s22+$0x150] =	vst v1  }
0x2c5: {  	v63 =	vld [tilespmem:s24+$0x78A0];
	_ =	sdelay $0x4  }
0x2c6: {  	[tilespmem:s22+$0x160] =	vst v63  }
0x2c7: {  	v0 =	vld [tilespmem:s24+$0x78B0];
	_ =	sdelay $0x1  }
0x2c8: {  	s30 =	spop (v2sf)  }
0x2c9: {  	s31 =	spop (v2sf)  }
0x2ca: {  	s25 =	sand.u32 $0x40, s31  }
0x2cb: {  	s25 =	sadd.s32 s23, s25;
	[tilespmem:s22+$0x170] =	vst v0  }
0x2cc: {  	v0 =	vld [tilespmem:s25+$0x7900];
	_ =	sdelay $0x4  }
0x2cd: {  	[tilespmem:s22+$0x180] =	vst v0  }
0x2ce: {  	v0 =	vld [tilespmem:s25+$0x7910];
	_ =	sdelay $0x4  }
0x2cf: {  	[tilespmem:s22+$0x190] =	vst v0  }
0x2d0: {  	v0 =	vld [tilespmem:s25+$0x7920];
	_ =	sdelay $0x4  }
0x2d1: {  	[tilespmem:s22+$0x1A0] =	vst v0  }
0x2d2: {  	v0 =	vld [tilespmem:s25+$0x7930];
	_ =	sdelay $0x3  }
0x2d3: {  	s24 =	sand.u32 $0x40, s30  }
0x2d4: {  	s23 =	sadd.s32 s23, s24;
	[tilespmem:s22+$0x1B0] =	vst v0  }
0x2d5: {  	v0 =	vld [tilespmem:s23+$0x7980];
	_ =	sdelay $0x4  }
0x2d6: {  	[tilespmem:s22+$0x1C0] =	vst v0  }
0x2d7: {  	v0 =	vld [tilespmem:s23+$0x7990];
	_ =	sdelay $0x4  }
0x2d8: {  	[tilespmem:s22+$0x1D0] =	vst v0  }
0x2d9: {  	v0 =	vld [tilespmem:s23+$0x79A0];
	_ =	sdelay $0x4  }
0x2da: {  	[tilespmem:s22+$0x1E0] =	vst v0  }
0x2db: {  	p0 =	sne.s32 s20, $0xE000;
	v0 =	vld [tilespmem:s23+$0x79B0]  }
.Ltmp5:
0x2dc: {  	_ = 	snop;
	(pc) =	sbr.rel @p0 .LBB2_12-.Ltmp5, $2  }
0x2dd: {  	_ =	sdelay $0x2  }
0x2de: {  	s21 =	sadd.s32 $0x10, s21;
	s20 =	sadd.s32 $0x2000, s20;
	[tilespmem:s22+$0x1F0] =	vst v0;
	s22 =	sadd.s32 $0x400, s22  }
0x2df: {  	s19 =	sadd.s32 $0x1, s19  }
0x2e0: {  	p0 =	sne.s32 s19, s9  }
.Ltmp6:
0x2e1: {  	_ = 	snop;
	(pc) =	sbr.rel @p0 .LBB2_1-.Ltmp6, $4  }
0x2e2: {  	[hbm4b:s8+s3] =	stream.linear.scatter [tilespmem:s16], [sflag:$0x3], $0x2000, $0x38;
	[tilespmem:$0xD200] =	vst v63  }
0x2e3: {  	_ =	swait.ge [sflag:s10], $0x2000  }
0x2e4: {  	[sflag:s10] =	ssyncset.done $0x0  }
0x2e5: {  	[sflag:s10] =	ssyncadd.s32 $0xFFFFE000  }
0x2e6: {  	_ =	sfence.sel $0x180000  }
0x2e7: {  	[bflag:$0x0] =	sbarrier.arrive $0xFFFF  }
0x2e8: {  	p0 =	sne.s32 s0, $0x0;
	_ =	strace $0x90000047  }
0x2e9: {  	s0 =	sadd.s32 @!p0 $0x100000, s1;
	[bflag:$0x2] =	sbarrier.arrive $0xFFFF  }
0x2ea: {  	[sflag:s0] =	ssyncadd.tile.s32 @!p0 $0x1;
	_ =	shalt  }
.Lfunc_end2:
_tile_overlayer_lowered:
.L_overlay_start_2:
0x2eb: {  	(tag) =	ssettag $0x2  }
0x2ec: {  	s0 =	rddreg [dreg:$0x0];
	s2 =	stileid.u32  }
0x2ed: {  	s1 =	rddreg [dreg:$0x1];
	p0 =	sne.s32 s2, $0x0  }
0x2ee: {  	s3 =	rddreg [dreg:$0x2];
	[bflag:$0x3] =	sbarrier.arrive $0xFFFF;
	s2 =	simm.s32 @!p0 $0x1C03  }
0x2ef: {  	[timem:s3], [sflag:s2] =	dma.local @!p0 [hbm:s0], s1  }
0x2f0: {  	s0 =	simm.s32 @!p0 $0x3  }
0x2f1: {  	_ =	swait.ge @!p0 [sflag:s0], s1  }
0x2f2: {  	s1 =	ssub.s32 @!p0 $0x0, s1;
	[sflag:s0] =	ssyncset.done @!p0 $0x0  }
0x2f3: {  	[sflag:s0] =	ssyncadd.s32 @!p0 s1  }
0x2f4: {  	[bflag:$0x3] =	sbarrier.arrive $0xFFFF  }
0x2f5: {  	_ =	shalt  }

// kernel: sparse-core-data-format-call.cloned.1.call-start
scs
called_computation_lowered:
.L_overlay_start_0:
0x0: {  	s2 =	sld [smem:$0x3FD9]  }
0x1: {  	s3 =	sld [smem:$0x3FFE];
	_ =	sdelay $0x1  }
0x2: {  	s1 =	srdreg.scid  }
0x3: {  	s0 =	sand.u32 $0x1, s1  }
0x4: {  	s18 =	sshll.u32 s0, $0xA;
	s2 =	sadd.s32 s3, s2  }
0x5: {  	s2 =	sadd.s32 s2, s18  }
0x6: {  	[smem:$0x3FC6] =	sst s2  }
0x7: {  	_ = 	snop  }
0x8: {  	s2 =	sld [smem:$0x3FD0];
	(tm) =	ssettm $0x1  }
0x9: {  	s19 =	sld [smem:$0x3FFB];
	_ =	sdelay $0x3  }
0xa: {  	_ =	strace s19  }
0xb: {  	s3 =	sld [smem:$0x3FFC];
	_ =	sdelay $0x3  }
0xc: {  	_ =	strace s3  }
0xd: {  	s3 =	sld [smem:$0x3FFD];
	_ =	sdelay $0x3  }
0xe: {  	_ =	strace s3  }
0xf: {  	_ =	strace $0x8FFFFFFF  }
0x10: {  	s20 =	sld [smem:$0x3FDB];
	_ =	sdelay $0x1  }
0x11: {  	s4 =	simm.s32 $_scs_section_size  }
0x12: {  	s5 =	simm.s32 $_size__tile_overlayer_lowered;
	s6 =	simm.s32 $_tile_overlayer_lowered  }
0x13: {  	s23 =	simm.s32 $0x1BFF;
	s22 =	sshll.u32 s6, $0x1;
	s3 =	sadd.s32 s4, s20  }
0x14: {  	s7 =	simm.s32 $0x0;
	s21 =	sshll.u32 s5, $0x1;
	s5 =	sadd.s32 s22, s3  }
0x15: {  	[timem:s7], [sflag:s23] =	dma.local [hbm:s5], s21  }
0x16: {  	_ =	swait.ge [sflag:s23], s21  }
0x17: {  	s4 =	ssub.s32 $0x0, s21;
	[sflag:s23] =	ssyncset.done $0x0  }
0x18: {  	[sflag:s23] =	ssyncadd.s32 s4;
	_ =	sdelay $0x1  }
0x19: {  	s24 =	simm.s32 $0x1B8B  }
0x1a: {  	_ =	swait.ge [sflag:s24], $0x1  }
0x1b: {  	[sflag:s24] =	ssyncset.done $0x0  }
0x1c: {  	s26 =	simm.s32 $0x1B8E;
	s25 =	sld [smem:$0x3FFE];
	[sflag:s24] =	ssyncadd.s32 $0xFFFFFFFF  }
0x1d: {  	s27 =	simm.s32 $execute0_lowered;
	[smem:$0x3FD2] =	sst s26  }
0x1e: {  	s5 =	sshll.u32 s27, $0x1;
	_ =	strace $0x80000049;
	[dreg:$0x1] =	wrdreg $0xFFFFFFFF  }
0x1f: {  	s28 =	simm.s32 $_size_execute0_lowered;
	s3 =	sadd.s32 s3, s5;
	[dreg:$0x0] =	wrdreg $0x0  }
0x20: {  	s5 =	sshll.u32 s28, $0x1;
	[dreg:$0x2] =	wrdreg s3  }
0x21: {  	[dreg:$0x3] =	wrdreg s5  }
0x22: {  	[dreg:$0x4] =	wrdreg $0xC0  }
0x23: {  	_ =	task [dreg:s7], $0x5FFFF  }
0x24: {  	[dreg:$0x1] =	wrdreg $0xFFFFFFFF  }
0x25: {  	[dreg:$0x0] =	wrdreg $0x60  }
0x26: {  	[dreg:$0x2] =	wrdreg s25  }
0x27: {  	[dreg:$0x3] =	wrdreg s2  }
0x28: {  	[dreg:$0x4] =	wrdreg $0x9  }
0x29: {  	_ =	task.clear_ibuf [dreg:s7], $0x5FFFF;
	_ =	strace $0x90000049  }
0x2a: {  	s29 =	simm.s32 $0x9;
	_ =	strace $0x8000004B  }
0x2b: {  	_ =	swait.ge [sflag:s29], $0x1  }
0x2c: {  	[sflag:s29] =	ssyncadd.s32 $0xFFFFFFFF  }
0x2d: {  	_ =	strace $0x9000004B  }
0x2e: {  	_ =	sfence  }
0x2f: {  	s30 =	sld [smem:$0x0];
	_ =	sdelay $0x2  }
0x30: {  	s31 =	sshll.u32 s1, $0xD;
	s1 =	sshrl.u32 s1, $0x2  }
0x31: {  	s3 =	sand.u32 $0x4000, s31;
	s1 =	sadd.s32 s1, s30  }
0x32: {  	s0 =	sor.u32 s3, s0;
	s1 =	sshll.u32 s1, $0x11  }
0x33: {  	s0 =	sor.u32 s1, s0  }
0x34: {  	s0 =	sadd.s32 $0x8F2B, s0  }
0x35: {  	[sflag:s0] =	ssyncadd.remote.s32 $0x1  }
0x36: {  	_ =	sfence.sel $0xFFFF  }
0x37: {  	[dreg:$0x0] =	wrdreg $0xFFFFFFFF;
	(pc) =	sbr.abs _section_cstart, $3  }
0x38: {  	[dreg:$0x1] =	wrdreg $0xFFFFFFFF  }
0x39: {  	_ =	task.clear_ibuf [dreg:s7], $0x2FFFF;
	_ =	strace $0x9FFFFFFF  }
0x3a: {  	(tm) =	ssettm $0x7FFFFFFF  }
0x3b: {  	_ =	shalt  }
tec
execute0_lowered:
.L_overlay_start_1:
0x0: {  	(tag) =	ssettag $0x1  }
0x1: {  	s0 =	srdreg.scid  }
0x2: {  	s1 =	sshll.u32 s0, $0x4  }
0x3: {  	s0 =	stileid.u32;
	s1 =	sand.u32 $0x10, s1  }
0x4: {  	s1 =	sor.u32 s0, s1  }
0x5: {  	s6 =	rddreg [dreg:$0x0];
	s4 =	simm.s32 $0x1;
	s2 =	sshll.u32 s1, $0x7  }
0x6: {  	s7 =	simm.s32 $0x2;
	s12 =	simm.s32 $0x0;
	s1 =	ssub.s32 $0x1000, s2  }
0x7: {  	s8 =	simm.s32 $0x8000;
	s13 =	simm.s32 $0x0;
	s3 =	sand.u32 $0xF80, s1  }
0x8: {  	s9 =	simm.s32 $0x0;
	s5 =	sshrl.u32 s1, $0xC;
	p0 =	sne.s32 s3, $0x0  }
.Ltmp0:
0x9: {  	s1 =	rddreg [dreg:$0x2];
	s4 =	simm.s32 @!p0 $0x0;
	(pc) =	sbr.rel .LBB1_1-.Ltmp0, $4  }
0xa: {  	s11 =	simm.s32 $0x0;
	s3 =	rddreg [dreg:$0x1];
	s5 =	sadd.s32 s4, s5  }
0xb: {  	_ =	strace $0x8000004A;
	s4 =	simm.s32 $0x1;
	s5 =	smul.u32 $0x32, s5  }
0xc: {  	s6 =	sadd.s32 $0x800, s6;
	s10 =	smov.u32 s2;
	[sflag:s4] =	ssyncpa.u1 $0x0  }
0xd: {  	p0 =	por $0x0, $0x0;
	[sflag:s7] =	ssyncpa.u1 $0x0;
	s7 =	sor.u32 $0x1, s5  }
.LBB1_4:
0xe: {  	s16 =	sshll.u32 s13, $0x3;
	s17 =	sand.u32 $0x78, s13  }
0xf: {  	s30 =	sand.u32 $0x7E00, s13;
	s12 =	sshll.u32 s12, $0xF;
	s16 =	sand.u32 $0xC00, s16  }
0x10: {  	[tilespmem:s15+$0x810 ss:$0x81] =	vst.msk $0xffff, v2;
	s31 =	sand.u32 $0x7, s13;
	s16 =	sor.u32 s17, s16;
	s17 =	sadd.s32 s3, s30  }
0x11: {  	[tilespmem:s15+$0x1020 ss:$0x81] =	vst.msk $0xffff, v0;
	s13 =	sshll.u32 s31, $0x12;
	s12 =	sadd.s32 s12, s17;
	s16 =	sshrl.u32 s16, $0x3  }
0x12: {  	[tilespmem:s15+$0x0 ss:$0x81] =	vst.msk $0xffff, v1;
	s13 =	sor.u32 $0x400, s13;
	s12 =	sadd.s32 s16, s12  }
0x13: {  	[hbm4b:s12+s13] =	stream.strided.scatter [tilespmem:s14], [sflag:$0x2], $0x2000, s8, s13, $0x20;
	[tilespmem:$0x8080] =	vst v63  }
.LBB1_5:
0x14: {  	s14 =	sadd.s32 $0x1, s9  }
0x15: {  	s12 =	sadd.s32 $0x1000, s10;
	s16 =	smov.u32 s10;
	p2 =	sgt.s32 s14, $0x31  }
0x16: {  	s16 =	smov.u32 @p2 s12  }
0x17: {  	s14 =	simm.s32 @p2 $0x0;
	p2 =	sgt.s32 s16, $0xFFF  }
0x18: {  	s16 =	smov.u32 @p2 s2;
	p2 =	sne.s32 s11, s7  }
.Ltmp1:
0x19: {  	p1 =	slt.u32 s11, $0x2;
	(pc) =	sbr.rel @!p2 .LBB1_6-.Ltmp1, $4  }
0x1a: {  	s15 =	simm.s32 @!p1 $0x2  }
0x1b: {  	s13 =	smov.u32 s10;
	p0 =	por !p0, !p0;
	_ =	swait.ge @!p1 [sflag:s15], $0x2000  }
0x1c: {  	s12 =	smov.u32 s9;
	[sflag:s15] =	ssyncset.done @!p1 $0x0;
	s9 =	smov.u32 s14  }
0x1d: {  	s11 =	sadd.s32 $0x1, s11;
	[sflag:s15] =	ssyncadd.s32 @!p1 $0xFFFFE000;
	s10 =	smov.u32 s16  }
.LBB1_1:
0x1e: {  	p1 =	sge.u32 s11, s5  }
0x1f: {  	s14 =	sand.u32 @!p1 $0x1FFFFFF, s9  }
0x20: {  	s15 =	smulhi.u32 @!p1 $0x4924925, s14;
	_ =	sdelay $0x1  }
0x21: {  	s15 =	smul.u32 @!p1 $0x38, s15  }
0x22: {  	s16 =	sxor.u32 @!p1 $0xFFFFFFFF, s11;
	s17 =	smul.u32 @!p1 $0x380, s10  }
0x23: {  	s31 =	sadd.s32 $0xFFFFFFFF, s11;
	s16 =	sshll.u32 @!p1 s16, $0xD;
	s14 =	ssub.s32 @!p1 s14, s15  }
0x24: {  	s15 =	sand.u32 @!p1 $0x2000, s16;
	s16 =	sadd.s32 @!p1 s6, s17;
	s14 =	sshll.u32 @!p1 s14, $0x4  }
0x25: {  	s17 =	simm.s32 @!p1 $0x1C00;
	s14 =	sadd.s32 @!p1 s14, s16;
	s16 =	simm.s32 @!p1 $0x40  }
0x26: {  	[tilespmem:s15], [sflag:$0x1] =	stream.strided.gather @!p1 [hbm4b:s14+s16], $0x2000, s17, s16, $0x38;
	[tilespmem:$0x8080] =	vst v63  }
0x27: {  	p1 =	sge.u32 s31, s5  }
.Ltmp2:
0x28: {  	_ = 	snop;
	(pc) =	sbr.rel @p1 .LBB1_5-.Ltmp2, $1  }
0x29: {  	_ =	sdelay $0x3  }
0x2a: {  	s14 =	simm.s32 $0x1  }
0x2b: {  	_ =	swait.ge [sflag:s4], $0x2000;
	s14 =	simm.s32 @!p0 $0x0  }
0x2c: {  	[sflag:s4] =	ssyncset.done $0x0;
	s15 =	sshll.u32 s14, $0xD  }
0x2d: {  	[sflag:s4] =	ssyncadd.s32 $0xFFFFE000;
	s18 =	sor.u32 $0x20, s15  }
0x2e: {  	s14 =	smul.u32 $0x8100, s14;
	v3 =	vld [tilespmem:s18+$0x10]  }
0x2f: {  	s30 =	sand.u32 $0x1, s11;
	v2 =	vld [tilespmem:s18+$0xFFFFFFF0]  }
0x30: {  	s15 =	smul.u32 $0x8100, s30;
	s14 =	sshrl.u32 s14, $0x2;
	v0 =	vld [tilespmem:s18+$0x0]  }
0x31: {  	v1 =	vld [tilespmem:s18+$0xFFFFFFE0];
	s16 =	sor.u32 $0x4000, s14  }
0x32: {  	s31 =	sshrl.u32 s15, $0x2;
	s15 =	sadd.s32 $0x0, s16  }
0x33: {  	s17 =	simm.s32 $0x4;
	s18 =	sadd.s32 $0x40, s18;
	s14 =	sor.u32 $0x4000, s31;
	[tilespmem:s15+$0x1830 ss:$0x81] =	vst.msk $0xffff, v3  }
.LBB1_3:
0x34: {  	v3 =	vld [tilespmem:s18+$0x10];
	p1 =	sne.s32 s17, $0x1FC;
	[tilespmem:s15+$0x810 ss:$0x81] =	vst.msk $0xffff, v2;
	s19 =	smov.u32 s17;
	s17 =	sadd.s32 $0x4, s17  }
.Ltmp3:
0x35: {  	v2 =	vld [tilespmem:s18+$0xFFFFFFF0];
	[tilespmem:s15+$0x1020 ss:$0x81] =	vst.msk $0xffff, v0;
	(pc) =	sbr.rel @p1 .LBB1_3-.Ltmp3, $4  }
0x36: {  	v0 =	vld [tilespmem:s18+$0x0];
	[tilespmem:s15+$0x0 ss:$0x81] =	vst.msk $0xffff, v1  }
0x37: {  	s15 =	sshra.s32 s19, $0x2;
	v1 =	vld [tilespmem:s18+$0xFFFFFFE0]  }
0x38: {  	s15 =	sadd.s32 s15, s16  }
0x39: {  	s18 =	sadd.s32 $0x40, s18;
	[tilespmem:s15+$0x1830 ss:$0x81] =	vst.msk $0xffff, v3  }
.Ltmp4:
0x3a: {  	_ = 	snop;
	(pc) =	sbr.rel .LBB1_4-.Ltmp4, $1  }
0x3b: {  	_ =	sdelay $0x3  }
.LBB1_6:
0x3c: {  	_ =	sfence.sel $0x180000  }
0x3d: {  	s2 =	simm.s32 $0x1;
	[bflag:$0x0] =	sbarrier.arrive $0xFFFF  }
0x3e: {  	s31 =	simm.s32 $0x2;
	[sflag:s2] =	ssyncpa.u1 $0x1  }
0x3f: {  	[sflag:s31] =	ssyncpa.u1 $0x1  }
0x40: {  	p0 =	sne.s32 s0, $0x0;
	_ =	strace $0x9000004A  }
0x41: {  	s0 =	sadd.s32 @!p0 $0x100000, s1;
	[bflag:$0x2] =	sbarrier.arrive $0xFFFF  }
0x42: {  	[sflag:s0] =	ssyncadd.tile.s32 @!p0 $0x1;
	_ =	shalt  }
.Lfunc_end1:
_tile_overlayer_lowered:
.L_overlay_start_2:
0x43: {  	(tag) =	ssettag $0x2  }
0x44: {  	s0 =	rddreg [dreg:$0x0];
	s2 =	stileid.u32  }
0x45: {  	s1 =	rddreg [dreg:$0x1];
	p0 =	sne.s32 s2, $0x0  }
0x46: {  	s3 =	rddreg [dreg:$0x2];
	[bflag:$0x3] =	sbarrier.arrive $0xFFFF;
	s2 =	simm.s32 @!p0 $0x1C01  }
0x47: {  	[timem:s3], [sflag:s2] =	dma.local @!p0 [hbm:s0], s1  }
0x48: {  	s0 =	simm.s32 @!p0 $0x1  }
0x49: {  	_ =	swait.ge @!p0 [sflag:s0], s1  }
0x4a: {  	s1 =	ssub.s32 @!p0 $0x0, s1;
	[sflag:s0] =	ssyncset.done @!p0 $0x0  }
0x4b: {  	[sflag:s0] =	ssyncadd.s32 @!p0 s1  }
0x4c: {  	[bflag:$0x3] =	sbarrier.arrive $0xFFFF  }
0x4d: {  	_ =	shalt  }

</sc_bundles>
